<compile_context>
chip_gen: v7x
topology: tpu7x:2x2x1
jax: 0.10.2.dev20260603
libtpu: 0.0.44.dev20260713+nightly
codegen_flags: <defaults>
</compile_context>

<pallas_src>
import functools

import jax
import jax.numpy as jnp
from jax import lax
from jax.experimental import pallas as pl
from jax.experimental.pallas import tpu as pltpu
from jax.experimental.pallas import tpu_sc as plsc

_N = 100000
_K = 64
_NC = 2
_NS = 16
_NW = _NC * _NS
_RW = 3200
_CH = 160
_NCH = 20
_MAXOFF = _N - _CH
_XW = 3328
_P_PAD = 302464



_GD = lax.GatherDimensionNumbers(offset_dims=(), collapsed_slice_dims=(0,),
                                 start_index_map=(0,))


def _bcast_lane(v, j):
    idx = jnp.full((16, 1), j, jnp.int32)
    return lax.gather(v, idx, _GD, (1,),
                      mode=lax.GatherScatterMode.PROMISE_IN_BOUNDS)


def _sc_body(x_hbm, u_hbm, b_hbm, out_hbm,
             xu_v, xt_v, xb_v, ub0, ub1, bb0, bb1, stage,
             s_u0, s_u1, s_b0, s_b1):
    cid = lax.axis_index("c")
    sid = lax.axis_index("s")
    wid = sid * _NC + cid
    r0 = wid * _RW

    def xwin(seg, dst):
        start = seg + r0
        aw = (start // 128) * 128
        pltpu.sync_copy(x_hbm.at[pl.ds(aw, _XW)], dst)
        return start - aw

    dwu = xwin(0, xu_v)
    dwt = xwin(_N, xt_v)
    dwb = xwin(2 * _N, xb_v)

    ubufs = (ub0, ub1)
    bbufs = (bb0, bb1)
    usems = (s_u0, s_u1)
    bsems = (s_b0, s_b1)

    def chunk_off(c):
        return jnp.minimum(r0 + c * _CH, _MAXOFF)

    def start(c, b):
        off = chunk_off(c)
        pltpu.make_async_copy(u_hbm.at[pl.ds(off, _CH), :],
                              ubufs[b], usems[b]).start()
        pltpu.make_async_copy(b_hbm.at[pl.ds(off, _CH), :],
                              bbufs[b], bsems[b]).start()

    def wait(c, b):
        off = chunk_off(c)
        pltpu.make_async_copy(u_hbm.at[pl.ds(off, _CH), :],
                              ubufs[b], usems[b]).wait()
        pltpu.make_async_copy(b_hbm.at[pl.ds(off, _CH), :],
                              bbufs[b], bsems[b]).wait()

    start(0, 0)
    start(1, 1)

    iota = lax.iota(jnp.int32, 16)
    zf = jnp.zeros((16,), jnp.float32)
    accs = tuple(zf for _ in range(16))

    def pair(p, carry):
        for b in range(2):
            c = 2 * p + b
            wait(c, b)
            ubuf = ubufs[b]
            bbuf = bbufs[b]
            loff = chunk_off(c) - r0

            def group(g, gcarry, c=c, ubuf=ubuf, bbuf=bbuf, loff=loff):
                au = list(gcarry[0:4])
                at = list(gcarry[4:8])
                as_ = list(gcarry[8:12])
                aq = list(gcarry[12:16])
                base = g * 16
                lbase = loff + base
                loc = lbase + iota
                valid = (loc >= c * _CH) & ((r0 + loc) < _N)
                xu_g = jnp.where(valid, xu_v[pl.ds(dwu + lbase, 16)], zf)
                xt_g = jnp.where(valid, xt_v[pl.ds(dwt + lbase, 16)], zf)
                xb_g = xb_v[pl.ds(dwb + lbase, 16)]
                bmask = valid & (xb_g == 1.0)
                m_g = jnp.where(bmask, 1.0, zf)

                for j in range(16):
                    row = base + j
                    wu = _bcast_lane(xu_g, j)
                    wt = _bcast_lane(xt_g, j)
                    for k in range(4):
                        au[k] = au[k] + wu * ubuf[row, pl.ds(k * 16, 16)]
                        at[k] = at[k] + wt * bbuf[row, pl.ds(k * 16, 16)]

                def basket(ops):
                    bs_, bq = list(ops[0:4]), list(ops[4:8])
                    for j in range(16):
                        row = base + j
                        m = _bcast_lane(m_g, j)
                        for k in range(4):
                            br = bbuf[row, pl.ds(k * 16, 16)]
                            mb = m * br
                            bs_[k] = bs_[k] + mb
                            bq[k] = bq[k] + mb * br
                    return tuple(bs_) + tuple(bq)

                has_basket = plsc.all_reduce_population_count(bmask)[0] > 0
                res = lax.cond(has_basket, basket, lambda ops: ops,
                               tuple(as_) + tuple(aq))
                as_, aq = list(res[0:4]), list(res[4:8])
                return tuple(au) + tuple(at) + tuple(as_) + tuple(aq)

            carry = lax.fori_loop(0, _CH // 16, group, carry)
            start(c + 2, b)
        return carry

    accs = lax.fori_loop(0, _NCH // 2, pair, accs)
    wait(_NCH, 0)
    wait(_NCH + 1, 1)

    for v in range(16):
        stage[0, pl.ds(v * 16, 16)] = accs[v]
    pltpu.sync_copy(stage, out_hbm.at[wid])


@functools.partial(
    pl.kernel,
    out_type=jax.ShapeDtypeStruct((_NW, 1, 256), jnp.float32),
    mesh=plsc.VectorSubcoreMesh(core_axis_name="c", subcore_axis_name="s"),
    compiler_params=pltpu.CompilerParams(needs_layout_passes=False),
    scratch_types=[
        pltpu.VMEM((_XW,), jnp.float32),
        pltpu.VMEM((_XW,), jnp.float32),
        pltpu.VMEM((_XW,), jnp.float32),
        pltpu.VMEM((_CH, _K), jnp.float32),
        pltpu.VMEM((_CH, _K), jnp.float32),
        pltpu.VMEM((_CH, _K), jnp.float32),
        pltpu.VMEM((_CH, _K), jnp.float32),
        pltpu.VMEM((1, 256), jnp.float32),
        pltpu.SemaphoreType.DMA,
        pltpu.SemaphoreType.DMA,
        pltpu.SemaphoreType.DMA,
        pltpu.SemaphoreType.DMA,
    ],
)
def _sc_partials(x_hbm, u_hbm, b_hbm, out_hbm, *scratch):
    _sc_body(x_hbm, u_hbm, b_hbm, out_hbm, *scratch)


def _fin_body(w0_ref, parts_ref, x2_ref, w2_ref, out_ref):
    parts = parts_ref[...]
    tot = jnp.sum(parts[:, 0, :], axis=0, keepdims=True)
    u = tot[:, 0:64]
    t = tot[:, 64:128]
    s = tot[:, 128:192]
    q = tot[:, 192:256]
    bias = jnp.sum(x2_ref[...] * w2_ref[...])
    u_t = jnp.sum(u * t)
    t_b = jnp.sum(t * s)
    u_b = jnp.sum(u * s)
    bs = 0.5 * (jnp.sum(s * s) - jnp.sum(q))
    y = w0_ref[0, 0] + bias + u_t + t_b + bs + u_b
    out_ref[...] = jnp.reshape(y, (1, 1))


_ROWS2 = _P_PAD // 128


@jax.jit
def _fm(x, w_0, w_bias, u_V, b_V):
    pad = jnp.zeros((_P_PAD - 3 * _N,), jnp.float32)
    xp = jnp.concatenate([x, pad])
    wp = jnp.concatenate([w_bias[:, 0], pad])
    parts = _sc_partials(xp, u_V, b_V)
    x2 = xp.reshape(_ROWS2, 128)
    w2 = wp.reshape(_ROWS2, 128)
    w0 = w_0.reshape(1, 1)
    return pl.pallas_call(
        _fin_body,
        out_shape=jax.ShapeDtypeStruct((1, 1), jnp.float32),
    )(w0, parts, x2, w2)


def kernel(x, delta, pmi, w_0, w_bias, u_V, b_V):
    return _fm(x, w_0, w_bias, u_V, b_V)

# --- scband reference (transcript-rebuilt; emitter-appended) ---
"""Pipeline reference for scband-bfm-40097814676127 (READ-ONLY COPY).

The authoritative reference and input builder live on the scoring server;
editing this copy changes nothing except your own understanding.
"""

import jax, jax.numpy as jnp
import numpy as np

N_USR = 100000
N_ITM = 100000
K = 64
P = N_USR + 2 * N_ITM


def setup_inputs(seed: int = 0):
    key = jax.random.key(seed)
    ks = jax.random.split(key, 7)
    # x encodes a transaction: values drawn from [0, 2048); entries exactly equal to 1
    # in the basket slice mark basket items (expected ~49 basket items for m=100000).
    x = jax.random.randint(ks[0], (P,), 0, 2048).astype(jnp.float32)
    delta = jax.random.normal(ks[1], (1,), dtype=jnp.float32)
    pmi = jax.random.normal(ks[2], (1,), dtype=jnp.float32)
    w_0 = jax.random.normal(ks[3], (1,), dtype=jnp.float32)
    w_bias = jax.random.normal(ks[4], (P, 1), dtype=jnp.float32)
    u_V = jax.random.normal(ks[5], (N_USR, K), dtype=jnp.float32)
    b_V = jax.random.normal(ks[6], (N_ITM, K), dtype=jnp.float32)
    return {"x": x, "delta": delta, "pmi": pmi, "w_0": w_0, "w_bias": w_bias, "u_V": u_V, "b_V": b_V}


def reference(x, delta, pmi, w_0, w_bias, u_V, b_V):
    n, m = N_USR, N_ITM
    # forward(x, delta, pmi): t = x[:n+2m]; tm unused; return fm(t)
    t = x[: n + 2 * m]
    xr = t.reshape(1, -1)
    bias = xr @ w_bias                     # [1,1]
    u_vec = xr[:, :n] @ u_V                # [1,k]
    t_vec = xr[:, n : n + m] @ b_V         # t_V is tied to b_V in __init__
    mask = (xr[0, n + m : n + 2 * m] == 1.0).astype(b_V.dtype)  # [m]
    b_vecs = b_V * mask[:, None]           # basket item embeddings, non-basket rows zero [m,k]
    u_t = u_vec @ t_vec.T                  # [1,1]
    t_b = (t_vec @ b_vecs.T).sum(axis=-1, keepdims=True)  # [1,1]
    # bs = sum_{i<j} <b_i, b_j>  (closed form of the original pairwise loop)
    s = b_vecs.sum(axis=0)
    bs = ((jnp.dot(s, s) - (b_vecs * b_vecs).sum()) * 0.5).reshape(1, 1)
    u_b = (u_vec @ b_vecs.T).sum(axis=-1, keepdims=True)  # [1,1]
    gamma = [1, 1, 1, 1]
    y = w_0 + bias + gamma[0] * u_t + gamma[1] * t_b + gamma[2] * bs + gamma[3] * u_b
    return y

if __name__ == "__main__":
    import jax
    _d = setup_inputs()
    print(jax.jit(kernel)(*tuple(_d.values())))

</pallas_src>

<mosaic_0001>
#map = affine_map<(d0, d1) -> (0)>
#map1 = affine_map<(d0, d1) -> (0, 0)>
#map2 = affine_map<(d0, d1) -> (0, 0, 0)>
module attributes {stable_mosaic.version = 14 : i64} {
  func.func @_sc_partials(%arg0: i32, %arg1: i32, %arg2: memref<302464xf32, #tpu.memory_space<hbm>>, %arg3: memref<100000x64xf32, #tpu.memory_space<hbm>>, %arg4: memref<100000x64xf32, #tpu.memory_space<hbm>>, %arg5: memref<32x1x256xf32, #tpu.memory_space<hbm>>, %arg6: memref<3328xf32, #tpu.memory_space<vmem>>, %arg7: memref<3328xf32, #tpu.memory_space<vmem>>, %arg8: memref<3328xf32, #tpu.memory_space<vmem>>, %arg9: memref<160x64xf32, #tpu.memory_space<vmem>>, %arg10: memref<160x64xf32, #tpu.memory_space<vmem>>, %arg11: memref<160x64xf32, #tpu.memory_space<vmem>>, %arg12: memref<160x64xf32, #tpu.memory_space<vmem>>, %arg13: memref<1x256xf32, #tpu.memory_space<vmem>>, %arg14: memref<!tpu.dma_semaphore, #tpu.memory_space<semaphore_mem>>, %arg15: memref<!tpu.dma_semaphore, #tpu.memory_space<semaphore_mem>>, %arg16: memref<!tpu.dma_semaphore, #tpu.memory_space<semaphore_mem>>, %arg17: memref<!tpu.dma_semaphore, #tpu.memory_space<semaphore_mem>>) attributes {dimension_semantics = [#tpu.dimension_semantics<core_parallel>, #tpu.dimension_semantics<subcore_parallel>], iteration_bounds = array<i64: 2, 16>, scalar_prefetch = 0 : i64, scratch_operands = 12 : i64, tpu.core_type = #tpu.core_type<sc_vector_subcore>, window_params = [{transform_indices = #map}, {transform_indices = #map1}, {transform_indices = #map1}, {transform_indices = #map2}]} {
    %mul3A = arith.constant 2 : i32
    %mul3A_0 = arith.muli %arg1, %mul3A : i32
    %add3A = arith.addi %mul3A_0, %arg0 : i32
    %mul3A_1 = arith.constant 3200 : i32
    %mul3A_2 = arith.muli %add3A, %mul3A_1 : i32
    %add3A_3 = arith.constant 0 : i32
    %add3A_4 = arith.addi %add3A_3, %mul3A_2 : i32
    %jit3A = arith.constant 128 : i32
    %div3A = arith.divsi %add3A_4, %jit3A : i32
    %sign3A = arith.constant 0 : i32
    %sign3A_5 = arith.cmpi sgt, %add3A_4, %sign3A : i32
    %sign3A_6 = arith.extui %sign3A_5 : i1 to i32
    %sign3A_7 = arith.constant 0 : i32
    %sign3A_8 = arith.cmpi slt, %add3A_4, %sign3A_7 : i32
    %sign3A_9 = arith.extui %sign3A_8 : i1 to i32
    %sign3A_10 = arith.subi %sign3A_6, %sign3A_9 : i32
    %sign3A_11 = arith.constant 0 : i32
    %sign3A_12 = arith.cmpi sgt, %jit3A, %sign3A_11 : i32
    %sign3A_13 = arith.extui %sign3A_12 : i1 to i32
    %sign3A_14 = arith.constant 0 : i32
    %sign3A_15 = arith.cmpi slt, %jit3A, %sign3A_14 : i32
    %sign3A_16 = arith.extui %sign3A_15 : i1 to i32
    %sign3A_17 = arith.subi %sign3A_13, %sign3A_16 : i32
    %ne3A = arith.cmpi ne, %sign3A_10, %sign3A_17 : i32
    %rem3A = arith.remsi %add3A_4, %jit3A : i32
    %ne3A_18 = arith.constant 0 : i32
    %ne3A_19 = arith.cmpi ne, %rem3A, %ne3A_18 : i32
    %and3A = arith.andi %ne3A, %ne3A_19 : i1
    %sub3A = arith.constant 1 : i32
    %sub3A_20 = arith.subi %div3A, %sub3A : i32
    %select_n3A = arith.select %and3A, %sub3A_20, %div3A : i32
    %mul3A_21 = arith.constant 128 : i32
    %mul3A_22 = arith.muli %select_n3A, %mul3A_21 : i32
    "tpu.region"() ({
      %run_scoped3A = tpu.sem_alloc : memref<!tpu.dma_semaphore, #tpu.memory_space<semaphore_mem>>
      %dma_start3A_196 = tpu.memref_slice %arg2[%mul3A_22] : memref<302464xf32, #tpu.memory_space<hbm>> -> memref<3328xf32, #tpu.memory_space<hbm>>
      %dma_start3A_197 = tpu.memref_slice %arg2[%mul3A_22] : memref<302464xf32, #tpu.memory_space<hbm>> -> memref<3328xf32, #tpu.memory_space<hbm>>
      tpu.enqueue_dma source(%dma_start3A_197 : memref<3328xf32, #tpu.memory_space<hbm>>) target(%arg6 : memref<3328xf32, #tpu.memory_space<vmem>>) target_semaphore(%run_scoped3A : memref<!tpu.dma_semaphore, #tpu.memory_space<semaphore_mem>>)
      %dma_wait3A_198 = tpu.memref_slice %arg2[%mul3A_22] : memref<302464xf32, #tpu.memory_space<hbm>> -> memref<3328xf32, #tpu.memory_space<hbm>>
      %dma_wait3A_199 = tpu.memref_slice %arg2[%mul3A_22] : memref<302464xf32, #tpu.memory_space<hbm>> -> memref<3328xf32, #tpu.memory_space<hbm>>
      tpu.wait_dma2 semaphore(%run_scoped3A : memref<!tpu.dma_semaphore, #tpu.memory_space<semaphore_mem>>) src(%dma_wait3A_199 : memref<3328xf32, #tpu.memory_space<hbm>>) dst(%arg6 : memref<3328xf32, #tpu.memory_space<vmem>>)
      tpu.yield
    }) : () -> ()
    %sub3A_23 = arith.subi %add3A_4, %mul3A_22 : i32
    %add3A_24 = arith.constant 100000 : i32
    %add3A_25 = arith.addi %add3A_24, %mul3A_2 : i32
    %jit3A_26 = arith.constant 128 : i32
    %div3A_27 = arith.divsi %add3A_25, %jit3A_26 : i32
    %sign3A_28 = arith.constant 0 : i32
    %sign3A_29 = arith.cmpi sgt, %add3A_25, %sign3A_28 : i32
    %sign3A_30 = arith.extui %sign3A_29 : i1 to i32
    %sign3A_31 = arith.constant 0 : i32
    %sign3A_32 = arith.cmpi slt, %add3A_25, %sign3A_31 : i32
    %sign3A_33 = arith.extui %sign3A_32 : i1 to i32
    %sign3A_34 = arith.subi %sign3A_30, %sign3A_33 : i32
    %sign3A_35 = arith.constant 0 : i32
    %sign3A_36 = arith.cmpi sgt, %jit3A_26, %sign3A_35 : i32
    %sign3A_37 = arith.extui %sign3A_36 : i1 to i32
    %sign3A_38 = arith.constant 0 : i32
    %sign3A_39 = arith.cmpi slt, %jit3A_26, %sign3A_38 : i32
    %sign3A_40 = arith.extui %sign3A_39 : i1 to i32
    %sign3A_41 = arith.subi %sign3A_37, %sign3A_40 : i32
    %ne3A_42 = arith.cmpi ne, %sign3A_34, %sign3A_41 : i32
    %rem3A_43 = arith.remsi %add3A_25, %jit3A_26 : i32
    %ne3A_44 = arith.constant 0 : i32
    %ne3A_45 = arith.cmpi ne, %rem3A_43, %ne3A_44 : i32
    %and3A_46 = arith.andi %ne3A_42, %ne3A_45 : i1
    %sub3A_47 = arith.constant 1 : i32
    %sub3A_48 = arith.subi %div3A_27, %sub3A_47 : i32
    %select_n3A_49 = arith.select %and3A_46, %sub3A_48, %div3A_27 : i32
    %mul3A_50 = arith.constant 128 : i32
    %mul3A_51 = arith.muli %select_n3A_49, %mul3A_50 : i32
    "tpu.region"() ({
      %run_scoped3A = tpu.sem_alloc : memref<!tpu.dma_semaphore, #tpu.memory_space<semaphore_mem>>
      %dma_start3A_196 = tpu.memref_slice %arg2[%mul3A_51] : memref<302464xf32, #tpu.memory_space<hbm>> -> memref<3328xf32, #tpu.memory_space<hbm>>
      %dma_start3A_197 = tpu.memref_slice %arg2[%mul3A_51] : memref<302464xf32, #tpu.memory_space<hbm>> -> memref<3328xf32, #tpu.memory_space<hbm>>
      tpu.enqueue_dma source(%dma_start3A_197 : memref<3328xf32, #tpu.memory_space<hbm>>) target(%arg7 : memref<3328xf32, #tpu.memory_space<vmem>>) target_semaphore(%run_scoped3A : memref<!tpu.dma_semaphore, #tpu.memory_space<semaphore_mem>>)
      %dma_wait3A_198 = tpu.memref_slice %arg2[%mul3A_51] : memref<302464xf32, #tpu.memory_space<hbm>> -> memref<3328xf32, #tpu.memory_space<hbm>>
      %dma_wait3A_199 = tpu.memref_slice %arg2[%mul3A_51] : memref<302464xf32, #tpu.memory_space<hbm>> -> memref<3328xf32, #tpu.memory_space<hbm>>
      tpu.wait_dma2 semaphore(%run_scoped3A : memref<!tpu.dma_semaphore, #tpu.memory_space<semaphore_mem>>) src(%dma_wait3A_199 : memref<3328xf32, #tpu.memory_space<hbm>>) dst(%arg7 : memref<3328xf32, #tpu.memory_space<vmem>>)
      tpu.yield
    }) : () -> ()
    %sub3A_52 = arith.subi %add3A_25, %mul3A_51 : i32
    %add3A_53 = arith.constant 200000 : i32
    %add3A_54 = arith.addi %add3A_53, %mul3A_2 : i32
    %jit3A_55 = arith.constant 128 : i32
    %div3A_56 = arith.divsi %add3A_54, %jit3A_55 : i32
    %sign3A_57 = arith.constant 0 : i32
    %sign3A_58 = arith.cmpi sgt, %add3A_54, %sign3A_57 : i32
    %sign3A_59 = arith.extui %sign3A_58 : i1 to i32
    %sign3A_60 = arith.constant 0 : i32
    %sign3A_61 = arith.cmpi slt, %add3A_54, %sign3A_60 : i32
    %sign3A_62 = arith.extui %sign3A_61 : i1 to i32
    %sign3A_63 = arith.subi %sign3A_59, %sign3A_62 : i32
    %sign3A_64 = arith.constant 0 : i32
    %sign3A_65 = arith.cmpi sgt, %jit3A_55, %sign3A_64 : i32
    %sign3A_66 = arith.extui %sign3A_65 : i1 to i32
    %sign3A_67 = arith.constant 0 : i32
    %sign3A_68 = arith.cmpi slt, %jit3A_55, %sign3A_67 : i32
    %sign3A_69 = arith.extui %sign3A_68 : i1 to i32
    %sign3A_70 = arith.subi %sign3A_66, %sign3A_69 : i32
    %ne3A_71 = arith.cmpi ne, %sign3A_63, %sign3A_70 : i32
    %rem3A_72 = arith.remsi %add3A_54, %jit3A_55 : i32
    %ne3A_73 = arith.constant 0 : i32
    %ne3A_74 = arith.cmpi ne, %rem3A_72, %ne3A_73 : i32
    %and3A_75 = arith.andi %ne3A_71, %ne3A_74 : i1
    %sub3A_76 = arith.constant 1 : i32
    %sub3A_77 = arith.subi %div3A_56, %sub3A_76 : i32
    %select_n3A_78 = arith.select %and3A_75, %sub3A_77, %div3A_56 : i32
    %mul3A_79 = arith.constant 128 : i32
    %mul3A_80 = arith.muli %select_n3A_78, %mul3A_79 : i32
    "tpu.region"() ({
      %run_scoped3A = tpu.sem_alloc : memref<!tpu.dma_semaphore, #tpu.memory_space<semaphore_mem>>
      %dma_start3A_196 = tpu.memref_slice %arg2[%mul3A_80] : memref<302464xf32, #tpu.memory_space<hbm>> -> memref<3328xf32, #tpu.memory_space<hbm>>
      %dma_start3A_197 = tpu.memref_slice %arg2[%mul3A_80] : memref<302464xf32, #tpu.memory_space<hbm>> -> memref<3328xf32, #tpu.memory_space<hbm>>
      tpu.enqueue_dma source(%dma_start3A_197 : memref<3328xf32, #tpu.memory_space<hbm>>) target(%arg8 : memref<3328xf32, #tpu.memory_space<vmem>>) target_semaphore(%run_scoped3A : memref<!tpu.dma_semaphore, #tpu.memory_space<semaphore_mem>>)
      %dma_wait3A_198 = tpu.memref_slice %arg2[%mul3A_80] : memref<302464xf32, #tpu.memory_space<hbm>> -> memref<3328xf32, #tpu.memory_space<hbm>>
      %dma_wait3A_199 = tpu.memref_slice %arg2[%mul3A_80] : memref<302464xf32, #tpu.memory_space<hbm>> -> memref<3328xf32, #tpu.memory_space<hbm>>
      tpu.wait_dma2 semaphore(%run_scoped3A : memref<!tpu.dma_semaphore, #tpu.memory_space<semaphore_mem>>) src(%dma_wait3A_199 : memref<3328xf32, #tpu.memory_space<hbm>>) dst(%arg8 : memref<3328xf32, #tpu.memory_space<vmem>>)
      tpu.yield
    }) : () -> ()
    %sub3A_81 = arith.subi %add3A_54, %mul3A_80 : i32
    %add3A_82 = arith.constant 0 : i32
    %add3A_83 = arith.addi %mul3A_2, %add3A_82 : i32
    %min3A = arith.constant 99840 : i32
    %min3A_84 = arith.minsi %add3A_83, %min3A : i32
    %dma_start3A = arith.constant 0 : i32
    %dma_start3A_85 = tpu.memref_slice %arg3[%min3A_84, %dma_start3A] : memref<100000x64xf32, #tpu.memory_space<hbm>> -> memref<160x64xf32, #tpu.memory_space<hbm>>
    %dma_start3A_86 = arith.constant 0 : i32
    %dma_start3A_87 = tpu.memref_slice %arg3[%min3A_84, %dma_start3A_86] : memref<100000x64xf32, #tpu.memory_space<hbm>> -> memref<160x64xf32, #tpu.memory_space<hbm>>
    tpu.enqueue_dma source(%dma_start3A_87 : memref<160x64xf32, #tpu.memory_space<hbm>>) target(%arg9 : memref<160x64xf32, #tpu.memory_space<vmem>>) target_semaphore(%arg14 : memref<!tpu.dma_semaphore, #tpu.memory_space<semaphore_mem>>)
    %dma_start3A_88 = arith.constant 0 : i32
    %dma_start3A_89 = tpu.memref_slice %arg4[%min3A_84, %dma_start3A_88] : memref<100000x64xf32, #tpu.memory_space<hbm>> -> memref<160x64xf32, #tpu.memory_space<hbm>>
    %dma_start3A_90 = arith.constant 0 : i32
    %dma_start3A_91 = tpu.memref_slice %arg4[%min3A_84, %dma_start3A_90] : memref<100000x64xf32, #tpu.memory_space<hbm>> -> memref<160x64xf32, #tpu.memory_space<hbm>>
    tpu.enqueue_dma source(%dma_start3A_91 : memref<160x64xf32, #tpu.memory_space<hbm>>) target(%arg11 : memref<160x64xf32, #tpu.memory_space<vmem>>) target_semaphore(%arg16 : memref<!tpu.dma_semaphore, #tpu.memory_space<semaphore_mem>>)
    %add3A_92 = arith.constant 160 : i32
    %add3A_93 = arith.addi %mul3A_2, %add3A_92 : i32
    %min3A_94 = arith.constant 99840 : i32
    %min3A_95 = arith.minsi %add3A_93, %min3A_94 : i32
    %dma_start3A_96 = arith.constant 0 : i32
    %dma_start3A_97 = tpu.memref_slice %arg3[%min3A_95, %dma_start3A_96] : memref<100000x64xf32, #tpu.memory_space<hbm>> -> memref<160x64xf32, #tpu.memory_space<hbm>>
    %dma_start3A_98 = arith.constant 0 : i32
    %dma_start3A_99 = tpu.memref_slice %arg3[%min3A_95, %dma_start3A_98] : memref<100000x64xf32, #tpu.memory_space<hbm>> -> memref<160x64xf32, #tpu.memory_space<hbm>>
    tpu.enqueue_dma source(%dma_start3A_99 : memref<160x64xf32, #tpu.memory_space<hbm>>) target(%arg10 : memref<160x64xf32, #tpu.memory_space<vmem>>) target_semaphore(%arg15 : memref<!tpu.dma_semaphore, #tpu.memory_space<semaphore_mem>>)
    %dma_start3A_100 = arith.constant 0 : i32
    %dma_start3A_101 = tpu.memref_slice %arg4[%min3A_95, %dma_start3A_100] : memref<100000x64xf32, #tpu.memory_space<hbm>> -> memref<160x64xf32, #tpu.memory_space<hbm>>
    %dma_start3A_102 = arith.constant 0 : i32
    %dma_start3A_103 = tpu.memref_slice %arg4[%min3A_95, %dma_start3A_102] : memref<100000x64xf32, #tpu.memory_space<hbm>> -> memref<160x64xf32, #tpu.memory_space<hbm>>
    tpu.enqueue_dma source(%dma_start3A_103 : memref<160x64xf32, #tpu.memory_space<hbm>>) target(%arg12 : memref<160x64xf32, #tpu.memory_space<vmem>>) target_semaphore(%arg17 : memref<!tpu.dma_semaphore, #tpu.memory_space<semaphore_mem>>)
    %iota3A = tpu.iota {dimensions = array<i32: 0>} : vector<16xi32>
    %broadcast_in_dim3A = arith.constant 0.000000e+00 : f32
    %broadcast_in_dim3A_104 = vector.broadcast %broadcast_in_dim3A : f32 to vector<16xf32>
    %scan3A = arith.constant 0 : i32
    %scan3A_105 = arith.constant 10 : i32
    %scan3A_106 = arith.addi %scan3A, %scan3A_105 : i32
    %scan3A_107 = arith.constant 1 : i32
    %scan3A_108:16 = scf.for %scan3A_196 = %scan3A to %scan3A_106 step %scan3A_107 iter_args(%scan3A_197 = %broadcast_in_dim3A_104, %scan3A_198 = %broadcast_in_dim3A_104, %scan3A_199 = %broadcast_in_dim3A_104, %scan3A_200 = %broadcast_in_dim3A_104, %scan3A_201 = %broadcast_in_dim3A_104, %scan3A_202 = %broadcast_in_dim3A_104, %scan3A_203 = %broadcast_in_dim3A_104, %scan3A_204 = %broadcast_in_dim3A_104, %scan3A_205 = %broadcast_in_dim3A_104, %scan3A_206 = %broadcast_in_dim3A_104, %scan3A_207 = %broadcast_in_dim3A_104, %scan3A_208 = %broadcast_in_dim3A_104, %scan3A_209 = %broadcast_in_dim3A_104, %scan3A_210 = %broadcast_in_dim3A_104, %scan3A_211 = %broadcast_in_dim3A_104, %scan3A_212 = %broadcast_in_dim3A_104) -> (vector<16xf32>, vector<16xf32>, vector<16xf32>, vector<16xf32>, vector<16xf32>, vector<16xf32>, vector<16xf32>, vector<16xf32>, vector<16xf32>, vector<16xf32>, vector<16xf32>, vector<16xf32>, vector<16xf32>, vector<16xf32>, vector<16xf32>, vector<16xf32>)  : i32 {
      %mul3A_213 = arith.constant 2 : i32
      %mul3A_214 = arith.muli %mul3A_213, %scan3A_196 : i32
      %add3A_215 = arith.constant 0 : i32
      %add3A_216 = arith.addi %mul3A_214, %add3A_215 : i32
      %mul3A_217 = arith.constant 160 : i32
      %mul3A_218 = arith.muli %add3A_216, %mul3A_217 : i32
      %add3A_219 = arith.addi %mul3A_2, %mul3A_218 : i32
      %min3A_220 = arith.constant 99840 : i32
      %min3A_221 = arith.minsi %add3A_219, %min3A_220 : i32
      %dma_wait3A_222 = arith.constant 0 : i32
      %dma_wait3A_223 = tpu.memref_slice %arg3[%min3A_221, %dma_wait3A_222] : memref<100000x64xf32, #tpu.memory_space<hbm>> -> memref<160x64xf32, #tpu.memory_space<hbm>>
      %dma_wait3A_224 = arith.constant 0 : i32
      %dma_wait3A_225 = tpu.memref_slice %arg3[%min3A_221, %dma_wait3A_224] : memref<100000x64xf32, #tpu.memory_space<hbm>> -> memref<160x64xf32, #tpu.memory_space<hbm>>
      tpu.wait_dma2 semaphore(%arg14 : memref<!tpu.dma_semaphore, #tpu.memory_space<semaphore_mem>>) src(%dma_wait3A_225 : memref<160x64xf32, #tpu.memory_space<hbm>>) dst(%arg9 : memref<160x64xf32, #tpu.memory_space<vmem>>)
      %dma_wait3A_226 = arith.constant 0 : i32
      %dma_wait3A_227 = tpu.memref_slice %arg4[%min3A_221, %dma_wait3A_226] : memref<100000x64xf32, #tpu.memory_space<hbm>> -> memref<160x64xf32, #tpu.memory_space<hbm>>
      %dma_wait3A_228 = arith.constant 0 : i32
      %dma_wait3A_229 = tpu.memref_slice %arg4[%min3A_221, %dma_wait3A_228] : memref<100000x64xf32, #tpu.memory_space<hbm>> -> memref<160x64xf32, #tpu.memory_space<hbm>>
      tpu.wait_dma2 semaphore(%arg16 : memref<!tpu.dma_semaphore, #tpu.memory_space<semaphore_mem>>) src(%dma_wait3A_229 : memref<160x64xf32, #tpu.memory_space<hbm>>) dst(%arg11 : memref<160x64xf32, #tpu.memory_space<vmem>>)
      %mul3A_230 = arith.constant 160 : i32
      %mul3A_231 = arith.muli %add3A_216, %mul3A_230 : i32
      %add3A_232 = arith.addi %mul3A_2, %mul3A_231 : i32
      %min3A_233 = arith.constant 99840 : i32
      %min3A_234 = arith.minsi %add3A_232, %min3A_233 : i32
      %sub3A_235 = arith.subi %min3A_234, %mul3A_2 : i32
      %scan3A_236 = arith.constant 0 : i32
      %scan3A_237 = arith.constant 10 : i32
      %scan3A_238 = arith.addi %scan3A_236, %scan3A_237 : i32
      %scan3A_239 = arith.constant 1 : i32
      %scan3A_240:16 = scf.for %scan3A_301 = %scan3A_236 to %scan3A_238 step %scan3A_239 iter_args(%scan3A_302 = %scan3A_197, %scan3A_303 = %scan3A_198, %scan3A_304 = %scan3A_199, %scan3A_305 = %scan3A_200, %scan3A_306 = %scan3A_201, %scan3A_307 = %scan3A_202, %scan3A_308 = %scan3A_203, %scan3A_309 = %scan3A_204, %scan3A_310 = %scan3A_205, %scan3A_311 = %scan3A_206, %scan3A_312 = %scan3A_207, %scan3A_313 = %scan3A_208, %scan3A_314 = %scan3A_209, %scan3A_315 = %scan3A_210, %scan3A_316 = %scan3A_211, %scan3A_317 = %scan3A_212) -> (vector<16xf32>, vector<16xf32>, vector<16xf32>, vector<16xf32>, vector<16xf32>, vector<16xf32>, vector<16xf32>, vector<16xf32>, vector<16xf32>, vector<16xf32>, vector<16xf32>, vector<16xf32>, vector<16xf32>, vector<16xf32>, vector<16xf32>, vector<16xf32>)  : i32 {
        %mul3A_318 = arith.constant 16 : i32
        %mul3A_319 = arith.muli %scan3A_301, %mul3A_318 : i32
        %add3A_320 = arith.addi %sub3A_235, %mul3A_319 : i32
        %add3A_321 = vector.broadcast %add3A_320 : i32 to vector<16xi32>
        %add3A_322 = arith.addi %add3A_321, %iota3A : vector<16xi32>
        %mul3A_323 = arith.constant 160 : i32
        %mul3A_324 = arith.muli %add3A_216, %mul3A_323 : i32
        %ge3A = vector.broadcast %mul3A_324 : i32 to vector<16xi32>
        %ge3A_325 = arith.cmpi sge, %add3A_322, %ge3A : vector<16xi32>
        %add3A_326 = vector.broadcast %mul3A_2 : i32 to vector<16xi32>
        %add3A_327 = arith.addi %add3A_326, %add3A_322 : vector<16xi32>
        %lt3A = arith.constant 100000 : i32
        %lt3A_328 = vector.broadcast %lt3A : i32 to vector<16xi32>
        %lt3A_329 = arith.cmpi slt, %add3A_327, %lt3A_328 : vector<16xi32>
        %and3A_330 = arith.andi %ge3A_325, %lt3A_329 : vector<16xi1>
        %add3A_331 = arith.addi %sub3A_23, %add3A_320 : i32
        %get3A = arith.index_cast %add3A_331 : i32 to index
        %get3A_332 = tpu.vector_load %arg6[%get3A] {strides = array<i32>} : memref<3328xf32, #tpu.memory_space<vmem>>, vector<16xf32>,
        %select_n3A_333 = arith.select %and3A_330, %get3A_332, %broadcast_in_dim3A_104 : vector<16xi1>, vector<16xf32>
        %add3A_334 = arith.addi %sub3A_52, %add3A_320 : i32
        %get3A_335 = arith.index_cast %add3A_334 : i32 to index
        %get3A_336 = tpu.vector_load %arg7[%get3A_335] {strides = array<i32>} : memref<3328xf32, #tpu.memory_space<vmem>>, vector<16xf32>,
        %select_n3A_337 = arith.select %and3A_330, %get3A_336, %broadcast_in_dim3A_104 : vector<16xi1>, vector<16xf32>
        %add3A_338 = arith.addi %sub3A_81, %add3A_320 : i32
        %get3A_339 = arith.index_cast %add3A_338 : i32 to index
        %get3A_340 = tpu.vector_load %arg8[%get3A_339] {strides = array<i32>} : memref<3328xf32, #tpu.memory_space<vmem>>, vector<16xf32>,
        %eq3A = arith.constant 1.000000e+00 : f32
        %eq3A_341 = vector.broadcast %eq3A : f32 to vector<16xf32>
        %eq3A_342 = arith.cmpf oeq, %get3A_340, %eq3A_341 : vector<16xf32>
        %and3A_343 = arith.andi %and3A_330, %eq3A_342 : vector<16xi1>
        %jit3A_344 = arith.constant 1.000000e+00 : f32
        %broadcast_in_dim3A_345 = vector.broadcast %jit3A_344 : f32 to vector<16xf32>
        %select_n3A_346 = arith.select %and3A_343, %broadcast_in_dim3A_345, %broadcast_in_dim3A_104 : vector<16xi1>, vector<16xf32>
        %add3A_347 = arith.constant 0 : i32
        %add3A_348 = arith.addi %mul3A_319, %add3A_347 : i32
        %broadcast_in_dim3A_349 = arith.constant 0 : i32
        %broadcast_in_dim3A_350 = vector.broadcast %broadcast_in_dim3A_349 : i32 to vector<16x1xi32>
        %gather3A = vector.shape_cast %broadcast_in_dim3A_350 : vector<16x1xi32> to vector<16xi32>
        %gather3A_351 = tpu.dynamic_gather %select_n3A_333[%gather3A] in [0] : vector<16xf32>, vector<16xi32> -> vector<16xf32>
        %broadcast_in_dim3A_352 = arith.constant 0 : i32
        %broadcast_in_dim3A_353 = vector.broadcast %broadcast_in_dim3A_352 : i32 to vector<16x1xi32>
        %gather3A_354 = vector.shape_cast %broadcast_in_dim3A_353 : vector<16x1xi32> to vector<16xi32>
        %gather3A_355 = tpu.dynamic_gather %select_n3A_337[%gather3A_354] in [0] : vector<16xf32>, vector<16xi32> -> vector<16xf32>
        %get3A_356 = arith.index_cast %add3A_348 : i32 to index
        %get3A_357 = arith.constant 0 : index
        %get3A_358 = tpu.vector_load %arg9[%get3A_356, %get3A_357] {strides = array<i32>} : memref<160x64xf32, #tpu.memory_space<vmem>>, vector<16xf32>,
        %mul3A_359 = arith.mulf %gather3A_351, %get3A_358 : vector<16xf32>
        %add3A_360 = arith.addf %scan3A_302, %mul3A_359 : vector<16xf32>
        %get3A_361 = arith.index_cast %add3A_348 : i32 to index
        %get3A_362 = arith.constant 0 : index
        %get3A_363 = tpu.vector_load %arg11[%get3A_361, %get3A_362] {strides = array<i32>} : memref<160x64xf32, #tpu.memory_space<vmem>>, vector<16xf32>,
        %mul3A_364 = arith.mulf %gather3A_355, %get3A_363 : vector<16xf32>
        %add3A_365 = arith.addf %scan3A_306, %mul3A_364 : vector<16xf32>
        %get3A_366 = arith.index_cast %add3A_348 : i32 to index
        %get3A_367 = arith.constant 16 : index
        %get3A_368 = tpu.vector_load %arg9[%get3A_366, %get3A_367] {strides = array<i32>} : memref<160x64xf32, #tpu.memory_space<vmem>>, vector<16xf32>,
        %mul3A_369 = arith.mulf %gather3A_351, %get3A_368 : vector<16xf32>
        %add3A_370 = arith.addf %scan3A_303, %mul3A_369 : vector<16xf32>
        %get3A_371 = arith.index_cast %add3A_348 : i32 to index
        %get3A_372 = arith.constant 16 : index
        %get3A_373 = tpu.vector_load %arg11[%get3A_371, %get3A_372] {strides = array<i32>} : memref<160x64xf32, #tpu.memory_space<vmem>>, vector<16xf32>,
        %mul3A_374 = arith.mulf %gather3A_355, %get3A_373 : vector<16xf32>
        %add3A_375 = arith.addf %scan3A_307, %mul3A_374 : vector<16xf32>
        %get3A_376 = arith.index_cast %add3A_348 : i32 to index
        %get3A_377 = arith.constant 32 : index
        %get3A_378 = tpu.vector_load %arg9[%get3A_376, %get3A_377] {strides = array<i32>} : memref<160x64xf32, #tpu.memory_space<vmem>>, vector<16xf32>,
        %mul3A_379 = arith.mulf %gather3A_351, %get3A_378 : vector<16xf32>
        %add3A_380 = arith.addf %scan3A_304, %mul3A_379 : vector<16xf32>
        %get3A_381 = arith.index_cast %add3A_348 : i32 to index
        %get3A_382 = arith.constant 32 : index
        %get3A_383 = tpu.vector_load %arg11[%get3A_381, %get3A_382] {strides = array<i32>} : memref<160x64xf32, #tpu.memory_space<vmem>>, vector<16xf32>,
        %mul3A_384 = arith.mulf %gather3A_355, %get3A_383 : vector<16xf32>
        %add3A_385 = arith.addf %scan3A_308, %mul3A_384 : vector<16xf32>
        %get3A_386 = arith.index_cast %add3A_348 : i32 to index
        %get3A_387 = arith.constant 48 : index
        %get3A_388 = tpu.vector_load %arg9[%get3A_386, %get3A_387] {strides = array<i32>} : memref<160x64xf32, #tpu.memory_space<vmem>>, vector<16xf32>,
        %mul3A_389 = arith.mulf %gather3A_351, %get3A_388 : vector<16xf32>
        %add3A_390 = arith.addf %scan3A_305, %mul3A_389 : vector<16xf32>
        %get3A_391 = arith.index_cast %add3A_348 : i32 to index
        %get3A_392 = arith.constant 48 : index
        %get3A_393 = tpu.vector_load %arg11[%get3A_391, %get3A_392] {strides = array<i32>} : memref<160x64xf32, #tpu.memory_space<vmem>>, vector<16xf32>,
        %mul3A_394 = arith.mulf %gather3A_355, %get3A_393 : vector<16xf32>
        %add3A_395 = arith.addf %scan3A_309, %mul3A_394 : vector<16xf32>
        %add3A_396 = arith.constant 1 : i32
        %add3A_397 = arith.addi %mul3A_319, %add3A_396 : i32
        %broadcast_in_dim3A_398 = arith.constant 1 : i32
        %broadcast_in_dim3A_399 = vector.broadcast %broadcast_in_dim3A_398 : i32 to vector<16x1xi32>
        %gather3A_400 = vector.shape_cast %broadcast_in_dim3A_399 : vector<16x1xi32> to vector<16xi32>
        %gather3A_401 = tpu.dynamic_gather %select_n3A_333[%gather3A_400] in [0] : vector<16xf32>, vector<16xi32> -> vector<16xf32>
        %broadcast_in_dim3A_402 = arith.constant 1 : i32
        %broadcast_in_dim3A_403 = vector.broadcast %broadcast_in_dim3A_402 : i32 to vector<16x1xi32>
        %gather3A_404 = vector.shape_cast %broadcast_in_dim3A_403 : vector<16x1xi32> to vector<16xi32>
        %gather3A_405 = tpu.dynamic_gather %select_n3A_337[%gather3A_404] in [0] : vector<16xf32>, vector<16xi32> -> vector<16xf32>
        %get3A_406 = arith.index_cast %add3A_397 : i32 to index
        %get3A_407 = arith.constant 0 : index
        %get3A_408 = tpu.vector_load %arg9[%get3A_406, %get3A_407] {strides = array<i32>} : memref<160x64xf32, #tpu.memory_space<vmem>>, vector<16xf32>,
        %mul3A_409 = arith.mulf %gather3A_401, %get3A_408 : vector<16xf32>
        %add3A_410 = arith.addf %add3A_360, %mul3A_409 : vector<16xf32>
        %get3A_411 = arith.index_cast %add3A_397 : i32 to index
        %get3A_412 = arith.constant 0 : index
        %get3A_413 = tpu.vector_load %arg11[%get3A_411, %get3A_412] {strides = array<i32>} : memref<160x64xf32, #tpu.memory_space<vmem>>, vector<16xf32>,
        %mul3A_414 = arith.mulf %gather3A_405, %get3A_413 : vector<16xf32>
        %add3A_415 = arith.addf %add3A_365, %mul3A_414 : vector<16xf32>
        %get3A_416 = arith.index_cast %add3A_397 : i32 to index
        %get3A_417 = arith.constant 16 : index
        %get3A_418 = tpu.vector_load %arg9[%get3A_416, %get3A_417] {strides = array<i32>} : memref<160x64xf32, #tpu.memory_space<vmem>>, vector<16xf32>,
        %mul3A_419 = arith.mulf %gather3A_401, %get3A_418 : vector<16xf32>
        %add3A_420 = arith.addf %add3A_370, %mul3A_419 : vector<16xf32>
        %get3A_421 = arith.index_cast %add3A_397 : i32 to index
        %get3A_422 = arith.constant 16 : index
        %get3A_423 = tpu.vector_load %arg11[%get3A_421, %get3A_422] {strides = array<i32>} : memref<160x64xf32, #tpu.memory_space<vmem>>, vector<16xf32>,
        %mul3A_424 = arith.mulf %gather3A_405, %get3A_423 : vector<16xf32>
        %add3A_425 = arith.addf %add3A_375, %mul3A_424 : vector<16xf32>
        %get3A_426 = arith.index_cast %add3A_397 : i32 to index
        %get3A_427 = arith.constant 32 : index
        %get3A_428 = tpu.vector_load %arg9[%get3A_426, %get3A_427] {strides = array<i32>} : memref<160x64xf32, #tpu.memory_space<vmem>>, vector<16xf32>,
        %mul3A_429 = arith.mulf %gather3A_401, %get3A_428 : vector<16xf32>
        %add3A_430 = arith.addf %add3A_380, %mul3A_429 : vector<16xf32>
        %get3A_431 = arith.index_cast %add3A_397 : i32 to index
        %get3A_432 = arith.constant 32 : index
        %get3A_433 = tpu.vector_load %arg11[%get3A_431, %get3A_432] {strides = array<i32>} : memref<160x64xf32, #tpu.memory_space<vmem>>, vector<16xf32>,
        %mul3A_434 = arith.mulf %gather3A_405, %get3A_433 : vector<16xf32>
        %add3A_435 = arith.addf %add3A_385, %mul3A_434 : vector<16xf32>
        %get3A_436 = arith.index_cast %add3A_397 : i32 to index
        %get3A_437 = arith.constant 48 : index
        %get3A_438 = tpu.vector_load %arg9[%get3A_436, %get3A_437] {strides = array<i32>} : memref<160x64xf32, #tpu.memory_space<vmem>>, vector<16xf32>,
        %mul3A_439 = arith.mulf %gather3A_401, %get3A_438 : vector<16xf32>
        %add3A_440 = arith.addf %add3A_390, %mul3A_439 : vector<16xf32>
        %get3A_441 = arith.index_cast %add3A_397 : i32 to index
        %get3A_442 = arith.constant 48 : index
        %get3A_443 = tpu.vector_load %arg11[%get3A_441, %get3A_442] {strides = array<i32>} : memref<160x64xf32, #tpu.memory_space<vmem>>, vector<16xf32>,
        %mul3A_444 = arith.mulf %gather3A_405, %get3A_443 : vector<16xf32>
        %add3A_445 = arith.addf %add3A_395, %mul3A_444 : vector<16xf32>
        %add3A_446 = arith.constant 2 : i32
        %add3A_447 = arith.addi %mul3A_319, %add3A_446 : i32
        %broadcast_in_dim3A_448 = arith.constant 2 : i32
        %broadcast_in_dim3A_449 = vector.broadcast %broadcast_in_dim3A_448 : i32 to vector<16x1xi32>
        %gather3A_450 = vector.shape_cast %broadcast_in_dim3A_449 : vector<16x1xi32> to vector<16xi32>
        %gather3A_451 = tpu.dynamic_gather %select_n3A_333[%gather3A_450] in [0] : vector<16xf32>, vector<16xi32> -> vector<16xf32>
        %broadcast_in_dim3A_452 = arith.constant 2 : i32
        %broadcast_in_dim3A_453 = vector.broadcast %broadcast_in_dim3A_452 : i32 to vector<16x1xi32>
        %gather3A_454 = vector.shape_cast %broadcast_in_dim3A_453 : vector<16x1xi32> to vector<16xi32>
        %gather3A_455 = tpu.dynamic_gather %select_n3A_337[%gather3A_454] in [0] : vector<16xf32>, vector<16xi32> -> vector<16xf32>
        %get3A_456 = arith.index_cast %add3A_447 : i32 to index
        %get3A_457 = arith.constant 0 : index
        %get3A_458 = tpu.vector_load %arg9[%get3A_456, %get3A_457] {strides = array<i32>} : memref<160x64xf32, #tpu.memory_space<vmem>>, vector<16xf32>,
        %mul3A_459 = arith.mulf %gather3A_451, %get3A_458 : vector<16xf32>
        %add3A_460 = arith.addf %add3A_410, %mul3A_459 : vector<16xf32>
        %get3A_461 = arith.index_cast %add3A_447 : i32 to index
        %get3A_462 = arith.constant 0 : index
        %get3A_463 = tpu.vector_load %arg11[%get3A_461, %get3A_462] {strides = array<i32>} : memref<160x64xf32, #tpu.memory_space<vmem>>, vector<16xf32>,
        %mul3A_464 = arith.mulf %gather3A_455, %get3A_463 : vector<16xf32>
        %add3A_465 = arith.addf %add3A_415, %mul3A_464 : vector<16xf32>
        %get3A_466 = arith.index_cast %add3A_447 : i32 to index
        %get3A_467 = arith.constant 16 : index
        %get3A_468 = tpu.vector_load %arg9[%get3A_466, %get3A_467] {strides = array<i32>} : memref<160x64xf32, #tpu.memory_space<vmem>>, vector<16xf32>,
        %mul3A_469 = arith.mulf %gather3A_451, %get3A_468 : vector<16xf32>
        %add3A_470 = arith.addf %add3A_420, %mul3A_469 : vector<16xf32>
        %get3A_471 = arith.index_cast %add3A_447 : i32 to index
        %get3A_472 = arith.constant 16 : index
        %get3A_473 = tpu.vector_load %arg11[%get3A_471, %get3A_472] {strides = array<i32>} : memref<160x64xf32, #tpu.memory_space<vmem>>, vector<16xf32>,
        %mul3A_474 = arith.mulf %gather3A_455, %get3A_473 : vector<16xf32>
        %add3A_475 = arith.addf %add3A_425, %mul3A_474 : vector<16xf32>
        %get3A_476 = arith.index_cast %add3A_447 : i32 to index
        %get3A_477 = arith.constant 32 : index
        %get3A_478 = tpu.vector_load %arg9[%get3A_476, %get3A_477] {strides = array<i32>} : memref<160x64xf32, #tpu.memory_space<vmem>>, vector<16xf32>,
        %mul3A_479 = arith.mulf %gather3A_451, %get3A_478 : vector<16xf32>
        %add3A_480 = arith.addf %add3A_430, %mul3A_479 : vector<16xf32>
        %get3A_481 = arith.index_cast %add3A_447 : i32 to index
        %get3A_482 = arith.constant 32 : index
        %get3A_483 = tpu.vector_load %arg11[%get3A_481, %get3A_482] {strides = array<i32>} : memref<160x64xf32, #tpu.memory_space<vmem>>, vector<16xf32>,
        %mul3A_484 = arith.mulf %gather3A_455, %get3A_483 : vector<16xf32>
        %add3A_485 = arith.addf %add3A_435, %mul3A_484 : vector<16xf32>
        %get3A_486 = arith.index_cast %add3A_447 : i32 to index
        %get3A_487 = arith.constant 48 : index
        %get3A_488 = tpu.vector_load %arg9[%get3A_486, %get3A_487] {strides = array<i32>} : memref<160x64xf32, #tpu.memory_space<vmem>>, vector<16xf32>,
        %mul3A_489 = arith.mulf %gather3A_451, %get3A_488 : vector<16xf32>
        %add3A_490 = arith.addf %add3A_440, %mul3A_489 : vector<16xf32>
        %get3A_491 = arith.index_cast %add3A_447 : i32 to index
        %get3A_492 = arith.constant 48 : index
        %get3A_493 = tpu.vector_load %arg11[%get3A_491, %get3A_492] {strides = array<i32>} : memref<160x64xf32, #tpu.memory_space<vmem>>, vector<16xf32>,
        %mul3A_494 = arith.mulf %gather3A_455, %get3A_493 : vector<16xf32>
        %add3A_495 = arith.addf %add3A_445, %mul3A_494 : vector<16xf32>
        %add3A_496 = arith.constant 3 : i32
        %add3A_497 = arith.addi %mul3A_319, %add3A_496 : i32
        %broadcast_in_dim3A_498 = arith.constant 3 : i32
        %broadcast_in_dim3A_499 = vector.broadcast %broadcast_in_dim3A_498 : i32 to vector<16x1xi32>
        %gather3A_500 = vector.shape_cast %broadcast_in_dim3A_499 : vector<16x1xi32> to vector<16xi32>
        %gather3A_501 = tpu.dynamic_gather %select_n3A_333[%gather3A_500] in [0] : vector<16xf32>, vector<16xi32> -> vector<16xf32>
        %broadcast_in_dim3A_502 = arith.constant 3 : i32
        %broadcast_in_dim3A_503 = vector.broadcast %broadcast_in_dim3A_502 : i32 to vector<16x1xi32>
        %gather3A_504 = vector.shape_cast %broadcast_in_dim3A_503 : vector<16x1xi32> to vector<16xi32>
        %gather3A_505 = tpu.dynamic_gather %select_n3A_337[%gather3A_504] in [0] : vector<16xf32>, vector<16xi32> -> vector<16xf32>
        %get3A_506 = arith.index_cast %add3A_497 : i32 to index
        %get3A_507 = arith.constant 0 : index
        %get3A_508 = tpu.vector_load %arg9[%get3A_506, %get3A_507] {strides = array<i32>} : memref<160x64xf32, #tpu.memory_space<vmem>>, vector<16xf32>,
        %mul3A_509 = arith.mulf %gather3A_501, %get3A_508 : vector<16xf32>
        %add3A_510 = arith.addf %add3A_460, %mul3A_509 : vector<16xf32>
        %get3A_511 = arith.index_cast %add3A_497 : i32 to index
        %get3A_512 = arith.constant 0 : index
        %get3A_513 = tpu.vector_load %arg11[%get3A_511, %get3A_512] {strides = array<i32>} : memref<160x64xf32, #tpu.memory_space<vmem>>, vector<16xf32>,
        %mul3A_514 = arith.mulf %gather3A_505, %get3A_513 : vector<16xf32>
        %add3A_515 = arith.addf %add3A_465, %mul3A_514 : vector<16xf32>
        %get3A_516 = arith.index_cast %add3A_497 : i32 to index
        %get3A_517 = arith.constant 16 : index
        %get3A_518 = tpu.vector_load %arg9[%get3A_516, %get3A_517] {strides = array<i32>} : memref<160x64xf32, #tpu.memory_space<vmem>>, vector<16xf32>,
        %mul3A_519 = arith.mulf %gather3A_501, %get3A_518 : vector<16xf32>
        %add3A_520 = arith.addf %add3A_470, %mul3A_519 : vector<16xf32>
        %get3A_521 = arith.index_cast %add3A_497 : i32 to index
        %get3A_522 = arith.constant 16 : index
        %get3A_523 = tpu.vector_load %arg11[%get3A_521, %get3A_522] {strides = array<i32>} : memref<160x64xf32, #tpu.memory_space<vmem>>, vector<16xf32>,
        %mul3A_524 = arith.mulf %gather3A_505, %get3A_523 : vector<16xf32>
        %add3A_525 = arith.addf %add3A_475, %mul3A_524 : vector<16xf32>
        %get3A_526 = arith.index_cast %add3A_497 : i32 to index
        %get3A_527 = arith.constant 32 : index
        %get3A_528 = tpu.vector_load %arg9[%get3A_526, %get3A_527] {strides = array<i32>} : memref<160x64xf32, #tpu.memory_space<vmem>>, vector<16xf32>,
        %mul3A_529 = arith.mulf %gather3A_501, %get3A_528 : vector<16xf32>
        %add3A_530 = arith.addf %add3A_480, %mul3A_529 : vector<16xf32>
        %get3A_531 = arith.index_cast %add3A_497 : i32 to index
        %get3A_532 = arith.constant 32 : index
        %get3A_533 = tpu.vector_load %arg11[%get3A_531, %get3A_532] {strides = array<i32>} : memref<160x64xf32, #tpu.memory_space<vmem>>, vector<16xf32>,
        %mul3A_534 = arith.mulf %gather3A_505, %get3A_533 : vector<16xf32>
        %add3A_535 = arith.addf %add3A_485, %mul3A_534 : vector<16xf32>
        %get3A_536 = arith.index_cast %add3A_497 : i32 to index
        %get3A_537 = arith.constant 48 : index
        %get3A_538 = tpu.vector_load %arg9[%get3A_536, %get3A_537] {strides = array<i32>} : memref<160x64xf32, #tpu.memory_space<vmem>>, vector<16xf32>,
        %mul3A_539 = arith.mulf %gather3A_501, %get3A_538 : vector<16xf32>
        %add3A_540 = arith.addf %add3A_490, %mul3A_539 : vector<16xf32>
        %get3A_541 = arith.index_cast %add3A_497 : i32 to index
        %get3A_542 = arith.constant 48 : index
        %get3A_543 = tpu.vector_load %arg11[%get3A_541, %get3A_542] {strides = array<i32>} : memref<160x64xf32, #tpu.memory_space<vmem>>, vector<16xf32>,
        %mul3A_544 = arith.mulf %gather3A_505, %get3A_543 : vector<16xf32>
        %add3A_545 = arith.addf %add3A_495, %mul3A_544 : vector<16xf32>
        %add3A_546 = arith.constant 4 : i32
        %add3A_547 = arith.addi %mul3A_319, %add3A_546 : i32
        %broadcast_in_dim3A_548 = arith.constant 4 : i32
        %broadcast_in_dim3A_549 = vector.broadcast %broadcast_in_dim3A_548 : i32 to vector<16x1xi32>
        %gather3A_550 = vector.shape_cast %broadcast_in_dim3A_549 : vector<16x1xi32> to vector<16xi32>
        %gather3A_551 = tpu.dynamic_gather %select_n3A_333[%gather3A_550] in [0] : vector<16xf32>, vector<16xi32> -> vector<16xf32>
        %broadcast_in_dim3A_552 = arith.constant 4 : i32
        %broadcast_in_dim3A_553 = vector.broadcast %broadcast_in_dim3A_552 : i32 to vector<16x1xi32>
        %gather3A_554 = vector.shape_cast %broadcast_in_dim3A_553 : vector<16x1xi32> to vector<16xi32>
        %gather3A_555 = tpu.dynamic_gather %select_n3A_337[%gather3A_554] in [0] : vector<16xf32>, vector<16xi32> -> vector<16xf32>
        %get3A_556 = arith.index_cast %add3A_547 : i32 to index
        %get3A_557 = arith.constant 0 : index
        %get3A_558 = tpu.vector_load %arg9[%get3A_556, %get3A_557] {strides = array<i32>} : memref<160x64xf32, #tpu.memory_space<vmem>>, vector<16xf32>,
        %mul3A_559 = arith.mulf %gather3A_551, %get3A_558 : vector<16xf32>
        %add3A_560 = arith.addf %add3A_510, %mul3A_559 : vector<16xf32>
        %get3A_561 = arith.index_cast %add3A_547 : i32 to index
        %get3A_562 = arith.constant 0 : index
        %get3A_563 = tpu.vector_load %arg11[%get3A_561, %get3A_562] {strides = array<i32>} : memref<160x64xf32, #tpu.memory_space<vmem>>, vector<16xf32>,
        %mul3A_564 = arith.mulf %gather3A_555, %get3A_563 : vector<16xf32>
        %add3A_565 = arith.addf %add3A_515, %mul3A_564 : vector<16xf32>
        %get3A_566 = arith.index_cast %add3A_547 : i32 to index
        %get3A_567 = arith.constant 16 : index
        %get3A_568 = tpu.vector_load %arg9[%get3A_566, %get3A_567] {strides = array<i32>} : memref<160x64xf32, #tpu.memory_space<vmem>>, vector<16xf32>,
        %mul3A_569 = arith.mulf %gather3A_551, %get3A_568 : vector<16xf32>
        %add3A_570 = arith.addf %add3A_520, %mul3A_569 : vector<16xf32>
        %get3A_571 = arith.index_cast %add3A_547 : i32 to index
        %get3A_572 = arith.constant 16 : index
        %get3A_573 = tpu.vector_load %arg11[%get3A_571, %get3A_572] {strides = array<i32>} : memref<160x64xf32, #tpu.memory_space<vmem>>, vector<16xf32>,
        %mul3A_574 = arith.mulf %gather3A_555, %get3A_573 : vector<16xf32>
        %add3A_575 = arith.addf %add3A_525, %mul3A_574 : vector<16xf32>
        %get3A_576 = arith.index_cast %add3A_547 : i32 to index
        %get3A_577 = arith.constant 32 : index
        %get3A_578 = tpu.vector_load %arg9[%get3A_576, %get3A_577] {strides = array<i32>} : memref<160x64xf32, #tpu.memory_space<vmem>>, vector<16xf32>,
        %mul3A_579 = arith.mulf %gather3A_551, %get3A_578 : vector<16xf32>
        %add3A_580 = arith.addf %add3A_530, %mul3A_579 : vector<16xf32>
        %get3A_581 = arith.index_cast %add3A_547 : i32 to index
        %get3A_582 = arith.constant 32 : index
        %get3A_583 = tpu.vector_load %arg11[%get3A_581, %get3A_582] {strides = array<i32>} : memref<160x64xf32, #tpu.memory_space<vmem>>, vector<16xf32>,
        %mul3A_584 = arith.mulf %gather3A_555, %get3A_583 : vector<16xf32>
        %add3A_585 = arith.addf %add3A_535, %mul3A_584 : vector<16xf32>
        %get3A_586 = arith.index_cast %add3A_547 : i32 to index
        %get3A_587 = arith.constant 48 : index
        %get3A_588 = tpu.vector_load %arg9[%get3A_586, %get3A_587] {strides = array<i32>} : memref<160x64xf32, #tpu.memory_space<vmem>>, vector<16xf32>,
        %mul3A_589 = arith.mulf %gather3A_551, %get3A_588 : vector<16xf32>
        %add3A_590 = arith.addf %add3A_540, %mul3A_589 : vector<16xf32>
        %get3A_591 = arith.index_cast %add3A_547 : i32 to index
        %get3A_592 = arith.constant 48 : index
        %get3A_593 = tpu.vector_load %arg11[%get3A_591, %get3A_592] {strides = array<i32>} : memref<160x64xf32, #tpu.memory_space<vmem>>, vector<16xf32>,
        %mul3A_594 = arith.mulf %gather3A_555, %get3A_593 : vector<16xf32>
        %add3A_595 = arith.addf %add3A_545, %mul3A_594 : vector<16xf32>
        %add3A_596 = arith.constant 5 : i32
        %add3A_597 = arith.addi %mul3A_319, %add3A_596 : i32
        %broadcast_in_dim3A_598 = arith.constant 5 : i32
        %broadcast_in_dim3A_599 = vector.broadcast %broadcast_in_dim3A_598 : i32 to vector<16x1xi32>
        %gather3A_600 = vector.shape_cast %broadcast_in_dim3A_599 : vector<16x1xi32> to vector<16xi32>
        %gather3A_601 = tpu.dynamic_gather %select_n3A_333[%gather3A_600] in [0] : vector<16xf32>, vector<16xi32> -> vector<16xf32>
        %broadcast_in_dim3A_602 = arith.constant 5 : i32
        %broadcast_in_dim3A_603 = vector.broadcast %broadcast_in_dim3A_602 : i32 to vector<16x1xi32>
        %gather3A_604 = vector.shape_cast %broadcast_in_dim3A_603 : vector<16x1xi32> to vector<16xi32>
        %gather3A_605 = tpu.dynamic_gather %select_n3A_337[%gather3A_604] in [0] : vector<16xf32>, vector<16xi32> -> vector<16xf32>
        %get3A_606 = arith.index_cast %add3A_597 : i32 to index
        %get3A_607 = arith.constant 0 : index
        %get3A_608 = tpu.vector_load %arg9[%get3A_606, %get3A_607] {strides = array<i32>} : memref<160x64xf32, #tpu.memory_space<vmem>>, vector<16xf32>,
        %mul3A_609 = arith.mulf %gather3A_601, %get3A_608 : vector<16xf32>
        %add3A_610 = arith.addf %add3A_560, %mul3A_609 : vector<16xf32>
        %get3A_611 = arith.index_cast %add3A_597 : i32 to index
        %get3A_612 = arith.constant 0 : index
        %get3A_613 = tpu.vector_load %arg11[%get3A_611, %get3A_612] {strides = array<i32>} : memref<160x64xf32, #tpu.memory_space<vmem>>, vector<16xf32>,
        %mul3A_614 = arith.mulf %gather3A_605, %get3A_613 : vector<16xf32>
        %add3A_615 = arith.addf %add3A_565, %mul3A_614 : vector<16xf32>
        %get3A_616 = arith.index_cast %add3A_597 : i32 to index
        %get3A_617 = arith.constant 16 : index
        %get3A_618 = tpu.vector_load %arg9[%get3A_616, %get3A_617] {strides = array<i32>} : memref<160x64xf32, #tpu.memory_space<vmem>>, vector<16xf32>,
        %mul3A_619 = arith.mulf %gather3A_601, %get3A_618 : vector<16xf32>
        %add3A_620 = arith.addf %add3A_570, %mul3A_619 : vector<16xf32>
        %get3A_621 = arith.index_cast %add3A_597 : i32 to index
        %get3A_622 = arith.constant 16 : index
        %get3A_623 = tpu.vector_load %arg11[%get3A_621, %get3A_622] {strides = array<i32>} : memref<160x64xf32, #tpu.memory_space<vmem>>, vector<16xf32>,
        %mul3A_624 = arith.mulf %gather3A_605, %get3A_623 : vector<16xf32>
        %add3A_625 = arith.addf %add3A_575, %mul3A_624 : vector<16xf32>
        %get3A_626 = arith.index_cast %add3A_597 : i32 to index
        %get3A_627 = arith.constant 32 : index
        %get3A_628 = tpu.vector_load %arg9[%get3A_626, %get3A_627] {strides = array<i32>} : memref<160x64xf32, #tpu.memory_space<vmem>>, vector<16xf32>,
        %mul3A_629 = arith.mulf %gather3A_601, %get3A_628 : vector<16xf32>
        %add3A_630 = arith.addf %add3A_580, %mul3A_629 : vector<16xf32>
        %get3A_631 = arith.index_cast %add3A_597 : i32 to index
        %get3A_632 = arith.constant 32 : index
        %get3A_633 = tpu.vector_load %arg11[%get3A_631, %get3A_632] {strides = array<i32>} : memref<160x64xf32, #tpu.memory_space<vmem>>, vector<16xf32>,
        %mul3A_634 = arith.mulf %gather3A_605, %get3A_633 : vector<16xf32>
        %add3A_635 = arith.addf %add3A_585, %mul3A_634 : vector<16xf32>
        %get3A_636 = arith.index_cast %add3A_597 : i32 to index
        %get3A_637 = arith.constant 48 : index
        %get3A_638 = tpu.vector_load %arg9[%get3A_636, %get3A_637] {strides = array<i32>} : memref<160x64xf32, #tpu.memory_space<vmem>>, vector<16xf32>,
        %mul3A_639 = arith.mulf %gather3A_601, %get3A_638 : vector<16xf32>
        %add3A_640 = arith.addf %add3A_590, %mul3A_639 : vector<16xf32>
        %get3A_641 = arith.index_cast %add3A_597 : i32 to index
        %get3A_642 = arith.constant 48 : index
        %get3A_643 = tpu.vector_load %arg11[%get3A_641, %get3A_642] {strides = array<i32>} : memref<160x64xf32, #tpu.memory_space<vmem>>, vector<16xf32>,
        %mul3A_644 = arith.mulf %gather3A_605, %get3A_643 : vector<16xf32>
        %add3A_645 = arith.addf %add3A_595, %mul3A_644 : vector<16xf32>
        %add3A_646 = arith.constant 6 : i32
        %add3A_647 = arith.addi %mul3A_319, %add3A_646 : i32
        %broadcast_in_dim3A_648 = arith.constant 6 : i32
        %broadcast_in_dim3A_649 = vector.broadcast %broadcast_in_dim3A_648 : i32 to vector<16x1xi32>
        %gather3A_650 = vector.shape_cast %broadcast_in_dim3A_649 : vector<16x1xi32> to vector<16xi32>
        %gather3A_651 = tpu.dynamic_gather %select_n3A_333[%gather3A_650] in [0] : vector<16xf32>, vector<16xi32> -> vector<16xf32>
        %broadcast_in_dim3A_652 = arith.constant 6 : i32
        %broadcast_in_dim3A_653 = vector.broadcast %broadcast_in_dim3A_652 : i32 to vector<16x1xi32>
        %gather3A_654 = vector.shape_cast %broadcast_in_dim3A_653 : vector<16x1xi32> to vector<16xi32>
        %gather3A_655 = tpu.dynamic_gather %select_n3A_337[%gather3A_654] in [0] : vector<16xf32>, vector<16xi32> -> vector<16xf32>
        %get3A_656 = arith.index_cast %add3A_647 : i32 to index
        %get3A_657 = arith.constant 0 : index
        %get3A_658 = tpu.vector_load %arg9[%get3A_656, %get3A_657] {strides = array<i32>} : memref<160x64xf32, #tpu.memory_space<vmem>>, vector<16xf32>,
        %mul3A_659 = arith.mulf %gather3A_651, %get3A_658 : vector<16xf32>
        %add3A_660 = arith.addf %add3A_610, %mul3A_659 : vector<16xf32>
        %get3A_661 = arith.index_cast %add3A_647 : i32 to index
        %get3A_662 = arith.constant 0 : index
        %get3A_663 = tpu.vector_load %arg11[%get3A_661, %get3A_662] {strides = array<i32>} : memref<160x64xf32, #tpu.memory_space<vmem>>, vector<16xf32>,
        %mul3A_664 = arith.mulf %gather3A_655, %get3A_663 : vector<16xf32>
        %add3A_665 = arith.addf %add3A_615, %mul3A_664 : vector<16xf32>
        %get3A_666 = arith.index_cast %add3A_647 : i32 to index
        %get3A_667 = arith.constant 16 : index
        %get3A_668 = tpu.vector_load %arg9[%get3A_666, %get3A_667] {strides = array<i32>} : memref<160x64xf32, #tpu.memory_space<vmem>>, vector<16xf32>,
        %mul3A_669 = arith.mulf %gather3A_651, %get3A_668 : vector<16xf32>
        %add3A_670 = arith.addf %add3A_620, %mul3A_669 : vector<16xf32>
        %get3A_671 = arith.index_cast %add3A_647 : i32 to index
        %get3A_672 = arith.constant 16 : index
        %get3A_673 = tpu.vector_load %arg11[%get3A_671, %get3A_672] {strides = array<i32>} : memref<160x64xf32, #tpu.memory_space<vmem>>, vector<16xf32>,
        %mul3A_674 = arith.mulf %gather3A_655, %get3A_673 : vector<16xf32>
        %add3A_675 = arith.addf %add3A_625, %mul3A_674 : vector<16xf32>
        %get3A_676 = arith.index_cast %add3A_647 : i32 to index
        %get3A_677 = arith.constant 32 : index
        %get3A_678 = tpu.vector_load %arg9[%get3A_676, %get3A_677] {strides = array<i32>} : memref<160x64xf32, #tpu.memory_space<vmem>>, vector<16xf32>,
        %mul3A_679 = arith.mulf %gather3A_651, %get3A_678 : vector<16xf32>
        %add3A_680 = arith.addf %add3A_630, %mul3A_679 : vector<16xf32>
        %get3A_681 = arith.index_cast %add3A_647 : i32 to index
        %get3A_682 = arith.constant 32 : index
        %get3A_683 = tpu.vector_load %arg11[%get3A_681, %get3A_682] {strides = array<i32>} : memref<160x64xf32, #tpu.memory_space<vmem>>, vector<16xf32>,
        %mul3A_684 = arith.mulf %gather3A_655, %get3A_683 : vector<16xf32>
        %add3A_685 = arith.addf %add3A_635, %mul3A_684 : vector<16xf32>
        %get3A_686 = arith.index_cast %add3A_647 : i32 to index
        %get3A_687 = arith.constant 48 : index
        %get3A_688 = tpu.vector_load %arg9[%get3A_686, %get3A_687] {strides = array<i32>} : memref<160x64xf32, #tpu.memory_space<vmem>>, vector<16xf32>,
        %mul3A_689 = arith.mulf %gather3A_651, %get3A_688 : vector<16xf32>
        %add3A_690 = arith.addf %add3A_640, %mul3A_689 : vector<16xf32>
        %get3A_691 = arith.index_cast %add3A_647 : i32 to index
        %get3A_692 = arith.constant 48 : index
        %get3A_693 = tpu.vector_load %arg11[%get3A_691, %get3A_692] {strides = array<i32>} : memref<160x64xf32, #tpu.memory_space<vmem>>, vector<16xf32>,
        %mul3A_694 = arith.mulf %gather3A_655, %get3A_693 : vector<16xf32>
        %add3A_695 = arith.addf %add3A_645, %mul3A_694 : vector<16xf32>
        %add3A_696 = arith.constant 7 : i32
        %add3A_697 = arith.addi %mul3A_319, %add3A_696 : i32
        %broadcast_in_dim3A_698 = arith.constant 7 : i32
        %broadcast_in_dim3A_699 = vector.broadcast %broadcast_in_dim3A_698 : i32 to vector<16x1xi32>
        %gather3A_700 = vector.shape_cast %broadcast_in_dim3A_699 : vector<16x1xi32> to vector<16xi32>
        %gather3A_701 = tpu.dynamic_gather %select_n3A_333[%gather3A_700] in [0] : vector<16xf32>, vector<16xi32> -> vector<16xf32>
        %broadcast_in_dim3A_702 = arith.constant 7 : i32
        %broadcast_in_dim3A_703 = vector.broadcast %broadcast_in_dim3A_702 : i32 to vector<16x1xi32>
        %gather3A_704 = vector.shape_cast %broadcast_in_dim3A_703 : vector<16x1xi32> to vector<16xi32>
        %gather3A_705 = tpu.dynamic_gather %select_n3A_337[%gather3A_704] in [0] : vector<16xf32>, vector<16xi32> -> vector<16xf32>
        %get3A_706 = arith.index_cast %add3A_697 : i32 to index
        %get3A_707 = arith.constant 0 : index
        %get3A_708 = tpu.vector_load %arg9[%get3A_706, %get3A_707] {strides = array<i32>} : memref<160x64xf32, #tpu.memory_space<vmem>>, vector<16xf32>,
        %mul3A_709 = arith.mulf %gather3A_701, %get3A_708 : vector<16xf32>
        %add3A_710 = arith.addf %add3A_660, %mul3A_709 : vector<16xf32>
        %get3A_711 = arith.index_cast %add3A_697 : i32 to index
        %get3A_712 = arith.constant 0 : index
        %get3A_713 = tpu.vector_load %arg11[%get3A_711, %get3A_712] {strides = array<i32>} : memref<160x64xf32, #tpu.memory_space<vmem>>, vector<16xf32>,
        %mul3A_714 = arith.mulf %gather3A_705, %get3A_713 : vector<16xf32>
        %add3A_715 = arith.addf %add3A_665, %mul3A_714 : vector<16xf32>
        %get3A_716 = arith.index_cast %add3A_697 : i32 to index
        %get3A_717 = arith.constant 16 : index
        %get3A_718 = tpu.vector_load %arg9[%get3A_716, %get3A_717] {strides = array<i32>} : memref<160x64xf32, #tpu.memory_space<vmem>>, vector<16xf32>,
        %mul3A_719 = arith.mulf %gather3A_701, %get3A_718 : vector<16xf32>
        %add3A_720 = arith.addf %add3A_670, %mul3A_719 : vector<16xf32>
        %get3A_721 = arith.index_cast %add3A_697 : i32 to index
        %get3A_722 = arith.constant 16 : index
        %get3A_723 = tpu.vector_load %arg11[%get3A_721, %get3A_722] {strides = array<i32>} : memref<160x64xf32, #tpu.memory_space<vmem>>, vector<16xf32>,
        %mul3A_724 = arith.mulf %gather3A_705, %get3A_723 : vector<16xf32>
        %add3A_725 = arith.addf %add3A_675, %mul3A_724 : vector<16xf32>
        %get3A_726 = arith.index_cast %add3A_697 : i32 to index
        %get3A_727 = arith.constant 32 : index
        %get3A_728 = tpu.vector_load %arg9[%get3A_726, %get3A_727] {strides = array<i32>} : memref<160x64xf32, #tpu.memory_space<vmem>>, vector<16xf32>,
        %mul3A_729 = arith.mulf %gather3A_701, %get3A_728 : vector<16xf32>
        %add3A_730 = arith.addf %add3A_680, %mul3A_729 : vector<16xf32>
        %get3A_731 = arith.index_cast %add3A_697 : i32 to index
        %get3A_732 = arith.constant 32 : index
        %get3A_733 = tpu.vector_load %arg11[%get3A_731, %get3A_732] {strides = array<i32>} : memref<160x64xf32, #tpu.memory_space<vmem>>, vector<16xf32>,
        %mul3A_734 = arith.mulf %gather3A_705, %get3A_733 : vector<16xf32>
        %add3A_735 = arith.addf %add3A_685, %mul3A_734 : vector<16xf32>
        %get3A_736 = arith.index_cast %add3A_697 : i32 to index
        %get3A_737 = arith.constant 48 : index
        %get3A_738 = tpu.vector_load %arg9[%get3A_736, %get3A_737] {strides = array<i32>} : memref<160x64xf32, #tpu.memory_space<vmem>>, vector<16xf32>,
        %mul3A_739 = arith.mulf %gather3A_701, %get3A_738 : vector<16xf32>
        %add3A_740 = arith.addf %add3A_690, %mul3A_739 : vector<16xf32>
        %get3A_741 = arith.index_cast %add3A_697 : i32 to index
        %get3A_742 = arith.constant 48 : index
        %get3A_743 = tpu.vector_load %arg11[%get3A_741, %get3A_742] {strides = array<i32>} : memref<160x64xf32, #tpu.memory_space<vmem>>, vector<16xf32>,
        %mul3A_744 = arith.mulf %gather3A_705, %get3A_743 : vector<16xf32>
        %add3A_745 = arith.addf %add3A_695, %mul3A_744 : vector<16xf32>
        %add3A_746 = arith.constant 8 : i32
        %add3A_747 = arith.addi %mul3A_319, %add3A_746 : i32
        %broadcast_in_dim3A_748 = arith.constant 8 : i32
        %broadcast_in_dim3A_749 = vector.broadcast %broadcast_in_dim3A_748 : i32 to vector<16x1xi32>
        %gather3A_750 = vector.shape_cast %broadcast_in_dim3A_749 : vector<16x1xi32> to vector<16xi32>
        %gather3A_751 = tpu.dynamic_gather %select_n3A_333[%gather3A_750] in [0] : vector<16xf32>, vector<16xi32> -> vector<16xf32>
        %broadcast_in_dim3A_752 = arith.constant 8 : i32
        %broadcast_in_dim3A_753 = vector.broadcast %broadcast_in_dim3A_752 : i32 to vector<16x1xi32>
        %gather3A_754 = vector.shape_cast %broadcast_in_dim3A_753 : vector<16x1xi32> to vector<16xi32>
        %gather3A_755 = tpu.dynamic_gather %select_n3A_337[%gather3A_754] in [0] : vector<16xf32>, vector<16xi32> -> vector<16xf32>
        %get3A_756 = arith.index_cast %add3A_747 : i32 to index
        %get3A_757 = arith.constant 0 : index
        %get3A_758 = tpu.vector_load %arg9[%get3A_756, %get3A_757] {strides = array<i32>} : memref<160x64xf32, #tpu.memory_space<vmem>>, vector<16xf32>,
        %mul3A_759 = arith.mulf %gather3A_751, %get3A_758 : vector<16xf32>
        %add3A_760 = arith.addf %add3A_710, %mul3A_759 : vector<16xf32>
        %get3A_761 = arith.index_cast %add3A_747 : i32 to index
        %get3A_762 = arith.constant 0 : index
        %get3A_763 = tpu.vector_load %arg11[%get3A_761, %get3A_762] {strides = array<i32>} : memref<160x64xf32, #tpu.memory_space<vmem>>, vector<16xf32>,
        %mul3A_764 = arith.mulf %gather3A_755, %get3A_763 : vector<16xf32>
        %add3A_765 = arith.addf %add3A_715, %mul3A_764 : vector<16xf32>
        %get3A_766 = arith.index_cast %add3A_747 : i32 to index
        %get3A_767 = arith.constant 16 : index
        %get3A_768 = tpu.vector_load %arg9[%get3A_766, %get3A_767] {strides = array<i32>} : memref<160x64xf32, #tpu.memory_space<vmem>>, vector<16xf32>,
        %mul3A_769 = arith.mulf %gather3A_751, %get3A_768 : vector<16xf32>
        %add3A_770 = arith.addf %add3A_720, %mul3A_769 : vector<16xf32>
        %get3A_771 = arith.index_cast %add3A_747 : i32 to index
        %get3A_772 = arith.constant 16 : index
        %get3A_773 = tpu.vector_load %arg11[%get3A_771, %get3A_772] {strides = array<i32>} : memref<160x64xf32, #tpu.memory_space<vmem>>, vector<16xf32>,
        %mul3A_774 = arith.mulf %gather3A_755, %get3A_773 : vector<16xf32>
        %add3A_775 = arith.addf %add3A_725, %mul3A_774 : vector<16xf32>
        %get3A_776 = arith.index_cast %add3A_747 : i32 to index
        %get3A_777 = arith.constant 32 : index
        %get3A_778 = tpu.vector_load %arg9[%get3A_776, %get3A_777] {strides = array<i32>} : memref<160x64xf32, #tpu.memory_space<vmem>>, vector<16xf32>,
        %mul3A_779 = arith.mulf %gather3A_751, %get3A_778 : vector<16xf32>
        %add3A_780 = arith.addf %add3A_730, %mul3A_779 : vector<16xf32>
        %get3A_781 = arith.index_cast %add3A_747 : i32 to index
        %get3A_782 = arith.constant 32 : index
        %get3A_783 = tpu.vector_load %arg11[%get3A_781, %get3A_782] {strides = array<i32>} : memref<160x64xf32, #tpu.memory_space<vmem>>, vector<16xf32>,
        %mul3A_784 = arith.mulf %gather3A_755, %get3A_783 : vector<16xf32>
        %add3A_785 = arith.addf %add3A_735, %mul3A_784 : vector<16xf32>
        %get3A_786 = arith.index_cast %add3A_747 : i32 to index
        %get3A_787 = arith.constant 48 : index
        %get3A_788 = tpu.vector_load %arg9[%get3A_786, %get3A_787] {strides = array<i32>} : memref<160x64xf32, #tpu.memory_space<vmem>>, vector<16xf32>,
        %mul3A_789 = arith.mulf %gather3A_751, %get3A_788 : vector<16xf32>
        %add3A_790 = arith.addf %add3A_740, %mul3A_789 : vector<16xf32>
        %get3A_791 = arith.index_cast %add3A_747 : i32 to index
        %get3A_792 = arith.constant 48 : index
        %get3A_793 = tpu.vector_load %arg11[%get3A_791, %get3A_792] {strides = array<i32>} : memref<160x64xf32, #tpu.memory_space<vmem>>, vector<16xf32>,
        %mul3A_794 = arith.mulf %gather3A_755, %get3A_793 : vector<16xf32>
        %add3A_795 = arith.addf %add3A_745, %mul3A_794 : vector<16xf32>
        %add3A_796 = arith.constant 9 : i32
        %add3A_797 = arith.addi %mul3A_319, %add3A_796 : i32
        %broadcast_in_dim3A_798 = arith.constant 9 : i32
        %broadcast_in_dim3A_799 = vector.broadcast %broadcast_in_dim3A_798 : i32 to vector<16x1xi32>
        %gather3A_800 = vector.shape_cast %broadcast_in_dim3A_799 : vector<16x1xi32> to vector<16xi32>
        %gather3A_801 = tpu.dynamic_gather %select_n3A_333[%gather3A_800] in [0] : vector<16xf32>, vector<16xi32> -> vector<16xf32>
        %broadcast_in_dim3A_802 = arith.constant 9 : i32
        %broadcast_in_dim3A_803 = vector.broadcast %broadcast_in_dim3A_802 : i32 to vector<16x1xi32>
        %gather3A_804 = vector.shape_cast %broadcast_in_dim3A_803 : vector<16x1xi32> to vector<16xi32>
        %gather3A_805 = tpu.dynamic_gather %select_n3A_337[%gather3A_804] in [0] : vector<16xf32>, vector<16xi32> -> vector<16xf32>
        %get3A_806 = arith.index_cast %add3A_797 : i32 to index
        %get3A_807 = arith.constant 0 : index
        %get3A_808 = tpu.vector_load %arg9[%get3A_806, %get3A_807] {strides = array<i32>} : memref<160x64xf32, #tpu.memory_space<vmem>>, vector<16xf32>,
        %mul3A_809 = arith.mulf %gather3A_801, %get3A_808 : vector<16xf32>
        %add3A_810 = arith.addf %add3A_760, %mul3A_809 : vector<16xf32>
        %get3A_811 = arith.index_cast %add3A_797 : i32 to index
        %get3A_812 = arith.constant 0 : index
        %get3A_813 = tpu.vector_load %arg11[%get3A_811, %get3A_812] {strides = array<i32>} : memref<160x64xf32, #tpu.memory_space<vmem>>, vector<16xf32>,
        %mul3A_814 = arith.mulf %gather3A_805, %get3A_813 : vector<16xf32>
        %add3A_815 = arith.addf %add3A_765, %mul3A_814 : vector<16xf32>
        %get3A_816 = arith.index_cast %add3A_797 : i32 to index
        %get3A_817 = arith.constant 16 : index
        %get3A_818 = tpu.vector_load %arg9[%get3A_816, %get3A_817] {strides = array<i32>} : memref<160x64xf32, #tpu.memory_space<vmem>>, vector<16xf32>,
        %mul3A_819 = arith.mulf %gather3A_801, %get3A_818 : vector<16xf32>
        %add3A_820 = arith.addf %add3A_770, %mul3A_819 : vector<16xf32>
        %get3A_821 = arith.index_cast %add3A_797 : i32 to index
        %get3A_822 = arith.constant 16 : index
        %get3A_823 = tpu.vector_load %arg11[%get3A_821, %get3A_822] {strides = array<i32>} : memref<160x64xf32, #tpu.memory_space<vmem>>, vector<16xf32>,
        %mul3A_824 = arith.mulf %gather3A_805, %get3A_823 : vector<16xf32>
        %add3A_825 = arith.addf %add3A_775, %mul3A_824 : vector<16xf32>
        %get3A_826 = arith.index_cast %add3A_797 : i32 to index
        %get3A_827 = arith.constant 32 : index
        %get3A_828 = tpu.vector_load %arg9[%get3A_826, %get3A_827] {strides = array<i32>} : memref<160x64xf32, #tpu.memory_space<vmem>>, vector<16xf32>,
        %mul3A_829 = arith.mulf %gather3A_801, %get3A_828 : vector<16xf32>
        %add3A_830 = arith.addf %add3A_780, %mul3A_829 : vector<16xf32>
        %get3A_831 = arith.index_cast %add3A_797 : i32 to index
        %get3A_832 = arith.constant 32 : index
        %get3A_833 = tpu.vector_load %arg11[%get3A_831, %get3A_832] {strides = array<i32>} : memref<160x64xf32, #tpu.memory_space<vmem>>, vector<16xf32>,
        %mul3A_834 = arith.mulf %gather3A_805, %get3A_833 : vector<16xf32>
        %add3A_835 = arith.addf %add3A_785, %mul3A_834 : vector<16xf32>
        %get3A_836 = arith.index_cast %add3A_797 : i32 to index
        %get3A_837 = arith.constant 48 : index
        %get3A_838 = tpu.vector_load %arg9[%get3A_836, %get3A_837] {strides = array<i32>} : memref<160x64xf32, #tpu.memory_space<vmem>>, vector<16xf32>,
        %mul3A_839 = arith.mulf %gather3A_801, %get3A_838 : vector<16xf32>
        %add3A_840 = arith.addf %add3A_790, %mul3A_839 : vector<16xf32>
        %get3A_841 = arith.index_cast %add3A_797 : i32 to index
        %get3A_842 = arith.constant 48 : index
        %get3A_843 = tpu.vector_load %arg11[%get3A_841, %get3A_842] {strides = array<i32>} : memref<160x64xf32, #tpu.memory_space<vmem>>, vector<16xf32>,
        %mul3A_844 = arith.mulf %gather3A_805, %get3A_843 : vector<16xf32>
        %add3A_845 = arith.addf %add3A_795, %mul3A_844 : vector<16xf32>
        %add3A_846 = arith.constant 10 : i32
        %add3A_847 = arith.addi %mul3A_319, %add3A_846 : i32
        %broadcast_in_dim3A_848 = arith.constant 10 : i32
        %broadcast_in_dim3A_849 = vector.broadcast %broadcast_in_dim3A_848 : i32 to vector<16x1xi32>
        %gather3A_850 = vector.shape_cast %broadcast_in_dim3A_849 : vector<16x1xi32> to vector<16xi32>
        %gather3A_851 = tpu.dynamic_gather %select_n3A_333[%gather3A_850] in [0] : vector<16xf32>, vector<16xi32> -> vector<16xf32>
        %broadcast_in_dim3A_852 = arith.constant 10 : i32
        %broadcast_in_dim3A_853 = vector.broadcast %broadcast_in_dim3A_852 : i32 to vector<16x1xi32>
        %gather3A_854 = vector.shape_cast %broadcast_in_dim3A_853 : vector<16x1xi32> to vector<16xi32>
        %gather3A_855 = tpu.dynamic_gather %select_n3A_337[%gather3A_854] in [0] : vector<16xf32>, vector<16xi32> -> vector<16xf32>
        %get3A_856 = arith.index_cast %add3A_847 : i32 to index
        %get3A_857 = arith.constant 0 : index
        %get3A_858 = tpu.vector_load %arg9[%get3A_856, %get3A_857] {strides = array<i32>} : memref<160x64xf32, #tpu.memory_space<vmem>>, vector<16xf32>,
        %mul3A_859 = arith.mulf %gather3A_851, %get3A_858 : vector<16xf32>
        %add3A_860 = arith.addf %add3A_810, %mul3A_859 : vector<16xf32>
        %get3A_861 = arith.index_cast %add3A_847 : i32 to index
        %get3A_862 = arith.constant 0 : index
        %get3A_863 = tpu.vector_load %arg11[%get3A_861, %get3A_862] {strides = array<i32>} : memref<160x64xf32, #tpu.memory_space<vmem>>, vector<16xf32>,
        %mul3A_864 = arith.mulf %gather3A_855, %get3A_863 : vector<16xf32>
        %add3A_865 = arith.addf %add3A_815, %mul3A_864 : vector<16xf32>
        %get3A_866 = arith.index_cast %add3A_847 : i32 to index
        %get3A_867 = arith.constant 16 : index
        %get3A_868 = tpu.vector_load %arg9[%get3A_866, %get3A_867] {strides = array<i32>} : memref<160x64xf32, #tpu.memory_space<vmem>>, vector<16xf32>,
        %mul3A_869 = arith.mulf %gather3A_851, %get3A_868 : vector<16xf32>
        %add3A_870 = arith.addf %add3A_820, %mul3A_869 : vector<16xf32>
        %get3A_871 = arith.index_cast %add3A_847 : i32 to index
        %get3A_872 = arith.constant 16 : index
        %get3A_873 = tpu.vector_load %arg11[%get3A_871, %get3A_872] {strides = array<i32>} : memref<160x64xf32, #tpu.memory_space<vmem>>, vector<16xf32>,
        %mul3A_874 = arith.mulf %gather3A_855, %get3A_873 : vector<16xf32>
        %add3A_875 = arith.addf %add3A_825, %mul3A_874 : vector<16xf32>
        %get3A_876 = arith.index_cast %add3A_847 : i32 to index
        %get3A_877 = arith.constant 32 : index
        %get3A_878 = tpu.vector_load %arg9[%get3A_876, %get3A_877] {strides = array<i32>} : memref<160x64xf32, #tpu.memory_space<vmem>>, vector<16xf32>,
        %mul3A_879 = arith.mulf %gather3A_851, %get3A_878 : vector<16xf32>
        %add3A_880 = arith.addf %add3A_830, %mul3A_879 : vector<16xf32>
        %get3A_881 = arith.index_cast %add3A_847 : i32 to index
        %get3A_882 = arith.constant 32 : index
        %get3A_883 = tpu.vector_load %arg11[%get3A_881, %get3A_882] {strides = array<i32>} : memref<160x64xf32, #tpu.memory_space<vmem>>, vector<16xf32>,
        %mul3A_884 = arith.mulf %gather3A_855, %get3A_883 : vector<16xf32>
        %add3A_885 = arith.addf %add3A_835, %mul3A_884 : vector<16xf32>
        %get3A_886 = arith.index_cast %add3A_847 : i32 to index
        %get3A_887 = arith.constant 48 : index
        %get3A_888 = tpu.vector_load %arg9[%get3A_886, %get3A_887] {strides = array<i32>} : memref<160x64xf32, #tpu.memory_space<vmem>>, vector<16xf32>,
        %mul3A_889 = arith.mulf %gather3A_851, %get3A_888 : vector<16xf32>
        %add3A_890 = arith.addf %add3A_840, %mul3A_889 : vector<16xf32>
        %get3A_891 = arith.index_cast %add3A_847 : i32 to index
        %get3A_892 = arith.constant 48 : index
        %get3A_893 = tpu.vector_load %arg11[%get3A_891, %get3A_892] {strides = array<i32>} : memref<160x64xf32, #tpu.memory_space<vmem>>, vector<16xf32>,
        %mul3A_894 = arith.mulf %gather3A_855, %get3A_893 : vector<16xf32>
        %add3A_895 = arith.addf %add3A_845, %mul3A_894 : vector<16xf32>
        %add3A_896 = arith.constant 11 : i32
        %add3A_897 = arith.addi %mul3A_319, %add3A_896 : i32
        %broadcast_in_dim3A_898 = arith.constant 11 : i32
        %broadcast_in_dim3A_899 = vector.broadcast %broadcast_in_dim3A_898 : i32 to vector<16x1xi32>
        %gather3A_900 = vector.shape_cast %broadcast_in_dim3A_899 : vector<16x1xi32> to vector<16xi32>
        %gather3A_901 = tpu.dynamic_gather %select_n3A_333[%gather3A_900] in [0] : vector<16xf32>, vector<16xi32> -> vector<16xf32>
        %broadcast_in_dim3A_902 = arith.constant 11 : i32
        %broadcast_in_dim3A_903 = vector.broadcast %broadcast_in_dim3A_902 : i32 to vector<16x1xi32>
        %gather3A_904 = vector.shape_cast %broadcast_in_dim3A_903 : vector<16x1xi32> to vector<16xi32>
        %gather3A_905 = tpu.dynamic_gather %select_n3A_337[%gather3A_904] in [0] : vector<16xf32>, vector<16xi32> -> vector<16xf32>
        %get3A_906 = arith.index_cast %add3A_897 : i32 to index
        %get3A_907 = arith.constant 0 : index
        %get3A_908 = tpu.vector_load %arg9[%get3A_906, %get3A_907] {strides = array<i32>} : memref<160x64xf32, #tpu.memory_space<vmem>>, vector<16xf32>,
        %mul3A_909 = arith.mulf %gather3A_901, %get3A_908 : vector<16xf32>
        %add3A_910 = arith.addf %add3A_860, %mul3A_909 : vector<16xf32>
        %get3A_911 = arith.index_cast %add3A_897 : i32 to index
        %get3A_912 = arith.constant 0 : index
        %get3A_913 = tpu.vector_load %arg11[%get3A_911, %get3A_912] {strides = array<i32>} : memref<160x64xf32, #tpu.memory_space<vmem>>, vector<16xf32>,
        %mul3A_914 = arith.mulf %gather3A_905, %get3A_913 : vector<16xf32>
        %add3A_915 = arith.addf %add3A_865, %mul3A_914 : vector<16xf32>
        %get3A_916 = arith.index_cast %add3A_897 : i32 to index
        %get3A_917 = arith.constant 16 : index
        %get3A_918 = tpu.vector_load %arg9[%get3A_916, %get3A_917] {strides = array<i32>} : memref<160x64xf32, #tpu.memory_space<vmem>>, vector<16xf32>,
        %mul3A_919 = arith.mulf %gather3A_901, %get3A_918 : vector<16xf32>
        %add3A_920 = arith.addf %add3A_870, %mul3A_919 : vector<16xf32>
        %get3A_921 = arith.index_cast %add3A_897 : i32 to index
        %get3A_922 = arith.constant 16 : index
        %get3A_923 = tpu.vector_load %arg11[%get3A_921, %get3A_922] {strides = array<i32>} : memref<160x64xf32, #tpu.memory_space<vmem>>, vector<16xf32>,
        %mul3A_924 = arith.mulf %gather3A_905, %get3A_923 : vector<16xf32>
        %add3A_925 = arith.addf %add3A_875, %mul3A_924 : vector<16xf32>
        %get3A_926 = arith.index_cast %add3A_897 : i32 to index
        %get3A_927 = arith.constant 32 : index
        %get3A_928 = tpu.vector_load %arg9[%get3A_926, %get3A_927] {strides = array<i32>} : memref<160x64xf32, #tpu.memory_space<vmem>>, vector<16xf32>,
        %mul3A_929 = arith.mulf %gather3A_901, %get3A_928 : vector<16xf32>
        %add3A_930 = arith.addf %add3A_880, %mul3A_929 : vector<16xf32>
        %get3A_931 = arith.index_cast %add3A_897 : i32 to index
        %get3A_932 = arith.constant 32 : index
        %get3A_933 = tpu.vector_load %arg11[%get3A_931, %get3A_932] {strides = array<i32>} : memref<160x64xf32, #tpu.memory_space<vmem>>, vector<16xf32>,
        %mul3A_934 = arith.mulf %gather3A_905, %get3A_933 : vector<16xf32>
        %add3A_935 = arith.addf %add3A_885, %mul3A_934 : vector<16xf32>
        %get3A_936 = arith.index_cast %add3A_897 : i32 to index
        %get3A_937 = arith.constant 48 : index
        %get3A_938 = tpu.vector_load %arg9[%get3A_936, %get3A_937] {strides = array<i32>} : memref<160x64xf32, #tpu.memory_space<vmem>>, vector<16xf32>,
        %mul3A_939 = arith.mulf %gather3A_901, %get3A_938 : vector<16xf32>
        %add3A_940 = arith.addf %add3A_890, %mul3A_939 : vector<16xf32>
        %get3A_941 = arith.index_cast %add3A_897 : i32 to index
        %get3A_942 = arith.constant 48 : index
        %get3A_943 = tpu.vector_load %arg11[%get3A_941, %get3A_942] {strides = array<i32>} : memref<160x64xf32, #tpu.memory_space<vmem>>, vector<16xf32>,
        %mul3A_944 = arith.mulf %gather3A_905, %get3A_943 : vector<16xf32>
        %add3A_945 = arith.addf %add3A_895, %mul3A_944 : vector<16xf32>
        %add3A_946 = arith.constant 12 : i32
        %add3A_947 = arith.addi %mul3A_319, %add3A_946 : i32
        %broadcast_in_dim3A_948 = arith.constant 12 : i32
        %broadcast_in_dim3A_949 = vector.broadcast %broadcast_in_dim3A_948 : i32 to vector<16x1xi32>
        %gather3A_950 = vector.shape_cast %broadcast_in_dim3A_949 : vector<16x1xi32> to vector<16xi32>
        %gather3A_951 = tpu.dynamic_gather %select_n3A_333[%gather3A_950] in [0] : vector<16xf32>, vector<16xi32> -> vector<16xf32>
        %broadcast_in_dim3A_952 = arith.constant 12 : i32
        %broadcast_in_dim3A_953 = vector.broadcast %broadcast_in_dim3A_952 : i32 to vector<16x1xi32>
        %gather3A_954 = vector.shape_cast %broadcast_in_dim3A_953 : vector<16x1xi32> to vector<16xi32>
        %gather3A_955 = tpu.dynamic_gather %select_n3A_337[%gather3A_954] in [0] : vector<16xf32>, vector<16xi32> -> vector<16xf32>
        %get3A_956 = arith.index_cast %add3A_947 : i32 to index
        %get3A_957 = arith.constant 0 : index
        %get3A_958 = tpu.vector_load %arg9[%get3A_956, %get3A_957] {strides = array<i32>} : memref<160x64xf32, #tpu.memory_space<vmem>>, vector<16xf32>,
        %mul3A_959 = arith.mulf %gather3A_951, %get3A_958 : vector<16xf32>
        %add3A_960 = arith.addf %add3A_910, %mul3A_959 : vector<16xf32>
        %get3A_961 = arith.index_cast %add3A_947 : i32 to index
        %get3A_962 = arith.constant 0 : index
        %get3A_963 = tpu.vector_load %arg11[%get3A_961, %get3A_962] {strides = array<i32>} : memref<160x64xf32, #tpu.memory_space<vmem>>, vector<16xf32>,
        %mul3A_964 = arith.mulf %gather3A_955, %get3A_963 : vector<16xf32>
        %add3A_965 = arith.addf %add3A_915, %mul3A_964 : vector<16xf32>
        %get3A_966 = arith.index_cast %add3A_947 : i32 to index
        %get3A_967 = arith.constant 16 : index
        %get3A_968 = tpu.vector_load %arg9[%get3A_966, %get3A_967] {strides = array<i32>} : memref<160x64xf32, #tpu.memory_space<vmem>>, vector<16xf32>,
        %mul3A_969 = arith.mulf %gather3A_951, %get3A_968 : vector<16xf32>
        %add3A_970 = arith.addf %add3A_920, %mul3A_969 : vector<16xf32>
        %get3A_971 = arith.index_cast %add3A_947 : i32 to index
        %get3A_972 = arith.constant 16 : index
        %get3A_973 = tpu.vector_load %arg11[%get3A_971, %get3A_972] {strides = array<i32>} : memref<160x64xf32, #tpu.memory_space<vmem>>, vector<16xf32>,
        %mul3A_974 = arith.mulf %gather3A_955, %get3A_973 : vector<16xf32>
        %add3A_975 = arith.addf %add3A_925, %mul3A_974 : vector<16xf32>
        %get3A_976 = arith.index_cast %add3A_947 : i32 to index
        %get3A_977 = arith.constant 32 : index
        %get3A_978 = tpu.vector_load %arg9[%get3A_976, %get3A_977] {strides = array<i32>} : memref<160x64xf32, #tpu.memory_space<vmem>>, vector<16xf32>,
        %mul3A_979 = arith.mulf %gather3A_951, %get3A_978 : vector<16xf32>
        %add3A_980 = arith.addf %add3A_930, %mul3A_979 : vector<16xf32>
        %get3A_981 = arith.index_cast %add3A_947 : i32 to index
        %get3A_982 = arith.constant 32 : index
        %get3A_983 = tpu.vector_load %arg11[%get3A_981, %get3A_982] {strides = array<i32>} : memref<160x64xf32, #tpu.memory_space<vmem>>, vector<16xf32>,
        %mul3A_984 = arith.mulf %gather3A_955, %get3A_983 : vector<16xf32>
        %add3A_985 = arith.addf %add3A_935, %mul3A_984 : vector<16xf32>
        %get3A_986 = arith.index_cast %add3A_947 : i32 to index
        %get3A_987 = arith.constant 48 : index
        %get3A_988 = tpu.vector_load %arg9[%get3A_986, %get3A_987] {strides = array<i32>} : memref<160x64xf32, #tpu.memory_space<vmem>>, vector<16xf32>,
        %mul3A_989 = arith.mulf %gather3A_951, %get3A_988 : vector<16xf32>
        %add3A_990 = arith.addf %add3A_940, %mul3A_989 : vector<16xf32>
        %get3A_991 = arith.index_cast %add3A_947 : i32 to index
        %get3A_992 = arith.constant 48 : index
        %get3A_993 = tpu.vector_load %arg11[%get3A_991, %get3A_992] {strides = array<i32>} : memref<160x64xf32, #tpu.memory_space<vmem>>, vector<16xf32>,
        %mul3A_994 = arith.mulf %gather3A_955, %get3A_993 : vector<16xf32>
        %add3A_995 = arith.addf %add3A_945, %mul3A_994 : vector<16xf32>
        %add3A_996 = arith.constant 13 : i32
        %add3A_997 = arith.addi %mul3A_319, %add3A_996 : i32
        %broadcast_in_dim3A_998 = arith.constant 13 : i32
        %broadcast_in_dim3A_999 = vector.broadcast %broadcast_in_dim3A_998 : i32 to vector<16x1xi32>
        %gather3A_1000 = vector.shape_cast %broadcast_in_dim3A_999 : vector<16x1xi32> to vector<16xi32>
        %gather3A_1001 = tpu.dynamic_gather %select_n3A_333[%gather3A_1000] in [0] : vector<16xf32>, vector<16xi32> -> vector<16xf32>
        %broadcast_in_dim3A_1002 = arith.constant 13 : i32
        %broadcast_in_dim3A_1003 = vector.broadcast %broadcast_in_dim3A_1002 : i32 to vector<16x1xi32>
        %gather3A_1004 = vector.shape_cast %broadcast_in_dim3A_1003 : vector<16x1xi32> to vector<16xi32>
        %gather3A_1005 = tpu.dynamic_gather %select_n3A_337[%gather3A_1004] in [0] : vector<16xf32>, vector<16xi32> -> vector<16xf32>
        %get3A_1006 = arith.index_cast %add3A_997 : i32 to index
        %get3A_1007 = arith.constant 0 : index
        %get3A_1008 = tpu.vector_load %arg9[%get3A_1006, %get3A_1007] {strides = array<i32>} : memref<160x64xf32, #tpu.memory_space<vmem>>, vector<16xf32>,
        %mul3A_1009 = arith.mulf %gather3A_1001, %get3A_1008 : vector<16xf32>
        %add3A_1010 = arith.addf %add3A_960, %mul3A_1009 : vector<16xf32>
        %get3A_1011 = arith.index_cast %add3A_997 : i32 to index
        %get3A_1012 = arith.constant 0 : index
        %get3A_1013 = tpu.vector_load %arg11[%get3A_1011, %get3A_1012] {strides = array<i32>} : memref<160x64xf32, #tpu.memory_space<vmem>>, vector<16xf32>,
        %mul3A_1014 = arith.mulf %gather3A_1005, %get3A_1013 : vector<16xf32>
        %add3A_1015 = arith.addf %add3A_965, %mul3A_1014 : vector<16xf32>
        %get3A_1016 = arith.index_cast %add3A_997 : i32 to index
        %get3A_1017 = arith.constant 16 : index
        %get3A_1018 = tpu.vector_load %arg9[%get3A_1016, %get3A_1017] {strides = array<i32>} : memref<160x64xf32, #tpu.memory_space<vmem>>, vector<16xf32>,
        %mul3A_1019 = arith.mulf %gather3A_1001, %get3A_1018 : vector<16xf32>
        %add3A_1020 = arith.addf %add3A_970, %mul3A_1019 : vector<16xf32>
        %get3A_1021 = arith.index_cast %add3A_997 : i32 to index
        %get3A_1022 = arith.constant 16 : index
        %get3A_1023 = tpu.vector_load %arg11[%get3A_1021, %get3A_1022] {strides = array<i32>} : memref<160x64xf32, #tpu.memory_space<vmem>>, vector<16xf32>,
        %mul3A_1024 = arith.mulf %gather3A_1005, %get3A_1023 : vector<16xf32>
        %add3A_1025 = arith.addf %add3A_975, %mul3A_1024 : vector<16xf32>
        %get3A_1026 = arith.index_cast %add3A_997 : i32 to index
        %get3A_1027 = arith.constant 32 : index
        %get3A_1028 = tpu.vector_load %arg9[%get3A_1026, %get3A_1027] {strides = array<i32>} : memref<160x64xf32, #tpu.memory_space<vmem>>, vector<16xf32>,
        %mul3A_1029 = arith.mulf %gather3A_1001, %get3A_1028 : vector<16xf32>
        %add3A_1030 = arith.addf %add3A_980, %mul3A_1029 : vector<16xf32>
        %get3A_1031 = arith.index_cast %add3A_997 : i32 to index
        %get3A_1032 = arith.constant 32 : index
        %get3A_1033 = tpu.vector_load %arg11[%get3A_1031, %get3A_1032] {strides = array<i32>} : memref<160x64xf32, #tpu.memory_space<vmem>>, vector<16xf32>,
        %mul3A_1034 = arith.mulf %gather3A_1005, %get3A_1033 : vector<16xf32>
        %add3A_1035 = arith.addf %add3A_985, %mul3A_1034 : vector<16xf32>
        %get3A_1036 = arith.index_cast %add3A_997 : i32 to index
        %get3A_1037 = arith.constant 48 : index
        %get3A_1038 = tpu.vector_load %arg9[%get3A_1036, %get3A_1037] {strides = array<i32>} : memref<160x64xf32, #tpu.memory_space<vmem>>, vector<16xf32>,
        %mul3A_1039 = arith.mulf %gather3A_1001, %get3A_1038 : vector<16xf32>
        %add3A_1040 = arith.addf %add3A_990, %mul3A_1039 : vector<16xf32>
        %get3A_1041 = arith.index_cast %add3A_997 : i32 to index
        %get3A_1042 = arith.constant 48 : index
        %get3A_1043 = tpu.vector_load %arg11[%get3A_1041, %get3A_1042] {strides = array<i32>} : memref<160x64xf32, #tpu.memory_space<vmem>>, vector<16xf32>,
        %mul3A_1044 = arith.mulf %gather3A_1005, %get3A_1043 : vector<16xf32>
        %add3A_1045 = arith.addf %add3A_995, %mul3A_1044 : vector<16xf32>
        %add3A_1046 = arith.constant 14 : i32
        %add3A_1047 = arith.addi %mul3A_319, %add3A_1046 : i32
        %broadcast_in_dim3A_1048 = arith.constant 14 : i32
        %broadcast_in_dim3A_1049 = vector.broadcast %broadcast_in_dim3A_1048 : i32 to vector<16x1xi32>
        %gather3A_1050 = vector.shape_cast %broadcast_in_dim3A_1049 : vector<16x1xi32> to vector<16xi32>
        %gather3A_1051 = tpu.dynamic_gather %select_n3A_333[%gather3A_1050] in [0] : vector<16xf32>, vector<16xi32> -> vector<16xf32>
        %broadcast_in_dim3A_1052 = arith.constant 14 : i32
        %broadcast_in_dim3A_1053 = vector.broadcast %broadcast_in_dim3A_1052 : i32 to vector<16x1xi32>
        %gather3A_1054 = vector.shape_cast %broadcast_in_dim3A_1053 : vector<16x1xi32> to vector<16xi32>
        %gather3A_1055 = tpu.dynamic_gather %select_n3A_337[%gather3A_1054] in [0] : vector<16xf32>, vector<16xi32> -> vector<16xf32>
        %get3A_1056 = arith.index_cast %add3A_1047 : i32 to index
        %get3A_1057 = arith.constant 0 : index
        %get3A_1058 = tpu.vector_load %arg9[%get3A_1056, %get3A_1057] {strides = array<i32>} : memref<160x64xf32, #tpu.memory_space<vmem>>, vector<16xf32>,
        %mul3A_1059 = arith.mulf %gather3A_1051, %get3A_1058 : vector<16xf32>
        %add3A_1060 = arith.addf %add3A_1010, %mul3A_1059 : vector<16xf32>
        %get3A_1061 = arith.index_cast %add3A_1047 : i32 to index
        %get3A_1062 = arith.constant 0 : index
        %get3A_1063 = tpu.vector_load %arg11[%get3A_1061, %get3A_1062] {strides = array<i32>} : memref<160x64xf32, #tpu.memory_space<vmem>>, vector<16xf32>,
        %mul3A_1064 = arith.mulf %gather3A_1055, %get3A_1063 : vector<16xf32>
        %add3A_1065 = arith.addf %add3A_1015, %mul3A_1064 : vector<16xf32>
        %get3A_1066 = arith.index_cast %add3A_1047 : i32 to index
        %get3A_1067 = arith.constant 16 : index
        %get3A_1068 = tpu.vector_load %arg9[%get3A_1066, %get3A_1067] {strides = array<i32>} : memref<160x64xf32, #tpu.memory_space<vmem>>, vector<16xf32>,
        %mul3A_1069 = arith.mulf %gather3A_1051, %get3A_1068 : vector<16xf32>
        %add3A_1070 = arith.addf %add3A_1020, %mul3A_1069 : vector<16xf32>
        %get3A_1071 = arith.index_cast %add3A_1047 : i32 to index
        %get3A_1072 = arith.constant 16 : index
        %get3A_1073 = tpu.vector_load %arg11[%get3A_1071, %get3A_1072] {strides = array<i32>} : memref<160x64xf32, #tpu.memory_space<vmem>>, vector<16xf32>,
        %mul3A_1074 = arith.mulf %gather3A_1055, %get3A_1073 : vector<16xf32>
        %add3A_1075 = arith.addf %add3A_1025, %mul3A_1074 : vector<16xf32>
        %get3A_1076 = arith.index_cast %add3A_1047 : i32 to index
        %get3A_1077 = arith.constant 32 : index
        %get3A_1078 = tpu.vector_load %arg9[%get3A_1076, %get3A_1077] {strides = array<i32>} : memref<160x64xf32, #tpu.memory_space<vmem>>, vector<16xf32>,
        %mul3A_1079 = arith.mulf %gather3A_1051, %get3A_1078 : vector<16xf32>
        %add3A_1080 = arith.addf %add3A_1030, %mul3A_1079 : vector<16xf32>
        %get3A_1081 = arith.index_cast %add3A_1047 : i32 to index
        %get3A_1082 = arith.constant 32 : index
        %get3A_1083 = tpu.vector_load %arg11[%get3A_1081, %get3A_1082] {strides = array<i32>} : memref<160x64xf32, #tpu.memory_space<vmem>>, vector<16xf32>,
        %mul3A_1084 = arith.mulf %gather3A_1055, %get3A_1083 : vector<16xf32>
        %add3A_1085 = arith.addf %add3A_1035, %mul3A_1084 : vector<16xf32>
        %get3A_1086 = arith.index_cast %add3A_1047 : i32 to index
        %get3A_1087 = arith.constant 48 : index
        %get3A_1088 = tpu.vector_load %arg9[%get3A_1086, %get3A_1087] {strides = array<i32>} : memref<160x64xf32, #tpu.memory_space<vmem>>, vector<16xf32>,
        %mul3A_1089 = arith.mulf %gather3A_1051, %get3A_1088 : vector<16xf32>
        %add3A_1090 = arith.addf %add3A_1040, %mul3A_1089 : vector<16xf32>
        %get3A_1091 = arith.index_cast %add3A_1047 : i32 to index
        %get3A_1092 = arith.constant 48 : index
        %get3A_1093 = tpu.vector_load %arg11[%get3A_1091, %get3A_1092] {strides = array<i32>} : memref<160x64xf32, #tpu.memory_space<vmem>>, vector<16xf32>,
        %mul3A_1094 = arith.mulf %gather3A_1055, %get3A_1093 : vector<16xf32>
        %add3A_1095 = arith.addf %add3A_1045, %mul3A_1094 : vector<16xf32>
        %add3A_1096 = arith.constant 15 : i32
        %add3A_1097 = arith.addi %mul3A_319, %add3A_1096 : i32
        %broadcast_in_dim3A_1098 = arith.constant 15 : i32
        %broadcast_in_dim3A_1099 = vector.broadcast %broadcast_in_dim3A_1098 : i32 to vector<16x1xi32>
        %gather3A_1100 = vector.shape_cast %broadcast_in_dim3A_1099 : vector<16x1xi32> to vector<16xi32>
        %gather3A_1101 = tpu.dynamic_gather %select_n3A_333[%gather3A_1100] in [0] : vector<16xf32>, vector<16xi32> -> vector<16xf32>
        %broadcast_in_dim3A_1102 = arith.constant 15 : i32
        %broadcast_in_dim3A_1103 = vector.broadcast %broadcast_in_dim3A_1102 : i32 to vector<16x1xi32>
        %gather3A_1104 = vector.shape_cast %broadcast_in_dim3A_1103 : vector<16x1xi32> to vector<16xi32>
        %gather3A_1105 = tpu.dynamic_gather %select_n3A_337[%gather3A_1104] in [0] : vector<16xf32>, vector<16xi32> -> vector<16xf32>
        %get3A_1106 = arith.index_cast %add3A_1097 : i32 to index
        %get3A_1107 = arith.constant 0 : index
        %get3A_1108 = tpu.vector_load %arg9[%get3A_1106, %get3A_1107] {strides = array<i32>} : memref<160x64xf32, #tpu.memory_space<vmem>>, vector<16xf32>,
        %mul3A_1109 = arith.mulf %gather3A_1101, %get3A_1108 : vector<16xf32>
        %add3A_1110 = arith.addf %add3A_1060, %mul3A_1109 : vector<16xf32>
        %get3A_1111 = arith.index_cast %add3A_1097 : i32 to index
        %get3A_1112 = arith.constant 0 : index
        %get3A_1113 = tpu.vector_load %arg11[%get3A_1111, %get3A_1112] {strides = array<i32>} : memref<160x64xf32, #tpu.memory_space<vmem>>, vector<16xf32>,
        %mul3A_1114 = arith.mulf %gather3A_1105, %get3A_1113 : vector<16xf32>
        %add3A_1115 = arith.addf %add3A_1065, %mul3A_1114 : vector<16xf32>
        %get3A_1116 = arith.index_cast %add3A_1097 : i32 to index
        %get3A_1117 = arith.constant 16 : index
        %get3A_1118 = tpu.vector_load %arg9[%get3A_1116, %get3A_1117] {strides = array<i32>} : memref<160x64xf32, #tpu.memory_space<vmem>>, vector<16xf32>,
        %mul3A_1119 = arith.mulf %gather3A_1101, %get3A_1118 : vector<16xf32>
        %add3A_1120 = arith.addf %add3A_1070, %mul3A_1119 : vector<16xf32>
        %get3A_1121 = arith.index_cast %add3A_1097 : i32 to index
        %get3A_1122 = arith.constant 16 : index
        %get3A_1123 = tpu.vector_load %arg11[%get3A_1121, %get3A_1122] {strides = array<i32>} : memref<160x64xf32, #tpu.memory_space<vmem>>, vector<16xf32>,
        %mul3A_1124 = arith.mulf %gather3A_1105, %get3A_1123 : vector<16xf32>
        %add3A_1125 = arith.addf %add3A_1075, %mul3A_1124 : vector<16xf32>
        %get3A_1126 = arith.index_cast %add3A_1097 : i32 to index
        %get3A_1127 = arith.constant 32 : index
        %get3A_1128 = tpu.vector_load %arg9[%get3A_1126, %get3A_1127] {strides = array<i32>} : memref<160x64xf32, #tpu.memory_space<vmem>>, vector<16xf32>,
        %mul3A_1129 = arith.mulf %gather3A_1101, %get3A_1128 : vector<16xf32>
        %add3A_1130 = arith.addf %add3A_1080, %mul3A_1129 : vector<16xf32>
        %get3A_1131 = arith.index_cast %add3A_1097 : i32 to index
        %get3A_1132 = arith.constant 32 : index
        %get3A_1133 = tpu.vector_load %arg11[%get3A_1131, %get3A_1132] {strides = array<i32>} : memref<160x64xf32, #tpu.memory_space<vmem>>, vector<16xf32>,
        %mul3A_1134 = arith.mulf %gather3A_1105, %get3A_1133 : vector<16xf32>
        %add3A_1135 = arith.addf %add3A_1085, %mul3A_1134 : vector<16xf32>
        %get3A_1136 = arith.index_cast %add3A_1097 : i32 to index
        %get3A_1137 = arith.constant 48 : index
        %get3A_1138 = tpu.vector_load %arg9[%get3A_1136, %get3A_1137] {strides = array<i32>} : memref<160x64xf32, #tpu.memory_space<vmem>>, vector<16xf32>,
        %mul3A_1139 = arith.mulf %gather3A_1101, %get3A_1138 : vector<16xf32>
        %add3A_1140 = arith.addf %add3A_1090, %mul3A_1139 : vector<16xf32>
        %get3A_1141 = arith.index_cast %add3A_1097 : i32 to index
        %get3A_1142 = arith.constant 48 : index
        %get3A_1143 = tpu.vector_load %arg11[%get3A_1141, %get3A_1142] {strides = array<i32>} : memref<160x64xf32, #tpu.memory_space<vmem>>, vector<16xf32>,
        %mul3A_1144 = arith.mulf %gather3A_1105, %get3A_1143 : vector<16xf32>
        %add3A_1145 = arith.addf %add3A_1095, %mul3A_1144 : vector<16xf32>
        %all_reduce_population_count3A = tpu.all_reduce %and3A_343 {dim = 0 : i64, kind = #tpu.reduction_kind<sum>} : vector<16xi1> -> vector<16xi32>
        %slice3A = vector.extract_strided_slice %all_reduce_population_count3A {offsets = [0], sizes = [1], strides = [1]} : vector<16xi32> to vector<1xi32>
        %squeeze3A = vector.extract %slice3A[0] : i32 from vector<1xi32>
        %gt3A = arith.constant 0 : i32
        %gt3A_1146 = arith.cmpi sgt, %squeeze3A, %gt3A : i32
        %convert_element_type3A = arith.extui %gt3A_1146 : i1 to i32
        %cond3A = arith.constant 0 : i32
        %cond3A_1147 = arith.cmpi ne, %convert_element_type3A, %cond3A : i32
        %cond3A_1148:8 = scf.if %cond3A_1147 -> (vector<16xf32>, vector<16xf32>, vector<16xf32>, vector<16xf32>, vector<16xf32>, vector<16xf32>, vector<16xf32>, vector<16xf32>) {
          %add3A_1149 = arith.constant 0 : i32
          %add3A_1150 = arith.addi %mul3A_319, %add3A_1149 : i32
          %broadcast_in_dim3A_1151 = arith.constant 0 : i32
          %broadcast_in_dim3A_1152 = vector.broadcast %broadcast_in_dim3A_1151 : i32 to vector<16x1xi32>
          %gather3A_1153 = vector.shape_cast %broadcast_in_dim3A_1152 : vector<16x1xi32> to vector<16xi32>
          %gather3A_1154 = tpu.dynamic_gather %select_n3A_346[%gather3A_1153] in [0] : vector<16xf32>, vector<16xi32> -> vector<16xf32>
          %get3A_1155 = arith.index_cast %add3A_1150 : i32 to index
          %get3A_1156 = arith.constant 0 : index
          %get3A_1157 = tpu.vector_load %arg11[%get3A_1155, %get3A_1156] {strides = array<i32>} : memref<160x64xf32, #tpu.memory_space<vmem>>, vector<16xf32>,
          %mul3A_1158 = arith.mulf %gather3A_1154, %get3A_1157 : vector<16xf32>
          %add3A_1159 = arith.addf %scan3A_310, %mul3A_1158 : vector<16xf32>
          %mul3A_1160 = arith.mulf %mul3A_1158, %get3A_1157 : vector<16xf32>
          %add3A_1161 = arith.addf %scan3A_314, %mul3A_1160 : vector<16xf32>
          %get3A_1162 = arith.index_cast %add3A_1150 : i32 to index
          %get3A_1163 = arith.constant 16 : index
          %get3A_1164 = tpu.vector_load %arg11[%get3A_1162, %get3A_1163] {strides = array<i32>} : memref<160x64xf32, #tpu.memory_space<vmem>>, vector<16xf32>,
          %mul3A_1165 = arith.mulf %gather3A_1154, %get3A_1164 : vector<16xf32>
          %add3A_1166 = arith.addf %scan3A_311, %mul3A_1165 : vector<16xf32>
          %mul3A_1167 = arith.mulf %mul3A_1165, %get3A_1164 : vector<16xf32>
          %add3A_1168 = arith.addf %scan3A_315, %mul3A_1167 : vector<16xf32>
          %get3A_1169 = arith.index_cast %add3A_1150 : i32 to index
          %get3A_1170 = arith.constant 32 : index
          %get3A_1171 = tpu.vector_load %arg11[%get3A_1169, %get3A_1170] {strides = array<i32>} : memref<160x64xf32, #tpu.memory_space<vmem>>, vector<16xf32>,
          %mul3A_1172 = arith.mulf %gather3A_1154, %get3A_1171 : vector<16xf32>
          %add3A_1173 = arith.addf %scan3A_312, %mul3A_1172 : vector<16xf32>
          %mul3A_1174 = arith.mulf %mul3A_1172, %get3A_1171 : vector<16xf32>
          %add3A_1175 = arith.addf %scan3A_316, %mul3A_1174 : vector<16xf32>
          %get3A_1176 = arith.index_cast %add3A_1150 : i32 to index
          %get3A_1177 = arith.constant 48 : index
          %get3A_1178 = tpu.vector_load %arg11[%get3A_1176, %get3A_1177] {strides = array<i32>} : memref<160x64xf32, #tpu.memory_space<vmem>>, vector<16xf32>,
          %mul3A_1179 = arith.mulf %gather3A_1154, %get3A_1178 : vector<16xf32>
          %add3A_1180 = arith.addf %scan3A_313, %mul3A_1179 : vector<16xf32>
          %mul3A_1181 = arith.mulf %mul3A_1179, %get3A_1178 : vector<16xf32>
          %add3A_1182 = arith.addf %scan3A_317, %mul3A_1181 : vector<16xf32>
          %add3A_1183 = arith.constant 1 : i32
          %add3A_1184 = arith.addi %mul3A_319, %add3A_1183 : i32
          %broadcast_in_dim3A_1185 = arith.constant 1 : i32
          %broadcast_in_dim3A_1186 = vector.broadcast %broadcast_in_dim3A_1185 : i32 to vector<16x1xi32>
          %gather3A_1187 = vector.shape_cast %broadcast_in_dim3A_1186 : vector<16x1xi32> to vector<16xi32>
          %gather3A_1188 = tpu.dynamic_gather %select_n3A_346[%gather3A_1187] in [0] : vector<16xf32>, vector<16xi32> -> vector<16xf32>
          %get3A_1189 = arith.index_cast %add3A_1184 : i32 to index
          %get3A_1190 = arith.constant 0 : index
          %get3A_1191 = tpu.vector_load %arg11[%get3A_1189, %get3A_1190] {strides = array<i32>} : memref<160x64xf32, #tpu.memory_space<vmem>>, vector<16xf32>,
          %mul3A_1192 = arith.mulf %gather3A_1188, %get3A_1191 : vector<16xf32>
          %add3A_1193 = arith.addf %add3A_1159, %mul3A_1192 : vector<16xf32>
          %mul3A_1194 = arith.mulf %mul3A_1192, %get3A_1191 : vector<16xf32>
          %add3A_1195 = arith.addf %add3A_1161, %mul3A_1194 : vector<16xf32>
          %get3A_1196 = arith.index_cast %add3A_1184 : i32 to index
          %get3A_1197 = arith.constant 16 : index
          %get3A_1198 = tpu.vector_load %arg11[%get3A_1196, %get3A_1197] {strides = array<i32>} : memref<160x64xf32, #tpu.memory_space<vmem>>, vector<16xf32>,
          %mul3A_1199 = arith.mulf %gather3A_1188, %get3A_1198 : vector<16xf32>
          %add3A_1200 = arith.addf %add3A_1166, %mul3A_1199 : vector<16xf32>
          %mul3A_1201 = arith.mulf %mul3A_1199, %get3A_1198 : vector<16xf32>
          %add3A_1202 = arith.addf %add3A_1168, %mul3A_1201 : vector<16xf32>
          %get3A_1203 = arith.index_cast %add3A_1184 : i32 to index
          %get3A_1204 = arith.constant 32 : index
          %get3A_1205 = tpu.vector_load %arg11[%get3A_1203, %get3A_1204] {strides = array<i32>} : memref<160x64xf32, #tpu.memory_space<vmem>>, vector<16xf32>,
          %mul3A_1206 = arith.mulf %gather3A_1188, %get3A_1205 : vector<16xf32>
          %add3A_1207 = arith.addf %add3A_1173, %mul3A_1206 : vector<16xf32>
          %mul3A_1208 = arith.mulf %mul3A_1206, %get3A_1205 : vector<16xf32>
          %add3A_1209 = arith.addf %add3A_1175, %mul3A_1208 : vector<16xf32>
          %get3A_1210 = arith.index_cast %add3A_1184 : i32 to index
          %get3A_1211 = arith.constant 48 : index
          %get3A_1212 = tpu.vector_load %arg11[%get3A_1210, %get3A_1211] {strides = array<i32>} : memref<160x64xf32, #tpu.memory_space<vmem>>, vector<16xf32>,
          %mul3A_1213 = arith.mulf %gather3A_1188, %get3A_1212 : vector<16xf32>
          %add3A_1214 = arith.addf %add3A_1180, %mul3A_1213 : vector<16xf32>
          %mul3A_1215 = arith.mulf %mul3A_1213, %get3A_1212 : vector<16xf32>
          %add3A_1216 = arith.addf %add3A_1182, %mul3A_1215 : vector<16xf32>
          %add3A_1217 = arith.constant 2 : i32
          %add3A_1218 = arith.addi %mul3A_319, %add3A_1217 : i32
          %broadcast_in_dim3A_1219 = arith.constant 2 : i32
          %broadcast_in_dim3A_1220 = vector.broadcast %broadcast_in_dim3A_1219 : i32 to vector<16x1xi32>
          %gather3A_1221 = vector.shape_cast %broadcast_in_dim3A_1220 : vector<16x1xi32> to vector<16xi32>
          %gather3A_1222 = tpu.dynamic_gather %select_n3A_346[%gather3A_1221] in [0] : vector<16xf32>, vector<16xi32> -> vector<16xf32>
          %get3A_1223 = arith.index_cast %add3A_1218 : i32 to index
          %get3A_1224 = arith.constant 0 : index
          %get3A_1225 = tpu.vector_load %arg11[%get3A_1223, %get3A_1224] {strides = array<i32>} : memref<160x64xf32, #tpu.memory_space<vmem>>, vector<16xf32>,
          %mul3A_1226 = arith.mulf %gather3A_1222, %get3A_1225 : vector<16xf32>
          %add3A_1227 = arith.addf %add3A_1193, %mul3A_1226 : vector<16xf32>
          %mul3A_1228 = arith.mulf %mul3A_1226, %get3A_1225 : vector<16xf32>
          %add3A_1229 = arith.addf %add3A_1195, %mul3A_1228 : vector<16xf32>
          %get3A_1230 = arith.index_cast %add3A_1218 : i32 to index
          %get3A_1231 = arith.constant 16 : index
          %get3A_1232 = tpu.vector_load %arg11[%get3A_1230, %get3A_1231] {strides = array<i32>} : memref<160x64xf32, #tpu.memory_space<vmem>>, vector<16xf32>,
          %mul3A_1233 = arith.mulf %gather3A_1222, %get3A_1232 : vector<16xf32>
          %add3A_1234 = arith.addf %add3A_1200, %mul3A_1233 : vector<16xf32>
          %mul3A_1235 = arith.mulf %mul3A_1233, %get3A_1232 : vector<16xf32>
          %add3A_1236 = arith.addf %add3A_1202, %mul3A_1235 : vector<16xf32>
          %get3A_1237 = arith.index_cast %add3A_1218 : i32 to index
          %get3A_1238 = arith.constant 32 : index
          %get3A_1239 = tpu.vector_load %arg11[%get3A_1237, %get3A_1238] {strides = array<i32>} : memref<160x64xf32, #tpu.memory_space<vmem>>, vector<16xf32>,
          %mul3A_1240 = arith.mulf %gather3A_1222, %get3A_1239 : vector<16xf32>
          %add3A_1241 = arith.addf %add3A_1207, %mul3A_1240 : vector<16xf32>
          %mul3A_1242 = arith.mulf %mul3A_1240, %get3A_1239 : vector<16xf32>
          %add3A_1243 = arith.addf %add3A_1209, %mul3A_1242 : vector<16xf32>
          %get3A_1244 = arith.index_cast %add3A_1218 : i32 to index
          %get3A_1245 = arith.constant 48 : index
          %get3A_1246 = tpu.vector_load %arg11[%get3A_1244, %get3A_1245] {strides = array<i32>} : memref<160x64xf32, #tpu.memory_space<vmem>>, vector<16xf32>,
          %mul3A_1247 = arith.mulf %gather3A_1222, %get3A_1246 : vector<16xf32>
          %add3A_1248 = arith.addf %add3A_1214, %mul3A_1247 : vector<16xf32>
          %mul3A_1249 = arith.mulf %mul3A_1247, %get3A_1246 : vector<16xf32>
          %add3A_1250 = arith.addf %add3A_1216, %mul3A_1249 : vector<16xf32>
          %add3A_1251 = arith.constant 3 : i32
          %add3A_1252 = arith.addi %mul3A_319, %add3A_1251 : i32
          %broadcast_in_dim3A_1253 = arith.constant 3 : i32
          %broadcast_in_dim3A_1254 = vector.broadcast %broadcast_in_dim3A_1253 : i32 to vector<16x1xi32>
          %gather3A_1255 = vector.shape_cast %broadcast_in_dim3A_1254 : vector<16x1xi32> to vector<16xi32>
          %gather3A_1256 = tpu.dynamic_gather %select_n3A_346[%gather3A_1255] in [0] : vector<16xf32>, vector<16xi32> -> vector<16xf32>
          %get3A_1257 = arith.index_cast %add3A_1252 : i32 to index
          %get3A_1258 = arith.constant 0 : index
          %get3A_1259 = tpu.vector_load %arg11[%get3A_1257, %get3A_1258] {strides = array<i32>} : memref<160x64xf32, #tpu.memory_space<vmem>>, vector<16xf32>,
          %mul3A_1260 = arith.mulf %gather3A_1256, %get3A_1259 : vector<16xf32>
          %add3A_1261 = arith.addf %add3A_1227, %mul3A_1260 : vector<16xf32>
          %mul3A_1262 = arith.mulf %mul3A_1260, %get3A_1259 : vector<16xf32>
          %add3A_1263 = arith.addf %add3A_1229, %mul3A_1262 : vector<16xf32>
          %get3A_1264 = arith.index_cast %add3A_1252 : i32 to index
          %get3A_1265 = arith.constant 16 : index
          %get3A_1266 = tpu.vector_load %arg11[%get3A_1264, %get3A_1265] {strides = array<i32>} : memref<160x64xf32, #tpu.memory_space<vmem>>, vector<16xf32>,
          %mul3A_1267 = arith.mulf %gather3A_1256, %get3A_1266 : vector<16xf32>
          %add3A_1268 = arith.addf %add3A_1234, %mul3A_1267 : vector<16xf32>
          %mul3A_1269 = arith.mulf %mul3A_1267, %get3A_1266 : vector<16xf32>
          %add3A_1270 = arith.addf %add3A_1236, %mul3A_1269 : vector<16xf32>
          %get3A_1271 = arith.index_cast %add3A_1252 : i32 to index
          %get3A_1272 = arith.constant 32 : index
          %get3A_1273 = tpu.vector_load %arg11[%get3A_1271, %get3A_1272] {strides = array<i32>} : memref<160x64xf32, #tpu.memory_space<vmem>>, vector<16xf32>,
          %mul3A_1274 = arith.mulf %gather3A_1256, %get3A_1273 : vector<16xf32>
          %add3A_1275 = arith.addf %add3A_1241, %mul3A_1274 : vector<16xf32>
          %mul3A_1276 = arith.mulf %mul3A_1274, %get3A_1273 : vector<16xf32>
          %add3A_1277 = arith.addf %add3A_1243, %mul3A_1276 : vector<16xf32>
          %get3A_1278 = arith.index_cast %add3A_1252 : i32 to index
          %get3A_1279 = arith.constant 48 : index
          %get3A_1280 = tpu.vector_load %arg11[%get3A_1278, %get3A_1279] {strides = array<i32>} : memref<160x64xf32, #tpu.memory_space<vmem>>, vector<16xf32>,
          %mul3A_1281 = arith.mulf %gather3A_1256, %get3A_1280 : vector<16xf32>
          %add3A_1282 = arith.addf %add3A_1248, %mul3A_1281 : vector<16xf32>
          %mul3A_1283 = arith.mulf %mul3A_1281, %get3A_1280 : vector<16xf32>
          %add3A_1284 = arith.addf %add3A_1250, %mul3A_1283 : vector<16xf32>
          %add3A_1285 = arith.constant 4 : i32
          %add3A_1286 = arith.addi %mul3A_319, %add3A_1285 : i32
          %broadcast_in_dim3A_1287 = arith.constant 4 : i32
          %broadcast_in_dim3A_1288 = vector.broadcast %broadcast_in_dim3A_1287 : i32 to vector<16x1xi32>
          %gather3A_1289 = vector.shape_cast %broadcast_in_dim3A_1288 : vector<16x1xi32> to vector<16xi32>
          %gather3A_1290 = tpu.dynamic_gather %select_n3A_346[%gather3A_1289] in [0] : vector<16xf32>, vector<16xi32> -> vector<16xf32>
          %get3A_1291 = arith.index_cast %add3A_1286 : i32 to index
          %get3A_1292 = arith.constant 0 : index
          %get3A_1293 = tpu.vector_load %arg11[%get3A_1291, %get3A_1292] {strides = array<i32>} : memref<160x64xf32, #tpu.memory_space<vmem>>, vector<16xf32>,
          %mul3A_1294 = arith.mulf %gather3A_1290, %get3A_1293 : vector<16xf32>
          %add3A_1295 = arith.addf %add3A_1261, %mul3A_1294 : vector<16xf32>
          %mul3A_1296 = arith.mulf %mul3A_1294, %get3A_1293 : vector<16xf32>
          %add3A_1297 = arith.addf %add3A_1263, %mul3A_1296 : vector<16xf32>
          %get3A_1298 = arith.index_cast %add3A_1286 : i32 to index
          %get3A_1299 = arith.constant 16 : index
          %get3A_1300 = tpu.vector_load %arg11[%get3A_1298, %get3A_1299] {strides = array<i32>} : memref<160x64xf32, #tpu.memory_space<vmem>>, vector<16xf32>,
          %mul3A_1301 = arith.mulf %gather3A_1290, %get3A_1300 : vector<16xf32>
          %add3A_1302 = arith.addf %add3A_1268, %mul3A_1301 : vector<16xf32>
          %mul3A_1303 = arith.mulf %mul3A_1301, %get3A_1300 : vector<16xf32>
          %add3A_1304 = arith.addf %add3A_1270, %mul3A_1303 : vector<16xf32>
          %get3A_1305 = arith.index_cast %add3A_1286 : i32 to index
          %get3A_1306 = arith.constant 32 : index
          %get3A_1307 = tpu.vector_load %arg11[%get3A_1305, %get3A_1306] {strides = array<i32>} : memref<160x64xf32, #tpu.memory_space<vmem>>, vector<16xf32>,
          %mul3A_1308 = arith.mulf %gather3A_1290, %get3A_1307 : vector<16xf32>
          %add3A_1309 = arith.addf %add3A_1275, %mul3A_1308 : vector<16xf32>
          %mul3A_1310 = arith.mulf %mul3A_1308, %get3A_1307 : vector<16xf32>
          %add3A_1311 = arith.addf %add3A_1277, %mul3A_1310 : vector<16xf32>
          %get3A_1312 = arith.index_cast %add3A_1286 : i32 to index
          %get3A_1313 = arith.constant 48 : index
          %get3A_1314 = tpu.vector_load %arg11[%get3A_1312, %get3A_1313] {strides = array<i32>} : memref<160x64xf32, #tpu.memory_space<vmem>>, vector<16xf32>,
          %mul3A_1315 = arith.mulf %gather3A_1290, %get3A_1314 : vector<16xf32>
          %add3A_1316 = arith.addf %add3A_1282, %mul3A_1315 : vector<16xf32>
          %mul3A_1317 = arith.mulf %mul3A_1315, %get3A_1314 : vector<16xf32>
          %add3A_1318 = arith.addf %add3A_1284, %mul3A_1317 : vector<16xf32>
          %add3A_1319 = arith.constant 5 : i32
          %add3A_1320 = arith.addi %mul3A_319, %add3A_1319 : i32
          %broadcast_in_dim3A_1321 = arith.constant 5 : i32
          %broadcast_in_dim3A_1322 = vector.broadcast %broadcast_in_dim3A_1321 : i32 to vector<16x1xi32>
          %gather3A_1323 = vector.shape_cast %broadcast_in_dim3A_1322 : vector<16x1xi32> to vector<16xi32>
          %gather3A_1324 = tpu.dynamic_gather %select_n3A_346[%gather3A_1323] in [0] : vector<16xf32>, vector<16xi32> -> vector<16xf32>
          %get3A_1325 = arith.index_cast %add3A_1320 : i32 to index
          %get3A_1326 = arith.constant 0 : index
          %get3A_1327 = tpu.vector_load %arg11[%get3A_1325, %get3A_1326] {strides = array<i32>} : memref<160x64xf32, #tpu.memory_space<vmem>>, vector<16xf32>,
          %mul3A_1328 = arith.mulf %gather3A_1324, %get3A_1327 : vector<16xf32>
          %add3A_1329 = arith.addf %add3A_1295, %mul3A_1328 : vector<16xf32>
          %mul3A_1330 = arith.mulf %mul3A_1328, %get3A_1327 : vector<16xf32>
          %add3A_1331 = arith.addf %add3A_1297, %mul3A_1330 : vector<16xf32>
          %get3A_1332 = arith.index_cast %add3A_1320 : i32 to index
          %get3A_1333 = arith.constant 16 : index
          %get3A_1334 = tpu.vector_load %arg11[%get3A_1332, %get3A_1333] {strides = array<i32>} : memref<160x64xf32, #tpu.memory_space<vmem>>, vector<16xf32>,
          %mul3A_1335 = arith.mulf %gather3A_1324, %get3A_1334 : vector<16xf32>
          %add3A_1336 = arith.addf %add3A_1302, %mul3A_1335 : vector<16xf32>
          %mul3A_1337 = arith.mulf %mul3A_1335, %get3A_1334 : vector<16xf32>
          %add3A_1338 = arith.addf %add3A_1304, %mul3A_1337 : vector<16xf32>
          %get3A_1339 = arith.index_cast %add3A_1320 : i32 to index
          %get3A_1340 = arith.constant 32 : index
          %get3A_1341 = tpu.vector_load %arg11[%get3A_1339, %get3A_1340] {strides = array<i32>} : memref<160x64xf32, #tpu.memory_space<vmem>>, vector<16xf32>,
          %mul3A_1342 = arith.mulf %gather3A_1324, %get3A_1341 : vector<16xf32>
          %add3A_1343 = arith.addf %add3A_1309, %mul3A_1342 : vector<16xf32>
          %mul3A_1344 = arith.mulf %mul3A_1342, %get3A_1341 : vector<16xf32>
          %add3A_1345 = arith.addf %add3A_1311, %mul3A_1344 : vector<16xf32>
          %get3A_1346 = arith.index_cast %add3A_1320 : i32 to index
          %get3A_1347 = arith.constant 48 : index
          %get3A_1348 = tpu.vector_load %arg11[%get3A_1346, %get3A_1347] {strides = array<i32>} : memref<160x64xf32, #tpu.memory_space<vmem>>, vector<16xf32>,
          %mul3A_1349 = arith.mulf %gather3A_1324, %get3A_1348 : vector<16xf32>
          %add3A_1350 = arith.addf %add3A_1316, %mul3A_1349 : vector<16xf32>
          %mul3A_1351 = arith.mulf %mul3A_1349, %get3A_1348 : vector<16xf32>
          %add3A_1352 = arith.addf %add3A_1318, %mul3A_1351 : vector<16xf32>
          %add3A_1353 = arith.constant 6 : i32
          %add3A_1354 = arith.addi %mul3A_319, %add3A_1353 : i32
          %broadcast_in_dim3A_1355 = arith.constant 6 : i32
          %broadcast_in_dim3A_1356 = vector.broadcast %broadcast_in_dim3A_1355 : i32 to vector<16x1xi32>
          %gather3A_1357 = vector.shape_cast %broadcast_in_dim3A_1356 : vector<16x1xi32> to vector<16xi32>
          %gather3A_1358 = tpu.dynamic_gather %select_n3A_346[%gather3A_1357] in [0] : vector<16xf32>, vector<16xi32> -> vector<16xf32>
          %get3A_1359 = arith.index_cast %add3A_1354 : i32 to index
          %get3A_1360 = arith.constant 0 : index
          %get3A_1361 = tpu.vector_load %arg11[%get3A_1359, %get3A_1360] {strides = array<i32>} : memref<160x64xf32, #tpu.memory_space<vmem>>, vector<16xf32>,
          %mul3A_1362 = arith.mulf %gather3A_1358, %get3A_1361 : vector<16xf32>
          %add3A_1363 = arith.addf %add3A_1329, %mul3A_1362 : vector<16xf32>
          %mul3A_1364 = arith.mulf %mul3A_1362, %get3A_1361 : vector<16xf32>
          %add3A_1365 = arith.addf %add3A_1331, %mul3A_1364 : vector<16xf32>
          %get3A_1366 = arith.index_cast %add3A_1354 : i32 to index
          %get3A_1367 = arith.constant 16 : index
          %get3A_1368 = tpu.vector_load %arg11[%get3A_1366, %get3A_1367] {strides = array<i32>} : memref<160x64xf32, #tpu.memory_space<vmem>>, vector<16xf32>,
          %mul3A_1369 = arith.mulf %gather3A_1358, %get3A_1368 : vector<16xf32>
          %add3A_1370 = arith.addf %add3A_1336, %mul3A_1369 : vector<16xf32>
          %mul3A_1371 = arith.mulf %mul3A_1369, %get3A_1368 : vector<16xf32>
          %add3A_1372 = arith.addf %add3A_1338, %mul3A_1371 : vector<16xf32>
          %get3A_1373 = arith.index_cast %add3A_1354 : i32 to index
          %get3A_1374 = arith.constant 32 : index
          %get3A_1375 = tpu.vector_load %arg11[%get3A_1373, %get3A_1374] {strides = array<i32>} : memref<160x64xf32, #tpu.memory_space<vmem>>, vector<16xf32>,
          %mul3A_1376 = arith.mulf %gather3A_1358, %get3A_1375 : vector<16xf32>
          %add3A_1377 = arith.addf %add3A_1343, %mul3A_1376 : vector<16xf32>
          %mul3A_1378 = arith.mulf %mul3A_1376, %get3A_1375 : vector<16xf32>
          %add3A_1379 = arith.addf %add3A_1345, %mul3A_1378 : vector<16xf32>
          %get3A_1380 = arith.index_cast %add3A_1354 : i32 to index
          %get3A_1381 = arith.constant 48 : index
          %get3A_1382 = tpu.vector_load %arg11[%get3A_1380, %get3A_1381] {strides = array<i32>} : memref<160x64xf32, #tpu.memory_space<vmem>>, vector<16xf32>,
          %mul3A_1383 = arith.mulf %gather3A_1358, %get3A_1382 : vector<16xf32>
          %add3A_1384 = arith.addf %add3A_1350, %mul3A_1383 : vector<16xf32>
          %mul3A_1385 = arith.mulf %mul3A_1383, %get3A_1382 : vector<16xf32>
          %add3A_1386 = arith.addf %add3A_1352, %mul3A_1385 : vector<16xf32>
          %add3A_1387 = arith.constant 7 : i32
          %add3A_1388 = arith.addi %mul3A_319, %add3A_1387 : i32
          %broadcast_in_dim3A_1389 = arith.constant 7 : i32
          %broadcast_in_dim3A_1390 = vector.broadcast %broadcast_in_dim3A_1389 : i32 to vector<16x1xi32>
          %gather3A_1391 = vector.shape_cast %broadcast_in_dim3A_1390 : vector<16x1xi32> to vector<16xi32>
          %gather3A_1392 = tpu.dynamic_gather %select_n3A_346[%gather3A_1391] in [0] : vector<16xf32>, vector<16xi32> -> vector<16xf32>
          %get3A_1393 = arith.index_cast %add3A_1388 : i32 to index
          %get3A_1394 = arith.constant 0 : index
          %get3A_1395 = tpu.vector_load %arg11[%get3A_1393, %get3A_1394] {strides = array<i32>} : memref<160x64xf32, #tpu.memory_space<vmem>>, vector<16xf32>,
          %mul3A_1396 = arith.mulf %gather3A_1392, %get3A_1395 : vector<16xf32>
          %add3A_1397 = arith.addf %add3A_1363, %mul3A_1396 : vector<16xf32>
          %mul3A_1398 = arith.mulf %mul3A_1396, %get3A_1395 : vector<16xf32>
          %add3A_1399 = arith.addf %add3A_1365, %mul3A_1398 : vector<16xf32>
          %get3A_1400 = arith.index_cast %add3A_1388 : i32 to index
          %get3A_1401 = arith.constant 16 : index
          %get3A_1402 = tpu.vector_load %arg11[%get3A_1400, %get3A_1401] {strides = array<i32>} : memref<160x64xf32, #tpu.memory_space<vmem>>, vector<16xf32>,
          %mul3A_1403 = arith.mulf %gather3A_1392, %get3A_1402 : vector<16xf32>
          %add3A_1404 = arith.addf %add3A_1370, %mul3A_1403 : vector<16xf32>
          %mul3A_1405 = arith.mulf %mul3A_1403, %get3A_1402 : vector<16xf32>
          %add3A_1406 = arith.addf %add3A_1372, %mul3A_1405 : vector<16xf32>
          %get3A_1407 = arith.index_cast %add3A_1388 : i32 to index
          %get3A_1408 = arith.constant 32 : index
          %get3A_1409 = tpu.vector_load %arg11[%get3A_1407, %get3A_1408] {strides = array<i32>} : memref<160x64xf32, #tpu.memory_space<vmem>>, vector<16xf32>,
          %mul3A_1410 = arith.mulf %gather3A_1392, %get3A_1409 : vector<16xf32>
          %add3A_1411 = arith.addf %add3A_1377, %mul3A_1410 : vector<16xf32>
          %mul3A_1412 = arith.mulf %mul3A_1410, %get3A_1409 : vector<16xf32>
          %add3A_1413 = arith.addf %add3A_1379, %mul3A_1412 : vector<16xf32>
          %get3A_1414 = arith.index_cast %add3A_1388 : i32 to index
          %get3A_1415 = arith.constant 48 : index
          %get3A_1416 = tpu.vector_load %arg11[%get3A_1414, %get3A_1415] {strides = array<i32>} : memref<160x64xf32, #tpu.memory_space<vmem>>, vector<16xf32>,
          %mul3A_1417 = arith.mulf %gather3A_1392, %get3A_1416 : vector<16xf32>
          %add3A_1418 = arith.addf %add3A_1384, %mul3A_1417 : vector<16xf32>
          %mul3A_1419 = arith.mulf %mul3A_1417, %get3A_1416 : vector<16xf32>
          %add3A_1420 = arith.addf %add3A_1386, %mul3A_1419 : vector<16xf32>
          %add3A_1421 = arith.constant 8 : i32
          %add3A_1422 = arith.addi %mul3A_319, %add3A_1421 : i32
          %broadcast_in_dim3A_1423 = arith.constant 8 : i32
          %broadcast_in_dim3A_1424 = vector.broadcast %broadcast_in_dim3A_1423 : i32 to vector<16x1xi32>
          %gather3A_1425 = vector.shape_cast %broadcast_in_dim3A_1424 : vector<16x1xi32> to vector<16xi32>
          %gather3A_1426 = tpu.dynamic_gather %select_n3A_346[%gather3A_1425] in [0] : vector<16xf32>, vector<16xi32> -> vector<16xf32>
          %get3A_1427 = arith.index_cast %add3A_1422 : i32 to index
          %get3A_1428 = arith.constant 0 : index
          %get3A_1429 = tpu.vector_load %arg11[%get3A_1427, %get3A_1428] {strides = array<i32>} : memref<160x64xf32, #tpu.memory_space<vmem>>, vector<16xf32>,
          %mul3A_1430 = arith.mulf %gather3A_1426, %get3A_1429 : vector<16xf32>
          %add3A_1431 = arith.addf %add3A_1397, %mul3A_1430 : vector<16xf32>
          %mul3A_1432 = arith.mulf %mul3A_1430, %get3A_1429 : vector<16xf32>
          %add3A_1433 = arith.addf %add3A_1399, %mul3A_1432 : vector<16xf32>
          %get3A_1434 = arith.index_cast %add3A_1422 : i32 to index
          %get3A_1435 = arith.constant 16 : index
          %get3A_1436 = tpu.vector_load %arg11[%get3A_1434, %get3A_1435] {strides = array<i32>} : memref<160x64xf32, #tpu.memory_space<vmem>>, vector<16xf32>,
          %mul3A_1437 = arith.mulf %gather3A_1426, %get3A_1436 : vector<16xf32>
          %add3A_1438 = arith.addf %add3A_1404, %mul3A_1437 : vector<16xf32>
          %mul3A_1439 = arith.mulf %mul3A_1437, %get3A_1436 : vector<16xf32>
          %add3A_1440 = arith.addf %add3A_1406, %mul3A_1439 : vector<16xf32>
          %get3A_1441 = arith.index_cast %add3A_1422 : i32 to index
          %get3A_1442 = arith.constant 32 : index
          %get3A_1443 = tpu.vector_load %arg11[%get3A_1441, %get3A_1442] {strides = array<i32>} : memref<160x64xf32, #tpu.memory_space<vmem>>, vector<16xf32>,
          %mul3A_1444 = arith.mulf %gather3A_1426, %get3A_1443 : vector<16xf32>
          %add3A_1445 = arith.addf %add3A_1411, %mul3A_1444 : vector<16xf32>
          %mul3A_1446 = arith.mulf %mul3A_1444, %get3A_1443 : vector<16xf32>
          %add3A_1447 = arith.addf %add3A_1413, %mul3A_1446 : vector<16xf32>
          %get3A_1448 = arith.index_cast %add3A_1422 : i32 to index
          %get3A_1449 = arith.constant 48 : index
          %get3A_1450 = tpu.vector_load %arg11[%get3A_1448, %get3A_1449] {strides = array<i32>} : memref<160x64xf32, #tpu.memory_space<vmem>>, vector<16xf32>,
          %mul3A_1451 = arith.mulf %gather3A_1426, %get3A_1450 : vector<16xf32>
          %add3A_1452 = arith.addf %add3A_1418, %mul3A_1451 : vector<16xf32>
          %mul3A_1453 = arith.mulf %mul3A_1451, %get3A_1450 : vector<16xf32>
          %add3A_1454 = arith.addf %add3A_1420, %mul3A_1453 : vector<16xf32>
          %add3A_1455 = arith.constant 9 : i32
          %add3A_1456 = arith.addi %mul3A_319, %add3A_1455 : i32
          %broadcast_in_dim3A_1457 = arith.constant 9 : i32
          %broadcast_in_dim3A_1458 = vector.broadcast %broadcast_in_dim3A_1457 : i32 to vector<16x1xi32>
          %gather3A_1459 = vector.shape_cast %broadcast_in_dim3A_1458 : vector<16x1xi32> to vector<16xi32>
          %gather3A_1460 = tpu.dynamic_gather %select_n3A_346[%gather3A_1459] in [0] : vector<16xf32>, vector<16xi32> -> vector<16xf32>
          %get3A_1461 = arith.index_cast %add3A_1456 : i32 to index
          %get3A_1462 = arith.constant 0 : index
          %get3A_1463 = tpu.vector_load %arg11[%get3A_1461, %get3A_1462] {strides = array<i32>} : memref<160x64xf32, #tpu.memory_space<vmem>>, vector<16xf32>,
          %mul3A_1464 = arith.mulf %gather3A_1460, %get3A_1463 : vector<16xf32>
          %add3A_1465 = arith.addf %add3A_1431, %mul3A_1464 : vector<16xf32>
          %mul3A_1466 = arith.mulf %mul3A_1464, %get3A_1463 : vector<16xf32>
          %add3A_1467 = arith.addf %add3A_1433, %mul3A_1466 : vector<16xf32>
          %get3A_1468 = arith.index_cast %add3A_1456 : i32 to index
          %get3A_1469 = arith.constant 16 : index
          %get3A_1470 = tpu.vector_load %arg11[%get3A_1468, %get3A_1469] {strides = array<i32>} : memref<160x64xf32, #tpu.memory_space<vmem>>, vector<16xf32>,
          %mul3A_1471 = arith.mulf %gather3A_1460, %get3A_1470 : vector<16xf32>
          %add3A_1472 = arith.addf %add3A_1438, %mul3A_1471 : vector<16xf32>
          %mul3A_1473 = arith.mulf %mul3A_1471, %get3A_1470 : vector<16xf32>
          %add3A_1474 = arith.addf %add3A_1440, %mul3A_1473 : vector<16xf32>
          %get3A_1475 = arith.index_cast %add3A_1456 : i32 to index
          %get3A_1476 = arith.constant 32 : index
          %get3A_1477 = tpu.vector_load %arg11[%get3A_1475, %get3A_1476] {strides = array<i32>} : memref<160x64xf32, #tpu.memory_space<vmem>>, vector<16xf32>,
          %mul3A_1478 = arith.mulf %gather3A_1460, %get3A_1477 : vector<16xf32>
          %add3A_1479 = arith.addf %add3A_1445, %mul3A_1478 : vector<16xf32>
          %mul3A_1480 = arith.mulf %mul3A_1478, %get3A_1477 : vector<16xf32>
          %add3A_1481 = arith.addf %add3A_1447, %mul3A_1480 : vector<16xf32>
          %get3A_1482 = arith.index_cast %add3A_1456 : i32 to index
          %get3A_1483 = arith.constant 48 : index
          %get3A_1484 = tpu.vector_load %arg11[%get3A_1482, %get3A_1483] {strides = array<i32>} : memref<160x64xf32, #tpu.memory_space<vmem>>, vector<16xf32>,
          %mul3A_1485 = arith.mulf %gather3A_1460, %get3A_1484 : vector<16xf32>
          %add3A_1486 = arith.addf %add3A_1452, %mul3A_1485 : vector<16xf32>
          %mul3A_1487 = arith.mulf %mul3A_1485, %get3A_1484 : vector<16xf32>
          %add3A_1488 = arith.addf %add3A_1454, %mul3A_1487 : vector<16xf32>
          %add3A_1489 = arith.constant 10 : i32
          %add3A_1490 = arith.addi %mul3A_319, %add3A_1489 : i32
          %broadcast_in_dim3A_1491 = arith.constant 10 : i32
          %broadcast_in_dim3A_1492 = vector.broadcast %broadcast_in_dim3A_1491 : i32 to vector<16x1xi32>
          %gather3A_1493 = vector.shape_cast %broadcast_in_dim3A_1492 : vector<16x1xi32> to vector<16xi32>
          %gather3A_1494 = tpu.dynamic_gather %select_n3A_346[%gather3A_1493] in [0] : vector<16xf32>, vector<16xi32> -> vector<16xf32>
          %get3A_1495 = arith.index_cast %add3A_1490 : i32 to index
          %get3A_1496 = arith.constant 0 : index
          %get3A_1497 = tpu.vector_load %arg11[%get3A_1495, %get3A_1496] {strides = array<i32>} : memref<160x64xf32, #tpu.memory_space<vmem>>, vector<16xf32>,
          %mul3A_1498 = arith.mulf %gather3A_1494, %get3A_1497 : vector<16xf32>
          %add3A_1499 = arith.addf %add3A_1465, %mul3A_1498 : vector<16xf32>
          %mul3A_1500 = arith.mulf %mul3A_1498, %get3A_1497 : vector<16xf32>
          %add3A_1501 = arith.addf %add3A_1467, %mul3A_1500 : vector<16xf32>
          %get3A_1502 = arith.index_cast %add3A_1490 : i32 to index
          %get3A_1503 = arith.constant 16 : index
          %get3A_1504 = tpu.vector_load %arg11[%get3A_1502, %get3A_1503] {strides = array<i32>} : memref<160x64xf32, #tpu.memory_space<vmem>>, vector<16xf32>,
          %mul3A_1505 = arith.mulf %gather3A_1494, %get3A_1504 : vector<16xf32>
          %add3A_1506 = arith.addf %add3A_1472, %mul3A_1505 : vector<16xf32>
          %mul3A_1507 = arith.mulf %mul3A_1505, %get3A_1504 : vector<16xf32>
          %add3A_1508 = arith.addf %add3A_1474, %mul3A_1507 : vector<16xf32>
          %get3A_1509 = arith.index_cast %add3A_1490 : i32 to index
          %get3A_1510 = arith.constant 32 : index
          %get3A_1511 = tpu.vector_load %arg11[%get3A_1509, %get3A_1510] {strides = array<i32>} : memref<160x64xf32, #tpu.memory_space<vmem>>, vector<16xf32>,
          %mul3A_1512 = arith.mulf %gather3A_1494, %get3A_1511 : vector<16xf32>
          %add3A_1513 = arith.addf %add3A_1479, %mul3A_1512 : vector<16xf32>
          %mul3A_1514 = arith.mulf %mul3A_1512, %get3A_1511 : vector<16xf32>
          %add3A_1515 = arith.addf %add3A_1481, %mul3A_1514 : vector<16xf32>
          %get3A_1516 = arith.index_cast %add3A_1490 : i32 to index
          %get3A_1517 = arith.constant 48 : index
          %get3A_1518 = tpu.vector_load %arg11[%get3A_1516, %get3A_1517] {strides = array<i32>} : memref<160x64xf32, #tpu.memory_space<vmem>>, vector<16xf32>,
          %mul3A_1519 = arith.mulf %gather3A_1494, %get3A_1518 : vector<16xf32>
          %add3A_1520 = arith.addf %add3A_1486, %mul3A_1519 : vector<16xf32>
          %mul3A_1521 = arith.mulf %mul3A_1519, %get3A_1518 : vector<16xf32>
          %add3A_1522 = arith.addf %add3A_1488, %mul3A_1521 : vector<16xf32>
          %add3A_1523 = arith.constant 11 : i32
          %add3A_1524 = arith.addi %mul3A_319, %add3A_1523 : i32
          %broadcast_in_dim3A_1525 = arith.constant 11 : i32
          %broadcast_in_dim3A_1526 = vector.broadcast %broadcast_in_dim3A_1525 : i32 to vector<16x1xi32>
          %gather3A_1527 = vector.shape_cast %broadcast_in_dim3A_1526 : vector<16x1xi32> to vector<16xi32>
          %gather3A_1528 = tpu.dynamic_gather %select_n3A_346[%gather3A_1527] in [0] : vector<16xf32>, vector<16xi32> -> vector<16xf32>
          %get3A_1529 = arith.index_cast %add3A_1524 : i32 to index
          %get3A_1530 = arith.constant 0 : index
          %get3A_1531 = tpu.vector_load %arg11[%get3A_1529, %get3A_1530] {strides = array<i32>} : memref<160x64xf32, #tpu.memory_space<vmem>>, vector<16xf32>,
          %mul3A_1532 = arith.mulf %gather3A_1528, %get3A_1531 : vector<16xf32>
          %add3A_1533 = arith.addf %add3A_1499, %mul3A_1532 : vector<16xf32>
          %mul3A_1534 = arith.mulf %mul3A_1532, %get3A_1531 : vector<16xf32>
          %add3A_1535 = arith.addf %add3A_1501, %mul3A_1534 : vector<16xf32>
          %get3A_1536 = arith.index_cast %add3A_1524 : i32 to index
          %get3A_1537 = arith.constant 16 : index
          %get3A_1538 = tpu.vector_load %arg11[%get3A_1536, %get3A_1537] {strides = array<i32>} : memref<160x64xf32, #tpu.memory_space<vmem>>, vector<16xf32>,
          %mul3A_1539 = arith.mulf %gather3A_1528, %get3A_1538 : vector<16xf32>
          %add3A_1540 = arith.addf %add3A_1506, %mul3A_1539 : vector<16xf32>
          %mul3A_1541 = arith.mulf %mul3A_1539, %get3A_1538 : vector<16xf32>
          %add3A_1542 = arith.addf %add3A_1508, %mul3A_1541 : vector<16xf32>
          %get3A_1543 = arith.index_cast %add3A_1524 : i32 to index
          %get3A_1544 = arith.constant 32 : index
          %get3A_1545 = tpu.vector_load %arg11[%get3A_1543, %get3A_1544] {strides = array<i32>} : memref<160x64xf32, #tpu.memory_space<vmem>>, vector<16xf32>,
          %mul3A_1546 = arith.mulf %gather3A_1528, %get3A_1545 : vector<16xf32>
          %add3A_1547 = arith.addf %add3A_1513, %mul3A_1546 : vector<16xf32>
          %mul3A_1548 = arith.mulf %mul3A_1546, %get3A_1545 : vector<16xf32>
          %add3A_1549 = arith.addf %add3A_1515, %mul3A_1548 : vector<16xf32>
          %get3A_1550 = arith.index_cast %add3A_1524 : i32 to index
          %get3A_1551 = arith.constant 48 : index
          %get3A_1552 = tpu.vector_load %arg11[%get3A_1550, %get3A_1551] {strides = array<i32>} : memref<160x64xf32, #tpu.memory_space<vmem>>, vector<16xf32>,
          %mul3A_1553 = arith.mulf %gather3A_1528, %get3A_1552 : vector<16xf32>
          %add3A_1554 = arith.addf %add3A_1520, %mul3A_1553 : vector<16xf32>
          %mul3A_1555 = arith.mulf %mul3A_1553, %get3A_1552 : vector<16xf32>
          %add3A_1556 = arith.addf %add3A_1522, %mul3A_1555 : vector<16xf32>
          %add3A_1557 = arith.constant 12 : i32
          %add3A_1558 = arith.addi %mul3A_319, %add3A_1557 : i32
          %broadcast_in_dim3A_1559 = arith.constant 12 : i32
          %broadcast_in_dim3A_1560 = vector.broadcast %broadcast_in_dim3A_1559 : i32 to vector<16x1xi32>
          %gather3A_1561 = vector.shape_cast %broadcast_in_dim3A_1560 : vector<16x1xi32> to vector<16xi32>
          %gather3A_1562 = tpu.dynamic_gather %select_n3A_346[%gather3A_1561] in [0] : vector<16xf32>, vector<16xi32> -> vector<16xf32>
          %get3A_1563 = arith.index_cast %add3A_1558 : i32 to index
          %get3A_1564 = arith.constant 0 : index
          %get3A_1565 = tpu.vector_load %arg11[%get3A_1563, %get3A_1564] {strides = array<i32>} : memref<160x64xf32, #tpu.memory_space<vmem>>, vector<16xf32>,
          %mul3A_1566 = arith.mulf %gather3A_1562, %get3A_1565 : vector<16xf32>
          %add3A_1567 = arith.addf %add3A_1533, %mul3A_1566 : vector<16xf32>
          %mul3A_1568 = arith.mulf %mul3A_1566, %get3A_1565 : vector<16xf32>
          %add3A_1569 = arith.addf %add3A_1535, %mul3A_1568 : vector<16xf32>
          %get3A_1570 = arith.index_cast %add3A_1558 : i32 to index
          %get3A_1571 = arith.constant 16 : index
          %get3A_1572 = tpu.vector_load %arg11[%get3A_1570, %get3A_1571] {strides = array<i32>} : memref<160x64xf32, #tpu.memory_space<vmem>>, vector<16xf32>,
          %mul3A_1573 = arith.mulf %gather3A_1562, %get3A_1572 : vector<16xf32>
          %add3A_1574 = arith.addf %add3A_1540, %mul3A_1573 : vector<16xf32>
          %mul3A_1575 = arith.mulf %mul3A_1573, %get3A_1572 : vector<16xf32>
          %add3A_1576 = arith.addf %add3A_1542, %mul3A_1575 : vector<16xf32>
          %get3A_1577 = arith.index_cast %add3A_1558 : i32 to index
          %get3A_1578 = arith.constant 32 : index
          %get3A_1579 = tpu.vector_load %arg11[%get3A_1577, %get3A_1578] {strides = array<i32>} : memref<160x64xf32, #tpu.memory_space<vmem>>, vector<16xf32>,
          %mul3A_1580 = arith.mulf %gather3A_1562, %get3A_1579 : vector<16xf32>
          %add3A_1581 = arith.addf %add3A_1547, %mul3A_1580 : vector<16xf32>
          %mul3A_1582 = arith.mulf %mul3A_1580, %get3A_1579 : vector<16xf32>
          %add3A_1583 = arith.addf %add3A_1549, %mul3A_1582 : vector<16xf32>
          %get3A_1584 = arith.index_cast %add3A_1558 : i32 to index
          %get3A_1585 = arith.constant 48 : index
          %get3A_1586 = tpu.vector_load %arg11[%get3A_1584, %get3A_1585] {strides = array<i32>} : memref<160x64xf32, #tpu.memory_space<vmem>>, vector<16xf32>,
          %mul3A_1587 = arith.mulf %gather3A_1562, %get3A_1586 : vector<16xf32>
          %add3A_1588 = arith.addf %add3A_1554, %mul3A_1587 : vector<16xf32>
          %mul3A_1589 = arith.mulf %mul3A_1587, %get3A_1586 : vector<16xf32>
          %add3A_1590 = arith.addf %add3A_1556, %mul3A_1589 : vector<16xf32>
          %add3A_1591 = arith.constant 13 : i32
          %add3A_1592 = arith.addi %mul3A_319, %add3A_1591 : i32
          %broadcast_in_dim3A_1593 = arith.constant 13 : i32
          %broadcast_in_dim3A_1594 = vector.broadcast %broadcast_in_dim3A_1593 : i32 to vector<16x1xi32>
          %gather3A_1595 = vector.shape_cast %broadcast_in_dim3A_1594 : vector<16x1xi32> to vector<16xi32>
          %gather3A_1596 = tpu.dynamic_gather %select_n3A_346[%gather3A_1595] in [0] : vector<16xf32>, vector<16xi32> -> vector<16xf32>
          %get3A_1597 = arith.index_cast %add3A_1592 : i32 to index
          %get3A_1598 = arith.constant 0 : index
          %get3A_1599 = tpu.vector_load %arg11[%get3A_1597, %get3A_1598] {strides = array<i32>} : memref<160x64xf32, #tpu.memory_space<vmem>>, vector<16xf32>,
          %mul3A_1600 = arith.mulf %gather3A_1596, %get3A_1599 : vector<16xf32>
          %add3A_1601 = arith.addf %add3A_1567, %mul3A_1600 : vector<16xf32>
          %mul3A_1602 = arith.mulf %mul3A_1600, %get3A_1599 : vector<16xf32>
          %add3A_1603 = arith.addf %add3A_1569, %mul3A_1602 : vector<16xf32>
          %get3A_1604 = arith.index_cast %add3A_1592 : i32 to index
          %get3A_1605 = arith.constant 16 : index
          %get3A_1606 = tpu.vector_load %arg11[%get3A_1604, %get3A_1605] {strides = array<i32>} : memref<160x64xf32, #tpu.memory_space<vmem>>, vector<16xf32>,
          %mul3A_1607 = arith.mulf %gather3A_1596, %get3A_1606 : vector<16xf32>
          %add3A_1608 = arith.addf %add3A_1574, %mul3A_1607 : vector<16xf32>
          %mul3A_1609 = arith.mulf %mul3A_1607, %get3A_1606 : vector<16xf32>
          %add3A_1610 = arith.addf %add3A_1576, %mul3A_1609 : vector<16xf32>
          %get3A_1611 = arith.index_cast %add3A_1592 : i32 to index
          %get3A_1612 = arith.constant 32 : index
          %get3A_1613 = tpu.vector_load %arg11[%get3A_1611, %get3A_1612] {strides = array<i32>} : memref<160x64xf32, #tpu.memory_space<vmem>>, vector<16xf32>,
          %mul3A_1614 = arith.mulf %gather3A_1596, %get3A_1613 : vector<16xf32>
          %add3A_1615 = arith.addf %add3A_1581, %mul3A_1614 : vector<16xf32>
          %mul3A_1616 = arith.mulf %mul3A_1614, %get3A_1613 : vector<16xf32>
          %add3A_1617 = arith.addf %add3A_1583, %mul3A_1616 : vector<16xf32>
          %get3A_1618 = arith.index_cast %add3A_1592 : i32 to index
          %get3A_1619 = arith.constant 48 : index
          %get3A_1620 = tpu.vector_load %arg11[%get3A_1618, %get3A_1619] {strides = array<i32>} : memref<160x64xf32, #tpu.memory_space<vmem>>, vector<16xf32>,
          %mul3A_1621 = arith.mulf %gather3A_1596, %get3A_1620 : vector<16xf32>
          %add3A_1622 = arith.addf %add3A_1588, %mul3A_1621 : vector<16xf32>
          %mul3A_1623 = arith.mulf %mul3A_1621, %get3A_1620 : vector<16xf32>
          %add3A_1624 = arith.addf %add3A_1590, %mul3A_1623 : vector<16xf32>
          %add3A_1625 = arith.constant 14 : i32
          %add3A_1626 = arith.addi %mul3A_319, %add3A_1625 : i32
          %broadcast_in_dim3A_1627 = arith.constant 14 : i32
          %broadcast_in_dim3A_1628 = vector.broadcast %broadcast_in_dim3A_1627 : i32 to vector<16x1xi32>
          %gather3A_1629 = vector.shape_cast %broadcast_in_dim3A_1628 : vector<16x1xi32> to vector<16xi32>
          %gather3A_1630 = tpu.dynamic_gather %select_n3A_346[%gather3A_1629] in [0] : vector<16xf32>, vector<16xi32> -> vector<16xf32>
          %get3A_1631 = arith.index_cast %add3A_1626 : i32 to index
          %get3A_1632 = arith.constant 0 : index
          %get3A_1633 = tpu.vector_load %arg11[%get3A_1631, %get3A_1632] {strides = array<i32>} : memref<160x64xf32, #tpu.memory_space<vmem>>, vector<16xf32>,
          %mul3A_1634 = arith.mulf %gather3A_1630, %get3A_1633 : vector<16xf32>
          %add3A_1635 = arith.addf %add3A_1601, %mul3A_1634 : vector<16xf32>
          %mul3A_1636 = arith.mulf %mul3A_1634, %get3A_1633 : vector<16xf32>
          %add3A_1637 = arith.addf %add3A_1603, %mul3A_1636 : vector<16xf32>
          %get3A_1638 = arith.index_cast %add3A_1626 : i32 to index
          %get3A_1639 = arith.constant 16 : index
          %get3A_1640 = tpu.vector_load %arg11[%get3A_1638, %get3A_1639] {strides = array<i32>} : memref<160x64xf32, #tpu.memory_space<vmem>>, vector<16xf32>,
          %mul3A_1641 = arith.mulf %gather3A_1630, %get3A_1640 : vector<16xf32>
          %add3A_1642 = arith.addf %add3A_1608, %mul3A_1641 : vector<16xf32>
          %mul3A_1643 = arith.mulf %mul3A_1641, %get3A_1640 : vector<16xf32>
          %add3A_1644 = arith.addf %add3A_1610, %mul3A_1643 : vector<16xf32>
          %get3A_1645 = arith.index_cast %add3A_1626 : i32 to index
          %get3A_1646 = arith.constant 32 : index
          %get3A_1647 = tpu.vector_load %arg11[%get3A_1645, %get3A_1646] {strides = array<i32>} : memref<160x64xf32, #tpu.memory_space<vmem>>, vector<16xf32>,
          %mul3A_1648 = arith.mulf %gather3A_1630, %get3A_1647 : vector<16xf32>
          %add3A_1649 = arith.addf %add3A_1615, %mul3A_1648 : vector<16xf32>
          %mul3A_1650 = arith.mulf %mul3A_1648, %get3A_1647 : vector<16xf32>
          %add3A_1651 = arith.addf %add3A_1617, %mul3A_1650 : vector<16xf32>
          %get3A_1652 = arith.index_cast %add3A_1626 : i32 to index
          %get3A_1653 = arith.constant 48 : index
          %get3A_1654 = tpu.vector_load %arg11[%get3A_1652, %get3A_1653] {strides = array<i32>} : memref<160x64xf32, #tpu.memory_space<vmem>>, vector<16xf32>,
          %mul3A_1655 = arith.mulf %gather3A_1630, %get3A_1654 : vector<16xf32>
          %add3A_1656 = arith.addf %add3A_1622, %mul3A_1655 : vector<16xf32>
          %mul3A_1657 = arith.mulf %mul3A_1655, %get3A_1654 : vector<16xf32>
          %add3A_1658 = arith.addf %add3A_1624, %mul3A_1657 : vector<16xf32>
          %add3A_1659 = arith.constant 15 : i32
          %add3A_1660 = arith.addi %mul3A_319, %add3A_1659 : i32
          %broadcast_in_dim3A_1661 = arith.constant 15 : i32
          %broadcast_in_dim3A_1662 = vector.broadcast %broadcast_in_dim3A_1661 : i32 to vector<16x1xi32>
          %gather3A_1663 = vector.shape_cast %broadcast_in_dim3A_1662 : vector<16x1xi32> to vector<16xi32>
          %gather3A_1664 = tpu.dynamic_gather %select_n3A_346[%gather3A_1663] in [0] : vector<16xf32>, vector<16xi32> -> vector<16xf32>
          %get3A_1665 = arith.index_cast %add3A_1660 : i32 to index
          %get3A_1666 = arith.constant 0 : index
          %get3A_1667 = tpu.vector_load %arg11[%get3A_1665, %get3A_1666] {strides = array<i32>} : memref<160x64xf32, #tpu.memory_space<vmem>>, vector<16xf32>,
          %mul3A_1668 = arith.mulf %gather3A_1664, %get3A_1667 : vector<16xf32>
          %add3A_1669 = arith.addf %add3A_1635, %mul3A_1668 : vector<16xf32>
          %mul3A_1670 = arith.mulf %mul3A_1668, %get3A_1667 : vector<16xf32>
          %add3A_1671 = arith.addf %add3A_1637, %mul3A_1670 : vector<16xf32>
          %get3A_1672 = arith.index_cast %add3A_1660 : i32 to index
          %get3A_1673 = arith.constant 16 : index
          %get3A_1674 = tpu.vector_load %arg11[%get3A_1672, %get3A_1673] {strides = array<i32>} : memref<160x64xf32, #tpu.memory_space<vmem>>, vector<16xf32>,
          %mul3A_1675 = arith.mulf %gather3A_1664, %get3A_1674 : vector<16xf32>
          %add3A_1676 = arith.addf %add3A_1642, %mul3A_1675 : vector<16xf32>
          %mul3A_1677 = arith.mulf %mul3A_1675, %get3A_1674 : vector<16xf32>
          %add3A_1678 = arith.addf %add3A_1644, %mul3A_1677 : vector<16xf32>
          %get3A_1679 = arith.index_cast %add3A_1660 : i32 to index
          %get3A_1680 = arith.constant 32 : index
          %get3A_1681 = tpu.vector_load %arg11[%get3A_1679, %get3A_1680] {strides = array<i32>} : memref<160x64xf32, #tpu.memory_space<vmem>>, vector<16xf32>,
          %mul3A_1682 = arith.mulf %gather3A_1664, %get3A_1681 : vector<16xf32>
          %add3A_1683 = arith.addf %add3A_1649, %mul3A_1682 : vector<16xf32>
          %mul3A_1684 = arith.mulf %mul3A_1682, %get3A_1681 : vector<16xf32>
          %add3A_1685 = arith.addf %add3A_1651, %mul3A_1684 : vector<16xf32>
          %get3A_1686 = arith.index_cast %add3A_1660 : i32 to index
          %get3A_1687 = arith.constant 48 : index
          %get3A_1688 = tpu.vector_load %arg11[%get3A_1686, %get3A_1687] {strides = array<i32>} : memref<160x64xf32, #tpu.memory_space<vmem>>, vector<16xf32>,
          %mul3A_1689 = arith.mulf %gather3A_1664, %get3A_1688 : vector<16xf32>
          %add3A_1690 = arith.addf %add3A_1656, %mul3A_1689 : vector<16xf32>
          %mul3A_1691 = arith.mulf %mul3A_1689, %get3A_1688 : vector<16xf32>
          %add3A_1692 = arith.addf %add3A_1658, %mul3A_1691 : vector<16xf32>
          scf.yield %add3A_1669, %add3A_1676, %add3A_1683, %add3A_1690, %add3A_1671, %add3A_1678, %add3A_1685, %add3A_1692 : vector<16xf32>, vector<16xf32>, vector<16xf32>, vector<16xf32>, vector<16xf32>, vector<16xf32>, vector<16xf32>, vector<16xf32>
        } else {
          scf.yield %scan3A_310, %scan3A_311, %scan3A_312, %scan3A_313, %scan3A_314, %scan3A_315, %scan3A_316, %scan3A_317 : vector<16xf32>, vector<16xf32>, vector<16xf32>, vector<16xf32>, vector<16xf32>, vector<16xf32>, vector<16xf32>, vector<16xf32>
        }
        scf.yield %add3A_1110, %add3A_1120, %add3A_1130, %add3A_1140, %add3A_1115, %add3A_1125, %add3A_1135, %add3A_1145, %cond3A_1148#0, %cond3A_1148#1, %cond3A_1148#2, %cond3A_1148#3, %cond3A_1148#4, %cond3A_1148#5, %cond3A_1148#6, %cond3A_1148#7 : vector<16xf32>, vector<16xf32>, vector<16xf32>, vector<16xf32>, vector<16xf32>, vector<16xf32>, vector<16xf32>, vector<16xf32>, vector<16xf32>, vector<16xf32>, vector<16xf32>, vector<16xf32>, vector<16xf32>, vector<16xf32>, vector<16xf32>, vector<16xf32>
      }
      %scan3A_241 = arith.constant 10 : i32
      %add3A_242 = arith.constant 2 : i32
      %add3A_243 = arith.addi %add3A_216, %add3A_242 : i32
      %mul3A_244 = arith.constant 160 : i32
      %mul3A_245 = arith.muli %add3A_243, %mul3A_244 : i32
      %add3A_246 = arith.addi %mul3A_2, %mul3A_245 : i32
      %min3A_247 = arith.constant 99840 : i32
      %min3A_248 = arith.minsi %add3A_246, %min3A_247 : i32
      %dma_start3A_249 = arith.constant 0 : i32
      %dma_start3A_250 = tpu.memref_slice %arg3[%min3A_248, %dma_start3A_249] : memref<100000x64xf32, #tpu.memory_space<hbm>> -> memref<160x64xf32, #tpu.memory_space<hbm>>
      %dma_start3A_251 = arith.constant 0 : i32
      %dma_start3A_252 = tpu.memref_slice %arg3[%min3A_248, %dma_start3A_251] : memref<100000x64xf32, #tpu.memory_space<hbm>> -> memref<160x64xf32, #tpu.memory_space<hbm>>
      tpu.enqueue_dma source(%dma_start3A_252 : memref<160x64xf32, #tpu.memory_space<hbm>>) target(%arg9 : memref<160x64xf32, #tpu.memory_space<vmem>>) target_semaphore(%arg14 : memref<!tpu.dma_semaphore, #tpu.memory_space<semaphore_mem>>)
      %dma_start3A_253 = arith.constant 0 : i32
      %dma_start3A_254 = tpu.memref_slice %arg4[%min3A_248, %dma_start3A_253] : memref<100000x64xf32, #tpu.memory_space<hbm>> -> memref<160x64xf32, #tpu.memory_space<hbm>>
      %dma_start3A_255 = arith.constant 0 : i32
      %dma_start3A_256 = tpu.memref_slice %arg4[%min3A_248, %dma_start3A_255] : memref<100000x64xf32, #tpu.memory_space<hbm>> -> memref<160x64xf32, #tpu.memory_space<hbm>>
      tpu.enqueue_dma source(%dma_start3A_256 : memref<160x64xf32, #tpu.memory_space<hbm>>) target(%arg11 : memref<160x64xf32, #tpu.memory_space<vmem>>) target_semaphore(%arg16 : memref<!tpu.dma_semaphore, #tpu.memory_space<semaphore_mem>>)
      %mul3A_257 = arith.constant 2 : i32
      %mul3A_258 = arith.muli %mul3A_257, %scan3A_196 : i32
      %add3A_259 = arith.constant 1 : i32
      %add3A_260 = arith.addi %mul3A_258, %add3A_259 : i32
      %mul3A_261 = arith.constant 160 : i32
      %mul3A_262 = arith.muli %add3A_260, %mul3A_261 : i32
      %add3A_263 = arith.addi %mul3A_2, %mul3A_262 : i32
      %min3A_264 = arith.constant 99840 : i32
      %min3A_265 = arith.minsi %add3A_263, %min3A_264 : i32
      %dma_wait3A_266 = arith.constant 0 : i32
      %dma_wait3A_267 = tpu.memref_slice %arg3[%min3A_265, %dma_wait3A_266] : memref<100000x64xf32, #tpu.memory_space<hbm>> -> memref<160x64xf32, #tpu.memory_space<hbm>>
      %dma_wait3A_268 = arith.constant 0 : i32
      %dma_wait3A_269 = tpu.memref_slice %arg3[%min3A_265, %dma_wait3A_268] : memref<100000x64xf32, #tpu.memory_space<hbm>> -> memref<160x64xf32, #tpu.memory_space<hbm>>
      tpu.wait_dma2 semaphore(%arg15 : memref<!tpu.dma_semaphore, #tpu.memory_space<semaphore_mem>>) src(%dma_wait3A_269 : memref<160x64xf32, #tpu.memory_space<hbm>>) dst(%arg10 : memref<160x64xf32, #tpu.memory_space<vmem>>)
      %dma_wait3A_270 = arith.constant 0 : i32
      %dma_wait3A_271 = tpu.memref_slice %arg4[%min3A_265, %dma_wait3A_270] : memref<100000x64xf32, #tpu.memory_space<hbm>> -> memref<160x64xf32, #tpu.memory_space<hbm>>
      %dma_wait3A_272 = arith.constant 0 : i32
      %dma_wait3A_273 = tpu.memref_slice %arg4[%min3A_265, %dma_wait3A_272] : memref<100000x64xf32, #tpu.memory_space<hbm>> -> memref<160x64xf32, #tpu.memory_space<hbm>>
      tpu.wait_dma2 semaphore(%arg17 : memref<!tpu.dma_semaphore, #tpu.memory_space<semaphore_mem>>) src(%dma_wait3A_273 : memref<160x64xf32, #tpu.memory_space<hbm>>) dst(%arg12 : memref<160x64xf32, #tpu.memory_space<vmem>>)
      %mul3A_274 = arith.constant 160 : i32
      %mul3A_275 = arith.muli %add3A_260, %mul3A_274 : i32
      %add3A_276 = arith.addi %mul3A_2, %mul3A_275 : i32
      %min3A_277 = arith.constant 99840 : i32
      %min3A_278 = arith.minsi %add3A_276, %min3A_277 : i32
      %sub3A_279 = arith.subi %min3A_278, %mul3A_2 : i32
      %scan3A_280 = arith.constant 0 : i32
      %scan3A_281 = arith.constant 10 : i32
      %scan3A_282 = arith.addi %scan3A_280, %scan3A_281 : i32
      %scan3A_283 = arith.constant 1 : i32
      %scan3A_284:16 = scf.for %scan3A_301 = %scan3A_280 to %scan3A_282 step %scan3A_283 iter_args(%scan3A_302 = %scan3A_240#0, %scan3A_303 = %scan3A_240#1, %scan3A_304 = %scan3A_240#2, %scan3A_305 = %scan3A_240#3, %scan3A_306 = %scan3A_240#4, %scan3A_307 = %scan3A_240#5, %scan3A_308 = %scan3A_240#6, %scan3A_309 = %scan3A_240#7, %scan3A_310 = %scan3A_240#8, %scan3A_311 = %scan3A_240#9, %scan3A_312 = %scan3A_240#10, %scan3A_313 = %scan3A_240#11, %scan3A_314 = %scan3A_240#12, %scan3A_315 = %scan3A_240#13, %scan3A_316 = %scan3A_240#14, %scan3A_317 = %scan3A_240#15) -> (vector<16xf32>, vector<16xf32>, vector<16xf32>, vector<16xf32>, vector<16xf32>, vector<16xf32>, vector<16xf32>, vector<16xf32>, vector<16xf32>, vector<16xf32>, vector<16xf32>, vector<16xf32>, vector<16xf32>, vector<16xf32>, vector<16xf32>, vector<16xf32>)  : i32 {
        %mul3A_318 = arith.constant 16 : i32
        %mul3A_319 = arith.muli %scan3A_301, %mul3A_318 : i32
        %add3A_320 = arith.addi %sub3A_279, %mul3A_319 : i32
        %add3A_321 = vector.broadcast %add3A_320 : i32 to vector<16xi32>
        %add3A_322 = arith.addi %add3A_321, %iota3A : vector<16xi32>
        %mul3A_323 = arith.constant 160 : i32
        %mul3A_324 = arith.muli %add3A_260, %mul3A_323 : i32
        %ge3A = vector.broadcast %mul3A_324 : i32 to vector<16xi32>
        %ge3A_325 = arith.cmpi sge, %add3A_322, %ge3A : vector<16xi32>
        %add3A_326 = vector.broadcast %mul3A_2 : i32 to vector<16xi32>
        %add3A_327 = arith.addi %add3A_326, %add3A_322 : vector<16xi32>
        %lt3A = arith.constant 100000 : i32
        %lt3A_328 = vector.broadcast %lt3A : i32 to vector<16xi32>
        %lt3A_329 = arith.cmpi slt, %add3A_327, %lt3A_328 : vector<16xi32>
        %and3A_330 = arith.andi %ge3A_325, %lt3A_329 : vector<16xi1>
        %add3A_331 = arith.addi %sub3A_23, %add3A_320 : i32
        %get3A = arith.index_cast %add3A_331 : i32 to index
        %get3A_332 = tpu.vector_load %arg6[%get3A] {strides = array<i32>} : memref<3328xf32, #tpu.memory_space<vmem>>, vector<16xf32>,
        %select_n3A_333 = arith.select %and3A_330, %get3A_332, %broadcast_in_dim3A_104 : vector<16xi1>, vector<16xf32>
        %add3A_334 = arith.addi %sub3A_52, %add3A_320 : i32
        %get3A_335 = arith.index_cast %add3A_334 : i32 to index
        %get3A_336 = tpu.vector_load %arg7[%get3A_335] {strides = array<i32>} : memref<3328xf32, #tpu.memory_space<vmem>>, vector<16xf32>,
        %select_n3A_337 = arith.select %and3A_330, %get3A_336, %broadcast_in_dim3A_104 : vector<16xi1>, vector<16xf32>
        %add3A_338 = arith.addi %sub3A_81, %add3A_320 : i32
        %get3A_339 = arith.index_cast %add3A_338 : i32 to index
        %get3A_340 = tpu.vector_load %arg8[%get3A_339] {strides = array<i32>} : memref<3328xf32, #tpu.memory_space<vmem>>, vector<16xf32>,
        %eq3A = arith.constant 1.000000e+00 : f32
        %eq3A_341 = vector.broadcast %eq3A : f32 to vector<16xf32>
        %eq3A_342 = arith.cmpf oeq, %get3A_340, %eq3A_341 : vector<16xf32>
        %and3A_343 = arith.andi %and3A_330, %eq3A_342 : vector<16xi1>
        %jit3A_344 = arith.constant 1.000000e+00 : f32
        %broadcast_in_dim3A_345 = vector.broadcast %jit3A_344 : f32 to vector<16xf32>
        %select_n3A_346 = arith.select %and3A_343, %broadcast_in_dim3A_345, %broadcast_in_dim3A_104 : vector<16xi1>, vector<16xf32>
        %add3A_347 = arith.constant 0 : i32
        %add3A_348 = arith.addi %mul3A_319, %add3A_347 : i32
        %broadcast_in_dim3A_349 = arith.constant 0 : i32
        %broadcast_in_dim3A_350 = vector.broadcast %broadcast_in_dim3A_349 : i32 to vector<16x1xi32>
        %gather3A = vector.shape_cast %broadcast_in_dim3A_350 : vector<16x1xi32> to vector<16xi32>
        %gather3A_351 = tpu.dynamic_gather %select_n3A_333[%gather3A] in [0] : vector<16xf32>, vector<16xi32> -> vector<16xf32>
        %broadcast_in_dim3A_352 = arith.constant 0 : i32
        %broadcast_in_dim3A_353 = vector.broadcast %broadcast_in_dim3A_352 : i32 to vector<16x1xi32>
        %gather3A_354 = vector.shape_cast %broadcast_in_dim3A_353 : vector<16x1xi32> to vector<16xi32>
        %gather3A_355 = tpu.dynamic_gather %select_n3A_337[%gather3A_354] in [0] : vector<16xf32>, vector<16xi32> -> vector<16xf32>
        %get3A_356 = arith.index_cast %add3A_348 : i32 to index
        %get3A_357 = arith.constant 0 : index
        %get3A_358 = tpu.vector_load %arg10[%get3A_356, %get3A_357] {strides = array<i32>} : memref<160x64xf32, #tpu.memory_space<vmem>>, vector<16xf32>,
        %mul3A_359 = arith.mulf %gather3A_351, %get3A_358 : vector<16xf32>
        %add3A_360 = arith.addf %scan3A_302, %mul3A_359 : vector<16xf32>
        %get3A_361 = arith.index_cast %add3A_348 : i32 to index
        %get3A_362 = arith.constant 0 : index
        %get3A_363 = tpu.vector_load %arg12[%get3A_361, %get3A_362] {strides = array<i32>} : memref<160x64xf32, #tpu.memory_space<vmem>>, vector<16xf32>,
        %mul3A_364 = arith.mulf %gather3A_355, %get3A_363 : vector<16xf32>
        %add3A_365 = arith.addf %scan3A_306, %mul3A_364 : vector<16xf32>
        %get3A_366 = arith.index_cast %add3A_348 : i32 to index
        %get3A_367 = arith.constant 16 : index
        %get3A_368 = tpu.vector_load %arg10[%get3A_366, %get3A_367] {strides = array<i32>} : memref<160x64xf32, #tpu.memory_space<vmem>>, vector<16xf32>,
        %mul3A_369 = arith.mulf %gather3A_351, %get3A_368 : vector<16xf32>
        %add3A_370 = arith.addf %scan3A_303, %mul3A_369 : vector<16xf32>
        %get3A_371 = arith.index_cast %add3A_348 : i32 to index
        %get3A_372 = arith.constant 16 : index
        %get3A_373 = tpu.vector_load %arg12[%get3A_371, %get3A_372] {strides = array<i32>} : memref<160x64xf32, #tpu.memory_space<vmem>>, vector<16xf32>,
        %mul3A_374 = arith.mulf %gather3A_355, %get3A_373 : vector<16xf32>
        %add3A_375 = arith.addf %scan3A_307, %mul3A_374 : vector<16xf32>
        %get3A_376 = arith.index_cast %add3A_348 : i32 to index
        %get3A_377 = arith.constant 32 : index
        %get3A_378 = tpu.vector_load %arg10[%get3A_376, %get3A_377] {strides = array<i32>} : memref<160x64xf32, #tpu.memory_space<vmem>>, vector<16xf32>,
        %mul3A_379 = arith.mulf %gather3A_351, %get3A_378 : vector<16xf32>
        %add3A_380 = arith.addf %scan3A_304, %mul3A_379 : vector<16xf32>
        %get3A_381 = arith.index_cast %add3A_348 : i32 to index
        %get3A_382 = arith.constant 32 : index
        %get3A_383 = tpu.vector_load %arg12[%get3A_381, %get3A_382] {strides = array<i32>} : memref<160x64xf32, #tpu.memory_space<vmem>>, vector<16xf32>,
        %mul3A_384 = arith.mulf %gather3A_355, %get3A_383 : vector<16xf32>
        %add3A_385 = arith.addf %scan3A_308, %mul3A_384 : vector<16xf32>
        %get3A_386 = arith.index_cast %add3A_348 : i32 to index
        %get3A_387 = arith.constant 48 : index
        %get3A_388 = tpu.vector_load %arg10[%get3A_386, %get3A_387] {strides = array<i32>} : memref<160x64xf32, #tpu.memory_space<vmem>>, vector<16xf32>,
        %mul3A_389 = arith.mulf %gather3A_351, %get3A_388 : vector<16xf32>
        %add3A_390 = arith.addf %scan3A_305, %mul3A_389 : vector<16xf32>
        %get3A_391 = arith.index_cast %add3A_348 : i32 to index
        %get3A_392 = arith.constant 48 : index
        %get3A_393 = tpu.vector_load %arg12[%get3A_391, %get3A_392] {strides = array<i32>} : memref<160x64xf32, #tpu.memory_space<vmem>>, vector<16xf32>,
        %mul3A_394 = arith.mulf %gather3A_355, %get3A_393 : vector<16xf32>
        %add3A_395 = arith.addf %scan3A_309, %mul3A_394 : vector<16xf32>
        %add3A_396 = arith.constant 1 : i32
        %add3A_397 = arith.addi %mul3A_319, %add3A_396 : i32
        %broadcast_in_dim3A_398 = arith.constant 1 : i32
        %broadcast_in_dim3A_399 = vector.broadcast %broadcast_in_dim3A_398 : i32 to vector<16x1xi32>
        %gather3A_400 = vector.shape_cast %broadcast_in_dim3A_399 : vector<16x1xi32> to vector<16xi32>
        %gather3A_401 = tpu.dynamic_gather %select_n3A_333[%gather3A_400] in [0] : vector<16xf32>, vector<16xi32> -> vector<16xf32>
        %broadcast_in_dim3A_402 = arith.constant 1 : i32
        %broadcast_in_dim3A_403 = vector.broadcast %broadcast_in_dim3A_402 : i32 to vector<16x1xi32>
        %gather3A_404 = vector.shape_cast %broadcast_in_dim3A_403 : vector<16x1xi32> to vector<16xi32>
        %gather3A_405 = tpu.dynamic_gather %select_n3A_337[%gather3A_404] in [0] : vector<16xf32>, vector<16xi32> -> vector<16xf32>
        %get3A_406 = arith.index_cast %add3A_397 : i32 to index
        %get3A_407 = arith.constant 0 : index
        %get3A_408 = tpu.vector_load %arg10[%get3A_406, %get3A_407] {strides = array<i32>} : memref<160x64xf32, #tpu.memory_space<vmem>>, vector<16xf32>,
        %mul3A_409 = arith.mulf %gather3A_401, %get3A_408 : vector<16xf32>
        %add3A_410 = arith.addf %add3A_360, %mul3A_409 : vector<16xf32>
        %get3A_411 = arith.index_cast %add3A_397 : i32 to index
        %get3A_412 = arith.constant 0 : index
        %get3A_413 = tpu.vector_load %arg12[%get3A_411, %get3A_412] {strides = array<i32>} : memref<160x64xf32, #tpu.memory_space<vmem>>, vector<16xf32>,
        %mul3A_414 = arith.mulf %gather3A_405, %get3A_413 : vector<16xf32>
        %add3A_415 = arith.addf %add3A_365, %mul3A_414 : vector<16xf32>
        %get3A_416 = arith.index_cast %add3A_397 : i32 to index
        %get3A_417 = arith.constant 16 : index
        %get3A_418 = tpu.vector_load %arg10[%get3A_416, %get3A_417] {strides = array<i32>} : memref<160x64xf32, #tpu.memory_space<vmem>>, vector<16xf32>,
        %mul3A_419 = arith.mulf %gather3A_401, %get3A_418 : vector<16xf32>
        %add3A_420 = arith.addf %add3A_370, %mul3A_419 : vector<16xf32>
        %get3A_421 = arith.index_cast %add3A_397 : i32 to index
        %get3A_422 = arith.constant 16 : index
        %get3A_423 = tpu.vector_load %arg12[%get3A_421, %get3A_422] {strides = array<i32>} : memref<160x64xf32, #tpu.memory_space<vmem>>, vector<16xf32>,
        %mul3A_424 = arith.mulf %gather3A_405, %get3A_423 : vector<16xf32>
        %add3A_425 = arith.addf %add3A_375, %mul3A_424 : vector<16xf32>
        %get3A_426 = arith.index_cast %add3A_397 : i32 to index
        %get3A_427 = arith.constant 32 : index
        %get3A_428 = tpu.vector_load %arg10[%get3A_426, %get3A_427] {strides = array<i32>} : memref<160x64xf32, #tpu.memory_space<vmem>>, vector<16xf32>,
        %mul3A_429 = arith.mulf %gather3A_401, %get3A_428 : vector<16xf32>
        %add3A_430 = arith.addf %add3A_380, %mul3A_429 : vector<16xf32>
        %get3A_431 = arith.index_cast %add3A_397 : i32 to index
        %get3A_432 = arith.constant 32 : index
        %get3A_433 = tpu.vector_load %arg12[%get3A_431, %get3A_432] {strides = array<i32>} : memref<160x64xf32, #tpu.memory_space<vmem>>, vector<16xf32>,
        %mul3A_434 = arith.mulf %gather3A_405, %get3A_433 : vector<16xf32>
        %add3A_435 = arith.addf %add3A_385, %mul3A_434 : vector<16xf32>
        %get3A_436 = arith.index_cast %add3A_397 : i32 to index
        %get3A_437 = arith.constant 48 : index
        %get3A_438 = tpu.vector_load %arg10[%get3A_436, %get3A_437] {strides = array<i32>} : memref<160x64xf32, #tpu.memory_space<vmem>>, vector<16xf32>,
        %mul3A_439 = arith.mulf %gather3A_401, %get3A_438 : vector<16xf32>
        %add3A_440 = arith.addf %add3A_390, %mul3A_439 : vector<16xf32>
        %get3A_441 = arith.index_cast %add3A_397 : i32 to index
        %get3A_442 = arith.constant 48 : index
        %get3A_443 = tpu.vector_load %arg12[%get3A_441, %get3A_442] {strides = array<i32>} : memref<160x64xf32, #tpu.memory_space<vmem>>, vector<16xf32>,
        %mul3A_444 = arith.mulf %gather3A_405, %get3A_443 : vector<16xf32>
        %add3A_445 = arith.addf %add3A_395, %mul3A_444 : vector<16xf32>
        %add3A_446 = arith.constant 2 : i32
        %add3A_447 = arith.addi %mul3A_319, %add3A_446 : i32
        %broadcast_in_dim3A_448 = arith.constant 2 : i32
        %broadcast_in_dim3A_449 = vector.broadcast %broadcast_in_dim3A_448 : i32 to vector<16x1xi32>
        %gather3A_450 = vector.shape_cast %broadcast_in_dim3A_449 : vector<16x1xi32> to vector<16xi32>
        %gather3A_451 = tpu.dynamic_gather %select_n3A_333[%gather3A_450] in [0] : vector<16xf32>, vector<16xi32> -> vector<16xf32>
        %broadcast_in_dim3A_452 = arith.constant 2 : i32
        %broadcast_in_dim3A_453 = vector.broadcast %broadcast_in_dim3A_452 : i32 to vector<16x1xi32>
        %gather3A_454 = vector.shape_cast %broadcast_in_dim3A_453 : vector<16x1xi32> to vector<16xi32>
        %gather3A_455 = tpu.dynamic_gather %select_n3A_337[%gather3A_454] in [0] : vector<16xf32>, vector<16xi32> -> vector<16xf32>
        %get3A_456 = arith.index_cast %add3A_447 : i32 to index
        %get3A_457 = arith.constant 0 : index
        %get3A_458 = tpu.vector_load %arg10[%get3A_456, %get3A_457] {strides = array<i32>} : memref<160x64xf32, #tpu.memory_space<vmem>>, vector<16xf32>,
        %mul3A_459 = arith.mulf %gather3A_451, %get3A_458 : vector<16xf32>
        %add3A_460 = arith.addf %add3A_410, %mul3A_459 : vector<16xf32>
        %get3A_461 = arith.index_cast %add3A_447 : i32 to index
        %get3A_462 = arith.constant 0 : index
        %get3A_463 = tpu.vector_load %arg12[%get3A_461, %get3A_462] {strides = array<i32>} : memref<160x64xf32, #tpu.memory_space<vmem>>, vector<16xf32>,
        %mul3A_464 = arith.mulf %gather3A_455, %get3A_463 : vector<16xf32>
        %add3A_465 = arith.addf %add3A_415, %mul3A_464 : vector<16xf32>
        %get3A_466 = arith.index_cast %add3A_447 : i32 to index
        %get3A_467 = arith.constant 16 : index
        %get3A_468 = tpu.vector_load %arg10[%get3A_466, %get3A_467] {strides = array<i32>} : memref<160x64xf32, #tpu.memory_space<vmem>>, vector<16xf32>,
        %mul3A_469 = arith.mulf %gather3A_451, %get3A_468 : vector<16xf32>
        %add3A_470 = arith.addf %add3A_420, %mul3A_469 : vector<16xf32>
        %get3A_471 = arith.index_cast %add3A_447 : i32 to index
        %get3A_472 = arith.constant 16 : index
        %get3A_473 = tpu.vector_load %arg12[%get3A_471, %get3A_472] {strides = array<i32>} : memref<160x64xf32, #tpu.memory_space<vmem>>, vector<16xf32>,
        %mul3A_474 = arith.mulf %gather3A_455, %get3A_473 : vector<16xf32>
        %add3A_475 = arith.addf %add3A_425, %mul3A_474 : vector<16xf32>
        %get3A_476 = arith.index_cast %add3A_447 : i32 to index
        %get3A_477 = arith.constant 32 : index
        %get3A_478 = tpu.vector_load %arg10[%get3A_476, %get3A_477] {strides = array<i32>} : memref<160x64xf32, #tpu.memory_space<vmem>>, vector<16xf32>,
        %mul3A_479 = arith.mulf %gather3A_451, %get3A_478 : vector<16xf32>
        %add3A_480 = arith.addf %add3A_430, %mul3A_479 : vector<16xf32>
        %get3A_481 = arith.index_cast %add3A_447 : i32 to index
        %get3A_482 = arith.constant 32 : index
        %get3A_483 = tpu.vector_load %arg12[%get3A_481, %get3A_482] {strides = array<i32>} : memref<160x64xf32, #tpu.memory_space<vmem>>, vector<16xf32>,
        %mul3A_484 = arith.mulf %gather3A_455, %get3A_483 : vector<16xf32>
        %add3A_485 = arith.addf %add3A_435, %mul3A_484 : vector<16xf32>
        %get3A_486 = arith.index_cast %add3A_447 : i32 to index
        %get3A_487 = arith.constant 48 : index
        %get3A_488 = tpu.vector_load %arg10[%get3A_486, %get3A_487] {strides = array<i32>} : memref<160x64xf32, #tpu.memory_space<vmem>>, vector<16xf32>,
        %mul3A_489 = arith.mulf %gather3A_451, %get3A_488 : vector<16xf32>
        %add3A_490 = arith.addf %add3A_440, %mul3A_489 : vector<16xf32>
        %get3A_491 = arith.index_cast %add3A_447 : i32 to index
        %get3A_492 = arith.constant 48 : index
        %get3A_493 = tpu.vector_load %arg12[%get3A_491, %get3A_492] {strides = array<i32>} : memref<160x64xf32, #tpu.memory_space<vmem>>, vector<16xf32>,
        %mul3A_494 = arith.mulf %gather3A_455, %get3A_493 : vector<16xf32>
        %add3A_495 = arith.addf %add3A_445, %mul3A_494 : vector<16xf32>
        %add3A_496 = arith.constant 3 : i32
        %add3A_497 = arith.addi %mul3A_319, %add3A_496 : i32
        %broadcast_in_dim3A_498 = arith.constant 3 : i32
        %broadcast_in_dim3A_499 = vector.broadcast %broadcast_in_dim3A_498 : i32 to vector<16x1xi32>
        %gather3A_500 = vector.shape_cast %broadcast_in_dim3A_499 : vector<16x1xi32> to vector<16xi32>
        %gather3A_501 = tpu.dynamic_gather %select_n3A_333[%gather3A_500] in [0] : vector<16xf32>, vector<16xi32> -> vector<16xf32>
        %broadcast_in_dim3A_502 = arith.constant 3 : i32
        %broadcast_in_dim3A_503 = vector.broadcast %broadcast_in_dim3A_502 : i32 to vector<16x1xi32>
        %gather3A_504 = vector.shape_cast %broadcast_in_dim3A_503 : vector<16x1xi32> to vector<16xi32>
        %gather3A_505 = tpu.dynamic_gather %select_n3A_337[%gather3A_504] in [0] : vector<16xf32>, vector<16xi32> -> vector<16xf32>
        %get3A_506 = arith.index_cast %add3A_497 : i32 to index
        %get3A_507 = arith.constant 0 : index
        %get3A_508 = tpu.vector_load %arg10[%get3A_506, %get3A_507] {strides = array<i32>} : memref<160x64xf32, #tpu.memory_space<vmem>>, vector<16xf32>,
        %mul3A_509 = arith.mulf %gather3A_501, %get3A_508 : vector<16xf32>
        %add3A_510 = arith.addf %add3A_460, %mul3A_509 : vector<16xf32>
        %get3A_511 = arith.index_cast %add3A_497 : i32 to index
        %get3A_512 = arith.constant 0 : index
        %get3A_513 = tpu.vector_load %arg12[%get3A_511, %get3A_512] {strides = array<i32>} : memref<160x64xf32, #tpu.memory_space<vmem>>, vector<16xf32>,
        %mul3A_514 = arith.mulf %gather3A_505, %get3A_513 : vector<16xf32>
        %add3A_515 = arith.addf %add3A_465, %mul3A_514 : vector<16xf32>
        %get3A_516 = arith.index_cast %add3A_497 : i32 to index
        %get3A_517 = arith.constant 16 : index
        %get3A_518 = tpu.vector_load %arg10[%get3A_516, %get3A_517] {strides = array<i32>} : memref<160x64xf32, #tpu.memory_space<vmem>>, vector<16xf32>,
        %mul3A_519 = arith.mulf %gather3A_501, %get3A_518 : vector<16xf32>
        %add3A_520 = arith.addf %add3A_470, %mul3A_519 : vector<16xf32>
        %get3A_521 = arith.index_cast %add3A_497 : i32 to index
        %get3A_522 = arith.constant 16 : index
        %get3A_523 = tpu.vector_load %arg12[%get3A_521, %get3A_522] {strides = array<i32>} : memref<160x64xf32, #tpu.memory_space<vmem>>, vector<16xf32>,
        %mul3A_524 = arith.mulf %gather3A_505, %get3A_523 : vector<16xf32>
        %add3A_525 = arith.addf %add3A_475, %mul3A_524 : vector<16xf32>
        %get3A_526 = arith.index_cast %add3A_497 : i32 to index
        %get3A_527 = arith.constant 32 : index
        %get3A_528 = tpu.vector_load %arg10[%get3A_526, %get3A_527] {strides = array<i32>} : memref<160x64xf32, #tpu.memory_space<vmem>>, vector<16xf32>,
        %mul3A_529 = arith.mulf %gather3A_501, %get3A_528 : vector<16xf32>
        %add3A_530 = arith.addf %add3A_480, %mul3A_529 : vector<16xf32>
        %get3A_531 = arith.index_cast %add3A_497 : i32 to index
        %get3A_532 = arith.constant 32 : index
        %get3A_533 = tpu.vector_load %arg12[%get3A_531, %get3A_532] {strides = array<i32>} : memref<160x64xf32, #tpu.memory_space<vmem>>, vector<16xf32>,
        %mul3A_534 = arith.mulf %gather3A_505, %get3A_533 : vector<16xf32>
        %add3A_535 = arith.addf %add3A_485, %mul3A_534 : vector<16xf32>
        %get3A_536 = arith.index_cast %add3A_497 : i32 to index
        %get3A_537 = arith.constant 48 : index
        %get3A_538 = tpu.vector_load %arg10[%get3A_536, %get3A_537] {strides = array<i32>} : memref<160x64xf32, #tpu.memory_space<vmem>>, vector<16xf32>,
        %mul3A_539 = arith.mulf %gather3A_501, %get3A_538 : vector<16xf32>
        %add3A_540 = arith.addf %add3A_490, %mul3A_539 : vector<16xf32>
        %get3A_541 = arith.index_cast %add3A_497 : i32 to index
        %get3A_542 = arith.constant 48 : index
        %get3A_543 = tpu.vector_load %arg12[%get3A_541, %get3A_542] {strides = array<i32>} : memref<160x64xf32, #tpu.memory_space<vmem>>, vector<16xf32>,
        %mul3A_544 = arith.mulf %gather3A_505, %get3A_543 : vector<16xf32>
        %add3A_545 = arith.addf %add3A_495, %mul3A_544 : vector<16xf32>
        %add3A_546 = arith.constant 4 : i32
        %add3A_547 = arith.addi %mul3A_319, %add3A_546 : i32
        %broadcast_in_dim3A_548 = arith.constant 4 : i32
        %broadcast_in_dim3A_549 = vector.broadcast %broadcast_in_dim3A_548 : i32 to vector<16x1xi32>
        %gather3A_550 = vector.shape_cast %broadcast_in_dim3A_549 : vector<16x1xi32> to vector<16xi32>
        %gather3A_551 = tpu.dynamic_gather %select_n3A_333[%gather3A_550] in [0] : vector<16xf32>, vector<16xi32> -> vector<16xf32>
        %broadcast_in_dim3A_552 = arith.constant 4 : i32
        %broadcast_in_dim3A_553 = vector.broadcast %broadcast_in_dim3A_552 : i32 to vector<16x1xi32>
        %gather3A_554 = vector.shape_cast %broadcast_in_dim3A_553 : vector<16x1xi32> to vector<16xi32>
        %gather3A_555 = tpu.dynamic_gather %select_n3A_337[%gather3A_554] in [0] : vector<16xf32>, vector<16xi32> -> vector<16xf32>
        %get3A_556 = arith.index_cast %add3A_547 : i32 to index
        %get3A_557 = arith.constant 0 : index
        %get3A_558 = tpu.vector_load %arg10[%get3A_556, %get3A_557] {strides = array<i32>} : memref<160x64xf32, #tpu.memory_space<vmem>>, vector<16xf32>,
        %mul3A_559 = arith.mulf %gather3A_551, %get3A_558 : vector<16xf32>
        %add3A_560 = arith.addf %add3A_510, %mul3A_559 : vector<16xf32>
        %get3A_561 = arith.index_cast %add3A_547 : i32 to index
        %get3A_562 = arith.constant 0 : index
        %get3A_563 = tpu.vector_load %arg12[%get3A_561, %get3A_562] {strides = array<i32>} : memref<160x64xf32, #tpu.memory_space<vmem>>, vector<16xf32>,
        %mul3A_564 = arith.mulf %gather3A_555, %get3A_563 : vector<16xf32>
        %add3A_565 = arith.addf %add3A_515, %mul3A_564 : vector<16xf32>
        %get3A_566 = arith.index_cast %add3A_547 : i32 to index
        %get3A_567 = arith.constant 16 : index
        %get3A_568 = tpu.vector_load %arg10[%get3A_566, %get3A_567] {strides = array<i32>} : memref<160x64xf32, #tpu.memory_space<vmem>>, vector<16xf32>,
        %mul3A_569 = arith.mulf %gather3A_551, %get3A_568 : vector<16xf32>
        %add3A_570 = arith.addf %add3A_520, %mul3A_569 : vector<16xf32>
        %get3A_571 = arith.index_cast %add3A_547 : i32 to index
        %get3A_572 = arith.constant 16 : index
        %get3A_573 = tpu.vector_load %arg12[%get3A_571, %get3A_572] {strides = array<i32>} : memref<160x64xf32, #tpu.memory_space<vmem>>, vector<16xf32>,
        %mul3A_574 = arith.mulf %gather3A_555, %get3A_573 : vector<16xf32>
        %add3A_575 = arith.addf %add3A_525, %mul3A_574 : vector<16xf32>
        %get3A_576 = arith.index_cast %add3A_547 : i32 to index
        %get3A_577 = arith.constant 32 : index
        %get3A_578 = tpu.vector_load %arg10[%get3A_576, %get3A_577] {strides = array<i32>} : memref<160x64xf32, #tpu.memory_space<vmem>>, vector<16xf32>,
        %mul3A_579 = arith.mulf %gather3A_551, %get3A_578 : vector<16xf32>
        %add3A_580 = arith.addf %add3A_530, %mul3A_579 : vector<16xf32>
        %get3A_581 = arith.index_cast %add3A_547 : i32 to index
        %get3A_582 = arith.constant 32 : index
        %get3A_583 = tpu.vector_load %arg12[%get3A_581, %get3A_582] {strides = array<i32>} : memref<160x64xf32, #tpu.memory_space<vmem>>, vector<16xf32>,
        %mul3A_584 = arith.mulf %gather3A_555, %get3A_583 : vector<16xf32>
        %add3A_585 = arith.addf %add3A_535, %mul3A_584 : vector<16xf32>
        %get3A_586 = arith.index_cast %add3A_547 : i32 to index
        %get3A_587 = arith.constant 48 : index
        %get3A_588 = tpu.vector_load %arg10[%get3A_586, %get3A_587] {strides = array<i32>} : memref<160x64xf32, #tpu.memory_space<vmem>>, vector<16xf32>,
        %mul3A_589 = arith.mulf %gather3A_551, %get3A_588 : vector<16xf32>
        %add3A_590 = arith.addf %add3A_540, %mul3A_589 : vector<16xf32>
        %get3A_591 = arith.index_cast %add3A_547 : i32 to index
        %get3A_592 = arith.constant 48 : index
        %get3A_593 = tpu.vector_load %arg12[%get3A_591, %get3A_592] {strides = array<i32>} : memref<160x64xf32, #tpu.memory_space<vmem>>, vector<16xf32>,
        %mul3A_594 = arith.mulf %gather3A_555, %get3A_593 : vector<16xf32>
        %add3A_595 = arith.addf %add3A_545, %mul3A_594 : vector<16xf32>
        %add3A_596 = arith.constant 5 : i32
        %add3A_597 = arith.addi %mul3A_319, %add3A_596 : i32
        %broadcast_in_dim3A_598 = arith.constant 5 : i32
        %broadcast_in_dim3A_599 = vector.broadcast %broadcast_in_dim3A_598 : i32 to vector<16x1xi32>
        %gather3A_600 = vector.shape_cast %broadcast_in_dim3A_599 : vector<16x1xi32> to vector<16xi32>
        %gather3A_601 = tpu.dynamic_gather %select_n3A_333[%gather3A_600] in [0] : vector<16xf32>, vector<16xi32> -> vector<16xf32>
        %broadcast_in_dim3A_602 = arith.constant 5 : i32
        %broadcast_in_dim3A_603 = vector.broadcast %broadcast_in_dim3A_602 : i32 to vector<16x1xi32>
        %gather3A_604 = vector.shape_cast %broadcast_in_dim3A_603 : vector<16x1xi32> to vector<16xi32>
        %gather3A_605 = tpu.dynamic_gather %select_n3A_337[%gather3A_604] in [0] : vector<16xf32>, vector<16xi32> -> vector<16xf32>
        %get3A_606 = arith.index_cast %add3A_597 : i32 to index
        %get3A_607 = arith.constant 0 : index
        %get3A_608 = tpu.vector_load %arg10[%get3A_606, %get3A_607] {strides = array<i32>} : memref<160x64xf32, #tpu.memory_space<vmem>>, vector<16xf32>,
        %mul3A_609 = arith.mulf %gather3A_601, %get3A_608 : vector<16xf32>
        %add3A_610 = arith.addf %add3A_560, %mul3A_609 : vector<16xf32>
        %get3A_611 = arith.index_cast %add3A_597 : i32 to index
        %get3A_612 = arith.constant 0 : index
        %get3A_613 = tpu.vector_load %arg12[%get3A_611, %get3A_612] {strides = array<i32>} : memref<160x64xf32, #tpu.memory_space<vmem>>, vector<16xf32>,
        %mul3A_614 = arith.mulf %gather3A_605, %get3A_613 : vector<16xf32>
        %add3A_615 = arith.addf %add3A_565, %mul3A_614 : vector<16xf32>
        %get3A_616 = arith.index_cast %add3A_597 : i32 to index
        %get3A_617 = arith.constant 16 : index
        %get3A_618 = tpu.vector_load %arg10[%get3A_616, %get3A_617] {strides = array<i32>} : memref<160x64xf32, #tpu.memory_space<vmem>>, vector<16xf32>,
        %mul3A_619 = arith.mulf %gather3A_601, %get3A_618 : vector<16xf32>
        %add3A_620 = arith.addf %add3A_570, %mul3A_619 : vector<16xf32>
        %get3A_621 = arith.index_cast %add3A_597 : i32 to index
        %get3A_622 = arith.constant 16 : index
        %get3A_623 = tpu.vector_load %arg12[%get3A_621, %get3A_622] {strides = array<i32>} : memref<160x64xf32, #tpu.memory_space<vmem>>, vector<16xf32>,
        %mul3A_624 = arith.mulf %gather3A_605, %get3A_623 : vector<16xf32>
        %add3A_625 = arith.addf %add3A_575, %mul3A_624 : vector<16xf32>
        %get3A_626 = arith.index_cast %add3A_597 : i32 to index
        %get3A_627 = arith.constant 32 : index
        %get3A_628 = tpu.vector_load %arg10[%get3A_626, %get3A_627] {strides = array<i32>} : memref<160x64xf32, #tpu.memory_space<vmem>>, vector<16xf32>,
        %mul3A_629 = arith.mulf %gather3A_601, %get3A_628 : vector<16xf32>
        %add3A_630 = arith.addf %add3A_580, %mul3A_629 : vector<16xf32>
        %get3A_631 = arith.index_cast %add3A_597 : i32 to index
        %get3A_632 = arith.constant 32 : index
        %get3A_633 = tpu.vector_load %arg12[%get3A_631, %get3A_632] {strides = array<i32>} : memref<160x64xf32, #tpu.memory_space<vmem>>, vector<16xf32>,
        %mul3A_634 = arith.mulf %gather3A_605, %get3A_633 : vector<16xf32>
        %add3A_635 = arith.addf %add3A_585, %mul3A_634 : vector<16xf32>
        %get3A_636 = arith.index_cast %add3A_597 : i32 to index
        %get3A_637 = arith.constant 48 : index
        %get3A_638 = tpu.vector_load %arg10[%get3A_636, %get3A_637] {strides = array<i32>} : memref<160x64xf32, #tpu.memory_space<vmem>>, vector<16xf32>,
        %mul3A_639 = arith.mulf %gather3A_601, %get3A_638 : vector<16xf32>
        %add3A_640 = arith.addf %add3A_590, %mul3A_639 : vector<16xf32>
        %get3A_641 = arith.index_cast %add3A_597 : i32 to index
        %get3A_642 = arith.constant 48 : index
        %get3A_643 = tpu.vector_load %arg12[%get3A_641, %get3A_642] {strides = array<i32>} : memref<160x64xf32, #tpu.memory_space<vmem>>, vector<16xf32>,
        %mul3A_644 = arith.mulf %gather3A_605, %get3A_643 : vector<16xf32>
        %add3A_645 = arith.addf %add3A_595, %mul3A_644 : vector<16xf32>
        %add3A_646 = arith.constant 6 : i32
        %add3A_647 = arith.addi %mul3A_319, %add3A_646 : i32
        %broadcast_in_dim3A_648 = arith.constant 6 : i32
        %broadcast_in_dim3A_649 = vector.broadcast %broadcast_in_dim3A_648 : i32 to vector<16x1xi32>
        %gather3A_650 = vector.shape_cast %broadcast_in_dim3A_649 : vector<16x1xi32> to vector<16xi32>
        %gather3A_651 = tpu.dynamic_gather %select_n3A_333[%gather3A_650] in [0] : vector<16xf32>, vector<16xi32> -> vector<16xf32>
        %broadcast_in_dim3A_652 = arith.constant 6 : i32
        %broadcast_in_dim3A_653 = vector.broadcast %broadcast_in_dim3A_652 : i32 to vector<16x1xi32>
        %gather3A_654 = vector.shape_cast %broadcast_in_dim3A_653 : vector<16x1xi32> to vector<16xi32>
        %gather3A_655 = tpu.dynamic_gather %select_n3A_337[%gather3A_654] in [0] : vector<16xf32>, vector<16xi32> -> vector<16xf32>
        %get3A_656 = arith.index_cast %add3A_647 : i32 to index
        %get3A_657 = arith.constant 0 : index
        %get3A_658 = tpu.vector_load %arg10[%get3A_656, %get3A_657] {strides = array<i32>} : memref<160x64xf32, #tpu.memory_space<vmem>>, vector<16xf32>,
        %mul3A_659 = arith.mulf %gather3A_651, %get3A_658 : vector<16xf32>
        %add3A_660 = arith.addf %add3A_610, %mul3A_659 : vector<16xf32>
        %get3A_661 = arith.index_cast %add3A_647 : i32 to index
        %get3A_662 = arith.constant 0 : index
        %get3A_663 = tpu.vector_load %arg12[%get3A_661, %get3A_662] {strides = array<i32>} : memref<160x64xf32, #tpu.memory_space<vmem>>, vector<16xf32>,
        %mul3A_664 = arith.mulf %gather3A_655, %get3A_663 : vector<16xf32>
        %add3A_665 = arith.addf %add3A_615, %mul3A_664 : vector<16xf32>
        %get3A_666 = arith.index_cast %add3A_647 : i32 to index
        %get3A_667 = arith.constant 16 : index
        %get3A_668 = tpu.vector_load %arg10[%get3A_666, %get3A_667] {strides = array<i32>} : memref<160x64xf32, #tpu.memory_space<vmem>>, vector<16xf32>,
        %mul3A_669 = arith.mulf %gather3A_651, %get3A_668 : vector<16xf32>
        %add3A_670 = arith.addf %add3A_620, %mul3A_669 : vector<16xf32>
        %get3A_671 = arith.index_cast %add3A_647 : i32 to index
        %get3A_672 = arith.constant 16 : index
        %get3A_673 = tpu.vector_load %arg12[%get3A_671, %get3A_672] {strides = array<i32>} : memref<160x64xf32, #tpu.memory_space<vmem>>, vector<16xf32>,
        %mul3A_674 = arith.mulf %gather3A_655, %get3A_673 : vector<16xf32>
        %add3A_675 = arith.addf %add3A_625, %mul3A_674 : vector<16xf32>
        %get3A_676 = arith.index_cast %add3A_647 : i32 to index
        %get3A_677 = arith.constant 32 : index
        %get3A_678 = tpu.vector_load %arg10[%get3A_676, %get3A_677] {strides = array<i32>} : memref<160x64xf32, #tpu.memory_space<vmem>>, vector<16xf32>,
        %mul3A_679 = arith.mulf %gather3A_651, %get3A_678 : vector<16xf32>
        %add3A_680 = arith.addf %add3A_630, %mul3A_679 : vector<16xf32>
        %get3A_681 = arith.index_cast %add3A_647 : i32 to index
        %get3A_682 = arith.constant 32 : index
        %get3A_683 = tpu.vector_load %arg12[%get3A_681, %get3A_682] {strides = array<i32>} : memref<160x64xf32, #tpu.memory_space<vmem>>, vector<16xf32>,
        %mul3A_684 = arith.mulf %gather3A_655, %get3A_683 : vector<16xf32>
        %add3A_685 = arith.addf %add3A_635, %mul3A_684 : vector<16xf32>
        %get3A_686 = arith.index_cast %add3A_647 : i32 to index
        %get3A_687 = arith.constant 48 : index
        %get3A_688 = tpu.vector_load %arg10[%get3A_686, %get3A_687] {strides = array<i32>} : memref<160x64xf32, #tpu.memory_space<vmem>>, vector<16xf32>,
        %mul3A_689 = arith.mulf %gather3A_651, %get3A_688 : vector<16xf32>
        %add3A_690 = arith.addf %add3A_640, %mul3A_689 : vector<16xf32>
        %get3A_691 = arith.index_cast %add3A_647 : i32 to index
        %get3A_692 = arith.constant 48 : index
        %get3A_693 = tpu.vector_load %arg12[%get3A_691, %get3A_692] {strides = array<i32>} : memref<160x64xf32, #tpu.memory_space<vmem>>, vector<16xf32>,
        %mul3A_694 = arith.mulf %gather3A_655, %get3A_693 : vector<16xf32>
        %add3A_695 = arith.addf %add3A_645, %mul3A_694 : vector<16xf32>
        %add3A_696 = arith.constant 7 : i32
        %add3A_697 = arith.addi %mul3A_319, %add3A_696 : i32
        %broadcast_in_dim3A_698 = arith.constant 7 : i32
        %broadcast_in_dim3A_699 = vector.broadcast %broadcast_in_dim3A_698 : i32 to vector<16x1xi32>
        %gather3A_700 = vector.shape_cast %broadcast_in_dim3A_699 : vector<16x1xi32> to vector<16xi32>
        %gather3A_701 = tpu.dynamic_gather %select_n3A_333[%gather3A_700] in [0] : vector<16xf32>, vector<16xi32> -> vector<16xf32>
        %broadcast_in_dim3A_702 = arith.constant 7 : i32
        %broadcast_in_dim3A_703 = vector.broadcast %broadcast_in_dim3A_702 : i32 to vector<16x1xi32>
        %gather3A_704 = vector.shape_cast %broadcast_in_dim3A_703 : vector<16x1xi32> to vector<16xi32>
        %gather3A_705 = tpu.dynamic_gather %select_n3A_337[%gather3A_704] in [0] : vector<16xf32>, vector<16xi32> -> vector<16xf32>
        %get3A_706 = arith.index_cast %add3A_697 : i32 to index
        %get3A_707 = arith.constant 0 : index
        %get3A_708 = tpu.vector_load %arg10[%get3A_706, %get3A_707] {strides = array<i32>} : memref<160x64xf32, #tpu.memory_space<vmem>>, vector<16xf32>,
        %mul3A_709 = arith.mulf %gather3A_701, %get3A_708 : vector<16xf32>
        %add3A_710 = arith.addf %add3A_660, %mul3A_709 : vector<16xf32>
        %get3A_711 = arith.index_cast %add3A_697 : i32 to index
        %get3A_712 = arith.constant 0 : index
        %get3A_713 = tpu.vector_load %arg12[%get3A_711, %get3A_712] {strides = array<i32>} : memref<160x64xf32, #tpu.memory_space<vmem>>, vector<16xf32>,
        %mul3A_714 = arith.mulf %gather3A_705, %get3A_713 : vector<16xf32>
        %add3A_715 = arith.addf %add3A_665, %mul3A_714 : vector<16xf32>
        %get3A_716 = arith.index_cast %add3A_697 : i32 to index
        %get3A_717 = arith.constant 16 : index
        %get3A_718 = tpu.vector_load %arg10[%get3A_716, %get3A_717] {strides = array<i32>} : memref<160x64xf32, #tpu.memory_space<vmem>>, vector<16xf32>,
        %mul3A_719 = arith.mulf %gather3A_701, %get3A_718 : vector<16xf32>
        %add3A_720 = arith.addf %add3A_670, %mul3A_719 : vector<16xf32>
        %get3A_721 = arith.index_cast %add3A_697 : i32 to index
        %get3A_722 = arith.constant 16 : index
        %get3A_723 = tpu.vector_load %arg12[%get3A_721, %get3A_722] {strides = array<i32>} : memref<160x64xf32, #tpu.memory_space<vmem>>, vector<16xf32>,
        %mul3A_724 = arith.mulf %gather3A_705, %get3A_723 : vector<16xf32>
        %add3A_725 = arith.addf %add3A_675, %mul3A_724 : vector<16xf32>
        %get3A_726 = arith.index_cast %add3A_697 : i32 to index
        %get3A_727 = arith.constant 32 : index
        %get3A_728 = tpu.vector_load %arg10[%get3A_726, %get3A_727] {strides = array<i32>} : memref<160x64xf32, #tpu.memory_space<vmem>>, vector<16xf32>,
        %mul3A_729 = arith.mulf %gather3A_701, %get3A_728 : vector<16xf32>
        %add3A_730 = arith.addf %add3A_680, %mul3A_729 : vector<16xf32>
        %get3A_731 = arith.index_cast %add3A_697 : i32 to index
        %get3A_732 = arith.constant 32 : index
        %get3A_733 = tpu.vector_load %arg12[%get3A_731, %get3A_732] {strides = array<i32>} : memref<160x64xf32, #tpu.memory_space<vmem>>, vector<16xf32>,
        %mul3A_734 = arith.mulf %gather3A_705, %get3A_733 : vector<16xf32>
        %add3A_735 = arith.addf %add3A_685, %mul3A_734 : vector<16xf32>
        %get3A_736 = arith.index_cast %add3A_697 : i32 to index
        %get3A_737 = arith.constant 48 : index
        %get3A_738 = tpu.vector_load %arg10[%get3A_736, %get3A_737] {strides = array<i32>} : memref<160x64xf32, #tpu.memory_space<vmem>>, vector<16xf32>,
        %mul3A_739 = arith.mulf %gather3A_701, %get3A_738 : vector<16xf32>
        %add3A_740 = arith.addf %add3A_690, %mul3A_739 : vector<16xf32>
        %get3A_741 = arith.index_cast %add3A_697 : i32 to index
        %get3A_742 = arith.constant 48 : index
        %get3A_743 = tpu.vector_load %arg12[%get3A_741, %get3A_742] {strides = array<i32>} : memref<160x64xf32, #tpu.memory_space<vmem>>, vector<16xf32>,
        %mul3A_744 = arith.mulf %gather3A_705, %get3A_743 : vector<16xf32>
        %add3A_745 = arith.addf %add3A_695, %mul3A_744 : vector<16xf32>
        %add3A_746 = arith.constant 8 : i32
        %add3A_747 = arith.addi %mul3A_319, %add3A_746 : i32
        %broadcast_in_dim3A_748 = arith.constant 8 : i32
        %broadcast_in_dim3A_749 = vector.broadcast %broadcast_in_dim3A_748 : i32 to vector<16x1xi32>
        %gather3A_750 = vector.shape_cast %broadcast_in_dim3A_749 : vector<16x1xi32> to vector<16xi32>
        %gather3A_751 = tpu.dynamic_gather %select_n3A_333[%gather3A_750] in [0] : vector<16xf32>, vector<16xi32> -> vector<16xf32>
        %broadcast_in_dim3A_752 = arith.constant 8 : i32
        %broadcast_in_dim3A_753 = vector.broadcast %broadcast_in_dim3A_752 : i32 to vector<16x1xi32>
        %gather3A_754 = vector.shape_cast %broadcast_in_dim3A_753 : vector<16x1xi32> to vector<16xi32>
        %gather3A_755 = tpu.dynamic_gather %select_n3A_337[%gather3A_754] in [0] : vector<16xf32>, vector<16xi32> -> vector<16xf32>
        %get3A_756 = arith.index_cast %add3A_747 : i32 to index
        %get3A_757 = arith.constant 0 : index
        %get3A_758 = tpu.vector_load %arg10[%get3A_756, %get3A_757] {strides = array<i32>} : memref<160x64xf32, #tpu.memory_space<vmem>>, vector<16xf32>,
        %mul3A_759 = arith.mulf %gather3A_751, %get3A_758 : vector<16xf32>
        %add3A_760 = arith.addf %add3A_710, %mul3A_759 : vector<16xf32>
        %get3A_761 = arith.index_cast %add3A_747 : i32 to index
        %get3A_762 = arith.constant 0 : index
        %get3A_763 = tpu.vector_load %arg12[%get3A_761, %get3A_762] {strides = array<i32>} : memref<160x64xf32, #tpu.memory_space<vmem>>, vector<16xf32>,
        %mul3A_764 = arith.mulf %gather3A_755, %get3A_763 : vector<16xf32>
        %add3A_765 = arith.addf %add3A_715, %mul3A_764 : vector<16xf32>
        %get3A_766 = arith.index_cast %add3A_747 : i32 to index
        %get3A_767 = arith.constant 16 : index
        %get3A_768 = tpu.vector_load %arg10[%get3A_766, %get3A_767] {strides = array<i32>} : memref<160x64xf32, #tpu.memory_space<vmem>>, vector<16xf32>,
        %mul3A_769 = arith.mulf %gather3A_751, %get3A_768 : vector<16xf32>
        %add3A_770 = arith.addf %add3A_720, %mul3A_769 : vector<16xf32>
        %get3A_771 = arith.index_cast %add3A_747 : i32 to index
        %get3A_772 = arith.constant 16 : index
        %get3A_773 = tpu.vector_load %arg12[%get3A_771, %get3A_772] {strides = array<i32>} : memref<160x64xf32, #tpu.memory_space<vmem>>, vector<16xf32>,
        %mul3A_774 = arith.mulf %gather3A_755, %get3A_773 : vector<16xf32>
        %add3A_775 = arith.addf %add3A_725, %mul3A_774 : vector<16xf32>
        %get3A_776 = arith.index_cast %add3A_747 : i32 to index
        %get3A_777 = arith.constant 32 : index
        %get3A_778 = tpu.vector_load %arg10[%get3A_776, %get3A_777] {strides = array<i32>} : memref<160x64xf32, #tpu.memory_space<vmem>>, vector<16xf32>,
        %mul3A_779 = arith.mulf %gather3A_751, %get3A_778 : vector<16xf32>
        %add3A_780 = arith.addf %add3A_730, %mul3A_779 : vector<16xf32>
        %get3A_781 = arith.index_cast %add3A_747 : i32 to index
        %get3A_782 = arith.constant 32 : index
        %get3A_783 = tpu.vector_load %arg12[%get3A_781, %get3A_782] {strides = array<i32>} : memref<160x64xf32, #tpu.memory_space<vmem>>, vector<16xf32>,
        %mul3A_784 = arith.mulf %gather3A_755, %get3A_783 : vector<16xf32>
        %add3A_785 = arith.addf %add3A_735, %mul3A_784 : vector<16xf32>
        %get3A_786 = arith.index_cast %add3A_747 : i32 to index
        %get3A_787 = arith.constant 48 : index
        %get3A_788 = tpu.vector_load %arg10[%get3A_786, %get3A_787] {strides = array<i32>} : memref<160x64xf32, #tpu.memory_space<vmem>>, vector<16xf32>,
        %mul3A_789 = arith.mulf %gather3A_751, %get3A_788 : vector<16xf32>
        %add3A_790 = arith.addf %add3A_740, %mul3A_789 : vector<16xf32>
        %get3A_791 = arith.index_cast %add3A_747 : i32 to index
        %get3A_792 = arith.constant 48 : index
        %get3A_793 = tpu.vector_load %arg12[%get3A_791, %get3A_792] {strides = array<i32>} : memref<160x64xf32, #tpu.memory_space<vmem>>, vector<16xf32>,
        %mul3A_794 = arith.mulf %gather3A_755, %get3A_793 : vector<16xf32>
        %add3A_795 = arith.addf %add3A_745, %mul3A_794 : vector<16xf32>
        %add3A_796 = arith.constant 9 : i32
        %add3A_797 = arith.addi %mul3A_319, %add3A_796 : i32
        %broadcast_in_dim3A_798 = arith.constant 9 : i32
        %broadcast_in_dim3A_799 = vector.broadcast %broadcast_in_dim3A_798 : i32 to vector<16x1xi32>
        %gather3A_800 = vector.shape_cast %broadcast_in_dim3A_799 : vector<16x1xi32> to vector<16xi32>
        %gather3A_801 = tpu.dynamic_gather %select_n3A_333[%gather3A_800] in [0] : vector<16xf32>, vector<16xi32> -> vector<16xf32>
        %broadcast_in_dim3A_802 = arith.constant 9 : i32
        %broadcast_in_dim3A_803 = vector.broadcast %broadcast_in_dim3A_802 : i32 to vector<16x1xi32>
        %gather3A_804 = vector.shape_cast %broadcast_in_dim3A_803 : vector<16x1xi32> to vector<16xi32>
        %gather3A_805 = tpu.dynamic_gather %select_n3A_337[%gather3A_804] in [0] : vector<16xf32>, vector<16xi32> -> vector<16xf32>
        %get3A_806 = arith.index_cast %add3A_797 : i32 to index
        %get3A_807 = arith.constant 0 : index
        %get3A_808 = tpu.vector_load %arg10[%get3A_806, %get3A_807] {strides = array<i32>} : memref<160x64xf32, #tpu.memory_space<vmem>>, vector<16xf32>,
        %mul3A_809 = arith.mulf %gather3A_801, %get3A_808 : vector<16xf32>
        %add3A_810 = arith.addf %add3A_760, %mul3A_809 : vector<16xf32>
        %get3A_811 = arith.index_cast %add3A_797 : i32 to index
        %get3A_812 = arith.constant 0 : index
        %get3A_813 = tpu.vector_load %arg12[%get3A_811, %get3A_812] {strides = array<i32>} : memref<160x64xf32, #tpu.memory_space<vmem>>, vector<16xf32>,
        %mul3A_814 = arith.mulf %gather3A_805, %get3A_813 : vector<16xf32>
        %add3A_815 = arith.addf %add3A_765, %mul3A_814 : vector<16xf32>
        %get3A_816 = arith.index_cast %add3A_797 : i32 to index
        %get3A_817 = arith.constant 16 : index
        %get3A_818 = tpu.vector_load %arg10[%get3A_816, %get3A_817] {strides = array<i32>} : memref<160x64xf32, #tpu.memory_space<vmem>>, vector<16xf32>,
        %mul3A_819 = arith.mulf %gather3A_801, %get3A_818 : vector<16xf32>
        %add3A_820 = arith.addf %add3A_770, %mul3A_819 : vector<16xf32>
        %get3A_821 = arith.index_cast %add3A_797 : i32 to index
        %get3A_822 = arith.constant 16 : index
        %get3A_823 = tpu.vector_load %arg12[%get3A_821, %get3A_822] {strides = array<i32>} : memref<160x64xf32, #tpu.memory_space<vmem>>, vector<16xf32>,
        %mul3A_824 = arith.mulf %gather3A_805, %get3A_823 : vector<16xf32>
        %add3A_825 = arith.addf %add3A_775, %mul3A_824 : vector<16xf32>
        %get3A_826 = arith.index_cast %add3A_797 : i32 to index
        %get3A_827 = arith.constant 32 : index
        %get3A_828 = tpu.vector_load %arg10[%get3A_826, %get3A_827] {strides = array<i32>} : memref<160x64xf32, #tpu.memory_space<vmem>>, vector<16xf32>,
        %mul3A_829 = arith.mulf %gather3A_801, %get3A_828 : vector<16xf32>
        %add3A_830 = arith.addf %add3A_780, %mul3A_829 : vector<16xf32>
        %get3A_831 = arith.index_cast %add3A_797 : i32 to index
        %get3A_832 = arith.constant 32 : index
        %get3A_833 = tpu.vector_load %arg12[%get3A_831, %get3A_832] {strides = array<i32>} : memref<160x64xf32, #tpu.memory_space<vmem>>, vector<16xf32>,
        %mul3A_834 = arith.mulf %gather3A_805, %get3A_833 : vector<16xf32>
        %add3A_835 = arith.addf %add3A_785, %mul3A_834 : vector<16xf32>
        %get3A_836 = arith.index_cast %add3A_797 : i32 to index
        %get3A_837 = arith.constant 48 : index
        %get3A_838 = tpu.vector_load %arg10[%get3A_836, %get3A_837] {strides = array<i32>} : memref<160x64xf32, #tpu.memory_space<vmem>>, vector<16xf32>,
        %mul3A_839 = arith.mulf %gather3A_801, %get3A_838 : vector<16xf32>
        %add3A_840 = arith.addf %add3A_790, %mul3A_839 : vector<16xf32>
        %get3A_841 = arith.index_cast %add3A_797 : i32 to index
        %get3A_842 = arith.constant 48 : index
        %get3A_843 = tpu.vector_load %arg12[%get3A_841, %get3A_842] {strides = array<i32>} : memref<160x64xf32, #tpu.memory_space<vmem>>, vector<16xf32>,
        %mul3A_844 = arith.mulf %gather3A_805, %get3A_843 : vector<16xf32>
        %add3A_845 = arith.addf %add3A_795, %mul3A_844 : vector<16xf32>
        %add3A_846 = arith.constant 10 : i32
        %add3A_847 = arith.addi %mul3A_319, %add3A_846 : i32
        %broadcast_in_dim3A_848 = arith.constant 10 : i32
        %broadcast_in_dim3A_849 = vector.broadcast %broadcast_in_dim3A_848 : i32 to vector<16x1xi32>
        %gather3A_850 = vector.shape_cast %broadcast_in_dim3A_849 : vector<16x1xi32> to vector<16xi32>
        %gather3A_851 = tpu.dynamic_gather %select_n3A_333[%gather3A_850] in [0] : vector<16xf32>, vector<16xi32> -> vector<16xf32>
        %broadcast_in_dim3A_852 = arith.constant 10 : i32
        %broadcast_in_dim3A_853 = vector.broadcast %broadcast_in_dim3A_852 : i32 to vector<16x1xi32>
        %gather3A_854 = vector.shape_cast %broadcast_in_dim3A_853 : vector<16x1xi32> to vector<16xi32>
        %gather3A_855 = tpu.dynamic_gather %select_n3A_337[%gather3A_854] in [0] : vector<16xf32>, vector<16xi32> -> vector<16xf32>
        %get3A_856 = arith.index_cast %add3A_847 : i32 to index
        %get3A_857 = arith.constant 0 : index
        %get3A_858 = tpu.vector_load %arg10[%get3A_856, %get3A_857] {strides = array<i32>} : memref<160x64xf32, #tpu.memory_space<vmem>>, vector<16xf32>,
        %mul3A_859 = arith.mulf %gather3A_851, %get3A_858 : vector<16xf32>
        %add3A_860 = arith.addf %add3A_810, %mul3A_859 : vector<16xf32>
        %get3A_861 = arith.index_cast %add3A_847 : i32 to index
        %get3A_862 = arith.constant 0 : index
        %get3A_863 = tpu.vector_load %arg12[%get3A_861, %get3A_862] {strides = array<i32>} : memref<160x64xf32, #tpu.memory_space<vmem>>, vector<16xf32>,
        %mul3A_864 = arith.mulf %gather3A_855, %get3A_863 : vector<16xf32>
        %add3A_865 = arith.addf %add3A_815, %mul3A_864 : vector<16xf32>
        %get3A_866 = arith.index_cast %add3A_847 : i32 to index
        %get3A_867 = arith.constant 16 : index
        %get3A_868 = tpu.vector_load %arg10[%get3A_866, %get3A_867] {strides = array<i32>} : memref<160x64xf32, #tpu.memory_space<vmem>>, vector<16xf32>,
        %mul3A_869 = arith.mulf %gather3A_851, %get3A_868 : vector<16xf32>
        %add3A_870 = arith.addf %add3A_820, %mul3A_869 : vector<16xf32>
        %get3A_871 = arith.index_cast %add3A_847 : i32 to index
        %get3A_872 = arith.constant 16 : index
        %get3A_873 = tpu.vector_load %arg12[%get3A_871, %get3A_872] {strides = array<i32>} : memref<160x64xf32, #tpu.memory_space<vmem>>, vector<16xf32>,
        %mul3A_874 = arith.mulf %gather3A_855, %get3A_873 : vector<16xf32>
        %add3A_875 = arith.addf %add3A_825, %mul3A_874 : vector<16xf32>
        %get3A_876 = arith.index_cast %add3A_847 : i32 to index
        %get3A_877 = arith.constant 32 : index
        %get3A_878 = tpu.vector_load %arg10[%get3A_876, %get3A_877] {strides = array<i32>} : memref<160x64xf32, #tpu.memory_space<vmem>>, vector<16xf32>,
        %mul3A_879 = arith.mulf %gather3A_851, %get3A_878 : vector<16xf32>
        %add3A_880 = arith.addf %add3A_830, %mul3A_879 : vector<16xf32>
        %get3A_881 = arith.index_cast %add3A_847 : i32 to index
        %get3A_882 = arith.constant 32 : index
        %get3A_883 = tpu.vector_load %arg12[%get3A_881, %get3A_882] {strides = array<i32>} : memref<160x64xf32, #tpu.memory_space<vmem>>, vector<16xf32>,
        %mul3A_884 = arith.mulf %gather3A_855, %get3A_883 : vector<16xf32>
        %add3A_885 = arith.addf %add3A_835, %mul3A_884 : vector<16xf32>
        %get3A_886 = arith.index_cast %add3A_847 : i32 to index
        %get3A_887 = arith.constant 48 : index
        %get3A_888 = tpu.vector_load %arg10[%get3A_886, %get3A_887] {strides = array<i32>} : memref<160x64xf32, #tpu.memory_space<vmem>>, vector<16xf32>,
        %mul3A_889 = arith.mulf %gather3A_851, %get3A_888 : vector<16xf32>
        %add3A_890 = arith.addf %add3A_840, %mul3A_889 : vector<16xf32>
        %get3A_891 = arith.index_cast %add3A_847 : i32 to index
        %get3A_892 = arith.constant 48 : index
        %get3A_893 = tpu.vector_load %arg12[%get3A_891, %get3A_892] {strides = array<i32>} : memref<160x64xf32, #tpu.memory_space<vmem>>, vector<16xf32>,
        %mul3A_894 = arith.mulf %gather3A_855, %get3A_893 : vector<16xf32>
        %add3A_895 = arith.addf %add3A_845, %mul3A_894 : vector<16xf32>
        %add3A_896 = arith.constant 11 : i32
        %add3A_897 = arith.addi %mul3A_319, %add3A_896 : i32
        %broadcast_in_dim3A_898 = arith.constant 11 : i32
        %broadcast_in_dim3A_899 = vector.broadcast %broadcast_in_dim3A_898 : i32 to vector<16x1xi32>
        %gather3A_900 = vector.shape_cast %broadcast_in_dim3A_899 : vector<16x1xi32> to vector<16xi32>
        %gather3A_901 = tpu.dynamic_gather %select_n3A_333[%gather3A_900] in [0] : vector<16xf32>, vector<16xi32> -> vector<16xf32>
        %broadcast_in_dim3A_902 = arith.constant 11 : i32
        %broadcast_in_dim3A_903 = vector.broadcast %broadcast_in_dim3A_902 : i32 to vector<16x1xi32>
        %gather3A_904 = vector.shape_cast %broadcast_in_dim3A_903 : vector<16x1xi32> to vector<16xi32>
        %gather3A_905 = tpu.dynamic_gather %select_n3A_337[%gather3A_904] in [0] : vector<16xf32>, vector<16xi32> -> vector<16xf32>
        %get3A_906 = arith.index_cast %add3A_897 : i32 to index
        %get3A_907 = arith.constant 0 : index
        %get3A_908 = tpu.vector_load %arg10[%get3A_906, %get3A_907] {strides = array<i32>} : memref<160x64xf32, #tpu.memory_space<vmem>>, vector<16xf32>,
        %mul3A_909 = arith.mulf %gather3A_901, %get3A_908 : vector<16xf32>
        %add3A_910 = arith.addf %add3A_860, %mul3A_909 : vector<16xf32>
        %get3A_911 = arith.index_cast %add3A_897 : i32 to index
        %get3A_912 = arith.constant 0 : index
        %get3A_913 = tpu.vector_load %arg12[%get3A_911, %get3A_912] {strides = array<i32>} : memref<160x64xf32, #tpu.memory_space<vmem>>, vector<16xf32>,
        %mul3A_914 = arith.mulf %gather3A_905, %get3A_913 : vector<16xf32>
        %add3A_915 = arith.addf %add3A_865, %mul3A_914 : vector<16xf32>
        %get3A_916 = arith.index_cast %add3A_897 : i32 to index
        %get3A_917 = arith.constant 16 : index
        %get3A_918 = tpu.vector_load %arg10[%get3A_916, %get3A_917] {strides = array<i32>} : memref<160x64xf32, #tpu.memory_space<vmem>>, vector<16xf32>,
        %mul3A_919 = arith.mulf %gather3A_901, %get3A_918 : vector<16xf32>
        %add3A_920 = arith.addf %add3A_870, %mul3A_919 : vector<16xf32>
        %get3A_921 = arith.index_cast %add3A_897 : i32 to index
        %get3A_922 = arith.constant 16 : index
        %get3A_923 = tpu.vector_load %arg12[%get3A_921, %get3A_922] {strides = array<i32>} : memref<160x64xf32, #tpu.memory_space<vmem>>, vector<16xf32>,
        %mul3A_924 = arith.mulf %gather3A_905, %get3A_923 : vector<16xf32>
        %add3A_925 = arith.addf %add3A_875, %mul3A_924 : vector<16xf32>
        %get3A_926 = arith.index_cast %add3A_897 : i32 to index
        %get3A_927 = arith.constant 32 : index
        %get3A_928 = tpu.vector_load %arg10[%get3A_926, %get3A_927] {strides = array<i32>} : memref<160x64xf32, #tpu.memory_space<vmem>>, vector<16xf32>,
        %mul3A_929 = arith.mulf %gather3A_901, %get3A_928 : vector<16xf32>
        %add3A_930 = arith.addf %add3A_880, %mul3A_929 : vector<16xf32>
        %get3A_931 = arith.index_cast %add3A_897 : i32 to index
        %get3A_932 = arith.constant 32 : index
        %get3A_933 = tpu.vector_load %arg12[%get3A_931, %get3A_932] {strides = array<i32>} : memref<160x64xf32, #tpu.memory_space<vmem>>, vector<16xf32>,
        %mul3A_934 = arith.mulf %gather3A_905, %get3A_933 : vector<16xf32>
        %add3A_935 = arith.addf %add3A_885, %mul3A_934 : vector<16xf32>
        %get3A_936 = arith.index_cast %add3A_897 : i32 to index
        %get3A_937 = arith.constant 48 : index
        %get3A_938 = tpu.vector_load %arg10[%get3A_936, %get3A_937] {strides = array<i32>} : memref<160x64xf32, #tpu.memory_space<vmem>>, vector<16xf32>,
        %mul3A_939 = arith.mulf %gather3A_901, %get3A_938 : vector<16xf32>
        %add3A_940 = arith.addf %add3A_890, %mul3A_939 : vector<16xf32>
        %get3A_941 = arith.index_cast %add3A_897 : i32 to index
        %get3A_942 = arith.constant 48 : index
        %get3A_943 = tpu.vector_load %arg12[%get3A_941, %get3A_942] {strides = array<i32>} : memref<160x64xf32, #tpu.memory_space<vmem>>, vector<16xf32>,
        %mul3A_944 = arith.mulf %gather3A_905, %get3A_943 : vector<16xf32>
        %add3A_945 = arith.addf %add3A_895, %mul3A_944 : vector<16xf32>
        %add3A_946 = arith.constant 12 : i32
        %add3A_947 = arith.addi %mul3A_319, %add3A_946 : i32
        %broadcast_in_dim3A_948 = arith.constant 12 : i32
        %broadcast_in_dim3A_949 = vector.broadcast %broadcast_in_dim3A_948 : i32 to vector<16x1xi32>
        %gather3A_950 = vector.shape_cast %broadcast_in_dim3A_949 : vector<16x1xi32> to vector<16xi32>
        %gather3A_951 = tpu.dynamic_gather %select_n3A_333[%gather3A_950] in [0] : vector<16xf32>, vector<16xi32> -> vector<16xf32>
        %broadcast_in_dim3A_952 = arith.constant 12 : i32
        %broadcast_in_dim3A_953 = vector.broadcast %broadcast_in_dim3A_952 : i32 to vector<16x1xi32>
        %gather3A_954 = vector.shape_cast %broadcast_in_dim3A_953 : vector<16x1xi32> to vector<16xi32>
        %gather3A_955 = tpu.dynamic_gather %select_n3A_337[%gather3A_954] in [0] : vector<16xf32>, vector<16xi32> -> vector<16xf32>
        %get3A_956 = arith.index_cast %add3A_947 : i32 to index
        %get3A_957 = arith.constant 0 : index
        %get3A_958 = tpu.vector_load %arg10[%get3A_956, %get3A_957] {strides = array<i32>} : memref<160x64xf32, #tpu.memory_space<vmem>>, vector<16xf32>,
        %mul3A_959 = arith.mulf %gather3A_951, %get3A_958 : vector<16xf32>
        %add3A_960 = arith.addf %add3A_910, %mul3A_959 : vector<16xf32>
        %get3A_961 = arith.index_cast %add3A_947 : i32 to index
        %get3A_962 = arith.constant 0 : index
        %get3A_963 = tpu.vector_load %arg12[%get3A_961, %get3A_962] {strides = array<i32>} : memref<160x64xf32, #tpu.memory_space<vmem>>, vector<16xf32>,
        %mul3A_964 = arith.mulf %gather3A_955, %get3A_963 : vector<16xf32>
        %add3A_965 = arith.addf %add3A_915, %mul3A_964 : vector<16xf32>
        %get3A_966 = arith.index_cast %add3A_947 : i32 to index
        %get3A_967 = arith.constant 16 : index
        %get3A_968 = tpu.vector_load %arg10[%get3A_966, %get3A_967] {strides = array<i32>} : memref<160x64xf32, #tpu.memory_space<vmem>>, vector<16xf32>,
        %mul3A_969 = arith.mulf %gather3A_951, %get3A_968 : vector<16xf32>
        %add3A_970 = arith.addf %add3A_920, %mul3A_969 : vector<16xf32>
        %get3A_971 = arith.index_cast %add3A_947 : i32 to index
        %get3A_972 = arith.constant 16 : index
        %get3A_973 = tpu.vector_load %arg12[%get3A_971, %get3A_972] {strides = array<i32>} : memref<160x64xf32, #tpu.memory_space<vmem>>, vector<16xf32>,
        %mul3A_974 = arith.mulf %gather3A_955, %get3A_973 : vector<16xf32>
        %add3A_975 = arith.addf %add3A_925, %mul3A_974 : vector<16xf32>
        %get3A_976 = arith.index_cast %add3A_947 : i32 to index
        %get3A_977 = arith.constant 32 : index
        %get3A_978 = tpu.vector_load %arg10[%get3A_976, %get3A_977] {strides = array<i32>} : memref<160x64xf32, #tpu.memory_space<vmem>>, vector<16xf32>,
        %mul3A_979 = arith.mulf %gather3A_951, %get3A_978 : vector<16xf32>
        %add3A_980 = arith.addf %add3A_930, %mul3A_979 : vector<16xf32>
        %get3A_981 = arith.index_cast %add3A_947 : i32 to index
        %get3A_982 = arith.constant 32 : index
        %get3A_983 = tpu.vector_load %arg12[%get3A_981, %get3A_982] {strides = array<i32>} : memref<160x64xf32, #tpu.memory_space<vmem>>, vector<16xf32>,
        %mul3A_984 = arith.mulf %gather3A_955, %get3A_983 : vector<16xf32>
        %add3A_985 = arith.addf %add3A_935, %mul3A_984 : vector<16xf32>
        %get3A_986 = arith.index_cast %add3A_947 : i32 to index
        %get3A_987 = arith.constant 48 : index
        %get3A_988 = tpu.vector_load %arg10[%get3A_986, %get3A_987] {strides = array<i32>} : memref<160x64xf32, #tpu.memory_space<vmem>>, vector<16xf32>,
        %mul3A_989 = arith.mulf %gather3A_951, %get3A_988 : vector<16xf32>
        %add3A_990 = arith.addf %add3A_940, %mul3A_989 : vector<16xf32>
        %get3A_991 = arith.index_cast %add3A_947 : i32 to index
        %get3A_992 = arith.constant 48 : index
        %get3A_993 = tpu.vector_load %arg12[%get3A_991, %get3A_992] {strides = array<i32>} : memref<160x64xf32, #tpu.memory_space<vmem>>, vector<16xf32>,
        %mul3A_994 = arith.mulf %gather3A_955, %get3A_993 : vector<16xf32>
        %add3A_995 = arith.addf %add3A_945, %mul3A_994 : vector<16xf32>
        %add3A_996 = arith.constant 13 : i32
        %add3A_997 = arith.addi %mul3A_319, %add3A_996 : i32
        %broadcast_in_dim3A_998 = arith.constant 13 : i32
        %broadcast_in_dim3A_999 = vector.broadcast %broadcast_in_dim3A_998 : i32 to vector<16x1xi32>
        %gather3A_1000 = vector.shape_cast %broadcast_in_dim3A_999 : vector<16x1xi32> to vector<16xi32>
        %gather3A_1001 = tpu.dynamic_gather %select_n3A_333[%gather3A_1000] in [0] : vector<16xf32>, vector<16xi32> -> vector<16xf32>
        %broadcast_in_dim3A_1002 = arith.constant 13 : i32
        %broadcast_in_dim3A_1003 = vector.broadcast %broadcast_in_dim3A_1002 : i32 to vector<16x1xi32>
        %gather3A_1004 = vector.shape_cast %broadcast_in_dim3A_1003 : vector<16x1xi32> to vector<16xi32>
        %gather3A_1005 = tpu.dynamic_gather %select_n3A_337[%gather3A_1004] in [0] : vector<16xf32>, vector<16xi32> -> vector<16xf32>
        %get3A_1006 = arith.index_cast %add3A_997 : i32 to index
        %get3A_1007 = arith.constant 0 : index
        %get3A_1008 = tpu.vector_load %arg10[%get3A_1006, %get3A_1007] {strides = array<i32>} : memref<160x64xf32, #tpu.memory_space<vmem>>, vector<16xf32>,
        %mul3A_1009 = arith.mulf %gather3A_1001, %get3A_1008 : vector<16xf32>
        %add3A_1010 = arith.addf %add3A_960, %mul3A_1009 : vector<16xf32>
        %get3A_1011 = arith.index_cast %add3A_997 : i32 to index
        %get3A_1012 = arith.constant 0 : index
        %get3A_1013 = tpu.vector_load %arg12[%get3A_1011, %get3A_1012] {strides = array<i32>} : memref<160x64xf32, #tpu.memory_space<vmem>>, vector<16xf32>,
        %mul3A_1014 = arith.mulf %gather3A_1005, %get3A_1013 : vector<16xf32>
        %add3A_1015 = arith.addf %add3A_965, %mul3A_1014 : vector<16xf32>
        %get3A_1016 = arith.index_cast %add3A_997 : i32 to index
        %get3A_1017 = arith.constant 16 : index
        %get3A_1018 = tpu.vector_load %arg10[%get3A_1016, %get3A_1017] {strides = array<i32>} : memref<160x64xf32, #tpu.memory_space<vmem>>, vector<16xf32>,
        %mul3A_1019 = arith.mulf %gather3A_1001, %get3A_1018 : vector<16xf32>
        %add3A_1020 = arith.addf %add3A_970, %mul3A_1019 : vector<16xf32>
        %get3A_1021 = arith.index_cast %add3A_997 : i32 to index
        %get3A_1022 = arith.constant 16 : index
        %get3A_1023 = tpu.vector_load %arg12[%get3A_1021, %get3A_1022] {strides = array<i32>} : memref<160x64xf32, #tpu.memory_space<vmem>>, vector<16xf32>,
        %mul3A_1024 = arith.mulf %gather3A_1005, %get3A_1023 : vector<16xf32>
        %add3A_1025 = arith.addf %add3A_975, %mul3A_1024 : vector<16xf32>
        %get3A_1026 = arith.index_cast %add3A_997 : i32 to index
        %get3A_1027 = arith.constant 32 : index
        %get3A_1028 = tpu.vector_load %arg10[%get3A_1026, %get3A_1027] {strides = array<i32>} : memref<160x64xf32, #tpu.memory_space<vmem>>, vector<16xf32>,
        %mul3A_1029 = arith.mulf %gather3A_1001, %get3A_1028 : vector<16xf32>
        %add3A_1030 = arith.addf %add3A_980, %mul3A_1029 : vector<16xf32>
        %get3A_1031 = arith.index_cast %add3A_997 : i32 to index
        %get3A_1032 = arith.constant 32 : index
        %get3A_1033 = tpu.vector_load %arg12[%get3A_1031, %get3A_1032] {strides = array<i32>} : memref<160x64xf32, #tpu.memory_space<vmem>>, vector<16xf32>,
        %mul3A_1034 = arith.mulf %gather3A_1005, %get3A_1033 : vector<16xf32>
        %add3A_1035 = arith.addf %add3A_985, %mul3A_1034 : vector<16xf32>
        %get3A_1036 = arith.index_cast %add3A_997 : i32 to index
        %get3A_1037 = arith.constant 48 : index
        %get3A_1038 = tpu.vector_load %arg10[%get3A_1036, %get3A_1037] {strides = array<i32>} : memref<160x64xf32, #tpu.memory_space<vmem>>, vector<16xf32>,
        %mul3A_1039 = arith.mulf %gather3A_1001, %get3A_1038 : vector<16xf32>
        %add3A_1040 = arith.addf %add3A_990, %mul3A_1039 : vector<16xf32>
        %get3A_1041 = arith.index_cast %add3A_997 : i32 to index
        %get3A_1042 = arith.constant 48 : index
        %get3A_1043 = tpu.vector_load %arg12[%get3A_1041, %get3A_1042] {strides = array<i32>} : memref<160x64xf32, #tpu.memory_space<vmem>>, vector<16xf32>,
        %mul3A_1044 = arith.mulf %gather3A_1005, %get3A_1043 : vector<16xf32>
        %add3A_1045 = arith.addf %add3A_995, %mul3A_1044 : vector<16xf32>
        %add3A_1046 = arith.constant 14 : i32
        %add3A_1047 = arith.addi %mul3A_319, %add3A_1046 : i32
        %broadcast_in_dim3A_1048 = arith.constant 14 : i32
        %broadcast_in_dim3A_1049 = vector.broadcast %broadcast_in_dim3A_1048 : i32 to vector<16x1xi32>
        %gather3A_1050 = vector.shape_cast %broadcast_in_dim3A_1049 : vector<16x1xi32> to vector<16xi32>
        %gather3A_1051 = tpu.dynamic_gather %select_n3A_333[%gather3A_1050] in [0] : vector<16xf32>, vector<16xi32> -> vector<16xf32>
        %broadcast_in_dim3A_1052 = arith.constant 14 : i32
        %broadcast_in_dim3A_1053 = vector.broadcast %broadcast_in_dim3A_1052 : i32 to vector<16x1xi32>
        %gather3A_1054 = vector.shape_cast %broadcast_in_dim3A_1053 : vector<16x1xi32> to vector<16xi32>
        %gather3A_1055 = tpu.dynamic_gather %select_n3A_337[%gather3A_1054] in [0] : vector<16xf32>, vector<16xi32> -> vector<16xf32>
        %get3A_1056 = arith.index_cast %add3A_1047 : i32 to index
        %get3A_1057 = arith.constant 0 : index
        %get3A_1058 = tpu.vector_load %arg10[%get3A_1056, %get3A_1057] {strides = array<i32>} : memref<160x64xf32, #tpu.memory_space<vmem>>, vector<16xf32>,
        %mul3A_1059 = arith.mulf %gather3A_1051, %get3A_1058 : vector<16xf32>
        %add3A_1060 = arith.addf %add3A_1010, %mul3A_1059 : vector<16xf32>
        %get3A_1061 = arith.index_cast %add3A_1047 : i32 to index
        %get3A_1062 = arith.constant 0 : index
        %get3A_1063 = tpu.vector_load %arg12[%get3A_1061, %get3A_1062] {strides = array<i32>} : memref<160x64xf32, #tpu.memory_space<vmem>>, vector<16xf32>,
        %mul3A_1064 = arith.mulf %gather3A_1055, %get3A_1063 : vector<16xf32>
        %add3A_1065 = arith.addf %add3A_1015, %mul3A_1064 : vector<16xf32>
        %get3A_1066 = arith.index_cast %add3A_1047 : i32 to index
        %get3A_1067 = arith.constant 16 : index
        %get3A_1068 = tpu.vector_load %arg10[%get3A_1066, %get3A_1067] {strides = array<i32>} : memref<160x64xf32, #tpu.memory_space<vmem>>, vector<16xf32>,
        %mul3A_1069 = arith.mulf %gather3A_1051, %get3A_1068 : vector<16xf32>
        %add3A_1070 = arith.addf %add3A_1020, %mul3A_1069 : vector<16xf32>
        %get3A_1071 = arith.index_cast %add3A_1047 : i32 to index
        %get3A_1072 = arith.constant 16 : index
        %get3A_1073 = tpu.vector_load %arg12[%get3A_1071, %get3A_1072] {strides = array<i32>} : memref<160x64xf32, #tpu.memory_space<vmem>>, vector<16xf32>,
        %mul3A_1074 = arith.mulf %gather3A_1055, %get3A_1073 : vector<16xf32>
        %add3A_1075 = arith.addf %add3A_1025, %mul3A_1074 : vector<16xf32>
        %get3A_1076 = arith.index_cast %add3A_1047 : i32 to index
        %get3A_1077 = arith.constant 32 : index
        %get3A_1078 = tpu.vector_load %arg10[%get3A_1076, %get3A_1077] {strides = array<i32>} : memref<160x64xf32, #tpu.memory_space<vmem>>, vector<16xf32>,
        %mul3A_1079 = arith.mulf %gather3A_1051, %get3A_1078 : vector<16xf32>
        %add3A_1080 = arith.addf %add3A_1030, %mul3A_1079 : vector<16xf32>
        %get3A_1081 = arith.index_cast %add3A_1047 : i32 to index
        %get3A_1082 = arith.constant 32 : index
        %get3A_1083 = tpu.vector_load %arg12[%get3A_1081, %get3A_1082] {strides = array<i32>} : memref<160x64xf32, #tpu.memory_space<vmem>>, vector<16xf32>,
        %mul3A_1084 = arith.mulf %gather3A_1055, %get3A_1083 : vector<16xf32>
        %add3A_1085 = arith.addf %add3A_1035, %mul3A_1084 : vector<16xf32>
        %get3A_1086 = arith.index_cast %add3A_1047 : i32 to index
        %get3A_1087 = arith.constant 48 : index
        %get3A_1088 = tpu.vector_load %arg10[%get3A_1086, %get3A_1087] {strides = array<i32>} : memref<160x64xf32, #tpu.memory_space<vmem>>, vector<16xf32>,
        %mul3A_1089 = arith.mulf %gather3A_1051, %get3A_1088 : vector<16xf32>
        %add3A_1090 = arith.addf %add3A_1040, %mul3A_1089 : vector<16xf32>
        %get3A_1091 = arith.index_cast %add3A_1047 : i32 to index
        %get3A_1092 = arith.constant 48 : index
        %get3A_1093 = tpu.vector_load %arg12[%get3A_1091, %get3A_1092] {strides = array<i32>} : memref<160x64xf32, #tpu.memory_space<vmem>>, vector<16xf32>,
        %mul3A_1094 = arith.mulf %gather3A_1055, %get3A_1093 : vector<16xf32>
        %add3A_1095 = arith.addf %add3A_1045, %mul3A_1094 : vector<16xf32>
        %add3A_1096 = arith.constant 15 : i32
        %add3A_1097 = arith.addi %mul3A_319, %add3A_1096 : i32
        %broadcast_in_dim3A_1098 = arith.constant 15 : i32
        %broadcast_in_dim3A_1099 = vector.broadcast %broadcast_in_dim3A_1098 : i32 to vector<16x1xi32>
        %gather3A_1100 = vector.shape_cast %broadcast_in_dim3A_1099 : vector<16x1xi32> to vector<16xi32>
        %gather3A_1101 = tpu.dynamic_gather %select_n3A_333[%gather3A_1100] in [0] : vector<16xf32>, vector<16xi32> -> vector<16xf32>
        %broadcast_in_dim3A_1102 = arith.constant 15 : i32
        %broadcast_in_dim3A_1103 = vector.broadcast %broadcast_in_dim3A_1102 : i32 to vector<16x1xi32>
        %gather3A_1104 = vector.shape_cast %broadcast_in_dim3A_1103 : vector<16x1xi32> to vector<16xi32>
        %gather3A_1105 = tpu.dynamic_gather %select_n3A_337[%gather3A_1104] in [0] : vector<16xf32>, vector<16xi32> -> vector<16xf32>
        %get3A_1106 = arith.index_cast %add3A_1097 : i32 to index
        %get3A_1107 = arith.constant 0 : index
        %get3A_1108 = tpu.vector_load %arg10[%get3A_1106, %get3A_1107] {strides = array<i32>} : memref<160x64xf32, #tpu.memory_space<vmem>>, vector<16xf32>,
        %mul3A_1109 = arith.mulf %gather3A_1101, %get3A_1108 : vector<16xf32>
        %add3A_1110 = arith.addf %add3A_1060, %mul3A_1109 : vector<16xf32>
        %get3A_1111 = arith.index_cast %add3A_1097 : i32 to index
        %get3A_1112 = arith.constant 0 : index
        %get3A_1113 = tpu.vector_load %arg12[%get3A_1111, %get3A_1112] {strides = array<i32>} : memref<160x64xf32, #tpu.memory_space<vmem>>, vector<16xf32>,
        %mul3A_1114 = arith.mulf %gather3A_1105, %get3A_1113 : vector<16xf32>
        %add3A_1115 = arith.addf %add3A_1065, %mul3A_1114 : vector<16xf32>
        %get3A_1116 = arith.index_cast %add3A_1097 : i32 to index
        %get3A_1117 = arith.constant 16 : index
        %get3A_1118 = tpu.vector_load %arg10[%get3A_1116, %get3A_1117] {strides = array<i32>} : memref<160x64xf32, #tpu.memory_space<vmem>>, vector<16xf32>,
        %mul3A_1119 = arith.mulf %gather3A_1101, %get3A_1118 : vector<16xf32>
        %add3A_1120 = arith.addf %add3A_1070, %mul3A_1119 : vector<16xf32>
        %get3A_1121 = arith.index_cast %add3A_1097 : i32 to index
        %get3A_1122 = arith.constant 16 : index
        %get3A_1123 = tpu.vector_load %arg12[%get3A_1121, %get3A_1122] {strides = array<i32>} : memref<160x64xf32, #tpu.memory_space<vmem>>, vector<16xf32>,
        %mul3A_1124 = arith.mulf %gather3A_1105, %get3A_1123 : vector<16xf32>
        %add3A_1125 = arith.addf %add3A_1075, %mul3A_1124 : vector<16xf32>
        %get3A_1126 = arith.index_cast %add3A_1097 : i32 to index
        %get3A_1127 = arith.constant 32 : index
        %get3A_1128 = tpu.vector_load %arg10[%get3A_1126, %get3A_1127] {strides = array<i32>} : memref<160x64xf32, #tpu.memory_space<vmem>>, vector<16xf32>,
        %mul3A_1129 = arith.mulf %gather3A_1101, %get3A_1128 : vector<16xf32>
        %add3A_1130 = arith.addf %add3A_1080, %mul3A_1129 : vector<16xf32>
        %get3A_1131 = arith.index_cast %add3A_1097 : i32 to index
        %get3A_1132 = arith.constant 32 : index
        %get3A_1133 = tpu.vector_load %arg12[%get3A_1131, %get3A_1132] {strides = array<i32>} : memref<160x64xf32, #tpu.memory_space<vmem>>, vector<16xf32>,
        %mul3A_1134 = arith.mulf %gather3A_1105, %get3A_1133 : vector<16xf32>
        %add3A_1135 = arith.addf %add3A_1085, %mul3A_1134 : vector<16xf32>
        %get3A_1136 = arith.index_cast %add3A_1097 : i32 to index
        %get3A_1137 = arith.constant 48 : index
        %get3A_1138 = tpu.vector_load %arg10[%get3A_1136, %get3A_1137] {strides = array<i32>} : memref<160x64xf32, #tpu.memory_space<vmem>>, vector<16xf32>,
        %mul3A_1139 = arith.mulf %gather3A_1101, %get3A_1138 : vector<16xf32>
        %add3A_1140 = arith.addf %add3A_1090, %mul3A_1139 : vector<16xf32>
        %get3A_1141 = arith.index_cast %add3A_1097 : i32 to index
        %get3A_1142 = arith.constant 48 : index
        %get3A_1143 = tpu.vector_load %arg12[%get3A_1141, %get3A_1142] {strides = array<i32>} : memref<160x64xf32, #tpu.memory_space<vmem>>, vector<16xf32>,
        %mul3A_1144 = arith.mulf %gather3A_1105, %get3A_1143 : vector<16xf32>
        %add3A_1145 = arith.addf %add3A_1095, %mul3A_1144 : vector<16xf32>
        %all_reduce_population_count3A = tpu.all_reduce %and3A_343 {dim = 0 : i64, kind = #tpu.reduction_kind<sum>} : vector<16xi1> -> vector<16xi32>
        %slice3A = vector.extract_strided_slice %all_reduce_population_count3A {offsets = [0], sizes = [1], strides = [1]} : vector<16xi32> to vector<1xi32>
        %squeeze3A = vector.extract %slice3A[0] : i32 from vector<1xi32>
        %gt3A = arith.constant 0 : i32
        %gt3A_1146 = arith.cmpi sgt, %squeeze3A, %gt3A : i32
        %convert_element_type3A = arith.extui %gt3A_1146 : i1 to i32
        %cond3A = arith.constant 0 : i32
        %cond3A_1147 = arith.cmpi ne, %convert_element_type3A, %cond3A : i32
        %cond3A_1148:8 = scf.if %cond3A_1147 -> (vector<16xf32>, vector<16xf32>, vector<16xf32>, vector<16xf32>, vector<16xf32>, vector<16xf32>, vector<16xf32>, vector<16xf32>) {
          %add3A_1149 = arith.constant 0 : i32
          %add3A_1150 = arith.addi %mul3A_319, %add3A_1149 : i32
          %broadcast_in_dim3A_1151 = arith.constant 0 : i32
          %broadcast_in_dim3A_1152 = vector.broadcast %broadcast_in_dim3A_1151 : i32 to vector<16x1xi32>
          %gather3A_1153 = vector.shape_cast %broadcast_in_dim3A_1152 : vector<16x1xi32> to vector<16xi32>
          %gather3A_1154 = tpu.dynamic_gather %select_n3A_346[%gather3A_1153] in [0] : vector<16xf32>, vector<16xi32> -> vector<16xf32>
          %get3A_1155 = arith.index_cast %add3A_1150 : i32 to index
          %get3A_1156 = arith.constant 0 : index
          %get3A_1157 = tpu.vector_load %arg12[%get3A_1155, %get3A_1156] {strides = array<i32>} : memref<160x64xf32, #tpu.memory_space<vmem>>, vector<16xf32>,
          %mul3A_1158 = arith.mulf %gather3A_1154, %get3A_1157 : vector<16xf32>
          %add3A_1159 = arith.addf %scan3A_310, %mul3A_1158 : vector<16xf32>
          %mul3A_1160 = arith.mulf %mul3A_1158, %get3A_1157 : vector<16xf32>
          %add3A_1161 = arith.addf %scan3A_314, %mul3A_1160 : vector<16xf32>
          %get3A_1162 = arith.index_cast %add3A_1150 : i32 to index
          %get3A_1163 = arith.constant 16 : index
          %get3A_1164 = tpu.vector_load %arg12[%get3A_1162, %get3A_1163] {strides = array<i32>} : memref<160x64xf32, #tpu.memory_space<vmem>>, vector<16xf32>,
          %mul3A_1165 = arith.mulf %gather3A_1154, %get3A_1164 : vector<16xf32>
          %add3A_1166 = arith.addf %scan3A_311, %mul3A_1165 : vector<16xf32>
          %mul3A_1167 = arith.mulf %mul3A_1165, %get3A_1164 : vector<16xf32>
          %add3A_1168 = arith.addf %scan3A_315, %mul3A_1167 : vector<16xf32>
          %get3A_1169 = arith.index_cast %add3A_1150 : i32 to index
          %get3A_1170 = arith.constant 32 : index
          %get3A_1171 = tpu.vector_load %arg12[%get3A_1169, %get3A_1170] {strides = array<i32>} : memref<160x64xf32, #tpu.memory_space<vmem>>, vector<16xf32>,
          %mul3A_1172 = arith.mulf %gather3A_1154, %get3A_1171 : vector<16xf32>
          %add3A_1173 = arith.addf %scan3A_312, %mul3A_1172 : vector<16xf32>
          %mul3A_1174 = arith.mulf %mul3A_1172, %get3A_1171 : vector<16xf32>
          %add3A_1175 = arith.addf %scan3A_316, %mul3A_1174 : vector<16xf32>
          %get3A_1176 = arith.index_cast %add3A_1150 : i32 to index
          %get3A_1177 = arith.constant 48 : index
          %get3A_1178 = tpu.vector_load %arg12[%get3A_1176, %get3A_1177] {strides = array<i32>} : memref<160x64xf32, #tpu.memory_space<vmem>>, vector<16xf32>,
          %mul3A_1179 = arith.mulf %gather3A_1154, %get3A_1178 : vector<16xf32>
          %add3A_1180 = arith.addf %scan3A_313, %mul3A_1179 : vector<16xf32>
          %mul3A_1181 = arith.mulf %mul3A_1179, %get3A_1178 : vector<16xf32>
          %add3A_1182 = arith.addf %scan3A_317, %mul3A_1181 : vector<16xf32>
          %add3A_1183 = arith.constant 1 : i32
          %add3A_1184 = arith.addi %mul3A_319, %add3A_1183 : i32
          %broadcast_in_dim3A_1185 = arith.constant 1 : i32
          %broadcast_in_dim3A_1186 = vector.broadcast %broadcast_in_dim3A_1185 : i32 to vector<16x1xi32>
          %gather3A_1187 = vector.shape_cast %broadcast_in_dim3A_1186 : vector<16x1xi32> to vector<16xi32>
          %gather3A_1188 = tpu.dynamic_gather %select_n3A_346[%gather3A_1187] in [0] : vector<16xf32>, vector<16xi32> -> vector<16xf32>
          %get3A_1189 = arith.index_cast %add3A_1184 : i32 to index
          %get3A_1190 = arith.constant 0 : index
          %get3A_1191 = tpu.vector_load %arg12[%get3A_1189, %get3A_1190] {strides = array<i32>} : memref<160x64xf32, #tpu.memory_space<vmem>>, vector<16xf32>,
          %mul3A_1192 = arith.mulf %gather3A_1188, %get3A_1191 : vector<16xf32>
          %add3A_1193 = arith.addf %add3A_1159, %mul3A_1192 : vector<16xf32>
          %mul3A_1194 = arith.mulf %mul3A_1192, %get3A_1191 : vector<16xf32>
          %add3A_1195 = arith.addf %add3A_1161, %mul3A_1194 : vector<16xf32>
          %get3A_1196 = arith.index_cast %add3A_1184 : i32 to index
          %get3A_1197 = arith.constant 16 : index
          %get3A_1198 = tpu.vector_load %arg12[%get3A_1196, %get3A_1197] {strides = array<i32>} : memref<160x64xf32, #tpu.memory_space<vmem>>, vector<16xf32>,
          %mul3A_1199 = arith.mulf %gather3A_1188, %get3A_1198 : vector<16xf32>
          %add3A_1200 = arith.addf %add3A_1166, %mul3A_1199 : vector<16xf32>
          %mul3A_1201 = arith.mulf %mul3A_1199, %get3A_1198 : vector<16xf32>
          %add3A_1202 = arith.addf %add3A_1168, %mul3A_1201 : vector<16xf32>
          %get3A_1203 = arith.index_cast %add3A_1184 : i32 to index
          %get3A_1204 = arith.constant 32 : index
          %get3A_1205 = tpu.vector_load %arg12[%get3A_1203, %get3A_1204] {strides = array<i32>} : memref<160x64xf32, #tpu.memory_space<vmem>>, vector<16xf32>,
          %mul3A_1206 = arith.mulf %gather3A_1188, %get3A_1205 : vector<16xf32>
          %add3A_1207 = arith.addf %add3A_1173, %mul3A_1206 : vector<16xf32>
          %mul3A_1208 = arith.mulf %mul3A_1206, %get3A_1205 : vector<16xf32>
          %add3A_1209 = arith.addf %add3A_1175, %mul3A_1208 : vector<16xf32>
          %get3A_1210 = arith.index_cast %add3A_1184 : i32 to index
          %get3A_1211 = arith.constant 48 : index
          %get3A_1212 = tpu.vector_load %arg12[%get3A_1210, %get3A_1211] {strides = array<i32>} : memref<160x64xf32, #tpu.memory_space<vmem>>, vector<16xf32>,
          %mul3A_1213 = arith.mulf %gather3A_1188, %get3A_1212 : vector<16xf32>
          %add3A_1214 = arith.addf %add3A_1180, %mul3A_1213 : vector<16xf32>
          %mul3A_1215 = arith.mulf %mul3A_1213, %get3A_1212 : vector<16xf32>
          %add3A_1216 = arith.addf %add3A_1182, %mul3A_1215 : vector<16xf32>
          %add3A_1217 = arith.constant 2 : i32
          %add3A_1218 = arith.addi %mul3A_319, %add3A_1217 : i32
          %broadcast_in_dim3A_1219 = arith.constant 2 : i32
          %broadcast_in_dim3A_1220 = vector.broadcast %broadcast_in_dim3A_1219 : i32 to vector<16x1xi32>
          %gather3A_1221 = vector.shape_cast %broadcast_in_dim3A_1220 : vector<16x1xi32> to vector<16xi32>
          %gather3A_1222 = tpu.dynamic_gather %select_n3A_346[%gather3A_1221] in [0] : vector<16xf32>, vector<16xi32> -> vector<16xf32>
          %get3A_1223 = arith.index_cast %add3A_1218 : i32 to index
          %get3A_1224 = arith.constant 0 : index
          %get3A_1225 = tpu.vector_load %arg12[%get3A_1223, %get3A_1224] {strides = array<i32>} : memref<160x64xf32, #tpu.memory_space<vmem>>, vector<16xf32>,
          %mul3A_1226 = arith.mulf %gather3A_1222, %get3A_1225 : vector<16xf32>
          %add3A_1227 = arith.addf %add3A_1193, %mul3A_1226 : vector<16xf32>
          %mul3A_1228 = arith.mulf %mul3A_1226, %get3A_1225 : vector<16xf32>
          %add3A_1229 = arith.addf %add3A_1195, %mul3A_1228 : vector<16xf32>
          %get3A_1230 = arith.index_cast %add3A_1218 : i32 to index
          %get3A_1231 = arith.constant 16 : index
          %get3A_1232 = tpu.vector_load %arg12[%get3A_1230, %get3A_1231] {strides = array<i32>} : memref<160x64xf32, #tpu.memory_space<vmem>>, vector<16xf32>,
          %mul3A_1233 = arith.mulf %gather3A_1222, %get3A_1232 : vector<16xf32>
          %add3A_1234 = arith.addf %add3A_1200, %mul3A_1233 : vector<16xf32>
          %mul3A_1235 = arith.mulf %mul3A_1233, %get3A_1232 : vector<16xf32>
          %add3A_1236 = arith.addf %add3A_1202, %mul3A_1235 : vector<16xf32>
          %get3A_1237 = arith.index_cast %add3A_1218 : i32 to index
          %get3A_1238 = arith.constant 32 : index
          %get3A_1239 = tpu.vector_load %arg12[%get3A_1237, %get3A_1238] {strides = array<i32>} : memref<160x64xf32, #tpu.memory_space<vmem>>, vector<16xf32>,
          %mul3A_1240 = arith.mulf %gather3A_1222, %get3A_1239 : vector<16xf32>
          %add3A_1241 = arith.addf %add3A_1207, %mul3A_1240 : vector<16xf32>
          %mul3A_1242 = arith.mulf %mul3A_1240, %get3A_1239 : vector<16xf32>
          %add3A_1243 = arith.addf %add3A_1209, %mul3A_1242 : vector<16xf32>
          %get3A_1244 = arith.index_cast %add3A_1218 : i32 to index
          %get3A_1245 = arith.constant 48 : index
          %get3A_1246 = tpu.vector_load %arg12[%get3A_1244, %get3A_1245] {strides = array<i32>} : memref<160x64xf32, #tpu.memory_space<vmem>>, vector<16xf32>,
          %mul3A_1247 = arith.mulf %gather3A_1222, %get3A_1246 : vector<16xf32>
          %add3A_1248 = arith.addf %add3A_1214, %mul3A_1247 : vector<16xf32>
          %mul3A_1249 = arith.mulf %mul3A_1247, %get3A_1246 : vector<16xf32>
          %add3A_1250 = arith.addf %add3A_1216, %mul3A_1249 : vector<16xf32>
          %add3A_1251 = arith.constant 3 : i32
          %add3A_1252 = arith.addi %mul3A_319, %add3A_1251 : i32
          %broadcast_in_dim3A_1253 = arith.constant 3 : i32
          %broadcast_in_dim3A_1254 = vector.broadcast %broadcast_in_dim3A_1253 : i32 to vector<16x1xi32>
          %gather3A_1255 = vector.shape_cast %broadcast_in_dim3A_1254 : vector<16x1xi32> to vector<16xi32>
          %gather3A_1256 = tpu.dynamic_gather %select_n3A_346[%gather3A_1255] in [0] : vector<16xf32>, vector<16xi32> -> vector<16xf32>
          %get3A_1257 = arith.index_cast %add3A_1252 : i32 to index
          %get3A_1258 = arith.constant 0 : index
          %get3A_1259 = tpu.vector_load %arg12[%get3A_1257, %get3A_1258] {strides = array<i32>} : memref<160x64xf32, #tpu.memory_space<vmem>>, vector<16xf32>,
          %mul3A_1260 = arith.mulf %gather3A_1256, %get3A_1259 : vector<16xf32>
          %add3A_1261 = arith.addf %add3A_1227, %mul3A_1260 : vector<16xf32>
          %mul3A_1262 = arith.mulf %mul3A_1260, %get3A_1259 : vector<16xf32>
          %add3A_1263 = arith.addf %add3A_1229, %mul3A_1262 : vector<16xf32>
          %get3A_1264 = arith.index_cast %add3A_1252 : i32 to index
          %get3A_1265 = arith.constant 16 : index
          %get3A_1266 = tpu.vector_load %arg12[%get3A_1264, %get3A_1265] {strides = array<i32>} : memref<160x64xf32, #tpu.memory_space<vmem>>, vector<16xf32>,
          %mul3A_1267 = arith.mulf %gather3A_1256, %get3A_1266 : vector<16xf32>
          %add3A_1268 = arith.addf %add3A_1234, %mul3A_1267 : vector<16xf32>
          %mul3A_1269 = arith.mulf %mul3A_1267, %get3A_1266 : vector<16xf32>
          %add3A_1270 = arith.addf %add3A_1236, %mul3A_1269 : vector<16xf32>
          %get3A_1271 = arith.index_cast %add3A_1252 : i32 to index
          %get3A_1272 = arith.constant 32 : index
          %get3A_1273 = tpu.vector_load %arg12[%get3A_1271, %get3A_1272] {strides = array<i32>} : memref<160x64xf32, #tpu.memory_space<vmem>>, vector<16xf32>,
          %mul3A_1274 = arith.mulf %gather3A_1256, %get3A_1273 : vector<16xf32>
          %add3A_1275 = arith.addf %add3A_1241, %mul3A_1274 : vector<16xf32>
          %mul3A_1276 = arith.mulf %mul3A_1274, %get3A_1273 : vector<16xf32>
          %add3A_1277 = arith.addf %add3A_1243, %mul3A_1276 : vector<16xf32>
          %get3A_1278 = arith.index_cast %add3A_1252 : i32 to index
          %get3A_1279 = arith.constant 48 : index
          %get3A_1280 = tpu.vector_load %arg12[%get3A_1278, %get3A_1279] {strides = array<i32>} : memref<160x64xf32, #tpu.memory_space<vmem>>, vector<16xf32>,
          %mul3A_1281 = arith.mulf %gather3A_1256, %get3A_1280 : vector<16xf32>
          %add3A_1282 = arith.addf %add3A_1248, %mul3A_1281 : vector<16xf32>
          %mul3A_1283 = arith.mulf %mul3A_1281, %get3A_1280 : vector<16xf32>
          %add3A_1284 = arith.addf %add3A_1250, %mul3A_1283 : vector<16xf32>
          %add3A_1285 = arith.constant 4 : i32
          %add3A_1286 = arith.addi %mul3A_319, %add3A_1285 : i32
          %broadcast_in_dim3A_1287 = arith.constant 4 : i32
          %broadcast_in_dim3A_1288 = vector.broadcast %broadcast_in_dim3A_1287 : i32 to vector<16x1xi32>
          %gather3A_1289 = vector.shape_cast %broadcast_in_dim3A_1288 : vector<16x1xi32> to vector<16xi32>
          %gather3A_1290 = tpu.dynamic_gather %select_n3A_346[%gather3A_1289] in [0] : vector<16xf32>, vector<16xi32> -> vector<16xf32>
          %get3A_1291 = arith.index_cast %add3A_1286 : i32 to index
          %get3A_1292 = arith.constant 0 : index
          %get3A_1293 = tpu.vector_load %arg12[%get3A_1291, %get3A_1292] {strides = array<i32>} : memref<160x64xf32, #tpu.memory_space<vmem>>, vector<16xf32>,
          %mul3A_1294 = arith.mulf %gather3A_1290, %get3A_1293 : vector<16xf32>
          %add3A_1295 = arith.addf %add3A_1261, %mul3A_1294 : vector<16xf32>
          %mul3A_1296 = arith.mulf %mul3A_1294, %get3A_1293 : vector<16xf32>
          %add3A_1297 = arith.addf %add3A_1263, %mul3A_1296 : vector<16xf32>
          %get3A_1298 = arith.index_cast %add3A_1286 : i32 to index
          %get3A_1299 = arith.constant 16 : index
          %get3A_1300 = tpu.vector_load %arg12[%get3A_1298, %get3A_1299] {strides = array<i32>} : memref<160x64xf32, #tpu.memory_space<vmem>>, vector<16xf32>,
          %mul3A_1301 = arith.mulf %gather3A_1290, %get3A_1300 : vector<16xf32>
          %add3A_1302 = arith.addf %add3A_1268, %mul3A_1301 : vector<16xf32>
          %mul3A_1303 = arith.mulf %mul3A_1301, %get3A_1300 : vector<16xf32>
          %add3A_1304 = arith.addf %add3A_1270, %mul3A_1303 : vector<16xf32>
          %get3A_1305 = arith.index_cast %add3A_1286 : i32 to index
          %get3A_1306 = arith.constant 32 : index
          %get3A_1307 = tpu.vector_load %arg12[%get3A_1305, %get3A_1306] {strides = array<i32>} : memref<160x64xf32, #tpu.memory_space<vmem>>, vector<16xf32>,
          %mul3A_1308 = arith.mulf %gather3A_1290, %get3A_1307 : vector<16xf32>
          %add3A_1309 = arith.addf %add3A_1275, %mul3A_1308 : vector<16xf32>
          %mul3A_1310 = arith.mulf %mul3A_1308, %get3A_1307 : vector<16xf32>
          %add3A_1311 = arith.addf %add3A_1277, %mul3A_1310 : vector<16xf32>
          %get3A_1312 = arith.index_cast %add3A_1286 : i32 to index
          %get3A_1313 = arith.constant 48 : index
          %get3A_1314 = tpu.vector_load %arg12[%get3A_1312, %get3A_1313] {strides = array<i32>} : memref<160x64xf32, #tpu.memory_space<vmem>>, vector<16xf32>,
          %mul3A_1315 = arith.mulf %gather3A_1290, %get3A_1314 : vector<16xf32>
          %add3A_1316 = arith.addf %add3A_1282, %mul3A_1315 : vector<16xf32>
          %mul3A_1317 = arith.mulf %mul3A_1315, %get3A_1314 : vector<16xf32>
          %add3A_1318 = arith.addf %add3A_1284, %mul3A_1317 : vector<16xf32>
          %add3A_1319 = arith.constant 5 : i32
          %add3A_1320 = arith.addi %mul3A_319, %add3A_1319 : i32
          %broadcast_in_dim3A_1321 = arith.constant 5 : i32
          %broadcast_in_dim3A_1322 = vector.broadcast %broadcast_in_dim3A_1321 : i32 to vector<16x1xi32>
          %gather3A_1323 = vector.shape_cast %broadcast_in_dim3A_1322 : vector<16x1xi32> to vector<16xi32>
          %gather3A_1324 = tpu.dynamic_gather %select_n3A_346[%gather3A_1323] in [0] : vector<16xf32>, vector<16xi32> -> vector<16xf32>
          %get3A_1325 = arith.index_cast %add3A_1320 : i32 to index
          %get3A_1326 = arith.constant 0 : index
          %get3A_1327 = tpu.vector_load %arg12[%get3A_1325, %get3A_1326] {strides = array<i32>} : memref<160x64xf32, #tpu.memory_space<vmem>>, vector<16xf32>,
          %mul3A_1328 = arith.mulf %gather3A_1324, %get3A_1327 : vector<16xf32>
          %add3A_1329 = arith.addf %add3A_1295, %mul3A_1328 : vector<16xf32>
          %mul3A_1330 = arith.mulf %mul3A_1328, %get3A_1327 : vector<16xf32>
          %add3A_1331 = arith.addf %add3A_1297, %mul3A_1330 : vector<16xf32>
          %get3A_1332 = arith.index_cast %add3A_1320 : i32 to index
          %get3A_1333 = arith.constant 16 : index
          %get3A_1334 = tpu.vector_load %arg12[%get3A_1332, %get3A_1333] {strides = array<i32>} : memref<160x64xf32, #tpu.memory_space<vmem>>, vector<16xf32>,
          %mul3A_1335 = arith.mulf %gather3A_1324, %get3A_1334 : vector<16xf32>
          %add3A_1336 = arith.addf %add3A_1302, %mul3A_1335 : vector<16xf32>
          %mul3A_1337 = arith.mulf %mul3A_1335, %get3A_1334 : vector<16xf32>
          %add3A_1338 = arith.addf %add3A_1304, %mul3A_1337 : vector<16xf32>
          %get3A_1339 = arith.index_cast %add3A_1320 : i32 to index
          %get3A_1340 = arith.constant 32 : index
          %get3A_1341 = tpu.vector_load %arg12[%get3A_1339, %get3A_1340] {strides = array<i32>} : memref<160x64xf32, #tpu.memory_space<vmem>>, vector<16xf32>,
          %mul3A_1342 = arith.mulf %gather3A_1324, %get3A_1341 : vector<16xf32>
          %add3A_1343 = arith.addf %add3A_1309, %mul3A_1342 : vector<16xf32>
          %mul3A_1344 = arith.mulf %mul3A_1342, %get3A_1341 : vector<16xf32>
          %add3A_1345 = arith.addf %add3A_1311, %mul3A_1344 : vector<16xf32>
          %get3A_1346 = arith.index_cast %add3A_1320 : i32 to index
          %get3A_1347 = arith.constant 48 : index
          %get3A_1348 = tpu.vector_load %arg12[%get3A_1346, %get3A_1347] {strides = array<i32>} : memref<160x64xf32, #tpu.memory_space<vmem>>, vector<16xf32>,
          %mul3A_1349 = arith.mulf %gather3A_1324, %get3A_1348 : vector<16xf32>
          %add3A_1350 = arith.addf %add3A_1316, %mul3A_1349 : vector<16xf32>
          %mul3A_1351 = arith.mulf %mul3A_1349, %get3A_1348 : vector<16xf32>
          %add3A_1352 = arith.addf %add3A_1318, %mul3A_1351 : vector<16xf32>
          %add3A_1353 = arith.constant 6 : i32
          %add3A_1354 = arith.addi %mul3A_319, %add3A_1353 : i32
          %broadcast_in_dim3A_1355 = arith.constant 6 : i32
          %broadcast_in_dim3A_1356 = vector.broadcast %broadcast_in_dim3A_1355 : i32 to vector<16x1xi32>
          %gather3A_1357 = vector.shape_cast %broadcast_in_dim3A_1356 : vector<16x1xi32> to vector<16xi32>
          %gather3A_1358 = tpu.dynamic_gather %select_n3A_346[%gather3A_1357] in [0] : vector<16xf32>, vector<16xi32> -> vector<16xf32>
          %get3A_1359 = arith.index_cast %add3A_1354 : i32 to index
          %get3A_1360 = arith.constant 0 : index
          %get3A_1361 = tpu.vector_load %arg12[%get3A_1359, %get3A_1360] {strides = array<i32>} : memref<160x64xf32, #tpu.memory_space<vmem>>, vector<16xf32>,
          %mul3A_1362 = arith.mulf %gather3A_1358, %get3A_1361 : vector<16xf32>
          %add3A_1363 = arith.addf %add3A_1329, %mul3A_1362 : vector<16xf32>
          %mul3A_1364 = arith.mulf %mul3A_1362, %get3A_1361 : vector<16xf32>
          %add3A_1365 = arith.addf %add3A_1331, %mul3A_1364 : vector<16xf32>
          %get3A_1366 = arith.index_cast %add3A_1354 : i32 to index
          %get3A_1367 = arith.constant 16 : index
          %get3A_1368 = tpu.vector_load %arg12[%get3A_1366, %get3A_1367] {strides = array<i32>} : memref<160x64xf32, #tpu.memory_space<vmem>>, vector<16xf32>,
          %mul3A_1369 = arith.mulf %gather3A_1358, %get3A_1368 : vector<16xf32>
          %add3A_1370 = arith.addf %add3A_1336, %mul3A_1369 : vector<16xf32>
          %mul3A_1371 = arith.mulf %mul3A_1369, %get3A_1368 : vector<16xf32>
          %add3A_1372 = arith.addf %add3A_1338, %mul3A_1371 : vector<16xf32>
          %get3A_1373 = arith.index_cast %add3A_1354 : i32 to index
          %get3A_1374 = arith.constant 32 : index
          %get3A_1375 = tpu.vector_load %arg12[%get3A_1373, %get3A_1374] {strides = array<i32>} : memref<160x64xf32, #tpu.memory_space<vmem>>, vector<16xf32>,
          %mul3A_1376 = arith.mulf %gather3A_1358, %get3A_1375 : vector<16xf32>
          %add3A_1377 = arith.addf %add3A_1343, %mul3A_1376 : vector<16xf32>
          %mul3A_1378 = arith.mulf %mul3A_1376, %get3A_1375 : vector<16xf32>
          %add3A_1379 = arith.addf %add3A_1345, %mul3A_1378 : vector<16xf32>
          %get3A_1380 = arith.index_cast %add3A_1354 : i32 to index
          %get3A_1381 = arith.constant 48 : index
          %get3A_1382 = tpu.vector_load %arg12[%get3A_1380, %get3A_1381] {strides = array<i32>} : memref<160x64xf32, #tpu.memory_space<vmem>>, vector<16xf32>,
          %mul3A_1383 = arith.mulf %gather3A_1358, %get3A_1382 : vector<16xf32>
          %add3A_1384 = arith.addf %add3A_1350, %mul3A_1383 : vector<16xf32>
          %mul3A_1385 = arith.mulf %mul3A_1383, %get3A_1382 : vector<16xf32>
          %add3A_1386 = arith.addf %add3A_1352, %mul3A_1385 : vector<16xf32>
          %add3A_1387 = arith.constant 7 : i32
          %add3A_1388 = arith.addi %mul3A_319, %add3A_1387 : i32
          %broadcast_in_dim3A_1389 = arith.constant 7 : i32
          %broadcast_in_dim3A_1390 = vector.broadcast %broadcast_in_dim3A_1389 : i32 to vector<16x1xi32>
          %gather3A_1391 = vector.shape_cast %broadcast_in_dim3A_1390 : vector<16x1xi32> to vector<16xi32>
          %gather3A_1392 = tpu.dynamic_gather %select_n3A_346[%gather3A_1391] in [0] : vector<16xf32>, vector<16xi32> -> vector<16xf32>
          %get3A_1393 = arith.index_cast %add3A_1388 : i32 to index
          %get3A_1394 = arith.constant 0 : index
          %get3A_1395 = tpu.vector_load %arg12[%get3A_1393, %get3A_1394] {strides = array<i32>} : memref<160x64xf32, #tpu.memory_space<vmem>>, vector<16xf32>,
          %mul3A_1396 = arith.mulf %gather3A_1392, %get3A_1395 : vector<16xf32>
          %add3A_1397 = arith.addf %add3A_1363, %mul3A_1396 : vector<16xf32>
          %mul3A_1398 = arith.mulf %mul3A_1396, %get3A_1395 : vector<16xf32>
          %add3A_1399 = arith.addf %add3A_1365, %mul3A_1398 : vector<16xf32>
          %get3A_1400 = arith.index_cast %add3A_1388 : i32 to index
          %get3A_1401 = arith.constant 16 : index
          %get3A_1402 = tpu.vector_load %arg12[%get3A_1400, %get3A_1401] {strides = array<i32>} : memref<160x64xf32, #tpu.memory_space<vmem>>, vector<16xf32>,
          %mul3A_1403 = arith.mulf %gather3A_1392, %get3A_1402 : vector<16xf32>
          %add3A_1404 = arith.addf %add3A_1370, %mul3A_1403 : vector<16xf32>
          %mul3A_1405 = arith.mulf %mul3A_1403, %get3A_1402 : vector<16xf32>
          %add3A_1406 = arith.addf %add3A_1372, %mul3A_1405 : vector<16xf32>
          %get3A_1407 = arith.index_cast %add3A_1388 : i32 to index
          %get3A_1408 = arith.constant 32 : index
          %get3A_1409 = tpu.vector_load %arg12[%get3A_1407, %get3A_1408] {strides = array<i32>} : memref<160x64xf32, #tpu.memory_space<vmem>>, vector<16xf32>,
          %mul3A_1410 = arith.mulf %gather3A_1392, %get3A_1409 : vector<16xf32>
          %add3A_1411 = arith.addf %add3A_1377, %mul3A_1410 : vector<16xf32>
          %mul3A_1412 = arith.mulf %mul3A_1410, %get3A_1409 : vector<16xf32>
          %add3A_1413 = arith.addf %add3A_1379, %mul3A_1412 : vector<16xf32>
          %get3A_1414 = arith.index_cast %add3A_1388 : i32 to index
          %get3A_1415 = arith.constant 48 : index
          %get3A_1416 = tpu.vector_load %arg12[%get3A_1414, %get3A_1415] {strides = array<i32>} : memref<160x64xf32, #tpu.memory_space<vmem>>, vector<16xf32>,
          %mul3A_1417 = arith.mulf %gather3A_1392, %get3A_1416 : vector<16xf32>
          %add3A_1418 = arith.addf %add3A_1384, %mul3A_1417 : vector<16xf32>
          %mul3A_1419 = arith.mulf %mul3A_1417, %get3A_1416 : vector<16xf32>
          %add3A_1420 = arith.addf %add3A_1386, %mul3A_1419 : vector<16xf32>
          %add3A_1421 = arith.constant 8 : i32
          %add3A_1422 = arith.addi %mul3A_319, %add3A_1421 : i32
          %broadcast_in_dim3A_1423 = arith.constant 8 : i32
          %broadcast_in_dim3A_1424 = vector.broadcast %broadcast_in_dim3A_1423 : i32 to vector<16x1xi32>
          %gather3A_1425 = vector.shape_cast %broadcast_in_dim3A_1424 : vector<16x1xi32> to vector<16xi32>
          %gather3A_1426 = tpu.dynamic_gather %select_n3A_346[%gather3A_1425] in [0] : vector<16xf32>, vector<16xi32> -> vector<16xf32>
          %get3A_1427 = arith.index_cast %add3A_1422 : i32 to index
          %get3A_1428 = arith.constant 0 : index
          %get3A_1429 = tpu.vector_load %arg12[%get3A_1427, %get3A_1428] {strides = array<i32>} : memref<160x64xf32, #tpu.memory_space<vmem>>, vector<16xf32>,
          %mul3A_1430 = arith.mulf %gather3A_1426, %get3A_1429 : vector<16xf32>
          %add3A_1431 = arith.addf %add3A_1397, %mul3A_1430 : vector<16xf32>
          %mul3A_1432 = arith.mulf %mul3A_1430, %get3A_1429 : vector<16xf32>
          %add3A_1433 = arith.addf %add3A_1399, %mul3A_1432 : vector<16xf32>
          %get3A_1434 = arith.index_cast %add3A_1422 : i32 to index
          %get3A_1435 = arith.constant 16 : index
          %get3A_1436 = tpu.vector_load %arg12[%get3A_1434, %get3A_1435] {strides = array<i32>} : memref<160x64xf32, #tpu.memory_space<vmem>>, vector<16xf32>,
          %mul3A_1437 = arith.mulf %gather3A_1426, %get3A_1436 : vector<16xf32>
          %add3A_1438 = arith.addf %add3A_1404, %mul3A_1437 : vector<16xf32>
          %mul3A_1439 = arith.mulf %mul3A_1437, %get3A_1436 : vector<16xf32>
          %add3A_1440 = arith.addf %add3A_1406, %mul3A_1439 : vector<16xf32>
          %get3A_1441 = arith.index_cast %add3A_1422 : i32 to index
          %get3A_1442 = arith.constant 32 : index
          %get3A_1443 = tpu.vector_load %arg12[%get3A_1441, %get3A_1442] {strides = array<i32>} : memref<160x64xf32, #tpu.memory_space<vmem>>, vector<16xf32>,
          %mul3A_1444 = arith.mulf %gather3A_1426, %get3A_1443 : vector<16xf32>
          %add3A_1445 = arith.addf %add3A_1411, %mul3A_1444 : vector<16xf32>
          %mul3A_1446 = arith.mulf %mul3A_1444, %get3A_1443 : vector<16xf32>
          %add3A_1447 = arith.addf %add3A_1413, %mul3A_1446 : vector<16xf32>
          %get3A_1448 = arith.index_cast %add3A_1422 : i32 to index
          %get3A_1449 = arith.constant 48 : index
          %get3A_1450 = tpu.vector_load %arg12[%get3A_1448, %get3A_1449] {strides = array<i32>} : memref<160x64xf32, #tpu.memory_space<vmem>>, vector<16xf32>,
          %mul3A_1451 = arith.mulf %gather3A_1426, %get3A_1450 : vector<16xf32>
          %add3A_1452 = arith.addf %add3A_1418, %mul3A_1451 : vector<16xf32>
          %mul3A_1453 = arith.mulf %mul3A_1451, %get3A_1450 : vector<16xf32>
          %add3A_1454 = arith.addf %add3A_1420, %mul3A_1453 : vector<16xf32>
          %add3A_1455 = arith.constant 9 : i32
          %add3A_1456 = arith.addi %mul3A_319, %add3A_1455 : i32
          %broadcast_in_dim3A_1457 = arith.constant 9 : i32
          %broadcast_in_dim3A_1458 = vector.broadcast %broadcast_in_dim3A_1457 : i32 to vector<16x1xi32>
          %gather3A_1459 = vector.shape_cast %broadcast_in_dim3A_1458 : vector<16x1xi32> to vector<16xi32>
          %gather3A_1460 = tpu.dynamic_gather %select_n3A_346[%gather3A_1459] in [0] : vector<16xf32>, vector<16xi32> -> vector<16xf32>
          %get3A_1461 = arith.index_cast %add3A_1456 : i32 to index
          %get3A_1462 = arith.constant 0 : index
          %get3A_1463 = tpu.vector_load %arg12[%get3A_1461, %get3A_1462] {strides = array<i32>} : memref<160x64xf32, #tpu.memory_space<vmem>>, vector<16xf32>,
          %mul3A_1464 = arith.mulf %gather3A_1460, %get3A_1463 : vector<16xf32>
          %add3A_1465 = arith.addf %add3A_1431, %mul3A_1464 : vector<16xf32>
          %mul3A_1466 = arith.mulf %mul3A_1464, %get3A_1463 : vector<16xf32>
          %add3A_1467 = arith.addf %add3A_1433, %mul3A_1466 : vector<16xf32>
          %get3A_1468 = arith.index_cast %add3A_1456 : i32 to index
          %get3A_1469 = arith.constant 16 : index
          %get3A_1470 = tpu.vector_load %arg12[%get3A_1468, %get3A_1469] {strides = array<i32>} : memref<160x64xf32, #tpu.memory_space<vmem>>, vector<16xf32>,
          %mul3A_1471 = arith.mulf %gather3A_1460, %get3A_1470 : vector<16xf32>
          %add3A_1472 = arith.addf %add3A_1438, %mul3A_1471 : vector<16xf32>
          %mul3A_1473 = arith.mulf %mul3A_1471, %get3A_1470 : vector<16xf32>
          %add3A_1474 = arith.addf %add3A_1440, %mul3A_1473 : vector<16xf32>
          %get3A_1475 = arith.index_cast %add3A_1456 : i32 to index
          %get3A_1476 = arith.constant 32 : index
          %get3A_1477 = tpu.vector_load %arg12[%get3A_1475, %get3A_1476] {strides = array<i32>} : memref<160x64xf32, #tpu.memory_space<vmem>>, vector<16xf32>,
          %mul3A_1478 = arith.mulf %gather3A_1460, %get3A_1477 : vector<16xf32>
          %add3A_1479 = arith.addf %add3A_1445, %mul3A_1478 : vector<16xf32>
          %mul3A_1480 = arith.mulf %mul3A_1478, %get3A_1477 : vector<16xf32>
          %add3A_1481 = arith.addf %add3A_1447, %mul3A_1480 : vector<16xf32>
          %get3A_1482 = arith.index_cast %add3A_1456 : i32 to index
          %get3A_1483 = arith.constant 48 : index
          %get3A_1484 = tpu.vector_load %arg12[%get3A_1482, %get3A_1483] {strides = array<i32>} : memref<160x64xf32, #tpu.memory_space<vmem>>, vector<16xf32>,
          %mul3A_1485 = arith.mulf %gather3A_1460, %get3A_1484 : vector<16xf32>
          %add3A_1486 = arith.addf %add3A_1452, %mul3A_1485 : vector<16xf32>
          %mul3A_1487 = arith.mulf %mul3A_1485, %get3A_1484 : vector<16xf32>
          %add3A_1488 = arith.addf %add3A_1454, %mul3A_1487 : vector<16xf32>
          %add3A_1489 = arith.constant 10 : i32
          %add3A_1490 = arith.addi %mul3A_319, %add3A_1489 : i32
          %broadcast_in_dim3A_1491 = arith.constant 10 : i32
          %broadcast_in_dim3A_1492 = vector.broadcast %broadcast_in_dim3A_1491 : i32 to vector<16x1xi32>
          %gather3A_1493 = vector.shape_cast %broadcast_in_dim3A_1492 : vector<16x1xi32> to vector<16xi32>
          %gather3A_1494 = tpu.dynamic_gather %select_n3A_346[%gather3A_1493] in [0] : vector<16xf32>, vector<16xi32> -> vector<16xf32>
          %get3A_1495 = arith.index_cast %add3A_1490 : i32 to index
          %get3A_1496 = arith.constant 0 : index
          %get3A_1497 = tpu.vector_load %arg12[%get3A_1495, %get3A_1496] {strides = array<i32>} : memref<160x64xf32, #tpu.memory_space<vmem>>, vector<16xf32>,
          %mul3A_1498 = arith.mulf %gather3A_1494, %get3A_1497 : vector<16xf32>
          %add3A_1499 = arith.addf %add3A_1465, %mul3A_1498 : vector<16xf32>
          %mul3A_1500 = arith.mulf %mul3A_1498, %get3A_1497 : vector<16xf32>
          %add3A_1501 = arith.addf %add3A_1467, %mul3A_1500 : vector<16xf32>
          %get3A_1502 = arith.index_cast %add3A_1490 : i32 to index
          %get3A_1503 = arith.constant 16 : index
          %get3A_1504 = tpu.vector_load %arg12[%get3A_1502, %get3A_1503] {strides = array<i32>} : memref<160x64xf32, #tpu.memory_space<vmem>>, vector<16xf32>,
          %mul3A_1505 = arith.mulf %gather3A_1494, %get3A_1504 : vector<16xf32>
          %add3A_1506 = arith.addf %add3A_1472, %mul3A_1505 : vector<16xf32>
          %mul3A_1507 = arith.mulf %mul3A_1505, %get3A_1504 : vector<16xf32>
          %add3A_1508 = arith.addf %add3A_1474, %mul3A_1507 : vector<16xf32>
          %get3A_1509 = arith.index_cast %add3A_1490 : i32 to index
          %get3A_1510 = arith.constant 32 : index
          %get3A_1511 = tpu.vector_load %arg12[%get3A_1509, %get3A_1510] {strides = array<i32>} : memref<160x64xf32, #tpu.memory_space<vmem>>, vector<16xf32>,
          %mul3A_1512 = arith.mulf %gather3A_1494, %get3A_1511 : vector<16xf32>
          %add3A_1513 = arith.addf %add3A_1479, %mul3A_1512 : vector<16xf32>
          %mul3A_1514 = arith.mulf %mul3A_1512, %get3A_1511 : vector<16xf32>
          %add3A_1515 = arith.addf %add3A_1481, %mul3A_1514 : vector<16xf32>
          %get3A_1516 = arith.index_cast %add3A_1490 : i32 to index
          %get3A_1517 = arith.constant 48 : index
          %get3A_1518 = tpu.vector_load %arg12[%get3A_1516, %get3A_1517] {strides = array<i32>} : memref<160x64xf32, #tpu.memory_space<vmem>>, vector<16xf32>,
          %mul3A_1519 = arith.mulf %gather3A_1494, %get3A_1518 : vector<16xf32>
          %add3A_1520 = arith.addf %add3A_1486, %mul3A_1519 : vector<16xf32>
          %mul3A_1521 = arith.mulf %mul3A_1519, %get3A_1518 : vector<16xf32>
          %add3A_1522 = arith.addf %add3A_1488, %mul3A_1521 : vector<16xf32>
          %add3A_1523 = arith.constant 11 : i32
          %add3A_1524 = arith.addi %mul3A_319, %add3A_1523 : i32
          %broadcast_in_dim3A_1525 = arith.constant 11 : i32
          %broadcast_in_dim3A_1526 = vector.broadcast %broadcast_in_dim3A_1525 : i32 to vector<16x1xi32>
          %gather3A_1527 = vector.shape_cast %broadcast_in_dim3A_1526 : vector<16x1xi32> to vector<16xi32>
          %gather3A_1528 = tpu.dynamic_gather %select_n3A_346[%gather3A_1527] in [0] : vector<16xf32>, vector<16xi32> -> vector<16xf32>
          %get3A_1529 = arith.index_cast %add3A_1524 : i32 to index
          %get3A_1530 = arith.constant 0 : index
          %get3A_1531 = tpu.vector_load %arg12[%get3A_1529, %get3A_1530] {strides = array<i32>} : memref<160x64xf32, #tpu.memory_space<vmem>>, vector<16xf32>,
          %mul3A_1532 = arith.mulf %gather3A_1528, %get3A_1531 : vector<16xf32>
          %add3A_1533 = arith.addf %add3A_1499, %mul3A_1532 : vector<16xf32>
          %mul3A_1534 = arith.mulf %mul3A_1532, %get3A_1531 : vector<16xf32>
          %add3A_1535 = arith.addf %add3A_1501, %mul3A_1534 : vector<16xf32>
          %get3A_1536 = arith.index_cast %add3A_1524 : i32 to index
          %get3A_1537 = arith.constant 16 : index
          %get3A_1538 = tpu.vector_load %arg12[%get3A_1536, %get3A_1537] {strides = array<i32>} : memref<160x64xf32, #tpu.memory_space<vmem>>, vector<16xf32>,
          %mul3A_1539 = arith.mulf %gather3A_1528, %get3A_1538 : vector<16xf32>
          %add3A_1540 = arith.addf %add3A_1506, %mul3A_1539 : vector<16xf32>
          %mul3A_1541 = arith.mulf %mul3A_1539, %get3A_1538 : vector<16xf32>
          %add3A_1542 = arith.addf %add3A_1508, %mul3A_1541 : vector<16xf32>
          %get3A_1543 = arith.index_cast %add3A_1524 : i32 to index
          %get3A_1544 = arith.constant 32 : index
          %get3A_1545 = tpu.vector_load %arg12[%get3A_1543, %get3A_1544] {strides = array<i32>} : memref<160x64xf32, #tpu.memory_space<vmem>>, vector<16xf32>,
          %mul3A_1546 = arith.mulf %gather3A_1528, %get3A_1545 : vector<16xf32>
          %add3A_1547 = arith.addf %add3A_1513, %mul3A_1546 : vector<16xf32>
          %mul3A_1548 = arith.mulf %mul3A_1546, %get3A_1545 : vector<16xf32>
          %add3A_1549 = arith.addf %add3A_1515, %mul3A_1548 : vector<16xf32>
          %get3A_1550 = arith.index_cast %add3A_1524 : i32 to index
          %get3A_1551 = arith.constant 48 : index
          %get3A_1552 = tpu.vector_load %arg12[%get3A_1550, %get3A_1551] {strides = array<i32>} : memref<160x64xf32, #tpu.memory_space<vmem>>, vector<16xf32>,
          %mul3A_1553 = arith.mulf %gather3A_1528, %get3A_1552 : vector<16xf32>
          %add3A_1554 = arith.addf %add3A_1520, %mul3A_1553 : vector<16xf32>
          %mul3A_1555 = arith.mulf %mul3A_1553, %get3A_1552 : vector<16xf32>
          %add3A_1556 = arith.addf %add3A_1522, %mul3A_1555 : vector<16xf32>
          %add3A_1557 = arith.constant 12 : i32
          %add3A_1558 = arith.addi %mul3A_319, %add3A_1557 : i32
          %broadcast_in_dim3A_1559 = arith.constant 12 : i32
          %broadcast_in_dim3A_1560 = vector.broadcast %broadcast_in_dim3A_1559 : i32 to vector<16x1xi32>
          %gather3A_1561 = vector.shape_cast %broadcast_in_dim3A_1560 : vector<16x1xi32> to vector<16xi32>
          %gather3A_1562 = tpu.dynamic_gather %select_n3A_346[%gather3A_1561] in [0] : vector<16xf32>, vector<16xi32> -> vector<16xf32>
          %get3A_1563 = arith.index_cast %add3A_1558 : i32 to index
          %get3A_1564 = arith.constant 0 : index
          %get3A_1565 = tpu.vector_load %arg12[%get3A_1563, %get3A_1564] {strides = array<i32>} : memref<160x64xf32, #tpu.memory_space<vmem>>, vector<16xf32>,
          %mul3A_1566 = arith.mulf %gather3A_1562, %get3A_1565 : vector<16xf32>
          %add3A_1567 = arith.addf %add3A_1533, %mul3A_1566 : vector<16xf32>
          %mul3A_1568 = arith.mulf %mul3A_1566, %get3A_1565 : vector<16xf32>
          %add3A_1569 = arith.addf %add3A_1535, %mul3A_1568 : vector<16xf32>
          %get3A_1570 = arith.index_cast %add3A_1558 : i32 to index
          %get3A_1571 = arith.constant 16 : index
          %get3A_1572 = tpu.vector_load %arg12[%get3A_1570, %get3A_1571] {strides = array<i32>} : memref<160x64xf32, #tpu.memory_space<vmem>>, vector<16xf32>,
          %mul3A_1573 = arith.mulf %gather3A_1562, %get3A_1572 : vector<16xf32>
          %add3A_1574 = arith.addf %add3A_1540, %mul3A_1573 : vector<16xf32>
          %mul3A_1575 = arith.mulf %mul3A_1573, %get3A_1572 : vector<16xf32>
          %add3A_1576 = arith.addf %add3A_1542, %mul3A_1575 : vector<16xf32>
          %get3A_1577 = arith.index_cast %add3A_1558 : i32 to index
          %get3A_1578 = arith.constant 32 : index
          %get3A_1579 = tpu.vector_load %arg12[%get3A_1577, %get3A_1578] {strides = array<i32>} : memref<160x64xf32, #tpu.memory_space<vmem>>, vector<16xf32>,
          %mul3A_1580 = arith.mulf %gather3A_1562, %get3A_1579 : vector<16xf32>
          %add3A_1581 = arith.addf %add3A_1547, %mul3A_1580 : vector<16xf32>
          %mul3A_1582 = arith.mulf %mul3A_1580, %get3A_1579 : vector<16xf32>
          %add3A_1583 = arith.addf %add3A_1549, %mul3A_1582 : vector<16xf32>
          %get3A_1584 = arith.index_cast %add3A_1558 : i32 to index
          %get3A_1585 = arith.constant 48 : index
          %get3A_1586 = tpu.vector_load %arg12[%get3A_1584, %get3A_1585] {strides = array<i32>} : memref<160x64xf32, #tpu.memory_space<vmem>>, vector<16xf32>,
          %mul3A_1587 = arith.mulf %gather3A_1562, %get3A_1586 : vector<16xf32>
          %add3A_1588 = arith.addf %add3A_1554, %mul3A_1587 : vector<16xf32>
          %mul3A_1589 = arith.mulf %mul3A_1587, %get3A_1586 : vector<16xf32>
          %add3A_1590 = arith.addf %add3A_1556, %mul3A_1589 : vector<16xf32>
          %add3A_1591 = arith.constant 13 : i32
          %add3A_1592 = arith.addi %mul3A_319, %add3A_1591 : i32
          %broadcast_in_dim3A_1593 = arith.constant 13 : i32
          %broadcast_in_dim3A_1594 = vector.broadcast %broadcast_in_dim3A_1593 : i32 to vector<16x1xi32>
          %gather3A_1595 = vector.shape_cast %broadcast_in_dim3A_1594 : vector<16x1xi32> to vector<16xi32>
          %gather3A_1596 = tpu.dynamic_gather %select_n3A_346[%gather3A_1595] in [0] : vector<16xf32>, vector<16xi32> -> vector<16xf32>
          %get3A_1597 = arith.index_cast %add3A_1592 : i32 to index
          %get3A_1598 = arith.constant 0 : index
          %get3A_1599 = tpu.vector_load %arg12[%get3A_1597, %get3A_1598] {strides = array<i32>} : memref<160x64xf32, #tpu.memory_space<vmem>>, vector<16xf32>,
          %mul3A_1600 = arith.mulf %gather3A_1596, %get3A_1599 : vector<16xf32>
          %add3A_1601 = arith.addf %add3A_1567, %mul3A_1600 : vector<16xf32>
          %mul3A_1602 = arith.mulf %mul3A_1600, %get3A_1599 : vector<16xf32>
          %add3A_1603 = arith.addf %add3A_1569, %mul3A_1602 : vector<16xf32>
          %get3A_1604 = arith.index_cast %add3A_1592 : i32 to index
          %get3A_1605 = arith.constant 16 : index
          %get3A_1606 = tpu.vector_load %arg12[%get3A_1604, %get3A_1605] {strides = array<i32>} : memref<160x64xf32, #tpu.memory_space<vmem>>, vector<16xf32>,
          %mul3A_1607 = arith.mulf %gather3A_1596, %get3A_1606 : vector<16xf32>
          %add3A_1608 = arith.addf %add3A_1574, %mul3A_1607 : vector<16xf32>
          %mul3A_1609 = arith.mulf %mul3A_1607, %get3A_1606 : vector<16xf32>
          %add3A_1610 = arith.addf %add3A_1576, %mul3A_1609 : vector<16xf32>
          %get3A_1611 = arith.index_cast %add3A_1592 : i32 to index
          %get3A_1612 = arith.constant 32 : index
          %get3A_1613 = tpu.vector_load %arg12[%get3A_1611, %get3A_1612] {strides = array<i32>} : memref<160x64xf32, #tpu.memory_space<vmem>>, vector<16xf32>,
          %mul3A_1614 = arith.mulf %gather3A_1596, %get3A_1613 : vector<16xf32>
          %add3A_1615 = arith.addf %add3A_1581, %mul3A_1614 : vector<16xf32>
          %mul3A_1616 = arith.mulf %mul3A_1614, %get3A_1613 : vector<16xf32>
          %add3A_1617 = arith.addf %add3A_1583, %mul3A_1616 : vector<16xf32>
          %get3A_1618 = arith.index_cast %add3A_1592 : i32 to index
          %get3A_1619 = arith.constant 48 : index
          %get3A_1620 = tpu.vector_load %arg12[%get3A_1618, %get3A_1619] {strides = array<i32>} : memref<160x64xf32, #tpu.memory_space<vmem>>, vector<16xf32>,
          %mul3A_1621 = arith.mulf %gather3A_1596, %get3A_1620 : vector<16xf32>
          %add3A_1622 = arith.addf %add3A_1588, %mul3A_1621 : vector<16xf32>
          %mul3A_1623 = arith.mulf %mul3A_1621, %get3A_1620 : vector<16xf32>
          %add3A_1624 = arith.addf %add3A_1590, %mul3A_1623 : vector<16xf32>
          %add3A_1625 = arith.constant 14 : i32
          %add3A_1626 = arith.addi %mul3A_319, %add3A_1625 : i32
          %broadcast_in_dim3A_1627 = arith.constant 14 : i32
          %broadcast_in_dim3A_1628 = vector.broadcast %broadcast_in_dim3A_1627 : i32 to vector<16x1xi32>
          %gather3A_1629 = vector.shape_cast %broadcast_in_dim3A_1628 : vector<16x1xi32> to vector<16xi32>
          %gather3A_1630 = tpu.dynamic_gather %select_n3A_346[%gather3A_1629] in [0] : vector<16xf32>, vector<16xi32> -> vector<16xf32>
          %get3A_1631 = arith.index_cast %add3A_1626 : i32 to index
          %get3A_1632 = arith.constant 0 : index
          %get3A_1633 = tpu.vector_load %arg12[%get3A_1631, %get3A_1632] {strides = array<i32>} : memref<160x64xf32, #tpu.memory_space<vmem>>, vector<16xf32>,
          %mul3A_1634 = arith.mulf %gather3A_1630, %get3A_1633 : vector<16xf32>
          %add3A_1635 = arith.addf %add3A_1601, %mul3A_1634 : vector<16xf32>
          %mul3A_1636 = arith.mulf %mul3A_1634, %get3A_1633 : vector<16xf32>
          %add3A_1637 = arith.addf %add3A_1603, %mul3A_1636 : vector<16xf32>
          %get3A_1638 = arith.index_cast %add3A_1626 : i32 to index
          %get3A_1639 = arith.constant 16 : index
          %get3A_1640 = tpu.vector_load %arg12[%get3A_1638, %get3A_1639] {strides = array<i32>} : memref<160x64xf32, #tpu.memory_space<vmem>>, vector<16xf32>,
          %mul3A_1641 = arith.mulf %gather3A_1630, %get3A_1640 : vector<16xf32>
          %add3A_1642 = arith.addf %add3A_1608, %mul3A_1641 : vector<16xf32>
          %mul3A_1643 = arith.mulf %mul3A_1641, %get3A_1640 : vector<16xf32>
          %add3A_1644 = arith.addf %add3A_1610, %mul3A_1643 : vector<16xf32>
          %get3A_1645 = arith.index_cast %add3A_1626 : i32 to index
          %get3A_1646 = arith.constant 32 : index
          %get3A_1647 = tpu.vector_load %arg12[%get3A_1645, %get3A_1646] {strides = array<i32>} : memref<160x64xf32, #tpu.memory_space<vmem>>, vector<16xf32>,
          %mul3A_1648 = arith.mulf %gather3A_1630, %get3A_1647 : vector<16xf32>
          %add3A_1649 = arith.addf %add3A_1615, %mul3A_1648 : vector<16xf32>
          %mul3A_1650 = arith.mulf %mul3A_1648, %get3A_1647 : vector<16xf32>
          %add3A_1651 = arith.addf %add3A_1617, %mul3A_1650 : vector<16xf32>
          %get3A_1652 = arith.index_cast %add3A_1626 : i32 to index
          %get3A_1653 = arith.constant 48 : index
          %get3A_1654 = tpu.vector_load %arg12[%get3A_1652, %get3A_1653] {strides = array<i32>} : memref<160x64xf32, #tpu.memory_space<vmem>>, vector<16xf32>,
          %mul3A_1655 = arith.mulf %gather3A_1630, %get3A_1654 : vector<16xf32>
          %add3A_1656 = arith.addf %add3A_1622, %mul3A_1655 : vector<16xf32>
          %mul3A_1657 = arith.mulf %mul3A_1655, %get3A_1654 : vector<16xf32>
          %add3A_1658 = arith.addf %add3A_1624, %mul3A_1657 : vector<16xf32>
          %add3A_1659 = arith.constant 15 : i32
          %add3A_1660 = arith.addi %mul3A_319, %add3A_1659 : i32
          %broadcast_in_dim3A_1661 = arith.constant 15 : i32
          %broadcast_in_dim3A_1662 = vector.broadcast %broadcast_in_dim3A_1661 : i32 to vector<16x1xi32>
          %gather3A_1663 = vector.shape_cast %broadcast_in_dim3A_1662 : vector<16x1xi32> to vector<16xi32>
          %gather3A_1664 = tpu.dynamic_gather %select_n3A_346[%gather3A_1663] in [0] : vector<16xf32>, vector<16xi32> -> vector<16xf32>
          %get3A_1665 = arith.index_cast %add3A_1660 : i32 to index
          %get3A_1666 = arith.constant 0 : index
          %get3A_1667 = tpu.vector_load %arg12[%get3A_1665, %get3A_1666] {strides = array<i32>} : memref<160x64xf32, #tpu.memory_space<vmem>>, vector<16xf32>,
          %mul3A_1668 = arith.mulf %gather3A_1664, %get3A_1667 : vector<16xf32>
          %add3A_1669 = arith.addf %add3A_1635, %mul3A_1668 : vector<16xf32>
          %mul3A_1670 = arith.mulf %mul3A_1668, %get3A_1667 : vector<16xf32>
          %add3A_1671 = arith.addf %add3A_1637, %mul3A_1670 : vector<16xf32>
          %get3A_1672 = arith.index_cast %add3A_1660 : i32 to index
          %get3A_1673 = arith.constant 16 : index
          %get3A_1674 = tpu.vector_load %arg12[%get3A_1672, %get3A_1673] {strides = array<i32>} : memref<160x64xf32, #tpu.memory_space<vmem>>, vector<16xf32>,
          %mul3A_1675 = arith.mulf %gather3A_1664, %get3A_1674 : vector<16xf32>
          %add3A_1676 = arith.addf %add3A_1642, %mul3A_1675 : vector<16xf32>
          %mul3A_1677 = arith.mulf %mul3A_1675, %get3A_1674 : vector<16xf32>
          %add3A_1678 = arith.addf %add3A_1644, %mul3A_1677 : vector<16xf32>
          %get3A_1679 = arith.index_cast %add3A_1660 : i32 to index
          %get3A_1680 = arith.constant 32 : index
          %get3A_1681 = tpu.vector_load %arg12[%get3A_1679, %get3A_1680] {strides = array<i32>} : memref<160x64xf32, #tpu.memory_space<vmem>>, vector<16xf32>,
          %mul3A_1682 = arith.mulf %gather3A_1664, %get3A_1681 : vector<16xf32>
          %add3A_1683 = arith.addf %add3A_1649, %mul3A_1682 : vector<16xf32>
          %mul3A_1684 = arith.mulf %mul3A_1682, %get3A_1681 : vector<16xf32>
          %add3A_1685 = arith.addf %add3A_1651, %mul3A_1684 : vector<16xf32>
          %get3A_1686 = arith.index_cast %add3A_1660 : i32 to index
          %get3A_1687 = arith.constant 48 : index
          %get3A_1688 = tpu.vector_load %arg12[%get3A_1686, %get3A_1687] {strides = array<i32>} : memref<160x64xf32, #tpu.memory_space<vmem>>, vector<16xf32>,
          %mul3A_1689 = arith.mulf %gather3A_1664, %get3A_1688 : vector<16xf32>
          %add3A_1690 = arith.addf %add3A_1656, %mul3A_1689 : vector<16xf32>
          %mul3A_1691 = arith.mulf %mul3A_1689, %get3A_1688 : vector<16xf32>
          %add3A_1692 = arith.addf %add3A_1658, %mul3A_1691 : vector<16xf32>
          scf.yield %add3A_1669, %add3A_1676, %add3A_1683, %add3A_1690, %add3A_1671, %add3A_1678, %add3A_1685, %add3A_1692 : vector<16xf32>, vector<16xf32>, vector<16xf32>, vector<16xf32>, vector<16xf32>, vector<16xf32>, vector<16xf32>, vector<16xf32>
        } else {
          scf.yield %scan3A_310, %scan3A_311, %scan3A_312, %scan3A_313, %scan3A_314, %scan3A_315, %scan3A_316, %scan3A_317 : vector<16xf32>, vector<16xf32>, vector<16xf32>, vector<16xf32>, vector<16xf32>, vector<16xf32>, vector<16xf32>, vector<16xf32>
        }
        scf.yield %add3A_1110, %add3A_1120, %add3A_1130, %add3A_1140, %add3A_1115, %add3A_1125, %add3A_1135, %add3A_1145, %cond3A_1148#0, %cond3A_1148#1, %cond3A_1148#2, %cond3A_1148#3, %cond3A_1148#4, %cond3A_1148#5, %cond3A_1148#6, %cond3A_1148#7 : vector<16xf32>, vector<16xf32>, vector<16xf32>, vector<16xf32>, vector<16xf32>, vector<16xf32>, vector<16xf32>, vector<16xf32>, vector<16xf32>, vector<16xf32>, vector<16xf32>, vector<16xf32>, vector<16xf32>, vector<16xf32>, vector<16xf32>, vector<16xf32>
      }
      %scan3A_285 = arith.constant 10 : i32
      %add3A_286 = arith.constant 2 : i32
      %add3A_287 = arith.addi %add3A_260, %add3A_286 : i32
      %mul3A_288 = arith.constant 160 : i32
      %mul3A_289 = arith.muli %add3A_287, %mul3A_288 : i32
      %add3A_290 = arith.addi %mul3A_2, %mul3A_289 : i32
      %min3A_291 = arith.constant 99840 : i32
      %min3A_292 = arith.minsi %add3A_290, %min3A_291 : i32
      %dma_start3A_293 = arith.constant 0 : i32
      %dma_start3A_294 = tpu.memref_slice %arg3[%min3A_292, %dma_start3A_293] : memref<100000x64xf32, #tpu.memory_space<hbm>> -> memref<160x64xf32, #tpu.memory_space<hbm>>
      %dma_start3A_295 = arith.constant 0 : i32
      %dma_start3A_296 = tpu.memref_slice %arg3[%min3A_292, %dma_start3A_295] : memref<100000x64xf32, #tpu.memory_space<hbm>> -> memref<160x64xf32, #tpu.memory_space<hbm>>
      tpu.enqueue_dma source(%dma_start3A_296 : memref<160x64xf32, #tpu.memory_space<hbm>>) target(%arg10 : memref<160x64xf32, #tpu.memory_space<vmem>>) target_semaphore(%arg15 : memref<!tpu.dma_semaphore, #tpu.memory_space<semaphore_mem>>)
      %dma_start3A_297 = arith.constant 0 : i32
      %dma_start3A_298 = tpu.memref_slice %arg4[%min3A_292, %dma_start3A_297] : memref<100000x64xf32, #tpu.memory_space<hbm>> -> memref<160x64xf32, #tpu.memory_space<hbm>>
      %dma_start3A_299 = arith.constant 0 : i32
      %dma_start3A_300 = tpu.memref_slice %arg4[%min3A_292, %dma_start3A_299] : memref<100000x64xf32, #tpu.memory_space<hbm>> -> memref<160x64xf32, #tpu.memory_space<hbm>>
      tpu.enqueue_dma source(%dma_start3A_300 : memref<160x64xf32, #tpu.memory_space<hbm>>) target(%arg12 : memref<160x64xf32, #tpu.memory_space<vmem>>) target_semaphore(%arg17 : memref<!tpu.dma_semaphore, #tpu.memory_space<semaphore_mem>>)
      scf.yield %scan3A_284#0, %scan3A_284#1, %scan3A_284#2, %scan3A_284#3, %scan3A_284#4, %scan3A_284#5, %scan3A_284#6, %scan3A_284#7, %scan3A_284#8, %scan3A_284#9, %scan3A_284#10, %scan3A_284#11, %scan3A_284#12, %scan3A_284#13, %scan3A_284#14, %scan3A_284#15 : vector<16xf32>, vector<16xf32>, vector<16xf32>, vector<16xf32>, vector<16xf32>, vector<16xf32>, vector<16xf32>, vector<16xf32>, vector<16xf32>, vector<16xf32>, vector<16xf32>, vector<16xf32>, vector<16xf32>, vector<16xf32>, vector<16xf32>, vector<16xf32>
    }
    %scan3A_109 = arith.constant 10 : i32
    %add3A_110 = arith.constant 3200 : i32
    %add3A_111 = arith.addi %mul3A_2, %add3A_110 : i32
    %min3A_112 = arith.constant 99840 : i32
    %min3A_113 = arith.minsi %add3A_111, %min3A_112 : i32
    %dma_wait3A = arith.constant 0 : i32
    %dma_wait3A_114 = tpu.memref_slice %arg3[%min3A_113, %dma_wait3A] : memref<100000x64xf32, #tpu.memory_space<hbm>> -> memref<160x64xf32, #tpu.memory_space<hbm>>
    %dma_wait3A_115 = arith.constant 0 : i32
    %dma_wait3A_116 = tpu.memref_slice %arg3[%min3A_113, %dma_wait3A_115] : memref<100000x64xf32, #tpu.memory_space<hbm>> -> memref<160x64xf32, #tpu.memory_space<hbm>>
    tpu.wait_dma2 semaphore(%arg14 : memref<!tpu.dma_semaphore, #tpu.memory_space<semaphore_mem>>) src(%dma_wait3A_116 : memref<160x64xf32, #tpu.memory_space<hbm>>) dst(%arg9 : memref<160x64xf32, #tpu.memory_space<vmem>>)
    %dma_wait3A_117 = arith.constant 0 : i32
    %dma_wait3A_118 = tpu.memref_slice %arg4[%min3A_113, %dma_wait3A_117] : memref<100000x64xf32, #tpu.memory_space<hbm>> -> memref<160x64xf32, #tpu.memory_space<hbm>>
    %dma_wait3A_119 = arith.constant 0 : i32
    %dma_wait3A_120 = tpu.memref_slice %arg4[%min3A_113, %dma_wait3A_119] : memref<100000x64xf32, #tpu.memory_space<hbm>> -> memref<160x64xf32, #tpu.memory_space<hbm>>
    tpu.wait_dma2 semaphore(%arg16 : memref<!tpu.dma_semaphore, #tpu.memory_space<semaphore_mem>>) src(%dma_wait3A_120 : memref<160x64xf32, #tpu.memory_space<hbm>>) dst(%arg11 : memref<160x64xf32, #tpu.memory_space<vmem>>)
    %add3A_121 = arith.constant 3360 : i32
    %add3A_122 = arith.addi %mul3A_2, %add3A_121 : i32
    %min3A_123 = arith.constant 99840 : i32
    %min3A_124 = arith.minsi %add3A_122, %min3A_123 : i32
    %dma_wait3A_125 = arith.constant 0 : i32
    %dma_wait3A_126 = tpu.memref_slice %arg3[%min3A_124, %dma_wait3A_125] : memref<100000x64xf32, #tpu.memory_space<hbm>> -> memref<160x64xf32, #tpu.memory_space<hbm>>
    %dma_wait3A_127 = arith.constant 0 : i32
    %dma_wait3A_128 = tpu.memref_slice %arg3[%min3A_124, %dma_wait3A_127] : memref<100000x64xf32, #tpu.memory_space<hbm>> -> memref<160x64xf32, #tpu.memory_space<hbm>>
    tpu.wait_dma2 semaphore(%arg15 : memref<!tpu.dma_semaphore, #tpu.memory_space<semaphore_mem>>) src(%dma_wait3A_128 : memref<160x64xf32, #tpu.memory_space<hbm>>) dst(%arg10 : memref<160x64xf32, #tpu.memory_space<vmem>>)
    %dma_wait3A_129 = arith.constant 0 : i32
    %dma_wait3A_130 = tpu.memref_slice %arg4[%min3A_124, %dma_wait3A_129] : memref<100000x64xf32, #tpu.memory_space<hbm>> -> memref<160x64xf32, #tpu.memory_space<hbm>>
    %dma_wait3A_131 = arith.constant 0 : i32
    %dma_wait3A_132 = tpu.memref_slice %arg4[%min3A_124, %dma_wait3A_131] : memref<100000x64xf32, #tpu.memory_space<hbm>> -> memref<160x64xf32, #tpu.memory_space<hbm>>
    tpu.wait_dma2 semaphore(%arg17 : memref<!tpu.dma_semaphore, #tpu.memory_space<semaphore_mem>>) src(%dma_wait3A_132 : memref<160x64xf32, #tpu.memory_space<hbm>>) dst(%arg12 : memref<160x64xf32, #tpu.memory_space<vmem>>)
    %swap3A = arith.constant 0 : i32
    %swap3A_133 = arith.index_cast %swap3A : i32 to index
    %swap3A_134 = arith.constant 0 : index
    %swap3A_135 = tpu.vector_load %arg13[%swap3A_133, %swap3A_134] {strides = array<i32>} : memref<1x256xf32, #tpu.memory_space<vmem>>, vector<16xf32>,
    tpu.vector_store %arg13[%swap3A_133, %swap3A_134], %scan3A_108#0 {strides = array<i32>} : memref<1x256xf32, #tpu.memory_space<vmem>>, vector<16xf32>,
    %swap3A_136 = arith.constant 0 : i32
    %swap3A_137 = arith.index_cast %swap3A_136 : i32 to index
    %swap3A_138 = arith.constant 16 : index
    %swap3A_139 = tpu.vector_load %arg13[%swap3A_137, %swap3A_138] {strides = array<i32>} : memref<1x256xf32, #tpu.memory_space<vmem>>, vector<16xf32>,
    tpu.vector_store %arg13[%swap3A_137, %swap3A_138], %scan3A_108#1 {strides = array<i32>} : memref<1x256xf32, #tpu.memory_space<vmem>>, vector<16xf32>,
    %swap3A_140 = arith.constant 0 : i32
    %swap3A_141 = arith.index_cast %swap3A_140 : i32 to index
    %swap3A_142 = arith.constant 32 : index
    %swap3A_143 = tpu.vector_load %arg13[%swap3A_141, %swap3A_142] {strides = array<i32>} : memref<1x256xf32, #tpu.memory_space<vmem>>, vector<16xf32>,
    tpu.vector_store %arg13[%swap3A_141, %swap3A_142], %scan3A_108#2 {strides = array<i32>} : memref<1x256xf32, #tpu.memory_space<vmem>>, vector<16xf32>,
    %swap3A_144 = arith.constant 0 : i32
    %swap3A_145 = arith.index_cast %swap3A_144 : i32 to index
    %swap3A_146 = arith.constant 48 : index
    %swap3A_147 = tpu.vector_load %arg13[%swap3A_145, %swap3A_146] {strides = array<i32>} : memref<1x256xf32, #tpu.memory_space<vmem>>, vector<16xf32>,
    tpu.vector_store %arg13[%swap3A_145, %swap3A_146], %scan3A_108#3 {strides = array<i32>} : memref<1x256xf32, #tpu.memory_space<vmem>>, vector<16xf32>,
    %swap3A_148 = arith.constant 0 : i32
    %swap3A_149 = arith.index_cast %swap3A_148 : i32 to index
    %swap3A_150 = arith.constant 64 : index
    %swap3A_151 = tpu.vector_load %arg13[%swap3A_149, %swap3A_150] {strides = array<i32>} : memref<1x256xf32, #tpu.memory_space<vmem>>, vector<16xf32>,
    tpu.vector_store %arg13[%swap3A_149, %swap3A_150], %scan3A_108#4 {strides = array<i32>} : memref<1x256xf32, #tpu.memory_space<vmem>>, vector<16xf32>,
    %swap3A_152 = arith.constant 0 : i32
    %swap3A_153 = arith.index_cast %swap3A_152 : i32 to index
    %swap3A_154 = arith.constant 80 : index
    %swap3A_155 = tpu.vector_load %arg13[%swap3A_153, %swap3A_154] {strides = array<i32>} : memref<1x256xf32, #tpu.memory_space<vmem>>, vector<16xf32>,
    tpu.vector_store %arg13[%swap3A_153, %swap3A_154], %scan3A_108#5 {strides = array<i32>} : memref<1x256xf32, #tpu.memory_space<vmem>>, vector<16xf32>,
    %swap3A_156 = arith.constant 0 : i32
    %swap3A_157 = arith.index_cast %swap3A_156 : i32 to index
    %swap3A_158 = arith.constant 96 : index
    %swap3A_159 = tpu.vector_load %arg13[%swap3A_157, %swap3A_158] {strides = array<i32>} : memref<1x256xf32, #tpu.memory_space<vmem>>, vector<16xf32>,
    tpu.vector_store %arg13[%swap3A_157, %swap3A_158], %scan3A_108#6 {strides = array<i32>} : memref<1x256xf32, #tpu.memory_space<vmem>>, vector<16xf32>,
    %swap3A_160 = arith.constant 0 : i32
    %swap3A_161 = arith.index_cast %swap3A_160 : i32 to index
    %swap3A_162 = arith.constant 112 : index
    %swap3A_163 = tpu.vector_load %arg13[%swap3A_161, %swap3A_162] {strides = array<i32>} : memref<1x256xf32, #tpu.memory_space<vmem>>, vector<16xf32>,
    tpu.vector_store %arg13[%swap3A_161, %swap3A_162], %scan3A_108#7 {strides = array<i32>} : memref<1x256xf32, #tpu.memory_space<vmem>>, vector<16xf32>,
    %swap3A_164 = arith.constant 0 : i32
    %swap3A_165 = arith.index_cast %swap3A_164 : i32 to index
    %swap3A_166 = arith.constant 128 : index
    %swap3A_167 = tpu.vector_load %arg13[%swap3A_165, %swap3A_166] {strides = array<i32>} : memref<1x256xf32, #tpu.memory_space<vmem>>, vector<16xf32>,
    tpu.vector_store %arg13[%swap3A_165, %swap3A_166], %scan3A_108#8 {strides = array<i32>} : memref<1x256xf32, #tpu.memory_space<vmem>>, vector<16xf32>,
    %swap3A_168 = arith.constant 0 : i32
    %swap3A_169 = arith.index_cast %swap3A_168 : i32 to index
    %swap3A_170 = arith.constant 144 : index
    %swap3A_171 = tpu.vector_load %arg13[%swap3A_169, %swap3A_170] {strides = array<i32>} : memref<1x256xf32, #tpu.memory_space<vmem>>, vector<16xf32>,
    tpu.vector_store %arg13[%swap3A_169, %swap3A_170], %scan3A_108#9 {strides = array<i32>} : memref<1x256xf32, #tpu.memory_space<vmem>>, vector<16xf32>,
    %swap3A_172 = arith.constant 0 : i32
    %swap3A_173 = arith.index_cast %swap3A_172 : i32 to index
    %swap3A_174 = arith.constant 160 : index
    %swap3A_175 = tpu.vector_load %arg13[%swap3A_173, %swap3A_174] {strides = array<i32>} : memref<1x256xf32, #tpu.memory_space<vmem>>, vector<16xf32>,
    tpu.vector_store %arg13[%swap3A_173, %swap3A_174], %scan3A_108#10 {strides = array<i32>} : memref<1x256xf32, #tpu.memory_space<vmem>>, vector<16xf32>,
    %swap3A_176 = arith.constant 0 : i32
    %swap3A_177 = arith.index_cast %swap3A_176 : i32 to index
    %swap3A_178 = arith.constant 176 : index
    %swap3A_179 = tpu.vector_load %arg13[%swap3A_177, %swap3A_178] {strides = array<i32>} : memref<1x256xf32, #tpu.memory_space<vmem>>, vector<16xf32>,
    tpu.vector_store %arg13[%swap3A_177, %swap3A_178], %scan3A_108#11 {strides = array<i32>} : memref<1x256xf32, #tpu.memory_space<vmem>>, vector<16xf32>,
    %swap3A_180 = arith.constant 0 : i32
    %swap3A_181 = arith.index_cast %swap3A_180 : i32 to index
    %swap3A_182 = arith.constant 192 : index
    %swap3A_183 = tpu.vector_load %arg13[%swap3A_181, %swap3A_182] {strides = array<i32>} : memref<1x256xf32, #tpu.memory_space<vmem>>, vector<16xf32>,
    tpu.vector_store %arg13[%swap3A_181, %swap3A_182], %scan3A_108#12 {strides = array<i32>} : memref<1x256xf32, #tpu.memory_space<vmem>>, vector<16xf32>,
    %swap3A_184 = arith.constant 0 : i32
    %swap3A_185 = arith.index_cast %swap3A_184 : i32 to index
    %swap3A_186 = arith.constant 208 : index
    %swap3A_187 = tpu.vector_load %arg13[%swap3A_185, %swap3A_186] {strides = array<i32>} : memref<1x256xf32, #tpu.memory_space<vmem>>, vector<16xf32>,
    tpu.vector_store %arg13[%swap3A_185, %swap3A_186], %scan3A_108#13 {strides = array<i32>} : memref<1x256xf32, #tpu.memory_space<vmem>>, vector<16xf32>,
    %swap3A_188 = arith.constant 0 : i32
    %swap3A_189 = arith.index_cast %swap3A_188 : i32 to index
    %swap3A_190 = arith.constant 224 : index
    %swap3A_191 = tpu.vector_load %arg13[%swap3A_189, %swap3A_190] {strides = array<i32>} : memref<1x256xf32, #tpu.memory_space<vmem>>, vector<16xf32>,
    tpu.vector_store %arg13[%swap3A_189, %swap3A_190], %scan3A_108#14 {strides = array<i32>} : memref<1x256xf32, #tpu.memory_space<vmem>>, vector<16xf32>,
    %swap3A_192 = arith.constant 0 : i32
    %swap3A_193 = arith.index_cast %swap3A_192 : i32 to index
    %swap3A_194 = arith.constant 240 : index
    %swap3A_195 = tpu.vector_load %arg13[%swap3A_193, %swap3A_194] {strides = array<i32>} : memref<1x256xf32, #tpu.memory_space<vmem>>, vector<16xf32>,
    tpu.vector_store %arg13[%swap3A_193, %swap3A_194], %scan3A_108#15 {strides = array<i32>} : memref<1x256xf32, #tpu.memory_space<vmem>>, vector<16xf32>,
    "tpu.region"() ({
      %run_scoped3A = tpu.sem_alloc : memref<!tpu.dma_semaphore, #tpu.memory_space<semaphore_mem>>
      %dma_start3A_196 = arith.constant 0 : i32
      %dma_start3A_197 = arith.constant 0 : i32
      %dma_start3A_198 = tpu.memref_slice %arg5[%add3A, %dma_start3A_196, %dma_start3A_197] : memref<32x1x256xf32, #tpu.memory_space<hbm>> -> memref<1x1x256xf32, #tpu.memory_space<hbm>>
      %dma_start3A_199 = tpu.memref_squeeze %dma_start3A_198 : memref<1x1x256xf32, #tpu.memory_space<hbm>> -> memref<1x256xf32, #tpu.memory_space<hbm>>
      %dma_start3A_200 = arith.constant 0 : i32
      %dma_start3A_201 = arith.constant 0 : i32
      %dma_start3A_202 = tpu.memref_slice %arg5[%add3A, %dma_start3A_200, %dma_start3A_201] : memref<32x1x256xf32, #tpu.memory_space<hbm>> -> memref<1x1x256xf32, #tpu.memory_space<hbm>>
      %dma_start3A_203 = tpu.memref_squeeze %dma_start3A_202 : memref<1x1x256xf32, #tpu.memory_space<hbm>> -> memref<1x256xf32, #tpu.memory_space<hbm>>
      tpu.enqueue_dma source(%arg13 : memref<1x256xf32, #tpu.memory_space<vmem>>) target(%dma_start3A_203 : memref<1x256xf32, #tpu.memory_space<hbm>>) target_semaphore(%run_scoped3A : memref<!tpu.dma_semaphore, #tpu.memory_space<semaphore_mem>>)
      %dma_wait3A_204 = arith.constant 0 : i32
      %dma_wait3A_205 = arith.constant 0 : i32
      %dma_wait3A_206 = tpu.memref_slice %arg5[%add3A, %dma_wait3A_204, %dma_wait3A_205] : memref<32x1x256xf32, #tpu.memory_space<hbm>> -> memref<1x1x256xf32, #tpu.memory_space<hbm>>
      %dma_wait3A_207 = tpu.memref_squeeze %dma_wait3A_206 : memref<1x1x256xf32, #tpu.memory_space<hbm>> -> memref<1x256xf32, #tpu.memory_space<hbm>>
      %dma_wait3A_208 = arith.constant 0 : i32
      %dma_wait3A_209 = arith.constant 0 : i32
      %dma_wait3A_210 = tpu.memref_slice %arg5[%add3A, %dma_wait3A_208, %dma_wait3A_209] : memref<32x1x256xf32, #tpu.memory_space<hbm>> -> memref<1x1x256xf32, #tpu.memory_space<hbm>>
      %dma_wait3A_211 = tpu.memref_squeeze %dma_wait3A_210 : memref<1x1x256xf32, #tpu.memory_space<hbm>> -> memref<1x256xf32, #tpu.memory_space<hbm>>
      tpu.wait_dma2 semaphore(%run_scoped3A : memref<!tpu.dma_semaphore, #tpu.memory_space<semaphore_mem>>) src(%arg13 : memref<1x256xf32, #tpu.memory_space<vmem>>) dst(%dma_wait3A_211 : memref<1x256xf32, #tpu.memory_space<hbm>>)
      tpu.yield
    }) : () -> ()
    return
  }
}

module attributes {stable_mosaic.version = 14 : i64} {
  func.func @_fin_body(%arg0: memref<1x1xf32, #tpu.memory_space<vmem>>, %arg1: memref<32x1x256xf32, #tpu.memory_space<vmem>>, %arg2: memref<2363x128xf32, #tpu.memory_space<vmem>>, %arg3: memref<2363x128xf32, #tpu.memory_space<vmem>>, %arg4: memref<1x1xf32, #tpu.memory_space<vmem>>) attributes {dimension_semantics = [], scalar_prefetch = 0 : i64, scratch_operands = 0 : i64, tpu.core_type = #tpu.core_type<tc>} {
    %get3A = arith.constant 0 : index
    %get3A_0 = arith.constant 0 : index
    %get3A_1 = arith.constant 0 : index
    %get3A_2 = vector.load %arg1[%get3A, %get3A_0, %get3A_1] : memref<32x1x256xf32, #tpu.memory_space<vmem>>, vector<32x1x256xf32>
    %squeeze3A = vector.shape_cast %get3A_2 : vector<32x1x256xf32> to vector<32x256xf32>
    %reduce_sum3A = arith.constant dense<0.000000e+00> : vector<256xf32>
    %reduce_sum3A_3 = vector.multi_reduction <add>, %squeeze3A, %reduce_sum3A [0] : vector<32x256xf32> to vector<256xf32>
    %broadcast_in_dim3A = vector.shape_cast %reduce_sum3A_3 : vector<256xf32> to vector<1x256xf32>
    %slice3A = vector.extract_strided_slice %broadcast_in_dim3A {offsets = [0, 0], sizes = [1, 64], strides = [1, 1]} : vector<1x256xf32> to vector<1x64xf32>
    %slice3A_4 = vector.extract_strided_slice %broadcast_in_dim3A {offsets = [0, 64], sizes = [1, 64], strides = [1, 1]} : vector<1x256xf32> to vector<1x64xf32>
    %slice3A_5 = vector.extract_strided_slice %broadcast_in_dim3A {offsets = [0, 128], sizes = [1, 64], strides = [1, 1]} : vector<1x256xf32> to vector<1x64xf32>
    %slice3A_6 = vector.extract_strided_slice %broadcast_in_dim3A {offsets = [0, 192], sizes = [1, 64], strides = [1, 1]} : vector<1x256xf32> to vector<1x64xf32>
    %get3A_7 = arith.constant 0 : index
    %get3A_8 = arith.constant 0 : index
    %get3A_9 = vector.load %arg2[%get3A_7, %get3A_8] : memref<2363x128xf32, #tpu.memory_space<vmem>>, vector<2363x128xf32>
    %get3A_10 = arith.constant 0 : index
    %get3A_11 = arith.constant 0 : index
    %get3A_12 = vector.load %arg3[%get3A_10, %get3A_11] : memref<2363x128xf32, #tpu.memory_space<vmem>>, vector<2363x128xf32>
    %mul3A = arith.mulf %get3A_9, %get3A_12 : vector<2363x128xf32>
    %reduce_sum3A_13 = vector.shape_cast %mul3A : vector<2363x128xf32> to vector<1x2363x128xf32>
    %reduce_sum3A_14 = arith.constant dense<0.000000e+00> : vector<1xf32>
    %reduce_sum3A_15 = vector.multi_reduction <add>, %reduce_sum3A_13, %reduce_sum3A_14 [1, 2] : vector<1x2363x128xf32> to vector<1xf32>
    %reduce_sum3A_16 = vector.shape_cast %reduce_sum3A_15 : vector<1xf32> to vector<1x1x1xf32>
    %reduce_sum3A_17 = vector.extract %reduce_sum3A_16[0, 0, 0] : f32 from vector<1x1x1xf32>
    %mul3A_18 = arith.mulf %slice3A, %slice3A_4 : vector<1x64xf32>
    %reduce_sum3A_19 = vector.shape_cast %mul3A_18 : vector<1x64xf32> to vector<1x1x64xf32>
    %reduce_sum3A_20 = arith.constant dense<0.000000e+00> : vector<1xf32>
    %reduce_sum3A_21 = vector.multi_reduction <add>, %reduce_sum3A_19, %reduce_sum3A_20 [1, 2] : vector<1x1x64xf32> to vector<1xf32>
    %reduce_sum3A_22 = vector.shape_cast %reduce_sum3A_21 : vector<1xf32> to vector<1x1x1xf32>
    %reduce_sum3A_23 = vector.extract %reduce_sum3A_22[0, 0, 0] : f32 from vector<1x1x1xf32>
    %mul3A_24 = arith.mulf %slice3A_4, %slice3A_5 : vector<1x64xf32>
    %reduce_sum3A_25 = vector.shape_cast %mul3A_24 : vector<1x64xf32> to vector<1x1x64xf32>
    %reduce_sum3A_26 = arith.constant dense<0.000000e+00> : vector<1xf32>
    %reduce_sum3A_27 = vector.multi_reduction <add>, %reduce_sum3A_25, %reduce_sum3A_26 [1, 2] : vector<1x1x64xf32> to vector<1xf32>
    %reduce_sum3A_28 = vector.shape_cast %reduce_sum3A_27 : vector<1xf32> to vector<1x1x1xf32>
    %reduce_sum3A_29 = vector.extract %reduce_sum3A_28[0, 0, 0] : f32 from vector<1x1x1xf32>
    %mul3A_30 = arith.mulf %slice3A, %slice3A_5 : vector<1x64xf32>
    %reduce_sum3A_31 = vector.shape_cast %mul3A_30 : vector<1x64xf32> to vector<1x1x64xf32>
    %reduce_sum3A_32 = arith.constant dense<0.000000e+00> : vector<1xf32>
    %reduce_sum3A_33 = vector.multi_reduction <add>, %reduce_sum3A_31, %reduce_sum3A_32 [1, 2] : vector<1x1x64xf32> to vector<1xf32>
    %reduce_sum3A_34 = vector.shape_cast %reduce_sum3A_33 : vector<1xf32> to vector<1x1x1xf32>
    %reduce_sum3A_35 = vector.extract %reduce_sum3A_34[0, 0, 0] : f32 from vector<1x1x1xf32>
    %mul3A_36 = arith.mulf %slice3A_5, %slice3A_5 : vector<1x64xf32>
    %reduce_sum3A_37 = vector.shape_cast %mul3A_36 : vector<1x64xf32> to vector<1x1x64xf32>
    %reduce_sum3A_38 = arith.constant dense<0.000000e+00> : vector<1xf32>
    %reduce_sum3A_39 = vector.multi_reduction <add>, %reduce_sum3A_37, %reduce_sum3A_38 [1, 2] : vector<1x1x64xf32> to vector<1xf32>
    %reduce_sum3A_40 = vector.shape_cast %reduce_sum3A_39 : vector<1xf32> to vector<1x1x1xf32>
    %reduce_sum3A_41 = vector.extract %reduce_sum3A_40[0, 0, 0] : f32 from vector<1x1x1xf32>
    %reduce_sum3A_42 = vector.shape_cast %slice3A_6 : vector<1x64xf32> to vector<1x1x64xf32>
    %reduce_sum3A_43 = arith.constant dense<0.000000e+00> : vector<1xf32>
    %reduce_sum3A_44 = vector.multi_reduction <add>, %reduce_sum3A_42, %reduce_sum3A_43 [1, 2] : vector<1x1x64xf32> to vector<1xf32>
    %reduce_sum3A_45 = vector.shape_cast %reduce_sum3A_44 : vector<1xf32> to vector<1x1x1xf32>
    %reduce_sum3A_46 = vector.extract %reduce_sum3A_45[0, 0, 0] : f32 from vector<1x1x1xf32>
    %sub3A = arith.subf %reduce_sum3A_41, %reduce_sum3A_46 : f32
    %mul3A_47 = arith.constant 5.000000e-01 : f32
    %mul3A_48 = arith.mulf %mul3A_47, %sub3A : f32
    %get3A_49 = arith.constant 0 : index
    %get3A_50 = arith.constant 0 : index
    %get3A_51 = vector.load %arg0[%get3A_49, %get3A_50] : memref<1x1xf32, #tpu.memory_space<vmem>>, vector<1x1xf32>
    %get3A_52 = vector.extract %get3A_51[0, 0] : f32 from vector<1x1xf32>
    %add3A = arith.addf %get3A_52, %reduce_sum3A_17 : f32
    %add3A_53 = arith.addf %add3A, %reduce_sum3A_23 : f32
    %add3A_54 = arith.addf %add3A_53, %reduce_sum3A_29 : f32
    %add3A_55 = arith.addf %add3A_54, %mul3A_48 : f32
    %add3A_56 = arith.addf %add3A_55, %reduce_sum3A_35 : f32
    %reshape3A = vector.broadcast %add3A_56 : f32 to vector<1x1xf32>
    %swap3A = arith.constant 0 : index
    %swap3A_57 = arith.constant 0 : index
    %swap3A_58 = vector.load %arg4[%swap3A, %swap3A_57] : memref<1x1xf32, #tpu.memory_space<vmem>>, vector<1x1xf32>
    tpu.vector_store %arg4[%swap3A, %swap3A_57], %reshape3A {strides = array<i32>} : memref<1x1xf32, #tpu.memory_space<vmem>>, vector<1x1xf32>,
    return
  }
}

</mosaic_0001>

<sc_bundles>
// kernel: _fm.4.cloned.1.call-start
scs
__scs_entry_jumppad:
0x0: {  	(pc) =	sbr.rel $0x88, $3  }
0x1: {  	(tag) =	ssettag $0x0;
	lr =	simm.s32 $0x1  }
0x2: {  	[smem:$0x3F9C] =	sst lr;
	_ =	strace $0xD0000000  }
0x3: {  	_ = 	snop  }
0x4: {  	_ = 	snop  }
0x5: {  	_ = 	snop  }
0x6: {  	_ = 	snop  }
0x7: {  	_ = 	snop  }
__scs_overlays_trampoline_lowered:
0x8: {  	[smem:$0x3FAB] =	sst s0  }
0x9: {  	[smem:$0x3FAC] =	sst s1  }
0xa: {  	[smem:$0x3FAD] =	sst s2  }
0xb: {  	[smem:$0x3FAE] =	sst s3  }
0xc: {  	[smem:$0x3FAF] =	sst s4  }
0xd: {  	[smem:$0x3FB0] =	sst s5  }
0xe: {  	[smem:$0x3FB1] =	sst s6  }
0xf: {  	[smem:$0x3FB2] =	sst s7  }
0x10: {  	[smem:$0x3FB3] =	sst s8  }
0x11: {  	[smem:$0x3FB4] =	sst s9;
	s0 =	simm.s32 @!p0 $0x0  }
0x12: {  	s1 =	sld [smem:$0x3F9A];
	s0 =	simm.s32 @p0 $0x1  }
0x13: {  	[smem:$0x3FB5] =	sst s0;
	s0 =	simm.s32 @!p1 $0x0  }
0x14: {  	s2 =	sld [smem:$0x3F99];
	s0 =	simm.s32 @p1 $0x1  }
0x15: {  	[smem:$0x3FB6] =	sst s0;
	s0 =	simm.s32 @!p2 $0x0  }
0x16: {  	s3 =	sld [smem:$0x3FDB];
	s0 =	simm.s32 @p2 $0x1  }
0x17: {  	s4 =	simm.s32 $0x1BF5;
	[smem:$0x3FB8] =	sst s0  }
0x18: {  	s0 =	sld [smem:$0x3F9B];
	_ =	swait.ge [sflag:s4], $0x0  }
0x19: {  	s7 =	sld [smem:$0x3F9C]  }
0x1a: {  	s8 =	sadd.s32 $0xFFFFE003, lr  }
0x1b: {  	s9 =	sadd.s32 $0xFFFFFEF7, lr;
	s5 =	simm.s32 $0xFFFFFFFF;
	p2 =	slt.u32 s8, $0xFFFFF086  }
0x1c: {  	p1 =	slt.u32 s9, $0xF7A;
	s5 =	simm.s32 @!p2 $0x0  }
0x1d: {  	s5 =	simm.s32 @p1 $0x1;
	p0 =	seq.s32 s7, s2  }
0x1e: {  	s7 =	smul.u32 @!p0 $0xF7A, s2;
	p2 =	seq.s32 @!p0 s5, $0x0  }
0x1f: {  	s9 =	smul.u32 $0xF7A, s1;
	s8 =	simm.s32 @!p0 $0x1BF5;
	p2 =	por !p2, p0  }
0x20: {  	[sflag:s8] =	ssyncset.s32 @!p0 $0xFFFFF086;
	s6 =	sadd.s32 @!p0 s3, s7;
	s7 =	simm.s32 @!p0 $0x108  }
0x21: {  	s3 =	sadd.s32 s3, s9;
	s6 =	sadd.s32 @!p0 $0x88, s6;
	s7 =	simm.s32 @p2 $0x1082  }
0x22: {  	[simem:s7], [sflag:s8] =	dma.local @!p0 [hbm:s6], $0xF7A  }
0x23: {  	s9 =	sor.u32 $0xD0000000, s2;
	s6 =	simm.s32 $0x108;
	_ =	swait.ge @!p0 [sflag:s8], $0x0  }
0x24: {  	s3 =	sadd.s32 $0x88, s3;
	s6 =	simm.s32 @!p1 $0x1082;
	[sflag:s4] =	ssyncset.s32 $0xFFFFF086  }
0x25: {  	[simem:s6], [sflag:s4] =	dma.local [hbm:s3], $0xF7A  }
0x26: {  	[smem:$0x3F9C] =	sst s1;
	(tag) =	ssettag s2;
	_ =	strace s9  }
0x27: {  	s1 =	sld [smem:$0x3FAC]  }
0x28: {  	s2 =	sld [smem:$0x3FAD]  }
0x29: {  	s4 =	sld [smem:$0x3FAF]  }
0x2a: {  	p0 =	seq.s32 s5, $0x0;
	s5 =	sld [smem:$0x3FB0]  }
0x2b: {  	s6 =	sld [smem:$0x3FB1]  }
0x2c: {  	s7 =	sld [smem:$0x3FB2]  }
0x2d: {  	s3 =	simm.s32 $0x108;
	s8 =	sld [smem:$0x3FB3]  }
0x2e: {  	s3 =	simm.s32 @!p0 $0x1082;
	s9 =	sld [smem:$0x3FB4]  }
0x2f: {  	lr =	sadd.s32 s0, s3;
	s0 =	sld [smem:$0x3FAB]  }
0x30: {  	s3 =	sld [smem:$0x3FAE]  }
0x31: {  	[smem:$0x3FB7] =	sst s10  }
0x32: {  	s10 =	sld [smem:$0x3FB5];
	_ =	sdelay $0x3  }
0x33: {  	p0 =	seq.s32 s10, $0x1;
	s10 =	sld [smem:$0x3FB7];
	_ =	sdelay $0x3  }
0x34: {  	[smem:$0x3FB7] =	sst s10  }
0x35: {  	s10 =	sld [smem:$0x3FB6];
	_ =	sdelay $0x3  }
0x36: {  	p1 =	seq.s32 s10, $0x1;
	s10 =	sld [smem:$0x3FB7];
	_ =	sdelay $0x3  }
0x37: {  	[smem:$0x3FB7] =	sst s10  }
0x38: {  	s10 =	sld [smem:$0x3FB8]  }
0x39: {  	_ = 	snop;
	(pc) =	sbr.ind lr, $3  }
0x3a: {  	_ = 	snop  }
0x3b: {  	_ = 	snop  }
0x3c: {  	p2 =	seq.s32 s10, $0x1;
	s10 =	sld [smem:$0x3FB7]  }
0x3d: {  	_ =	shalt  }
0x3e: {  	_ =	shalt  }
0x3f: {  	_ =	shalt  }
0x40: {  	_ =	shalt  }
0x41: {  	_ =	shalt  }
0x42: {  	_ =	shalt  }
0x43: {  	_ =	shalt  }
0x44: {  	_ =	shalt  }
0x45: {  	_ =	shalt  }
0x46: {  	_ =	shalt  }
0x47: {  	_ =	shalt  }
0x48: {  	_ =	shalt  }
0x49: {  	_ =	shalt  }
0x4a: {  	_ =	shalt  }
0x4b: {  	_ =	shalt  }
0x4c: {  	_ =	shalt  }
0x4d: {  	_ =	shalt  }
0x4e: {  	_ =	shalt  }
0x4f: {  	_ =	shalt  }
0x50: {  	_ =	shalt  }
0x51: {  	_ =	shalt  }
0x52: {  	_ =	shalt  }
0x53: {  	_ =	shalt  }
0x54: {  	_ =	shalt  }
0x55: {  	_ =	shalt  }
0x56: {  	_ =	shalt  }
0x57: {  	_ =	shalt  }
0x58: {  	_ =	shalt  }
0x59: {  	_ =	shalt  }
0x5a: {  	_ =	shalt  }
0x5b: {  	_ =	shalt  }
0x5c: {  	_ =	shalt  }
0x5d: {  	_ =	shalt  }
0x5e: {  	_ =	shalt  }
0x5f: {  	_ =	shalt  }
0x60: {  	_ =	shalt  }
0x61: {  	_ =	shalt  }
0x62: {  	_ =	shalt  }
0x63: {  	_ =	shalt  }
0x64: {  	_ =	shalt  }
0x65: {  	_ =	shalt  }
0x66: {  	_ =	shalt  }
0x67: {  	_ =	shalt  }
0x68: {  	_ =	shalt  }
0x69: {  	_ =	shalt  }
0x6a: {  	_ =	shalt  }
0x6b: {  	_ =	shalt  }
0x6c: {  	_ =	shalt  }
0x6d: {  	_ =	shalt  }
0x6e: {  	_ =	shalt  }
0x6f: {  	_ =	shalt  }
0x70: {  	_ =	shalt  }
0x71: {  	_ =	shalt  }
0x72: {  	_ =	shalt  }
0x73: {  	_ =	shalt  }
0x74: {  	_ =	shalt  }
0x75: {  	_ =	shalt  }
0x76: {  	_ =	shalt  }
0x77: {  	_ =	shalt  }
0x78: {  	_ =	shalt  }
0x79: {  	_ =	shalt  }
0x7a: {  	_ =	shalt  }
0x7b: {  	_ =	shalt  }
0x7c: {  	_ =	shalt  }
0x7d: {  	_ =	shalt  }
0x7e: {  	_ =	shalt  }
0x7f: {  	_ =	shalt  }
0x80: {  	_ =	shalt  }
0x81: {  	_ =	shalt  }
0x82: {  	_ =	shalt  }
0x83: {  	_ =	shalt  }
0x84: {  	_ =	shalt  }
0x85: {  	_ =	shalt  }
0x86: {  	_ =	shalt  }
0x87: {  	_ =	shalt  }
.Lfunc_end0:
.L_simem_size_0:
called_computation_lowered:
.L_overlay_start_0:
0x88: {  	s2 =	sld [smem:$0x3FD9]  }
0x89: {  	s3 =	sld [smem:$0x3FFE];
	_ =	sdelay $0x1  }
0x8a: {  	s1 =	srdreg.scid  }
0x8b: {  	s0 =	sand.u32 $0x1, s1  }
0x8c: {  	s16 =	sshll.u32 s0, $0xA;
	s2 =	sadd.s32 s3, s2  }
0x8d: {  	s2 =	sadd.s32 s2, s16  }
0x8e: {  	[smem:$0x3FC3] =	sst s2  }
0x8f: {  	_ = 	snop  }
0x90: {  	(tm) =	ssettm $0x1  }
0x91: {  	s17 =	sld [smem:$0x3FFB];
	_ =	sdelay $0x3  }
0x92: {  	_ =	strace s17  }
0x93: {  	s2 =	sld [smem:$0x3FFC];
	_ =	sdelay $0x3  }
0x94: {  	_ =	strace s2  }
0x95: {  	s2 =	sld [smem:$0x3FFD];
	_ =	sdelay $0x3  }
0x96: {  	_ =	strace s2  }
0x97: {  	_ =	strace $0x8FFFFFFF  }
0x98: {  	s18 =	sld [smem:$0x3FDB];
	_ =	sdelay $0x1  }
0x99: {  	s19 =	simm.s32 $_scs_section_size  }
0x9a: {  	s4 =	simm.s32 $_size__tile_overlayer_lowered;
	s5 =	simm.s32 $_tile_overlayer_lowered  }
0x9b: {  	s22 =	simm.s32 $0x1BFF;
	s21 =	sshll.u32 s5, $0x1;
	s2 =	sadd.s32 s19, s18  }
0x9c: {  	s6 =	simm.s32 $0x0;
	s20 =	sshll.u32 s4, $0x1;
	s4 =	sadd.s32 s21, s2  }
0x9d: {  	[timem:s6], [sflag:s22] =	dma.local [hbm:s4], s20  }
0x9e: {  	_ =	swait.ge [sflag:s22], s20  }
0x9f: {  	s3 =	ssub.s32 $0x0, s20;
	[sflag:s22] =	ssyncset.done $0x0  }
0xa0: {  	[sflag:s22] =	ssyncadd.s32 s3;
	_ =	sdelay $0x1  }
0xa1: {  	s23 =	simm.s32 $0x1B8B  }
0xa2: {  	_ =	swait.ge [sflag:s23], $0x1  }
0xa3: {  	[sflag:s23] =	ssyncset.done $0x0  }
0xa4: {  	s25 =	simm.s32 $0x1B8E;
	s24 =	sld [smem:$0x3FFE];
	[sflag:s23] =	ssyncadd.s32 $0xFFFFFFFF  }
0xa5: {  	s26 =	simm.s32 $execute0_lowered;
	[smem:$0x3FD2] =	sst s25  }
0xa6: {  	s4 =	sshll.u32 s26, $0x1;
	_ =	strace $0x80000046;
	[dreg:$0x1] =	wrdreg $0xFFFFFFFF  }
0xa7: {  	s28 =	simm.s32 $_size_execute0_lowered;
	s2 =	sadd.s32 s2, s4;
	[dreg:$0x0] =	wrdreg $0x0  }
0xa8: {  	s4 =	sshll.u32 s28, $0x1;
	[dreg:$0x2] =	wrdreg s2  }
0xa9: {  	[dreg:$0x3] =	wrdreg s4  }
0xaa: {  	[dreg:$0x4] =	wrdreg $0xC0  }
0xab: {  	_ =	task [dreg:s6], $0x5FFFF  }
0xac: {  	[dreg:$0x1] =	wrdreg $0xFFFFFFFF  }
0xad: {  	[dreg:$0x0] =	wrdreg $0x60  }
0xae: {  	[dreg:$0x2] =	wrdreg s24  }
0xaf: {  	[dreg:$0x3] =	wrdreg $0x9  }
0xb0: {  	_ =	task.clear_ibuf [dreg:s6], $0x4FFFF;
	_ =	strace $0x90000046  }
0xb1: {  	s29 =	simm.s32 $0x9;
	_ =	strace $0x80000048  }
0xb2: {  	_ =	swait.ge [sflag:s29], $0x1  }
0xb3: {  	[sflag:s29] =	ssyncadd.s32 $0xFFFFFFFF  }
0xb4: {  	_ =	strace $0x90000048  }
0xb5: {  	_ =	sfence  }
0xb6: {  	s30 =	sld [smem:$0x0];
	_ =	sdelay $0x2  }
0xb7: {  	s31 =	sshll.u32 s1, $0xD;
	s1 =	sshrl.u32 s1, $0x2  }
0xb8: {  	s3 =	sand.u32 $0x4000, s31;
	s1 =	sadd.s32 s1, s30  }
0xb9: {  	s0 =	sor.u32 s3, s0;
	s1 =	sshll.u32 s1, $0x11  }
0xba: {  	s0 =	sor.u32 s1, s0  }
0xbb: {  	s0 =	sadd.s32 $0x8F2B, s0  }
0xbc: {  	[sflag:s0] =	ssyncadd.remote.s32 $0x1  }
0xbd: {  	_ =	sfence.sel $0xFFFF  }
0xbe: {  	[dreg:$0x0] =	wrdreg $0xFFFFFFFF;
	(pc) =	sbr.abs _section_cstart, $3  }
0xbf: {  	[dreg:$0x1] =	wrdreg $0xFFFFFFFF  }
0xc0: {  	_ =	task.clear_ibuf [dreg:s6], $0x2FFFF;
	_ =	strace $0x9FFFFFFF  }
0xc1: {  	(tm) =	ssettm $0x7FFFFFFF  }
tec
execute0_lowered:
.L_overlay_start_1:
0x0: {  	(tag) =	ssettag $0x1  }
0x1: {  	s0 =	srdreg.scid  }
0x2: {  	s11 =	stileid.u32;
	s5 =	rddreg [dreg:$0x0]  }
0x3: {  	s2 =	simm.s32 $0x0;
	s28 =	simm.s32 $0x3;
	s29 =	simm.s32 $0x2  }
0x4: {  	s0 =	sand.u32 $0x1, s0;
	s1 =	sshll.u32 s11, $0x1;
	s23 =	smul.u32 $0x1900, s11  }
0x5: {  	[smem:$0x7FF] =	sst s2;
	s4 =	sadd.s32 $0x192400, s5;
	s25 =	smul.u32 $0xC80, s0  }
0x6: {  	s1 =	sor.u32 s0, s1;
	s8 =	ssub.s32 $0x2, s0;
	s0 =	smul.u32 $0xFFFFF380, s0  }
0x7: {  	s30 =	simm.s32 $0x4;
	_ =	strace $0x80000047;
	s6 =	smul.u32 $0xC80, s1  }
0x8: {  	s9 =	sshll.u32 s1, $0x5;
	s10 =	sshrl.u32 s8, $0x1;
	s1 =	smul.u32 $0xC800, s1  }
0x9: {  	s8 =	ssub.s32 s8, s10;
	s17 =	ssub.s32 s0, s23;
	s3 =	sshrl.u32 s6, $0x3  }
0xa: {  	s22 =	sadd.s32 s4, s1;
	s12 =	sadd.s32 $0x140, s6;
	s13 =	sadd.s32 $0x1E0, s6  }
0xb: {  	s26 =	smax.u32 s8, $0x1;
	s7 =	sadd.s32 s3, s5;
	[dreg:$0x6] =	wrdreg s22  }
0xc: {  	s3 =	sadd.s32 $0xBA00, s5;
	[dreg:$0xa] =	wrdreg s26;
	s19 =	sadd.s32 $0x2600, s7  }
0xd: {  	s5 =	sadd.s32 s9, s5;
	s20 =	sadd.s32 $0x56D0, s7;
	[dreg:$0x2] =	wrdreg s19  }
0xe: {  	s22 =	simm.s32 $0x2700;
	s7 =	sadd.s32 $0x87A0, s7;
	[dreg:$0x3] =	wrdreg s20  }
0xf: {  	s26 =	simm.s32 $0x1;
	s21 =	sadd.s32 s3, s1;
	[dreg:$0x4] =	wrdreg s7  }
0x10: {  	s1 =	sadd.s32 $0xA00, s1;
	s5 =	sadd.s32 $0x318E00, s5;
	[dreg:$0x5] =	wrdreg s21  }
.Ltmp0:
0x11: {  	s24 =	sadd.s32 s3, s1;
	[dreg:$0x9] =	wrdreg s5;
	(pc) =	sbr.rel .LBB2_1-.Ltmp0, $4  }
0x12: {  	s1 =	sadd.s32 s4, s1;
	s19 =	simm.s32 $0x5;
	[dreg:$0x7] =	wrdreg s24  }
0x13: {  	v63 =	vlaneseq.u32;
	v0 =	vmov s6;
	[dreg:$0x8] =	wrdreg s1;
	s1 =	sadd.s32 s25, s23;
	s23 =	simm.s32 $0xC700  }
0x14: {  	[tilespmem:$0x1FFE0] =	vst v0;
	v0 =	vor.u32 s6, v63;
	s24 =	simm.s32 $0x7700;
	[dreg:$0xb] =	wrdreg s1;
	s31 =	sadd.s32 $0xA0, s1  }
0x15: {  	v38 =	vimm.s32 $0x0;
	v62 =	vimm.s32 $0x2;
	[tilespmem:$0x1FFF0] =	vst v0;
	s25 =	simm.s32 $0x11700;
	s1 =	simm.s32 $0x0;
	[dreg:$0xc] =	wrdreg s31  }
.LBB2_13:
0x16: {  	_ =	swait.ge [sflag:s26], $0x5000  }
0x17: {  	[sflag:s26] =	ssyncset.done $0x0  }
0x18: {  	[sflag:s26] =	ssyncadd.s32 $0xFFFFB000  }
0x19: {  	_ =	swait.ge [sflag:s28], $0x5000  }
0x1a: {  	[sflag:s28] =	ssyncset.done $0x0  }
0x1b: {  	[sflag:s28] =	ssyncadd.s32 $0xFFFFB000  }
0x1c: {  	_ =	swait.ge [sflag:s29], $0x5000  }
0x1d: {  	[sflag:s29] =	ssyncset.done $0x0  }
0x1e: {  	[sflag:s29] =	ssyncadd.s32 $0xFFFFB000  }
0x1f: {  	_ =	swait.ge [sflag:s30], $0x5000  }
0x20: {  	[sflag:s30] =	ssyncset.done $0x0;
	v0 =	vld [tilespmem:$0x1FFD0]  }
0x21: {  	v51 =	vld [tilespmem:$0x1FFC0];
	[sflag:s30] =	ssyncadd.s32 $0xFFFFB000  }
0x22: {  	v52 =	vld [tilespmem:$0x1FFB0];
	[tilespmem:$0x16700] =	vst v35  }
0x23: {  	v53 =	vld [tilespmem:$0x1FFA0];
	[tilespmem:$0x16710] =	vst v34  }
0x24: {  	v54 =	vld [tilespmem:$0x1FF90];
	[tilespmem:$0x16720] =	vst v33  }
0x25: {  	v55 =	vld [tilespmem:$0x1FF80];
	[tilespmem:$0x16730] =	vst v0  }
0x26: {  	v56 =	vld [tilespmem:$0x1FF70];
	[tilespmem:$0x16740] =	vst v51  }
0x27: {  	v57 =	vld [tilespmem:$0x1FF60];
	[tilespmem:$0x16750] =	vst v52  }
0x28: {  	v58 =	vld [tilespmem:$0x1FF50];
	[tilespmem:$0x16760] =	vst v53  }
0x29: {  	v59 =	vld [tilespmem:$0x1FF40];
	[tilespmem:$0x16770] =	vst v54  }
0x2a: {  	v60 =	vld [tilespmem:$0x1FF30];
	[tilespmem:$0x16780] =	vst v55  }
0x2b: {  	v61 =	vld [tilespmem:$0x1FF20];
	[tilespmem:$0x16790] =	vst v56  }
0x2c: {  	v63 =	vld [tilespmem:$0x1FF10];
	[tilespmem:$0x167A0] =	vst v57  }
0x2d: {  	[tilespmem:$0x167B0] =	vst v58  }
0x2e: {  	[tilespmem:$0x167C0] =	vst v59  }
0x2f: {  	[tilespmem:$0x167D0] =	vst v60  }
0x30: {  	[tilespmem:$0x167E0] =	vst v61  }
0x31: {  	s5 =	simm.s32 $0x16700;
	s0 =	rddreg [dreg:$0x9];
	[tilespmem:$0x167F0] =	vst v63  }
0x32: {  	[hbm4b:s0+s2] =	stream.linear.scatter [tilespmem:s5], [sflag:$0x5], $0x100, $0x38;
	[tilespmem:$0x16800] =	vst v63  }
0x33: {  	_ =	swait.ge [sflag:s19], $0x100  }
0x34: {  	s1 =	sadd.s32 $0x1, s1;
	s31 =	rddreg [dreg:$0xa]  }
0x35: {  	p0 =	sne.s32 s1, s31  }
.Ltmp1:
0x36: {  	_ = 	snop;
	(pc) =	sbr.rel @!p0 .LBB2_14-.Ltmp1, $3  }
0x37: {  	_ =	sdelay $0x1  }
0x38: {  	[sflag:s19] =	ssyncset.done $0x0  }
0x39: {  	[sflag:s19] =	ssyncadd.s32 $0xFFFFFF00  }
.LBB2_1:
0x3a: {  	s0 =	rddreg [dreg:$0x2]  }
0x3b: {  	[tilespmem:s2], [sflag:$0x5] =	stream.linear.gather [hbm4b:s0+s2], $0xD00, $0x38;
	[tilespmem:$0x16800] =	vst v63  }
0x3c: {  	_ =	swait.ge [sflag:s19], $0xD00  }
0x3d: {  	[sflag:s19] =	ssyncset.done $0x0  }
0x3e: {  	s5 =	simm.s32 $0xD00;
	s14 =	rddreg [dreg:$0x3];
	[sflag:s19] =	ssyncadd.s32 $0xFFFFF300  }
0x3f: {  	[tilespmem:s5], [sflag:$0x5] =	stream.linear.gather [hbm4b:s14+s2], $0xD00, $0x38;
	[tilespmem:$0x16800] =	vst v63  }
0x40: {  	_ =	swait.ge [sflag:s19], $0xD00  }
0x41: {  	[sflag:s19] =	ssyncset.done $0x0  }
0x42: {  	s16 =	simm.s32 $0x1A00;
	s15 =	rddreg [dreg:$0x4];
	[sflag:s19] =	ssyncadd.s32 $0xFFFFF300  }
0x43: {  	[tilespmem:s16], [sflag:$0x5] =	stream.linear.gather [hbm4b:s15+s2], $0xD00, $0x38;
	[tilespmem:$0x16800] =	vst v63  }
0x44: {  	v0 =	vimm.f32 $0.0e+00;
	_ =	swait.ge [sflag:s19], $0xD00  }
0x45: {  	v51 =	vimm.f32 $0.0e+00;
	[tilespmem:$0x1FF10] =	vst v0  }
0x46: {  	v52 =	vimm.f32 $0.0e+00;
	[tilespmem:$0x1FF20] =	vst v51  }
0x47: {  	v53 =	vimm.f32 $0.0e+00;
	[tilespmem:$0x1FF30] =	vst v52  }
0x48: {  	v54 =	vimm.f32 $0.0e+00;
	[tilespmem:$0x1FF40] =	vst v53  }
0x49: {  	v55 =	vimm.f32 $0.0e+00;
	[tilespmem:$0x1FF50] =	vst v54  }
0x4a: {  	v56 =	vimm.f32 $0.0e+00;
	[tilespmem:$0x1FF60] =	vst v55  }
0x4b: {  	v57 =	vimm.f32 $0.0e+00;
	[tilespmem:$0x1FF70] =	vst v56  }
0x4c: {  	v58 =	vimm.f32 $0.0e+00;
	[sflag:s19] =	ssyncset.done $0x0;
	s18 =	rddreg [dreg:$0x5];
	[tilespmem:$0x1FF80] =	vst v57  }
0x4d: {  	s20 =	rddreg [dreg:$0x6];
	[tilespmem:$0x1FF90] =	vst v58;
	[sflag:s19] =	ssyncadd.s32 $0xFFFFF300  }
0x4e: {  	v59 =	vimm.f32 $0.0e+00;
	[tilespmem:s22], [sflag:$0x1] =	stream.linear.gather [hbm4b:s18+s2], $0x5000, $0x38;
	[tilespmem:$0x16800] =	vst v63  }
0x4f: {  	s21 =	rddreg [dreg:$0x7];
	[tilespmem:$0x1FFA0] =	vst v59  }
0x50: {  	v60 =	vimm.f32 $0.0e+00;
	[tilespmem:s23], [sflag:$0x3] =	stream.linear.gather [hbm4b:s20+s2], $0x5000, $0x38;
	[tilespmem:$0x16800] =	vst v63  }
.Ltmp2:
0x51: {  	v61 =	vimm.f32 $0.0e+00;
	s31 =	rddreg [dreg:$0x8];
	[tilespmem:$0x1FFB0] =	vst v60;
	(pc) =	sbr.rel .LBB2_2-.Ltmp2, $4  }
0x52: {  	[tilespmem:$0x1FFC0] =	vst v61;
	s16 =	rddreg [dreg:$0xb]  }
0x53: {  	v63 =	vimm.f32 $0.0e+00;
	[tilespmem:s24], [sflag:$0x2] =	stream.linear.gather [hbm4b:s21+s2], $0x5000, $0x38;
	[tilespmem:$0x16800] =	vst v63  }
0x54: {  	[tilespmem:$0x1FFD0] =	vst v63;
	s18 =	rddreg [dreg:$0xc];
	s21 =	simm.s32 $0x0  }
0x55: {  	v33 =	vimm.f32 $0.0e+00;
	v34 =	vimm.f32 $0.0e+00;
	v35 =	vimm.f32 $0.0e+00;
	[tilespmem:s25], [sflag:$0x4] =	stream.linear.gather [hbm4b:s31+s2], $0x5000, $0x38;
	[tilespmem:$0x16800] =	vst v63  }
.LBB2_12:
0x56: {  	s0 =	sadd.s32 s5, s13  }
0x57: {  	s21 =	sadd.s32 $0x1, s21;
	p0 =	slt.s32 s0, $0x18600  }
0x58: {  	s0 =	simm.s32 @!p0 $0x18600;
	p0 =	sne.s32 s21, $0xA  }
.Ltmp3:
0x59: {  	s0 =	sshll.u32 s0, $0x4;
	(pc) =	sbr.rel @!p0 .LBB2_13-.Ltmp3, $4  }
0x5a: {  	s31 =	sadd.s32 s3, s0  }
0x5b: {  	[tilespmem:s24], [sflag:$0x2] =	stream.linear.gather [hbm4b:s31+s2], $0x5000, $0x38;
	[tilespmem:$0x16800] =	vst v63  }
0x5c: {  	s16 =	sadd.s32 $0x140, s16;
	s18 =	sadd.s32 $0x140, s18;
	s0 =	sadd.s32 s4, s0  }
0x5d: {  	[tilespmem:s25], [sflag:$0x4] =	stream.linear.gather [hbm4b:s0+s2], $0x5000, $0x38;
	[tilespmem:$0x16800] =	vst v63  }
.LBB2_2:
0x5e: {  	p0 =	slt.s32 s18, $0x18600;
	s5 =	smov.u32 s18  }
0x5f: {  	s8 =	smov.u32 s16;
	s5 =	simm.s32 @!p0 $0x18600  }
0x60: {  	_ =	swait.ge [sflag:s26], $0x5000;
	p0 =	slt.s32 s16, $0x18600;
	s31 =	sadd.s32 s5, s17  }
0x61: {  	[sflag:s26] =	ssyncset.done $0x0;
	s8 =	simm.s32 @!p0 $0x18600;
	s5 =	sshll.u32 s31, $0x2  }
0x62: {  	s9 =	sadd.s32 s8, s17;
	s6 =	sshra.s32 s5, $0x2;
	s5 =	smul.u32 $0x140, s21  }
0x63: {  	[sflag:s26] =	ssyncadd.s32 $0xFFFFB000;
	s10 =	sshll.u32 s9, $0x2  }
.Ltmp4:
0x64: {  	_ =	swait.ge [sflag:s28], $0x5000;
	s15 =	sshra.s32 s10, $0x2;
	v0 =	vmov s5;
	(pc) =	sbr.rel .LBB2_3-.Ltmp4, $4  }
0x65: {  	s0 =	sadd.s32 $0xD20, s15;
	v60 =	vmov s15;
	[tilespmem:$0x1FED0] =	vst v0  }
0x66: {  	s11 =	simm.s32 $0x2B00;
	s20 =	sadd.s32 $0x1A40, s15;
	[tilespmem:$0x1FEE0] =	vst v60;
	v61 =	vmov s0  }
0x67: {  	s14 =	simm.s32 $0xCB00;
	[sflag:s28] =	ssyncset.done $0x0;
	s7 =	sadd.s32 $0xD20, s6;
	v63 =	vmov s20;
	[tilespmem:$0x1FEF0] =	vst v61  }
0x68: {  	s8 =	sadd.s32 $0x1A40, s6;
	[sflag:s28] =	ssyncadd.s32 $0xFFFFB000;
	s10 =	simm.s32 $0x0;
	[tilespmem:$0x1FF00] =	vst v63  }
.LBB2_5:
0x69: {  	v1 =	vimm.f32 $0.0e+00  }
0x6a: {  	v56 =	vsel vm1, $0x3F800000, v1  }
0x6b: {  	v59 =	vperm.xlane v56, v38;
	_ =	sdelay $0x1  }
0x6c: {  	v62 =	vmul.f32 v59, v3;
	_ =	sdelay $0x1  }
0x6d: {  	[tilespmem:$0x1F8C0] =	vst v3;
	v19 =	vmul.f32 v62, v3;
	v3 =	vld [tilespmem:$0x1FF80];
	_ =	sdelay $0x4  }
0x6e: {  	v62 =	vadd.f32 v62, v3;
	v3 =	vld [tilespmem:$0x1FF40];
	_ =	sdelay $0x4  }
0x6f: {  	v19 =	vadd.f32 v19, v3;
	v3 =	vld [tilespmem:$0x1FF70];
	_ =	sdelay $0x2  }
0x70: {  	[tilespmem:$0x1F870] =	vst v63;
	v63 =	vmul.f32 v59, v11;
	_ =	sdelay $0x1  }
0x71: {  	v1 =	vmul.f32 v63, v11;
	v63 =	vadd.f32 v63, v3;
	v3 =	vimm.s32 $0x1  }
0x72: {  	v38 =	vperm.xlane v56, v3;
	v3 =	vld [tilespmem:$0x1FF30];
	_ =	sdelay $0x1  }
0x73: {  	[tilespmem:$0x1F880] =	vst v11;
	v11 =	vld [tilespmem:$0x1FF20]  }
0x74: {  	[tilespmem:$0x1F890] =	vst v36;
	v36 =	vmul.f32 v59, v32;
	_ =	sdelay $0x1  }
0x75: {  	v1 =	vadd.f32 v1, v3;
	v3 =	vmul.f32 v36, v32;
	_ =	sdelay $0x1  }
0x76: {  	v3 =	vadd.f32 v3, v11;
	v11 =	vld [tilespmem:$0x1FF50];
	_ =	sdelay $0x2  }
0x77: {  	v59 =	vmul.f32 v59, v5  }
0x78: {  	v7 =	vld [tilespmem:$0x1FF60]  }
0x79: {  	[tilespmem:$0x1F860] =	vst v5;
	v5 =	vmul.f32 v59, v5;
	v59 =	vadd.f32 v59, v11;
	v11 =	vld [tilespmem:$0x1FF10]  }
0x7a: {  	v29 =	vmov v54;
	v54 =	vld [tilespmem:$0x1F930];
	_ =	sdelay $0x1  }
0x7b: {  	[tilespmem:$0x1F8B0] =	vst v9;
	v9 =	vmul.f32 v38, v30  }
0x7c: {  	v36 =	vadd.f32 v36, v7;
	v7 =	vmul.f32 v38, v31  }
0x7d: {  	v13 =	vmul.f32 v9, v30;
	v5 =	vadd.f32 v5, v11  }
0x7e: {  	v11 =	vmul.f32 v7, v31;
	v7 =	vadd.f32 v7, v62;
	v62 =	vmul.f32 v38, v54;
	_ =	sdelay $0x1  }
0x7f: {  	v1 =	vadd.f32 v13, v1;
	v13 =	vmul.f32 v62, v54;
	v54 =	vld [tilespmem:$0x1F960];
	_ =	sdelay $0x1  }
0x80: {  	[tilespmem:$0x1F8A0] =	vst v15;
	v15 =	vimm.s32 $0x2  }
0x81: {  	v11 =	vadd.f32 v11, v19;
	v19 =	vperm.xlane v56, v15  }
0x82: {  	v38 =	vmul.f32 v38, v28  }
0x83: {  	v36 =	vadd.f32 v62, v36;
	v62 =	vmul.f32 v19, v54  }
0x84: {  	v9 =	vadd.f32 v9, v63;
	v63 =	vmul.f32 v38, v28;
	v15 =	vmul.f32 v19, v46  }
0x85: {  	v3 =	vadd.f32 v13, v3;
	v13 =	vadd.f32 v38, v59;
	v38 =	vmul.f32 v62, v54  }
0x86: {  	v54 =	vmul.f32 v15, v46;
	v46 =	vmul.f32 v19, v37;
	_ =	sdelay $0x1  }
0x87: {  	v11 =	vadd.f32 v38, v11;
	v38 =	vmul.f32 v46, v37;
	v37 =	vmov v35;
	v35 =	vld [tilespmem:$0x1F9C0];
	_ =	sdelay $0x1  }
0x88: {  	v17 =	vimm.s32 $0x3  }
0x89: {  	v9 =	vadd.f32 v15, v9;
	v15 =	vperm.xlane v56, v17;
	_ =	sdelay $0x1  }
0x8a: {  	v5 =	vadd.f32 v63, v5;
	v63 =	vmul.f32 v15, v35;
	_ =	sdelay $0x1  }
0x8b: {  	v3 =	vadd.f32 v38, v3;
	v38 =	vmul.f32 v63, v35;
	v35 =	vmov v37;
	v37 =	vld [tilespmem:$0x1F9E0];
	_ =	sdelay $0x3  }
0x8c: {  	v7 =	vadd.f32 v62, v7;
	v19 =	vmul.f32 v19, v52;
	v62 =	vmul.f32 v15, v48  }
0x8d: {  	v36 =	vadd.f32 v46, v36;
	v46 =	vmul.f32 v15, v37;
	v15 =	vmul.f32 v15, v27  }
0x8e: {  	[tilespmem:$0x1F850] =	vst v28;
	v1 =	vadd.f32 v54, v1;
	v54 =	vmul.f32 v19, v52;
	v13 =	vadd.f32 v19, v13  }
0x8f: {  	v28 =	vmovc v27;
	v19 =	vmul.f32 v62, v48;
	v7 =	vadd.f32 v62, v7;
	v62 =	vmul.f32 v15, v27;
	v27 =	vld [tilespmem:$0x1FA10]  }
0x90: {  	v17 =	vimm.s32 $0x4  }
0x91: {  	v11 =	vadd.f32 v19, v11;
	v19 =	vperm.xlane v56, v17;
	v17 =	vld [tilespmem:$0x1FA30]  }
0x92: {  	v1 =	vadd.f32 v38, v1;
	v38 =	vmul.f32 v46, v37;
	v37 =	vld [tilespmem:$0x1FA50];
	_ =	sdelay $0x1  }
0x93: {  	v36 =	vadd.f32 v46, v36;
	v46 =	vmul.f32 v19, v27  }
0x94: {  	v5 =	vadd.f32 v54, v5;
	v9 =	vadd.f32 v63, v9  }
0x95: {  	v63 =	vmul.f32 v19, v17;
	v13 =	vadd.f32 v15, v13;
	v15 =	vmul.f32 v46, v27  }
0x96: {  	v7 =	vadd.f32 v46, v7;
	v46 =	vmul.f32 v19, v37;
	v19 =	vmul.f32 v19, v14;
	_ =	sdelay $0x1  }
0x97: {  	v5 =	vadd.f32 v62, v5;
	v62 =	vmul.f32 v19, v14;
	v14 =	vld [tilespmem:$0x1FA80];
	_ =	sdelay $0x1  }
0x98: {  	v3 =	vadd.f32 v38, v3;
	v38 =	vmul.f32 v63, v17;
	v17 =	vimm.s32 $0x5  }
0x99: {  	v11 =	vadd.f32 v15, v11;
	v15 =	vperm.xlane v56, v17  }
0x9a: {  	v9 =	vadd.f32 v63, v9;
	v1 =	vadd.f32 v38, v1;
	v38 =	vmul.f32 v46, v37  }
0x9b: {  	v36 =	vadd.f32 v46, v36;
	v63 =	vmul.f32 v15, v20;
	v46 =	vmul.f32 v15, v14  }
0x9c: {  	v13 =	vadd.f32 v19, v13  }
0x9d: {  	v5 =	vadd.f32 v62, v5;
	v62 =	vmul.f32 v63, v20;
	v19 =	vmul.f32 v46, v14  }
0x9e: {  	v7 =	vadd.f32 v46, v7;
	v46 =	vmul.f32 v15, v12;
	v15 =	vmul.f32 v15, v18;
	_ =	sdelay $0x1  }
0x9f: {  	v27 =	vmov v18;
	v1 =	vadd.f32 v62, v1;
	v62 =	vmul.f32 v15, v18;
	v18 =	vld [tilespmem:$0x1FAD0];
	_ =	sdelay $0x1  }
0xa0: {  	v20 =	vimm.s32 $0x6  }
0xa1: {  	v11 =	vadd.f32 v19, v11;
	v19 =	vperm.xlane v56, v20  }
0xa2: {  	v3 =	vadd.f32 v38, v3;
	v9 =	vadd.f32 v63, v9;
	v38 =	vmul.f32 v46, v12  }
0xa3: {  	v36 =	vadd.f32 v46, v36;
	v63 =	vmul.f32 v19, v22;
	v46 =	vmul.f32 v19, v18  }
0xa4: {  	v13 =	vadd.f32 v15, v13  }
0xa5: {  	v5 =	vadd.f32 v62, v5;
	v62 =	vmul.f32 v63, v22;
	v15 =	vmul.f32 v46, v18  }
0xa6: {  	v7 =	vadd.f32 v46, v7;
	v46 =	vmul.f32 v19, v8;
	v19 =	vmul.f32 v19, v2;
	_ =	sdelay $0x1  }
0xa7: {  	v14 =	vmov v2;
	v1 =	vadd.f32 v62, v1;
	v62 =	vmul.f32 v19, v2;
	v2 =	vld [tilespmem:$0x1FB20];
	_ =	sdelay $0x1  }
0xa8: {  	v22 =	vimm.s32 $0x7  }
0xa9: {  	v11 =	vadd.f32 v15, v11;
	v15 =	vperm.xlane v56, v22  }
0xaa: {  	v3 =	vadd.f32 v38, v3;
	v9 =	vadd.f32 v63, v9;
	v38 =	vmul.f32 v46, v8  }
0xab: {  	v36 =	vadd.f32 v46, v36;
	v63 =	vmul.f32 v15, v24;
	v46 =	vmul.f32 v15, v2  }
0xac: {  	v13 =	vadd.f32 v19, v13  }
0xad: {  	v5 =	vadd.f32 v62, v5;
	v62 =	vmul.f32 v63, v24;
	v19 =	vmul.f32 v46, v2  }
0xae: {  	v7 =	vadd.f32 v46, v7;
	v46 =	vmul.f32 v15, v43;
	v15 =	vmul.f32 v15, v10;
	_ =	sdelay $0x1  }
0xaf: {  	v1 =	vadd.f32 v62, v1;
	v62 =	vmul.f32 v15, v10;
	v10 =	vld [tilespmem:$0x1FB70];
	_ =	sdelay $0x1  }
0xb0: {  	v24 =	vimm.s32 $0x8  }
0xb1: {  	v11 =	vadd.f32 v19, v11;
	v19 =	vperm.xlane v56, v24  }
0xb2: {  	v3 =	vadd.f32 v38, v3;
	v9 =	vadd.f32 v63, v9;
	v38 =	vmul.f32 v46, v43  }
0xb3: {  	v36 =	vadd.f32 v46, v36;
	v63 =	vmul.f32 v19, v26;
	v46 =	vmul.f32 v19, v10  }
0xb4: {  	v13 =	vadd.f32 v15, v13  }
0xb5: {  	v5 =	vadd.f32 v62, v5;
	v62 =	vmul.f32 v63, v26;
	v15 =	vmul.f32 v46, v10  }
0xb6: {  	v7 =	vadd.f32 v46, v7;
	v46 =	vmul.f32 v19, v42;
	v19 =	vmul.f32 v19, v16;
	_ =	sdelay $0x1  }
0xb7: {  	v1 =	vadd.f32 v62, v1;
	v62 =	vmul.f32 v19, v16;
	v16 =	vld [tilespmem:$0x1FBC0];
	_ =	sdelay $0x1  }
0xb8: {  	v26 =	vimm.s32 $0x9  }
0xb9: {  	v11 =	vadd.f32 v15, v11;
	v15 =	vperm.xlane v56, v26  }
0xba: {  	v3 =	vadd.f32 v38, v3;
	v9 =	vadd.f32 v63, v9;
	v38 =	vmul.f32 v46, v42  }
0xbb: {  	v36 =	vadd.f32 v46, v36;
	v63 =	vmul.f32 v15, v40;
	v46 =	vmul.f32 v15, v16  }
0xbc: {  	v13 =	vadd.f32 v19, v13  }
0xbd: {  	v5 =	vadd.f32 v62, v5;
	v62 =	vmul.f32 v63, v40;
	v19 =	vmul.f32 v46, v16  }
0xbe: {  	v7 =	vadd.f32 v46, v7;
	v46 =	vmul.f32 v15, v41;
	v15 =	vmul.f32 v15, v23;
	_ =	sdelay $0x1  }
0xbf: {  	v1 =	vadd.f32 v62, v1;
	v62 =	vmul.f32 v15, v23;
	v23 =	vld [tilespmem:$0x1FC10];
	_ =	sdelay $0x1  }
0xc0: {  	v40 =	vimm.s32 $0xA  }
0xc1: {  	v11 =	vadd.f32 v19, v11;
	v19 =	vperm.xlane v56, v40  }
0xc2: {  	v3 =	vadd.f32 v38, v3  }
0xc3: {  	v38 =	vmul.f32 v46, v41;
	v36 =	vadd.f32 v46, v36;
	v46 =	vmul.f32 v19, v23;
	_ =	sdelay $0x1  }
0xc4: {  	v13 =	vadd.f32 v15, v13;
	v59 =	vmul.f32 v19, v6;
	v15 =	vmul.f32 v46, v23  }
0xc5: {  	v9 =	vadd.f32 v63, v9;
	v63 =	vmul.f32 v19, v45  }
0xc6: {  	v11 =	vadd.f32 v15, v11;
	v15 =	vmul.f32 v19, v50;
	v19 =	vmul.f32 v59, v6;
	v6 =	vld [tilespmem:$0x1FC60]  }
0xc7: {  	v3 =	vadd.f32 v38, v3;
	v38 =	vmul.f32 v63, v45;
	v45 =	vimm.s32 $0xB  }
0xc8: {  	v5 =	vadd.f32 v62, v5;
	v62 =	vperm.xlane v56, v45  }
0xc9: {  	v7 =	vadd.f32 v46, v7;
	v46 =	vmov v50;
	v50 =	vmul.f32 v15, v50  }
0xca: {  	v9 =	vadd.f32 v63, v9;
	v36 =	vadd.f32 v59, v36;
	v63 =	vmul.f32 v62, v49  }
0xcb: {  	v1 =	vadd.f32 v38, v1;
	v59 =	vmul.f32 v62, v39;
	v38 =	vmul.f32 v62, v6  }
0xcc: {  	v3 =	vadd.f32 v19, v3;
	v13 =	vadd.f32 v15, v13;
	v19 =	vmul.f32 v63, v49  }
0xcd: {  	v5 =	vadd.f32 v50, v5;
	v50 =	vmovc v49;
	v49 =	vimm.s32 $0xC;
	v15 =	vmul.f32 v38, v6  }
0xce: {  	v7 =	vadd.f32 v38, v7;
	v38 =	vmul.f32 v62, v61;
	v62 =	vperm.xlane v56, v49  }
0xcf: {  	v9 =	vadd.f32 v63, v9;
	v11 =	vadd.f32 v15, v11;
	v15 =	vmul.f32 v59, v39  }
0xd0: {  	v1 =	vadd.f32 v19, v1;
	v19 =	vmul.f32 v38, v61;
	v63 =	vmul.f32 v62, v53  }
0xd1: {  	v36 =	vadd.f32 v59, v36;
	v3 =	vadd.f32 v15, v3  }
0xd2: {  	v15 =	vmul.f32 v62, v47;
	v5 =	vadd.f32 v19, v5;
	v19 =	vmul.f32 v63, v53  }
0xd3: {  	v13 =	vadd.f32 v38, v13;
	v37 =	vmul.f32 v62, v58;
	v53 =	vimm.s32 $0xD  }
0xd4: {  	v38 =	vmul.f32 v15, v47;
	v11 =	vadd.f32 v19, v11;
	v19 =	vmul.f32 v62, v55  }
0xd5: {  	v62 =	vperm.xlane v56, v53;
	v9 =	vadd.f32 v15, v9;
	v15 =	vmul.f32 v37, v58  }
0xd6: {  	v7 =	vadd.f32 v63, v7;
	v1 =	vadd.f32 v38, v1;
	v38 =	vmul.f32 v19, v55  }
0xd7: {  	v36 =	vadd.f32 v37, v36;
	v63 =	vmul.f32 v62, v57;
	v3 =	vadd.f32 v15, v3  }
0xd8: {  	v13 =	vadd.f32 v19, v13;
	v15 =	vmul.f32 v62, v44;
	v5 =	vadd.f32 v38, v5  }
0xd9: {  	v19 =	vmul.f32 v63, v57;
	v38 =	vmul.f32 v62, v51;
	v57 =	vimm.s32 $0xE  }
0xda: {  	v7 =	vadd.f32 v63, v7;
	v37 =	vmul.f32 v15, v44;
	v63 =	vperm.xlane v56, v57  }
0xdb: {  	v62 =	vmul.f32 v62, v25;
	v9 =	vadd.f32 v15, v9;
	v11 =	vadd.f32 v19, v11  }
0xdc: {  	v19 =	vmul.f32 v38, v51;
	v1 =	vadd.f32 v37, v1;
	v37 =	vld [tilespmem:$0x1FD50];
	v15 =	vmul.f32 v63, v21  }
0xdd: {  	v36 =	vadd.f32 v38, v36;
	v13 =	vadd.f32 v62, v13;
	v59 =	vmul.f32 v63, v60  }
0xde: {  	v3 =	vadd.f32 v19, v3;
	v19 =	vmul.f32 v62, v25;
	v62 =	vmul.f32 v15, v21  }
0xdf: {  	v7 =	vadd.f32 v15, v7;
	v9 =	vadd.f32 v59, v9  }
0xe0: {  	v15 =	vmul.f32 v63, v4;
	v5 =	vadd.f32 v19, v5;
	v11 =	vadd.f32 v62, v11;
	v62 =	vld [tilespmem:$0x1FD70]  }
0xe1: {  	v19 =	vmul.f32 v59, v60;
	v60 =	vimm.s32 $0xF;
	v59 =	vmul.f32 v63, v37  }
0xe2: {  	v38 =	vperm.xlane v56, v60  }
0xe3: {  	v56 =	vmul.f32 v15, v4;
	v15 =	vadd.f32 v15, v36;
	v36 =	vmul.f32 v59, v37;
	v37 =	vld [tilespmem:$0x1FD90]  }
0xe4: {  	v21 =	vmovc v51;
	v51 =	vmov v44;
	v44 =	vmov v55;
	v55 =	vmov v4;
	v4 =	vld [tilespmem:$0x1F870]  }
0xe5: {  	v1 =	vadd.f32 v19, v1;
	v19 =	vmul.f32 v38, v62  }
0xe6: {  	v63 =	vld [tilespmem:$0x1F870]  }
0xe7: {  	v13 =	vadd.f32 v59, v13;
	v59 =	vmul.f32 v19, v62;
	v7 =	vadd.f32 v19, v7  }
0xe8: {  	v3 =	vadd.f32 v56, v3;
	v56 =	vmul.f32 v38, v37  }
0xe9: {  	v62 =	vmul.f32 v38, v4;
	[tilespmem:$0x1FF80] =	vst v7;
	v7 =	vadd.f32 v59, v11  }
0xea: {  	v5 =	vadd.f32 v36, v5;
	v36 =	vmul.f32 v56, v37  }
0xeb: {  	v9 =	vadd.f32 v56, v9;
	[tilespmem:$0x1FF40] =	vst v7;
	v7 =	vmul.f32 v62, v63  }
0xec: {  	v6 =	vld [tilespmem:$0x1F850];
	v38 =	vmul.f32 v38, v0;
	v1 =	vadd.f32 v36, v1  }
0xed: {  	v4 =	vmov v14;
	v14 =	vld [tilespmem:$0x1F860];
	[tilespmem:$0x1FF70] =	vst v9;
	v3 =	vadd.f32 v7, v3  }
0xee: {  	v11 =	vld [tilespmem:$0x1F880];
	v9 =	vadd.f32 v62, v15;
	[tilespmem:$0x1FF30] =	vst v1;
	v1 =	vmul.f32 v38, v0  }
0xef: {  	v36 =	vld [tilespmem:$0x1F890];
	[tilespmem:$0x1FF20] =	vst v3;
	v3 =	vadd.f32 v38, v13  }
0xf0: {  	v15 =	vld [tilespmem:$0x1F8A0];
	[tilespmem:$0x1FF60] =	vst v9;
	v1 =	vadd.f32 v1, v5  }
0xf1: {  	v54 =	vmov v29;
	v9 =	vld [tilespmem:$0x1F8B0];
	[tilespmem:$0x1FF50] =	vst v3  }
0xf2: {  	v2 =	vmovc v28;
	v10 =	vmovc v30;
	v16 =	vmov v27;
	v37 =	vmov v0;
	v62 =	vimm.s32 $0x2;
	v7 =	vld [tilespmem:$0x1F8C0];
	[tilespmem:$0x1FF10] =	vst v1  }
.LBB2_6:
0xf3: {  	v0 =	vld [tilespmem:$0x1F8D0]  }
0xf4: {  	v5 =	vld [tilespmem:$0x1F8E0];
	_ =	sdelay $0x3  }
0xf5: {  	v13 =	vimm.s32 $0x0;
	v18 =	vld [tilespmem:$0x1F8F0];
	v56 =	vnsel vm0, $0x0, v0  }
0xf6: {  	v59 =	vnsel vm0, $0x0, v5;
	v1 =	vperm.xlane v56, v13  }
0xf7: {  	v3 =	vperm.xlane v59, v13  }
0xf8: {  	v23 =	vld [tilespmem:$0x1FFC0];
	v5 =	vmul.f32 v9, v1  }
0xf9: {  	v7 =	vmul.f32 v7, v3;
	v27 =	vmul.f32 v32, v3;
	v32 =	vld [tilespmem:$0x1FFB0]  }
0xfa: {  	v19 =	vmul.f32 v18, v1;
	v11 =	vmul.f32 v11, v3;
	v18 =	vld [tilespmem:$0x1F910]  }
0xfb: {  	v13 =	vmul.f32 v15, v1;
	v3 =	vmul.f32 v14, v3;
	v14 =	vld [tilespmem:$0x1FFA0]  }
0xfc: {  	v5 =	vadd.f32 v5, v35;
	v9 =	vadd.f32 v19, v34;
	v34 =	vimm.s32 $0x1;
	v35 =	vld [tilespmem:$0x1F900]  }
0xfd: {  	v13 =	vadd.f32 v13, v33;
	v33 =	vld [tilespmem:$0x1FF90];
	v19 =	vperm.xlane v56, v34  }
0xfe: {  	v30 =	vperm.xlane v59, v34;
	v34 =	vld [tilespmem:$0x1F920]  }
0xff: {  	v29 =	vmul.f32 v18, v19;
	v18 =	vld [tilespmem:$0x1F930]  }
0x100: {  	v7 =	vadd.f32 v7, v23;
	v23 =	vmul.f32 v31, v30;
	v31 =	vld [tilespmem:$0x1FFD0]  }
0x101: {  	v15 =	vadd.f32 v27, v14;
	v14 =	vmul.f32 v54, v19;
	v54 =	vld [tilespmem:$0x1F940]  }
0x102: {  	v27 =	vld [tilespmem:$0x1F960]  }
0x103: {  	v1 =	vmul.f32 v35, v1;
	v28 =	vmul.f32 v34, v19;
	v34 =	vld [tilespmem:$0x1FEC0]  }
0x104: {  	v11 =	vadd.f32 v11, v32;
	v7 =	vadd.f32 v23, v7;
	v23 =	vmul.f32 v18, v30;
	v18 =	vld [tilespmem:$0x1F950]  }
0x105: {  	v32 =	vperm.xlane v59, v62;
	v35 =	vmul.f32 v10, v30;
	v1 =	vadd.f32 v1, v31;
	v31 =	vld [tilespmem:$0x1F970]  }
0x106: {  	v3 =	vadd.f32 v3, v33;
	v10 =	vmul.f32 v6, v30;
	v19 =	vmul.f32 v54, v19;
	v54 =	vld [tilespmem:$0x1F980]  }
0x107: {  	v5 =	vadd.f32 v29, v5;
	v29 =	vperm.xlane v56, v62;
	v13 =	vadd.f32 v14, v13;
	v14 =	vld [tilespmem:$0x1FEB0]  }
0x108: {  	v11 =	vadd.f32 v35, v11;
	v3 =	vadd.f32 v10, v3;
	v35 =	vmul.f32 v34, v32;
	v34 =	vld [tilespmem:$0x1F9A0]  }
0x109: {  	v10 =	vld [tilespmem:$0x1F9C0];
	v15 =	vadd.f32 v23, v15;
	v23 =	vmul.f32 v18, v29;
	v18 =	vmul.f32 v27, v32  }
0x10a: {  	v1 =	vadd.f32 v19, v1;
	v33 =	vmul.f32 v31, v29;
	v27 =	vimm.s32 $0x3;
	v31 =	vld [tilespmem:$0x1F990]  }
0x10b: {  	v19 =	vld [tilespmem:$0x1F9D0];
	v6 =	vmul.f32 v54, v29;
	v7 =	vadd.f32 v18, v7;
	v18 =	vperm.xlane v56, v27  }
0x10c: {  	v9 =	vadd.f32 v28, v9;
	v30 =	vperm.xlane v59, v27;
	v27 =	vmul.f32 v52, v32;
	v52 =	vld [tilespmem:$0x1F9B0]  }
0x10d: {  	v11 =	vadd.f32 v35, v11;
	v5 =	vadd.f32 v23, v5;
	v35 =	vmul.f32 v34, v18;
	v34 =	vld [tilespmem:$0x1F9F0]  }
0x10e: {  	v23 =	vmul.f32 v14, v32;
	v48 =	vmul.f32 v48, v30;
	v3 =	vadd.f32 v27, v3;
	v27 =	vld [tilespmem:$0x1FA20]  }
0x10f: {  	v9 =	vadd.f32 v33, v9;
	v14 =	vmul.f32 v10, v30;
	v33 =	vmul.f32 v31, v29;
	v31 =	vld [tilespmem:$0x1F9E0]  }
0x110: {  	v15 =	vadd.f32 v23, v15;
	v23 =	vmul.f32 v19, v18;
	v7 =	vadd.f32 v48, v7;
	v48 =	vld [tilespmem:$0x1FA00]  }
0x111: {  	v19 =	vperm.xlane v59, v20;
	v10 =	vadd.f32 v14, v11;
	v14 =	vperm.xlane v56, v20;
	v20 =	vld [tilespmem:$0x1FAC0]  }
0x112: {  	v1 =	vadd.f32 v33, v1;
	v54 =	vmul.f32 v52, v18;
	v33 =	vimm.s32 $0x4;
	v52 =	vld [tilespmem:$0x1FA10]  }
0x113: {  	v13 =	vadd.f32 v6, v13;
	v11 =	vperm.xlane v56, v33;
	v18 =	vmul.f32 v34, v18;
	v34 =	vld [tilespmem:$0x1FA50]  }
0x114: {  	v5 =	vadd.f32 v35, v5;
	v35 =	vmul.f32 v2, v30;
	v32 =	vmul.f32 v31, v30;
	v30 =	vld [tilespmem:$0x1FA30]  }
0x115: {  	v13 =	vadd.f32 v23, v13;
	v28 =	vperm.xlane v59, v33;
	v23 =	vmul.f32 v48, v11;
	v48 =	vld [tilespmem:$0x1FA60]  }
0x116: {  	v15 =	vadd.f32 v32, v15;
	v32 =	vld [tilespmem:$0x1FA40]  }
0x117: {  	v9 =	vadd.f32 v54, v9;
	v54 =	vmul.f32 v52, v28;
	v52 =	vld [tilespmem:$0x1FEA0]  }
0x118: {  	v5 =	vadd.f32 v23, v5;
	v23 =	vld [tilespmem:$0x1FA70]  }
0x119: {  	v3 =	vadd.f32 v35, v3;
	v29 =	vmul.f32 v27, v11;
	v35 =	vmul.f32 v34, v28;
	v34 =	vld [tilespmem:$0x1FAA0]  }
0x11a: {  	v1 =	vadd.f32 v18, v1;
	v18 =	vperm.xlane v59, v17;
	v31 =	vmul.f32 v30, v28;
	v30 =	vld [tilespmem:$0x1FA90]  }
0x11b: {  	v7 =	vadd.f32 v54, v7;
	v2 =	vadd.f32 v35, v15;
	v15 =	vld [tilespmem:$0x1FB10];
	v33 =	vmul.f32 v32, v11  }
0x11c: {  	v6 =	vadd.f32 v31, v10;
	v10 =	vperm.xlane v56, v17;
	v54 =	vmul.f32 v52, v28;
	v28 =	vld [tilespmem:$0x1FA80]  }
0x11d: {  	v8 =	vmul.f32 v8, v19;
	v9 =	vadd.f32 v29, v9;
	v11 =	vmul.f32 v48, v11;
	v32 =	vld [tilespmem:$0x1FDC0]  }
0x11e: {  	v48 =	vmul.f32 v12, v18;
	v52 =	vld [tilespmem:$0x1FAB0];
	v13 =	vadd.f32 v33, v13;
	v27 =	vmul.f32 v23, v10  }
0x11f: {  	v17 =	vld [tilespmem:$0x1FB20];
	v1 =	vadd.f32 v11, v1;
	v3 =	vadd.f32 v54, v3;
	v35 =	vmul.f32 v34, v10  }
0x120: {  	v2 =	vadd.f32 v48, v2;
	v31 =	vmul.f32 v30, v10;
	v5 =	vadd.f32 v27, v5;
	v27 =	vld [tilespmem:$0x1FAD0]  }
0x121: {  	v48 =	vperm.xlane v59, v22;
	v11 =	vadd.f32 v35, v13;
	v35 =	vperm.xlane v56, v22;
	v22 =	vld [tilespmem:$0x1FDF0]  }
0x122: {  	v54 =	vmul.f32 v16, v18;
	v23 =	vmul.f32 v20, v14;
	v9 =	vadd.f32 v31, v9;
	v31 =	vld [tilespmem:$0x1FDD0]  }
0x123: {  	v29 =	vmul.f32 v28, v18;
	v10 =	vmul.f32 v52, v10;
	v52 =	vld [tilespmem:$0x1FB00]  }
0x124: {  	v33 =	vmul.f32 v32, v18;
	v18 =	vmul.f32 v17, v48;
	v17 =	vld [tilespmem:$0x1FBC0]  }
0x125: {  	v4 =	vmul.f32 v4, v19;
	v3 =	vadd.f32 v54, v3;
	v5 =	vadd.f32 v23, v5;
	v23 =	vld [tilespmem:$0x1FB40]  }
0x126: {  	v7 =	vadd.f32 v29, v7;
	v29 =	vld [tilespmem:$0x1FAE0]  }
0x127: {  	v2 =	vadd.f32 v8, v2;
	v16 =	vmul.f32 v15, v35;
	v3 =	vadd.f32 v4, v3;
	v15 =	vld [tilespmem:$0x1FE60]  }
0x128: {  	v6 =	vadd.f32 v33, v6;
	v33 =	vld [tilespmem:$0x1FAF0];
	v28 =	vmul.f32 v27, v19;
	v0 =	vmul.f32 v22, v48  }
0x129: {  	v5 =	vadd.f32 v16, v5;
	v16 =	vld [tilespmem:$0x1FBB0];
	v27 =	vmul.f32 v43, v48;
	v32 =	vmul.f32 v31, v19  }
0x12a: {  	v1 =	vadd.f32 v10, v1;
	v54 =	vmul.f32 v52, v14;
	v19 =	vld [tilespmem:$0x1FB30];
	v52 =	vperm.xlane v56, v26  }
0x12b: {  	v31 =	vld [tilespmem:$0x1FE70];
	v7 =	vadd.f32 v28, v7;
	v8 =	vmul.f32 v23, v35;
	v30 =	vmul.f32 v29, v14  }
0x12c: {  	v28 =	vperm.xlane v56, v24;
	v2 =	vadd.f32 v27, v2;
	v6 =	vadd.f32 v32, v6;
	v32 =	vld [tilespmem:$0x1FB60]  }
0x12d: {  	v34 =	vmul.f32 v33, v14;
	v29 =	vperm.xlane v59, v24;
	v9 =	vadd.f32 v30, v9;
	v30 =	vld [tilespmem:$0x1FB50]  }
0x12e: {  	v1 =	vadd.f32 v54, v1;
	v33 =	vld [tilespmem:$0x1FB70];
	v54 =	vperm.xlane v59, v26;
	v24 =	vperm.xlane v59, v40  }
0x12f: {  	v23 =	vperm.xlane v56, v40;
	v10 =	vadd.f32 v34, v11;
	v34 =	vld [tilespmem:$0x1FB80];
	v11 =	vmul.f32 v16, v52  }
0x130: {  	v14 =	vld [tilespmem:$0x1FBA0];
	v7 =	vadd.f32 v18, v7;
	v22 =	vmul.f32 v41, v54;
	v41 =	vmul.f32 v46, v24  }
0x131: {  	v43 =	vld [tilespmem:$0x1FB90];
	v0 =	vadd.f32 v0, v6;
	v20 =	vmul.f32 v19, v35;
	v12 =	vmul.f32 v31, v48  }
0x132: {  	v18 =	vld [tilespmem:$0x1FBD0];
	v48 =	vmul.f32 v42, v29;
	v8 =	vadd.f32 v8, v10;
	v10 =	vmul.f32 v30, v35  }
0x133: {  	v4 =	vadd.f32 v20, v9;
	v9 =	vmul.f32 v32, v28;
	v13 =	vmul.f32 v33, v29;
	v35 =	vld [tilespmem:$0x1FE00]  }
0x134: {  	v3 =	vadd.f32 v12, v3;
	v20 =	vld [tilespmem:$0x1FBE0];
	v1 =	vadd.f32 v10, v1;
	v10 =	vmul.f32 v34, v28  }
0x135: {  	v27 =	vld [tilespmem:$0x1FE50];
	v6 =	vmul.f32 v14, v28;
	v2 =	vadd.f32 v48, v2;
	v12 =	vmul.f32 v17, v54  }
0x136: {  	v5 =	vadd.f32 v9, v5;
	v4 =	vadd.f32 v10, v4;
	v10 =	vmul.f32 v43, v28  }
0x137: {  	v26 =	vld [tilespmem:$0x1FBF0];
	v34 =	vperm.xlane v56, v45;
	v1 =	vadd.f32 v6, v1;
	v6 =	vmul.f32 v18, v52  }
0x138: {  	v19 =	vld [tilespmem:$0x1FE10];
	v9 =	vmul.f32 v35, v29;
	v35 =	vperm.xlane v59, v45;
	v8 =	vadd.f32 v10, v8  }
0x139: {  	v40 =	vld [tilespmem:$0x1FC40];
	v10 =	vmul.f32 v15, v29;
	v4 =	vadd.f32 v6, v4;
	v6 =	vmul.f32 v20, v52  }
0x13a: {  	v30 =	vld [tilespmem:$0x1FC20];
	v0 =	vadd.f32 v9, v0;
	v9 =	vmul.f32 v27, v54;
	v46 =	vmul.f32 v50, v35  }
0x13b: {  	v7 =	vadd.f32 v13, v7;
	v28 =	vld [tilespmem:$0x1FC00];
	v50 =	vmul.f32 v39, v35;
	v17 =	vmul.f32 v61, v35  }
0x13c: {  	v43 =	vld [tilespmem:$0x1FC60];
	v27 =	vperm.xlane v59, v53;
	v39 =	vperm.xlane v56, v57;
	v3 =	vadd.f32 v10, v3  }
0x13d: {  	v32 =	vld [tilespmem:$0x1FC30];
	v10 =	vmul.f32 v19, v54;
	v6 =	vadd.f32 v6, v8;
	v8 =	vmul.f32 v26, v52  }
0x13e: {  	v31 =	vld [tilespmem:$0x1FDE0];
	v2 =	vadd.f32 v22, v2;
	v52 =	vperm.xlane v56, v49;
	v54 =	vperm.xlane v59, v49  }
0x13f: {  	v33 =	vld [tilespmem:$0x1FE90];
	v5 =	vadd.f32 v11, v5;
	v26 =	vperm.xlane v56, v53;
	v49 =	vperm.xlane v56, v60  }
0x140: {  	v29 =	vld [tilespmem:$0x1FC10];
	v11 =	vmul.f32 v28, v23;
	v1 =	vadd.f32 v8, v1;
	v8 =	vmul.f32 v30, v23  }
0x141: {  	v7 =	vadd.f32 v12, v7;
	v45 =	vld [tilespmem:$0x1FC70];
	v12 =	vmul.f32 v43, v35;
	v35 =	vmul.f32 v21, v27  }
0x142: {  	v16 =	vld [tilespmem:$0x1FC90];
	v43 =	vmul.f32 v36, v39;
	v4 =	vadd.f32 v8, v4;
	v8 =	vmul.f32 v32, v23  }
0x143: {  	v48 =	vld [tilespmem:$0x1FC80];
	v0 =	vadd.f32 v10, v0;
	v3 =	vadd.f32 v9, v3;
	v9 =	vmul.f32 v31, v24  }
0x144: {  	v42 =	vld [tilespmem:$0x1FC50];
	v22 =	vmul.f32 v47, v54;
	v6 =	vadd.f32 v8, v6;
	v8 =	vmul.f32 v40, v23  }
0x145: {  	v19 =	vld [tilespmem:$0x1FE40];
	v13 =	vmul.f32 v29, v24;
	v5 =	vadd.f32 v11, v5;
	v11 =	vmul.f32 v33, v24  }
0x146: {  	v18 =	vld [tilespmem:$0x1FCA0];
	v24 =	vmul.f32 v58, v54;
	v1 =	vadd.f32 v8, v1;
	v8 =	vmul.f32 v45, v34  }
0x147: {  	v20 =	vld [tilespmem:$0x1FCB0];
	v29 =	vmul.f32 v44, v54;
	v33 =	vmul.f32 v51, v27;
	v0 =	vadd.f32 v9, v0  }
0x148: {  	v53 =	vld [tilespmem:$0x1FD60];
	v3 =	vadd.f32 v41, v3;
	v4 =	vadd.f32 v8, v4;
	v8 =	vmul.f32 v48, v34  }
0x149: {  	v7 =	vadd.f32 v13, v7;
	v2 =	vadd.f32 v11, v2;
	v11 =	vmul.f32 v42, v34;
	v23 =	vld [tilespmem:$0x1FCC0]  }
0x14a: {  	v31 =	vld [tilespmem:$0x1FE30];
	v13 =	vmul.f32 v19, v54;
	v6 =	vadd.f32 v8, v6;
	v8 =	vmul.f32 v16, v34  }
0x14b: {  	v28 =	vld [tilespmem:$0x1FCD0];
	v42 =	vmul.f32 v25, v27;
	v0 =	vadd.f32 v46, v0;
	v3 =	vadd.f32 v17, v3  }
0x14c: {  	v30 =	vld [tilespmem:$0x1FCE0];
	v5 =	vadd.f32 v11, v5;
	v1 =	vadd.f32 v8, v1;
	v8 =	vmul.f32 v20, v52  }
0x14d: {  	v32 =	vld [tilespmem:$0x1FCF0];
	v40 =	vperm.xlane v59, v57;
	v7 =	vadd.f32 v12, v7;
	v2 =	vadd.f32 v50, v2  }
0x14e: {  	v44 =	vld [tilespmem:$0x1FE80];
	v11 =	vmul.f32 v18, v52;
	v4 =	vadd.f32 v8, v4;
	v8 =	vmul.f32 v23, v52  }
0x14f: {  	v12 =	vmul.f32 v31, v27;
	v0 =	vadd.f32 v22, v0;
	v3 =	vadd.f32 v29, v3;
	v34 =	vld [tilespmem:$0x1FD00]  }
0x150: {  	v47 =	vld [tilespmem:$0x1FD30];
	v5 =	vadd.f32 v11, v5;
	v6 =	vadd.f32 v8, v6;
	v8 =	vmul.f32 v28, v52  }
0x151: {  	v41 =	vld [tilespmem:$0x1FD10];
	v50 =	vperm.xlane v59, v60;
	v7 =	vadd.f32 v13, v7;
	v2 =	vadd.f32 v24, v2  }
0x152: {  	v46 =	vld [tilespmem:$0x1FE20];
	v11 =	vmul.f32 v30, v26;
	v1 =	vadd.f32 v8, v1;
	v8 =	vmul.f32 v32, v26  }
0x153: {  	v45 =	vld [tilespmem:$0x1FD20];
	v13 =	vmul.f32 v44, v40;
	v59 =	vmul.f32 v63, v50;
	v0 =	vadd.f32 v33, v0  }
0x154: {  	v54 =	vld [tilespmem:$0x1FD70];
	v3 =	vadd.f32 v42, v3;
	v4 =	vadd.f32 v8, v4;
	v8 =	vmul.f32 v34, v26  }
0x155: {  	v57 =	vld [tilespmem:$0x1FD90];
	v48 =	vmul.f32 v55, v40;
	v5 =	vadd.f32 v11, v5;
	v7 =	vadd.f32 v12, v7  }
0x156: {  	v2 =	vadd.f32 v35, v2;
	v52 =	vld [tilespmem:$0x1FD50];
	v6 =	vadd.f32 v8, v6;
	v8 =	vmul.f32 v41, v26  }
0x157: {  	v51 =	vld [tilespmem:$0x1FD40];
	v9 =	vmul.f32 v46, v40;
	v11 =	vmul.f32 v53, v49;
	v5 =	vadd.f32 v43, v5  }
0x158: {  	v60 =	vld [tilespmem:$0x1FDB0];
	v7 =	vadd.f32 v13, v7;
	v1 =	vadd.f32 v8, v1;
	v8 =	vmul.f32 v45, v39  }
0x159: {  	v55 =	vld [tilespmem:$0x1FD80];
	v12 =	vmul.f32 v54, v50;
	v0 =	vadd.f32 v9, v0;
	v35 =	vadd.f32 v11, v5  }
0x15a: {  	v5 =	vmul.f32 v57, v50;
	v4 =	vadd.f32 v8, v4;
	v8 =	vmul.f32 v47, v39  }
0x15b: {  	v58 =	vld [tilespmem:$0x1FDA0];
	v2 =	vadd.f32 v48, v2;
	v56 =	vadd.f32 v12, v7;
	v10 =	vmul.f32 v52, v40  }
0x15c: {  	s10 =	sadd.s32 $0x40, s10;
	v0 =	vadd.f32 v5, v0;
	v6 =	vadd.f32 v8, v6;
	v8 =	vmul.f32 v51, v39  }
0x15d: {  	p0 =	sne.s32 s10, $0x280;
	v61 =	vmul.f32 v37, v50;
	v2 =	vadd.f32 v59, v2;
	v3 =	vadd.f32 v10, v3  }
.Ltmp5:
0x15e: {  	[tilespmem:$0x1FFB0] =	vst v0;
	v0 =	vmul.f32 v60, v49;
	v1 =	vadd.f32 v8, v1;
	v8 =	vmul.f32 v55, v49;
	(pc) =	sbr.rel @!p0 .LBB2_7-.Ltmp5, $4  }
0x15f: {  	[tilespmem:$0x1FFC0] =	vst v56;
	v63 =	vadd.f32 v61, v3  }
0x160: {  	[tilespmem:$0x1FFA0] =	vst v2;
	v34 =	vadd.f32 v8, v4;
	v4 =	vmul.f32 v58, v49;
	v0 =	vadd.f32 v0, v1  }
0x161: {  	[tilespmem:$0x1FF90] =	vst v63  }
0x162: {  	v38 =	vimm.s32 $0x0;
	s9 =	sadd.s32 $0x10, s9;
	s11 =	sadd.s32 $0x800, s11;
	s14 =	sadd.s32 $0x800, s14;
	v33 =	vadd.f32 v4, v6;
	[tilespmem:$0x1FFD0] =	vst v0  }
.LBB2_3:
0x163: {  	v0 =	vld [tilespmem:$0x1FEE0];
	_ =	sdelay $0x6  }
0x164: {  	s0 =	sshra.s32 s10, $0x2  }
0x165: {  	v0 =	vld.idx.msk [tilespmem:v0+s0+$0x0 ss:$0x1], $0xffff;
	_ =	sdelay $0x4  }
0x166: {  	[tilespmem:$0x1F8D0] =	vst v0;
	v0 =	vld [tilespmem:$0x1FEF0];
	_ =	sdelay $0x7  }
0x167: {  	v0 =	vld.idx.msk [tilespmem:v0+s0+$0x0 ss:$0x1], $0xffff;
	_ =	sdelay $0x4  }
0x168: {  	[tilespmem:$0x1F8E0] =	vst v0;
	v0 =	vld [tilespmem:$0x1FF00];
	_ =	sdelay $0x7  }
0x169: {  	v56 =	vld.idx.msk [tilespmem:v0+s0+$0x0 ss:$0x1], $0xffff  }
0x16a: {  	v0 =	vld [tilespmem:s11+$0xFFFFFC10];
	_ =	sdelay $0x4  }
0x16b: {  	[tilespmem:$0x1F8F0] =	vst v0;
	v0 =	vld [tilespmem:s11+$0xFFFFFC30];
	_ =	sdelay $0x4  }
0x16c: {  	[tilespmem:$0x1F900] =	vst v0;
	v0 =	vld [tilespmem:s11+$0xFFFFFC80];
	_ =	sdelay $0x4  }
0x16d: {  	[tilespmem:$0x1F910] =	vst v0;
	v0 =	vld [tilespmem:s11+$0xFFFFFC90];
	_ =	sdelay $0x4  }
0x16e: {  	[tilespmem:$0x1F920] =	vst v0;
	v0 =	vld [tilespmem:s14+$0xFFFFFCA0];
	_ =	sdelay $0x4  }
0x16f: {  	[tilespmem:$0x1F930] =	vst v0;
	v0 =	vld [tilespmem:s11+$0xFFFFFCB0];
	_ =	sdelay $0x4  }
0x170: {  	[tilespmem:$0x1F940] =	vst v0;
	v0 =	vld [tilespmem:s11+$0xFFFFFD00];
	_ =	sdelay $0x4  }
0x171: {  	[tilespmem:$0x1F950] =	vst v0;
	v0 =	vld [tilespmem:s14+$0xFFFFFD00];
	_ =	sdelay $0x4  }
0x172: {  	[tilespmem:$0x1F960] =	vst v0;
	v0 =	vld [tilespmem:s11+$0xFFFFFD10];
	_ =	sdelay $0x4  }
0x173: {  	[tilespmem:$0x1F970] =	vst v0;
	v0 =	vld [tilespmem:s11+$0xFFFFFD20];
	_ =	sdelay $0x4  }
0x174: {  	[tilespmem:$0x1F980] =	vst v0;
	v0 =	vld [tilespmem:s11+$0xFFFFFD30];
	_ =	sdelay $0x4  }
0x175: {  	[tilespmem:$0x1F990] =	vst v0;
	v0 =	vld [tilespmem:s11+$0xFFFFFD80];
	_ =	sdelay $0x4  }
0x176: {  	[tilespmem:$0x1F9A0] =	vst v0;
	v0 =	vld [tilespmem:s11+$0xFFFFFD90];
	_ =	sdelay $0x4  }
0x177: {  	[tilespmem:$0x1F9B0] =	vst v0;
	v0 =	vld [tilespmem:s14+$0xFFFFFD90];
	_ =	sdelay $0x4  }
0x178: {  	[tilespmem:$0x1F9C0] =	vst v0;
	v0 =	vld [tilespmem:s11+$0xFFFFFDA0];
	_ =	sdelay $0x4  }
0x179: {  	[tilespmem:$0x1F9D0] =	vst v0;
	v0 =	vld [tilespmem:s14+$0xFFFFFDA0];
	_ =	sdelay $0x4  }
0x17a: {  	[tilespmem:$0x1F9E0] =	vst v0;
	v0 =	vld [tilespmem:s11+$0xFFFFFDB0];
	_ =	sdelay $0x4  }
0x17b: {  	[tilespmem:$0x1F9F0] =	vst v0;
	v0 =	vld [tilespmem:s11+$0xFFFFFE00];
	_ =	sdelay $0x4  }
0x17c: {  	[tilespmem:$0x1FA00] =	vst v0;
	v0 =	vld [tilespmem:s14+$0xFFFFFE00];
	_ =	sdelay $0x4  }
0x17d: {  	[tilespmem:$0x1FA10] =	vst v0;
	v0 =	vld [tilespmem:s11+$0xFFFFFE10];
	_ =	sdelay $0x4  }
0x17e: {  	[tilespmem:$0x1FA20] =	vst v0;
	v0 =	vld [tilespmem:s14+$0xFFFFFE10];
	_ =	sdelay $0x4  }
0x17f: {  	[tilespmem:$0x1FA30] =	vst v0;
	v0 =	vld [tilespmem:s11+$0xFFFFFE20];
	_ =	sdelay $0x4  }
0x180: {  	[tilespmem:$0x1FA40] =	vst v0;
	v0 =	vld [tilespmem:s14+$0xFFFFFE20];
	_ =	sdelay $0x4  }
0x181: {  	[tilespmem:$0x1FA50] =	vst v0;
	v0 =	vld [tilespmem:s11+$0xFFFFFE30];
	_ =	sdelay $0x4  }
0x182: {  	[tilespmem:$0x1FA60] =	vst v0;
	v0 =	vld [tilespmem:s11+$0xFFFFFE80];
	_ =	sdelay $0x4  }
0x183: {  	[tilespmem:$0x1FA70] =	vst v0;
	v0 =	vld [tilespmem:s14+$0xFFFFFE80];
	_ =	sdelay $0x4  }
0x184: {  	[tilespmem:$0x1FA80] =	vst v0;
	v0 =	vld [tilespmem:s11+$0xFFFFFE90];
	_ =	sdelay $0x4  }
0x185: {  	[tilespmem:$0x1FA90] =	vst v0;
	v0 =	vld [tilespmem:s11+$0xFFFFFEA0];
	_ =	sdelay $0x4  }
0x186: {  	[tilespmem:$0x1FAA0] =	vst v0;
	v0 =	vld [tilespmem:s11+$0xFFFFFEB0];
	_ =	sdelay $0x4  }
0x187: {  	[tilespmem:$0x1FAB0] =	vst v0;
	v0 =	vld [tilespmem:s11+$0xFFFFFF00];
	_ =	sdelay $0x4  }
0x188: {  	[tilespmem:$0x1FAC0] =	vst v0;
	v0 =	vld [tilespmem:s14+$0xFFFFFF00];
	_ =	sdelay $0x4  }
0x189: {  	[tilespmem:$0x1FAD0] =	vst v0;
	v0 =	vld [tilespmem:s11+$0xFFFFFF10];
	_ =	sdelay $0x4  }
0x18a: {  	[tilespmem:$0x1FAE0] =	vst v0;
	v0 =	vld [tilespmem:s11+$0xFFFFFF20];
	_ =	sdelay $0x4  }
0x18b: {  	[tilespmem:$0x1FAF0] =	vst v0;
	v0 =	vld [tilespmem:s11+$0xFFFFFF30];
	_ =	sdelay $0x4  }
0x18c: {  	[tilespmem:$0x1FB00] =	vst v0;
	v0 =	vld [tilespmem:s11+$0xFFFFFF80];
	_ =	sdelay $0x4  }
0x18d: {  	[tilespmem:$0x1FB10] =	vst v0;
	v0 =	vld [tilespmem:s14+$0xFFFFFF80];
	_ =	sdelay $0x4  }
0x18e: {  	[tilespmem:$0x1FB20] =	vst v0;
	v0 =	vld [tilespmem:s11+$0xFFFFFF90];
	_ =	sdelay $0x4  }
0x18f: {  	[tilespmem:$0x1FB30] =	vst v0;
	v0 =	vld [tilespmem:s11+$0xFFFFFFA0];
	_ =	sdelay $0x4  }
0x190: {  	[tilespmem:$0x1FB40] =	vst v0;
	v0 =	vld [tilespmem:s11+$0xFFFFFFB0];
	_ =	sdelay $0x4  }
0x191: {  	[tilespmem:$0x1FB50] =	vst v0;
	v0 =	vld [tilespmem:s11+$0x0];
	_ =	sdelay $0x4  }
0x192: {  	[tilespmem:$0x1FB60] =	vst v0;
	v0 =	vld [tilespmem:s14+$0x0];
	_ =	sdelay $0x4  }
0x193: {  	[tilespmem:$0x1FB70] =	vst v0;
	v0 =	vld [tilespmem:s11+$0x10];
	_ =	sdelay $0x4  }
0x194: {  	[tilespmem:$0x1FB80] =	vst v0;
	v0 =	vld [tilespmem:s11+$0x20];
	_ =	sdelay $0x4  }
0x195: {  	[tilespmem:$0x1FB90] =	vst v0;
	v0 =	vld [tilespmem:s11+$0x30];
	_ =	sdelay $0x4  }
0x196: {  	[tilespmem:$0x1FBA0] =	vst v0;
	v0 =	vld [tilespmem:s11+$0x80];
	_ =	sdelay $0x4  }
0x197: {  	[tilespmem:$0x1FBB0] =	vst v0;
	v0 =	vld [tilespmem:s14+$0x80];
	_ =	sdelay $0x4  }
0x198: {  	[tilespmem:$0x1FBC0] =	vst v0;
	v0 =	vld [tilespmem:s11+$0x90];
	_ =	sdelay $0x4  }
0x199: {  	[tilespmem:$0x1FBD0] =	vst v0;
	v0 =	vld [tilespmem:s11+$0xA0];
	_ =	sdelay $0x4  }
0x19a: {  	[tilespmem:$0x1FBE0] =	vst v0;
	v0 =	vld [tilespmem:s11+$0xB0];
	_ =	sdelay $0x4  }
0x19b: {  	[tilespmem:$0x1FBF0] =	vst v0;
	v0 =	vld [tilespmem:s11+$0x100];
	_ =	sdelay $0x4  }
0x19c: {  	[tilespmem:$0x1FC00] =	vst v0;
	v0 =	vld [tilespmem:s14+$0x100];
	_ =	sdelay $0x4  }
0x19d: {  	[tilespmem:$0x1FC10] =	vst v0;
	v0 =	vld [tilespmem:s11+$0x110];
	_ =	sdelay $0x4  }
0x19e: {  	[tilespmem:$0x1FC20] =	vst v0;
	v0 =	vld [tilespmem:s11+$0x120];
	_ =	sdelay $0x4  }
0x19f: {  	[tilespmem:$0x1FC30] =	vst v0;
	v0 =	vld [tilespmem:s11+$0x130];
	_ =	sdelay $0x4  }
0x1a0: {  	[tilespmem:$0x1FC40] =	vst v0;
	v0 =	vld [tilespmem:s11+$0x180];
	_ =	sdelay $0x4  }
0x1a1: {  	[tilespmem:$0x1FC50] =	vst v0;
	v0 =	vld [tilespmem:s14+$0x180];
	_ =	sdelay $0x4  }
0x1a2: {  	[tilespmem:$0x1FC60] =	vst v0;
	v0 =	vld [tilespmem:s11+$0x190];
	_ =	sdelay $0x4  }
0x1a3: {  	[tilespmem:$0x1FC70] =	vst v0;
	v0 =	vld [tilespmem:s11+$0x1A0];
	_ =	sdelay $0x4  }
0x1a4: {  	[tilespmem:$0x1FC80] =	vst v0;
	v0 =	vld [tilespmem:s11+$0x1B0];
	_ =	sdelay $0x4  }
0x1a5: {  	[tilespmem:$0x1FC90] =	vst v0;
	v0 =	vld [tilespmem:s11+$0x200];
	_ =	sdelay $0x4  }
0x1a6: {  	[tilespmem:$0x1FCA0] =	vst v0;
	v0 =	vld [tilespmem:s11+$0x210];
	_ =	sdelay $0x4  }
0x1a7: {  	[tilespmem:$0x1FCB0] =	vst v0;
	v0 =	vld [tilespmem:s11+$0x220];
	_ =	sdelay $0x2  }
0x1a8: {  	v9 =	vld [tilespmem:s11+$0xFFFFFC00]  }
0x1a9: {  	v3 =	vld [tilespmem:s14+$0xFFFFFC00]  }
0x1aa: {  	[tilespmem:$0x1FCC0] =	vst v0;
	v0 =	vld [tilespmem:s11+$0x230]  }
0x1ab: {  	v11 =	vld [tilespmem:s14+$0xFFFFFC10]  }
0x1ac: {  	v15 =	vld [tilespmem:s11+$0xFFFFFC20]  }
0x1ad: {  	v32 =	vld [tilespmem:s14+$0xFFFFFC20]  }
0x1ae: {  	v5 =	vld [tilespmem:s14+$0xFFFFFC30]  }
0x1af: {  	[tilespmem:$0x1FCD0] =	vst v0;
	v0 =	vld [tilespmem:s11+$0x280]  }
0x1b0: {  	v31 =	vld [tilespmem:s14+$0xFFFFFC80]  }
0x1b1: {  	v30 =	vld [tilespmem:s14+$0xFFFFFC90]  }
0x1b2: {  	v54 =	vld [tilespmem:s11+$0xFFFFFCA0]  }
0x1b3: {  	v28 =	vld [tilespmem:s14+$0xFFFFFCB0]  }
0x1b4: {  	[tilespmem:$0x1FCE0] =	vst v0;
	v0 =	vld [tilespmem:s11+$0x290]  }
0x1b5: {  	v46 =	vld [tilespmem:s14+$0xFFFFFD10]  }
0x1b6: {  	v37 =	vld [tilespmem:s14+$0xFFFFFD20]  }
0x1b7: {  	v52 =	vld [tilespmem:s14+$0xFFFFFD30]  }
0x1b8: {  	v48 =	vld [tilespmem:s14+$0xFFFFFD80]  }
0x1b9: {  	[tilespmem:$0x1FCF0] =	vst v0;
	v0 =	vld [tilespmem:s11+$0x2A0]  }
0x1ba: {  	v27 =	vld [tilespmem:s14+$0xFFFFFDB0]  }
0x1bb: {  	v14 =	vld [tilespmem:s14+$0xFFFFFE30]  }
0x1bc: {  	v20 =	vld [tilespmem:s14+$0xFFFFFE90]  }
0x1bd: {  	v12 =	vld [tilespmem:s14+$0xFFFFFEA0]  }
0x1be: {  	[tilespmem:$0x1FD00] =	vst v0;
	v0 =	vld [tilespmem:s11+$0x2B0]  }
0x1bf: {  	v18 =	vld [tilespmem:s14+$0xFFFFFEB0]  }
0x1c0: {  	v22 =	vld [tilespmem:s14+$0xFFFFFF10]  }
0x1c1: {  	v8 =	vld [tilespmem:s14+$0xFFFFFF20]  }
0x1c2: {  	v2 =	vld [tilespmem:s14+$0xFFFFFF30]  }
0x1c3: {  	[tilespmem:$0x1FD10] =	vst v0;
	v0 =	vld [tilespmem:s11+$0x310]  }
0x1c4: {  	v24 =	vld [tilespmem:s14+$0xFFFFFF90]  }
0x1c5: {  	v43 =	vld [tilespmem:s14+$0xFFFFFFA0]  }
0x1c6: {  	v10 =	vld [tilespmem:s14+$0xFFFFFFB0];
	v1 =	vlaneseq.u32  }
0x1c7: {  	v19 =	vor.u32 s9, v1;
	v1 =	vld [tilespmem:$0x1FFE0]  }
0x1c8: {  	[tilespmem:$0x1FD20] =	vst v0;
	v0 =	vld [tilespmem:s11+$0x320]  }
0x1c9: {  	v26 =	vld [tilespmem:s14+$0x10]  }
0x1ca: {  	v42 =	vld [tilespmem:s14+$0x20]  }
0x1cb: {  	v16 =	vld [tilespmem:s14+$0x30]  }
0x1cc: {  	v59 =	vadd.s32 v1, v19;
	v1 =	vld [tilespmem:$0x1FED0]  }
0x1cd: {  	[tilespmem:$0x1FD30] =	vst v0;
	v0 =	vld [tilespmem:s11+$0x330]  }
0x1ce: {  	v40 =	vld [tilespmem:s14+$0x90]  }
0x1cf: {  	v41 =	vld [tilespmem:s14+$0xA0]  }
0x1d0: {  	v23 =	vld [tilespmem:s14+$0xB0]  }
0x1d1: {  	v45 =	vld [tilespmem:s14+$0x110];
	vm1 =	vlt.s32 v59, $0x186A0;
	vm0 =	vge.s32 v19, v1  }
0x1d2: {  	vm0 =	vmand vm0, vm1;
	vm2 =	veq.f32 v56, $1.000000000e+00;
	[tilespmem:$0x1FD40] =	vst v0;
	v0 =	vld [tilespmem:s14+$0x330]  }
0x1d3: {  	v6 =	vld [tilespmem:s14+$0x120];
	vm1 =	vmand vm0, vm2  }
0x1d4: {  	v50 =	vld [tilespmem:s14+$0x130];
	[tilespmem:$0x1FDC0] =	vst v20;
	v63 =	vmpcnt.ones.xlane vm1  }
0x1d5: {  	v49 =	vld [tilespmem:s14+$0x190];
	[tilespmem:$0x1FDD0] =	vst v22  }
0x1d6: {  	v60 =	vld [tilespmem:s14+$0x310];
	[tilespmem:$0x1FDE0] =	vst v45;
	(v2sf) =	vpush v63, $0x0  }
0x1d7: {  	[tilespmem:$0x1FD50] =	vst v0;
	v0 =	vld [tilespmem:s11+$0x380]  }
0x1d8: {  	v57 =	vld [tilespmem:s14+$0x280];
	[tilespmem:$0x1FDF0] =	vst v24  }
0x1d9: {  	v53 =	vld [tilespmem:s14+$0x200];
	[tilespmem:$0x1FE00] =	vst v26  }
0x1da: {  	v39 =	vld [tilespmem:s14+$0x1A0];
	[tilespmem:$0x1FE10] =	vst v40  }
0x1db: {  	v61 =	vld [tilespmem:s14+$0x1B0];
	[tilespmem:$0x1FE20] =	vst v60  }
0x1dc: {  	[tilespmem:$0x1FD60] =	vst v0;
	v0 =	vld [tilespmem:s14+$0x380]  }
0x1dd: {  	v47 =	vld [tilespmem:s14+$0x210];
	[tilespmem:$0x1FE30] =	vst v57  }
0x1de: {  	v21 =	vld [tilespmem:s14+$0x300];
	[tilespmem:$0x1FE40] =	vst v53  }
0x1df: {  	v58 =	vld [tilespmem:s14+$0x220];
	[tilespmem:$0x1FE50] =	vst v23  }
0x1e0: {  	[tilespmem:$0x1FE60] =	vst v16;
	v1 =	vld [tilespmem:s14+$0x390]  }
0x1e1: {  	[tilespmem:$0x1FD70] =	vst v0;
	v0 =	vld [tilespmem:s11+$0x390]  }
0x1e2: {  	v55 =	vld [tilespmem:s14+$0x230];
	[tilespmem:$0x1FE70] =	vst v10  }
0x1e3: {  	v44 =	vld [tilespmem:s14+$0x290];
	[tilespmem:$0x1FE80] =	vst v21  }
0x1e4: {  	v51 =	vld [tilespmem:s14+$0x2A0];
	[tilespmem:$0x1FE90] =	vst v6  }
0x1e5: {  	[tilespmem:$0x1FD90] =	vst v1;
	v1 =	vld [tilespmem:s11+$0x3A0];
	s20 =	spop (v2sf)  }
0x1e6: {  	p0 =	slt.s32 s20, $0x1;
	[tilespmem:$0x1FD80] =	vst v0;
	v0 =	vld [tilespmem:s11+$0x3B0]  }
.Ltmp6:
0x1e7: {  	v25 =	vld [tilespmem:s14+$0x2B0];
	[tilespmem:$0x1FEA0] =	vst v14;
	(pc) =	sbr.rel @!p0 .LBB2_5-.Ltmp6, $4  }
0x1e8: {  	v36 =	vld [tilespmem:s11+$0x300];
	[tilespmem:$0x1FEB0] =	vst v37  }
0x1e9: {  	v4 =	vld [tilespmem:s14+$0x320];
	[tilespmem:$0x1FEC0] =	vst v46  }
0x1ea: {  	[tilespmem:$0x1FDA0] =	vst v1;
	v63 =	vld [tilespmem:s14+$0x3A0]  }
0x1eb: {  	[tilespmem:$0x1FDB0] =	vst v0;
	v0 =	vld [tilespmem:s14+$0x3B0]  }
0x1ec: {  	v17 =	vimm.s32 $0x5  }
0x1ed: {  	v20 =	vimm.s32 $0x6;
	v22 =	vimm.s32 $0x7;
	v24 =	vimm.s32 $0x8  }
.Ltmp7:
0x1ee: {  	v26 =	vimm.s32 $0x9;
	v40 =	vimm.s32 $0xA;
	v45 =	vimm.s32 $0xB;
	(pc) =	sbr.rel .LBB2_6-.Ltmp7, $4  }
0x1ef: {  	v1 =	vmovc v49;
	v49 =	vimm.s32 $0xC;
	v53 =	vimm.s32 $0xD;
	v57 =	vimm.s32 $0xE  }
0x1f0: {  	v60 =	vimm.s32 $0xF;
	v21 =	vmovc v51;
	v51 =	vmovc v44;
	v44 =	vmov v55;
	v46 =	vmov v50  }
0x1f1: {  	v16 =	vmovc v18;
	v6 =	vmovc v28;
	v10 =	vmov v30;
	v14 =	vmov v5;
	v7 =	vmov v3  }
0x1f2: {  	v50 =	vmovc v1;
	v55 =	vmovc v4;
	v4 =	vmov v2;
	v2 =	vmov v27;
	v37 =	vmov v0  }
.LBB2_7:
0x1f3: {  	s0 =	sadd.s32 s5, s12  }
0x1f4: {  	p0 =	slt.s32 s0, $0x18600  }
0x1f5: {  	s0 =	simm.s32 @!p0 $0x18600  }
0x1f6: {  	s0 =	sshll.u32 s0, $0x4  }
0x1f7: {  	s9 =	simm.s32 $0x0;
	s10 =	sadd.s32 s3, s0  }
0x1f8: {  	[tilespmem:s22], [sflag:$0x1] =	stream.linear.gather [hbm4b:s10+s9], $0x5000, $0x38;
	[tilespmem:$0x16800] =	vst v63  }
0x1f9: {  	s0 =	sadd.s32 s4, s0  }
0x1fa: {  	[tilespmem:s23], [sflag:$0x3] =	stream.linear.gather [hbm4b:s0+s9], $0x5000, $0x38;
	[tilespmem:$0x16800] =	vst v63  }
0x1fb: {  	_ =	swait.ge [sflag:s29], $0x5000  }
0x1fc: {  	[sflag:s29] =	ssyncset.done $0x0  }
0x1fd: {  	s20 =	sadd.s32 $0xA0, s5;
	[sflag:s29] =	ssyncadd.s32 $0xFFFFB000  }
.Ltmp8:
0x1fe: {  	v0 =	vmov s20;
	_ =	swait.ge [sflag:s30], $0x5000;
	(pc) =	sbr.rel .LBB2_8-.Ltmp8, $4  }
0x1ff: {  	v60 =	vmov s6;
	[tilespmem:$0x1F810] =	vst v0  }
0x200: {  	v61 =	vmov s7;
	[tilespmem:$0x1F820] =	vst v60  }
0x201: {  	v63 =	vmov s8;
	[sflag:s30] =	ssyncset.done $0x0;
	[tilespmem:$0x1F830] =	vst v61  }
0x202: {  	s11 =	simm.s32 $0x11B00;
	s10 =	simm.s32 $0x7B00;
	[tilespmem:$0x1F840] =	vst v63;
	[sflag:s30] =	ssyncadd.s32 $0xFFFFB000  }
.LBB2_10:
0x203: {  	v1 =	vimm.f32 $0.0e+00  }
0x204: {  	v3 =	vld [tilespmem:$0x1FF80];
	v56 =	vsel vm1, $0x3F800000, v1  }
0x205: {  	v58 =	vperm.xlane v56, v38;
	_ =	sdelay $0x1  }
0x206: {  	v62 =	vmul.f32 v58, v54;
	_ =	sdelay $0x1  }
0x207: {  	v19 =	vmul.f32 v62, v54;
	v62 =	vadd.f32 v62, v3;
	v3 =	vld [tilespmem:$0x1FF40];
	_ =	sdelay $0x4  }
0x208: {  	v19 =	vadd.f32 v19, v3;
	v3 =	vld [tilespmem:$0x1FF70];
	_ =	sdelay $0x2  }
0x209: {  	[tilespmem:$0x1F1C0] =	vst v63;
	v63 =	vmul.f32 v58, v52;
	_ =	sdelay $0x1  }
0x20a: {  	v1 =	vmul.f32 v63, v52;
	v63 =	vadd.f32 v63, v3;
	v3 =	vimm.s32 $0x1  }
0x20b: {  	v38 =	vperm.xlane v56, v3;
	v3 =	vld [tilespmem:$0x1FF30];
	_ =	sdelay $0x1  }
0x20c: {  	[tilespmem:$0x1F1D0] =	vst v23;
	v23 =	vmov v11;
	v11 =	vld [tilespmem:$0x1FF20]  }
0x20d: {  	v32 =	vmul.f32 v58, v50;
	_ =	sdelay $0x1  }
0x20e: {  	v1 =	vadd.f32 v1, v3;
	v3 =	vmul.f32 v32, v50;
	_ =	sdelay $0x1  }
0x20f: {  	v3 =	vadd.f32 v3, v11;
	v11 =	vld [tilespmem:$0x1FF50]  }
0x210: {  	[tilespmem:$0x1F210] =	vst v7;
	v7 =	vld [tilespmem:$0x1FF60]  }
0x211: {  	v0 =	vld [tilespmem:$0x1F280]  }
0x212: {  	v58 =	vmul.f32 v58, v29  }
0x213: {  	[tilespmem:$0x1F230] =	vst v5  }
0x214: {  	[tilespmem:$0x1F200] =	vst v9;
	v5 =	vmul.f32 v58, v29;
	v9 =	vmul.f32 v38, v27;
	v58 =	vadd.f32 v58, v11;
	v11 =	vld [tilespmem:$0x1FF10]  }
0x215: {  	[tilespmem:$0x1F1E0] =	vst v10;
	v10 =	vmov v4;
	v4 =	vmov v36  }
0x216: {  	[tilespmem:$0x1F220] =	vst v13;
	v36 =	vadd.f32 v32, v7;
	v13 =	vmul.f32 v9, v27;
	v32 =	vmul.f32 v38, v0  }
0x217: {  	v7 =	vmul.f32 v38, v18  }
0x218: {  	v1 =	vadd.f32 v13, v1;
	v13 =	vmul.f32 v32, v0;
	v0 =	vld [tilespmem:$0x1F2C0]  }
0x219: {  	v5 =	vadd.f32 v5, v11;
	v11 =	vmul.f32 v7, v18  }
0x21a: {  	[tilespmem:$0x1F1F0] =	vst v15;
	v15 =	vimm.s32 $0x2;
	v38 =	vmul.f32 v38, v28  }
0x21b: {  	v11 =	vadd.f32 v11, v19;
	v19 =	vperm.xlane v56, v15  }
0x21c: {  	v30 =	vmovc v28;
	v9 =	vadd.f32 v9, v63;
	v63 =	vmul.f32 v38, v28;
	v28 =	vmov v2;
	v2 =	vld [tilespmem:$0x1F2A0]  }
0x21d: {  	v15 =	vmul.f32 v19, v0  }
0x21e: {  	v5 =	vadd.f32 v63, v5;
	v63 =	vld [tilespmem:$0x1F2E0]  }
0x21f: {  	v3 =	vadd.f32 v13, v3;
	v13 =	vadd.f32 v38, v58;
	v58 =	vmul.f32 v15, v0;
	v0 =	vld [tilespmem:$0x1F300];
	_ =	sdelay $0x1  }
0x220: {  	v36 =	vadd.f32 v32, v36;
	v32 =	vmul.f32 v19, v2  }
0x221: {  	v7 =	vadd.f32 v7, v62  }
0x222: {  	v38 =	vmul.f32 v32, v2  }
0x223: {  	v7 =	vadd.f32 v32, v7;
	v32 =	vmul.f32 v19, v63;
	v19 =	vmul.f32 v19, v0;
	_ =	sdelay $0x1  }
0x224: {  	v1 =	vadd.f32 v58, v1;
	v58 =	vmul.f32 v19, v0;
	v0 =	vld [tilespmem:$0x1F320];
	_ =	sdelay $0x1  }
0x225: {  	v17 =	vimm.s32 $0x3  }
0x226: {  	v9 =	vadd.f32 v15, v9;
	v15 =	vperm.xlane v56, v17;
	_ =	sdelay $0x1  }
0x227: {  	v11 =	vadd.f32 v38, v11;
	v38 =	vmul.f32 v32, v63;
	v63 =	vmul.f32 v15, v0  }
0x228: {  	v62 =	vld [tilespmem:$0x1F340]  }
0x229: {  	v3 =	vadd.f32 v38, v3;
	v38 =	vmul.f32 v63, v0;
	v0 =	vld [tilespmem:$0x1F360];
	_ =	sdelay $0x1  }
0x22a: {  	v36 =	vadd.f32 v32, v36;
	v32 =	vmul.f32 v15, v14;
	_ =	sdelay $0x1  }
0x22b: {  	v13 =	vadd.f32 v19, v13;
	v19 =	vmul.f32 v32, v14  }
0x22c: {  	v7 =	vadd.f32 v32, v7;
	v32 =	vmul.f32 v15, v62;
	v15 =	vmul.f32 v15, v0;
	_ =	sdelay $0x1  }
0x22d: {  	v1 =	vadd.f32 v38, v1;
	v38 =	vmul.f32 v32, v62;
	v62 =	vmul.f32 v15, v0;
	v0 =	vld [tilespmem:$0x1F370];
	_ =	sdelay $0x1  }
0x22e: {  	v17 =	vimm.s32 $0x4  }
0x22f: {  	v11 =	vadd.f32 v19, v11;
	v19 =	vperm.xlane v56, v17  }
0x230: {  	v5 =	vadd.f32 v58, v5  }
0x231: {  	v36 =	vadd.f32 v32, v36;
	v32 =	vmul.f32 v19, v0  }
0x232: {  	v5 =	vadd.f32 v62, v5;
	v62 =	vld [tilespmem:$0x1F3A0]  }
0x233: {  	v13 =	vadd.f32 v15, v13;
	v15 =	vmul.f32 v32, v0;
	v0 =	vld [tilespmem:$0x1F3C0];
	_ =	sdelay $0x1  }
0x234: {  	v9 =	vadd.f32 v63, v9;
	v63 =	vmul.f32 v19, v6;
	_ =	sdelay $0x1  }
0x235: {  	v3 =	vadd.f32 v38, v3;
	v38 =	vmul.f32 v63, v6  }
0x236: {  	v7 =	vadd.f32 v32, v7;
	v32 =	vmul.f32 v19, v62;
	v19 =	vmul.f32 v19, v0;
	_ =	sdelay $0x1  }
0x237: {  	v1 =	vadd.f32 v38, v1;
	v38 =	vmul.f32 v32, v62;
	v62 =	vmul.f32 v19, v0;
	v0 =	vld [tilespmem:$0x1F3E0];
	_ =	sdelay $0x1  }
0x238: {  	v17 =	vimm.s32 $0x5  }
0x239: {  	v11 =	vadd.f32 v15, v11;
	v15 =	vperm.xlane v56, v17  }
0x23a: {  	v9 =	vadd.f32 v63, v9  }
0x23b: {  	v36 =	vadd.f32 v32, v36;
	v63 =	vmul.f32 v15, v20;
	v32 =	vmul.f32 v15, v0  }
0x23c: {  	v13 =	vadd.f32 v19, v13  }
0x23d: {  	v5 =	vadd.f32 v62, v5;
	v62 =	vmul.f32 v63, v20;
	v19 =	vmul.f32 v32, v0  }
0x23e: {  	v20 =	vimm.s32 $0x6;
	v7 =	vadd.f32 v32, v7;
	v32 =	vmul.f32 v15, v48  }
0x23f: {  	v15 =	vmul.f32 v15, v12;
	v11 =	vadd.f32 v19, v11;
	v19 =	vperm.xlane v56, v20  }
0x240: {  	v3 =	vadd.f32 v38, v3;
	v1 =	vadd.f32 v62, v1;
	v38 =	vmul.f32 v32, v48  }
0x241: {  	v62 =	vmul.f32 v15, v12;
	v36 =	vadd.f32 v32, v36;
	v32 =	vmul.f32 v19, v16  }
0x242: {  	v9 =	vadd.f32 v63, v9;
	v0 =	vld [tilespmem:$0x1F470];
	v63 =	vmul.f32 v19, v22  }
0x243: {  	v13 =	vadd.f32 v15, v13;
	v5 =	vadd.f32 v62, v5;
	v15 =	vmul.f32 v32, v16  }
0x244: {  	v62 =	vmul.f32 v63, v22;
	v7 =	vadd.f32 v32, v7;
	v22 =	vimm.s32 $0x7  }
0x245: {  	v32 =	vmul.f32 v19, v46;
	v11 =	vadd.f32 v15, v11;
	v15 =	vperm.xlane v56, v22  }
0x246: {  	v3 =	vadd.f32 v38, v3;
	v19 =	vmul.f32 v19, v10  }
0x247: {  	v38 =	vmul.f32 v32, v46;
	v36 =	vadd.f32 v32, v36;
	v32 =	vmul.f32 v15, v0  }
0x248: {  	v9 =	vadd.f32 v63, v9;
	v1 =	vadd.f32 v62, v1;
	v62 =	vmul.f32 v19, v10  }
0x249: {  	v13 =	vadd.f32 v19, v13;
	v63 =	vmul.f32 v15, v24;
	v19 =	vmul.f32 v32, v0;
	v0 =	vld [tilespmem:$0x1F4C0]  }
0x24a: {  	v5 =	vadd.f32 v62, v5  }
0x24b: {  	v62 =	vmul.f32 v63, v24;
	v7 =	vadd.f32 v32, v7;
	v24 =	vimm.s32 $0x8  }
0x24c: {  	v32 =	vmul.f32 v15, v43;
	v11 =	vadd.f32 v19, v11;
	v19 =	vperm.xlane v56, v24  }
0x24d: {  	v3 =	vadd.f32 v38, v3;
	v15 =	vmul.f32 v15, v42;
	v9 =	vadd.f32 v63, v9  }
0x24e: {  	v38 =	vmul.f32 v32, v43;
	v36 =	vadd.f32 v32, v36;
	v32 =	vmul.f32 v19, v0  }
0x24f: {  	v1 =	vadd.f32 v62, v1;
	v62 =	vmul.f32 v15, v42;
	v63 =	vmul.f32 v19, v26  }
0x250: {  	v13 =	vadd.f32 v15, v13;
	v15 =	vmul.f32 v32, v0;
	v0 =	vld [tilespmem:$0x1F510]  }
0x251: {  	v5 =	vadd.f32 v62, v5;
	v62 =	vmul.f32 v63, v26  }
0x252: {  	v26 =	vimm.s32 $0x9;
	v7 =	vadd.f32 v32, v7;
	v32 =	vmul.f32 v19, v41  }
0x253: {  	v19 =	vmul.f32 v19, v55;
	v11 =	vadd.f32 v15, v11;
	v15 =	vperm.xlane v56, v26  }
0x254: {  	v3 =	vadd.f32 v38, v3;
	v1 =	vadd.f32 v62, v1;
	v38 =	vmul.f32 v32, v41  }
0x255: {  	v62 =	vmul.f32 v19, v55;
	v36 =	vadd.f32 v32, v36;
	v32 =	vmul.f32 v15, v0  }
0x256: {  	v9 =	vadd.f32 v63, v9;
	v63 =	vmul.f32 v15, v40  }
0x257: {  	v13 =	vadd.f32 v19, v13;
	v5 =	vadd.f32 v62, v5;
	v19 =	vmul.f32 v32, v0;
	v0 =	vld [tilespmem:$0x1F560]  }
0x258: {  	v62 =	vmul.f32 v63, v40;
	v40 =	vimm.s32 $0xA;
	v7 =	vadd.f32 v32, v7  }
0x259: {  	v32 =	vmul.f32 v15, v39;
	v11 =	vadd.f32 v19, v11;
	v19 =	vperm.xlane v56, v40  }
0x25a: {  	v3 =	vadd.f32 v38, v3;
	v9 =	vadd.f32 v63, v9  }
0x25b: {  	v38 =	vmul.f32 v32, v39;
	v36 =	vadd.f32 v32, v36;
	v32 =	vmul.f32 v19, v45  }
0x25c: {  	v15 =	vmul.f32 v15, v61;
	v1 =	vadd.f32 v62, v1;
	v58 =	vmul.f32 v19, v0  }
0x25d: {  	v3 =	vadd.f32 v38, v3;
	v38 =	vmul.f32 v32, v45;
	v9 =	vadd.f32 v32, v9;
	v32 =	vld [tilespmem:$0x1F5A0]  }
0x25e: {  	v62 =	vmul.f32 v15, v61;
	v13 =	vadd.f32 v15, v13;
	v15 =	vmul.f32 v58, v0;
	v0 =	vld [tilespmem:$0x1F5C0];
	_ =	sdelay $0x1  }
0x25f: {  	v45 =	vimm.s32 $0xB  }
0x260: {  	v5 =	vadd.f32 v62, v5;
	v7 =	vadd.f32 v58, v7;
	v62 =	vperm.xlane v56, v45  }
0x261: {  	v58 =	vmul.f32 v19, v47;
	v11 =	vadd.f32 v15, v11;
	v15 =	vmul.f32 v19, v32  }
0x262: {  	v1 =	vadd.f32 v38, v1;
	v38 =	vmul.f32 v62, v0  }
0x263: {  	v36 =	vadd.f32 v58, v36;
	v19 =	vmul.f32 v58, v47;
	v58 =	vmul.f32 v15, v32  }
0x264: {  	v32 =	vmul.f32 v62, v49;
	v13 =	vadd.f32 v15, v13;
	v15 =	vmul.f32 v38, v0;
	v0 =	vld [tilespmem:$0x1F610]  }
0x265: {  	v3 =	vadd.f32 v19, v3;
	v5 =	vadd.f32 v58, v5  }
0x266: {  	v19 =	vmul.f32 v32, v49;
	v58 =	vmul.f32 v62, v59;
	v49 =	vimm.s32 $0xC  }
0x267: {  	v7 =	vadd.f32 v38, v7;
	v38 =	vmul.f32 v62, v51;
	v62 =	vperm.xlane v56, v49  }
0x268: {  	v9 =	vadd.f32 v32, v9;
	v11 =	vadd.f32 v15, v11;
	v15 =	vmul.f32 v58, v59  }
0x269: {  	v1 =	vadd.f32 v19, v1;
	v19 =	vmul.f32 v38, v51;
	v32 =	vmul.f32 v62, v0  }
0x26a: {  	v13 =	vadd.f32 v38, v13;
	v3 =	vadd.f32 v15, v3;
	v15 =	vmul.f32 v62, v53  }
0x26b: {  	v36 =	vadd.f32 v58, v36;
	v5 =	vadd.f32 v19, v5;
	v19 =	vmul.f32 v32, v0  }
0x26c: {  	v7 =	vadd.f32 v32, v7;
	v38 =	vmul.f32 v15, v53;
	v32 =	vmul.f32 v62, v44  }
0x26d: {  	v53 =	vimm.s32 $0xD;
	v11 =	vadd.f32 v19, v11;
	v19 =	vmul.f32 v62, v21  }
0x26e: {  	v9 =	vadd.f32 v15, v9;
	v62 =	vperm.xlane v56, v53;
	v15 =	vmul.f32 v32, v44  }
0x26f: {  	v36 =	vadd.f32 v32, v36  }
0x270: {  	v32 =	vmul.f32 v19, v21;
	v3 =	vadd.f32 v15, v3;
	v15 =	vmul.f32 v62, v8  }
0x271: {  	v0 =	vld [tilespmem:$0x1F6B0]  }
0x272: {  	v63 =	vmul.f32 v62, v57;
	v5 =	vadd.f32 v32, v5;
	v32 =	vmul.f32 v15, v8;
	v8 =	vld [tilespmem:$0x1F690]  }
0x273: {  	v1 =	vadd.f32 v38, v1;
	v13 =	vadd.f32 v19, v13  }
0x274: {  	v38 =	vmul.f32 v62, v25;
	v19 =	vmul.f32 v63, v57;
	v57 =	vimm.s32 $0xE  }
0x275: {  	v7 =	vadd.f32 v63, v7;
	v63 =	vperm.xlane v56, v57  }
0x276: {  	v11 =	vadd.f32 v19, v11;
	v19 =	vmul.f32 v38, v25  }
0x277: {  	v9 =	vadd.f32 v15, v9;
	v15 =	vmul.f32 v63, v0;
	v62 =	vmul.f32 v62, v8  }
0x278: {  	v3 =	vadd.f32 v19, v3  }
0x279: {  	v19 =	vmul.f32 v62, v8;
	v13 =	vadd.f32 v62, v13;
	v62 =	vmul.f32 v15, v0;
	v0 =	vld [tilespmem:$0x1F6F0];
	_ =	sdelay $0x1  }
0x27a: {  	v1 =	vadd.f32 v32, v1;
	v32 =	vmul.f32 v63, v60;
	v11 =	vadd.f32 v62, v11;
	v62 =	vld [tilespmem:$0x1F710]  }
0x27b: {  	v7 =	vadd.f32 v15, v7;
	v15 =	vmul.f32 v63, v37  }
0x27c: {  	v5 =	vadd.f32 v19, v5;
	v19 =	vmul.f32 v32, v60;
	v60 =	vimm.s32 $0xF  }
0x27d: {  	v36 =	vadd.f32 v38, v36;
	v38 =	vperm.xlane v56, v60;
	v58 =	vmul.f32 v63, v0;
	v63 =	vld [tilespmem:$0x1F1C0]  }
0x27e: {  	v9 =	vadd.f32 v32, v9;
	v32 =	vmul.f32 v15, v37  }
0x27f: {  	v1 =	vadd.f32 v19, v1;
	v19 =	vmul.f32 v38, v62  }
0x280: {  	v3 =	vadd.f32 v32, v3;
	v32 =	vmul.f32 v58, v0  }
0x281: {  	v13 =	vadd.f32 v58, v13;
	v58 =	vmul.f32 v19, v62;
	v7 =	vadd.f32 v19, v7  }
0x282: {  	v56 =	vmul.f32 v38, v63  }
0x283: {  	v62 =	vmul.f32 v38, v23;
	[tilespmem:$0x1FF80] =	vst v7;
	v7 =	vadd.f32 v58, v11  }
0x284: {  	v5 =	vadd.f32 v32, v5;
	v32 =	vmul.f32 v56, v63  }
0x285: {  	v15 =	vadd.f32 v15, v36;
	v9 =	vadd.f32 v56, v9;
	[tilespmem:$0x1FF40] =	vst v7;
	v7 =	vmul.f32 v62, v23  }
0x286: {  	v38 =	vmul.f32 v38, v4;
	v23 =	vld [tilespmem:$0x1F1D0];
	v1 =	vadd.f32 v32, v1  }
0x287: {  	[tilespmem:$0x1FF70] =	vst v9;
	v9 =	vadd.f32 v62, v15;
	v15 =	vld [tilespmem:$0x1F1F0];
	v3 =	vadd.f32 v7, v3  }
0x288: {  	v7 =	vld [tilespmem:$0x1F210];
	[tilespmem:$0x1FF30] =	vst v1;
	v1 =	vmul.f32 v38, v4  }
0x289: {  	v36 =	vmov v4;
	v4 =	vmov v10;
	v10 =	vld [tilespmem:$0x1F1E0];
	[tilespmem:$0x1FF20] =	vst v3;
	v3 =	vadd.f32 v38, v13  }
0x28a: {  	[tilespmem:$0x1FF60] =	vst v9;
	v9 =	vld [tilespmem:$0x1F200];
	v1 =	vadd.f32 v1, v5  }
0x28b: {  	v13 =	vld [tilespmem:$0x1F220];
	[tilespmem:$0x1FF50] =	vst v3  }
0x28c: {  	v2 =	vmov v28;
	v8 =	vmov v30;
	v62 =	vimm.s32 $0x2;
	v5 =	vld [tilespmem:$0x1F230];
	[tilespmem:$0x1FF10] =	vst v1  }
.LBB2_11:
0x28d: {  	v58 =	vnsel vm0, $0x0, v15;
	v0 =	vimm.s32 $0x0  }
0x28e: {  	v56 =	vnsel vm0, $0x0, v7;
	v3 =	vperm.xlane v58, v0  }
0x28f: {  	v1 =	vperm.xlane v56, v0  }
0x290: {  	v32 =	vmul.f32 v54, v3;
	v54 =	vmul.f32 v50, v3;
	v50 =	vld [tilespmem:$0x1FFA0]  }
0x291: {  	v9 =	vmul.f32 v9, v1;
	v11 =	vmul.f32 v52, v3;
	v52 =	vld [tilespmem:$0x1F250]  }
0x292: {  	v5 =	vmul.f32 v5, v1  }
0x293: {  	v9 =	vadd.f32 v9, v34;
	v34 =	vimm.s32 $0x1  }
0x294: {  	v5 =	vadd.f32 v5, v35;
	v35 =	vld [tilespmem:$0x1FFC0];
	v19 =	vperm.xlane v56, v34;
	_ =	sdelay $0x1  }
0x295: {  	v15 =	vadd.f32 v54, v50;
	v54 =	vmul.f32 v52, v19  }
0x296: {  	v50 =	vld [tilespmem:$0x1F260]  }
0x297: {  	v5 =	vadd.f32 v54, v5;
	v54 =	vld [tilespmem:$0x1F270]  }
0x298: {  	v7 =	vadd.f32 v32, v35;
	v35 =	vld [tilespmem:$0x1F240]  }
0x299: {  	v13 =	vmul.f32 v13, v1;
	v32 =	vld [tilespmem:$0x1FFB0];
	_ =	sdelay $0x1  }
0x29a: {  	v13 =	vadd.f32 v13, v33;
	v33 =	vld [tilespmem:$0x1F2C0]  }
0x29b: {  	v30 =	vperm.xlane v58, v34;
	v34 =	vld [tilespmem:$0x1FFD0]  }
0x29c: {  	v28 =	vmul.f32 v50, v19;
	v1 =	vmul.f32 v35, v1;
	v35 =	vld [tilespmem:$0x1FF90]  }
0x29d: {  	v50 =	vld [tilespmem:$0x1F280];
	v11 =	vadd.f32 v11, v32;
	v32 =	vmul.f32 v18, v30;
	v18 =	vmul.f32 v54, v19  }
0x29e: {  	v3 =	vmul.f32 v29, v3;
	v52 =	vmul.f32 v27, v30;
	v9 =	vadd.f32 v28, v9;
	v28 =	vld [tilespmem:$0x1F2B0]  }
0x29f: {  	v7 =	vadd.f32 v32, v7;
	v32 =	vperm.xlane v58, v62;
	v13 =	vadd.f32 v18, v13;
	v18 =	vld [tilespmem:$0x1F2A0]  }
0x2a0: {  	v11 =	vadd.f32 v52, v11;
	v52 =	vld [tilespmem:$0x1F290]  }
0x2a1: {  	v1 =	vadd.f32 v1, v34;
	v34 =	vmul.f32 v33, v32;
	v3 =	vadd.f32 v3, v35;
	v35 =	vld [tilespmem:$0x1F2D0]  }
0x2a2: {  	v29 =	vperm.xlane v56, v62;
	v54 =	vmul.f32 v8, v30;
	v33 =	vimm.s32 $0x3  }
0x2a3: {  	v31 =	vmul.f32 v50, v30;
	v30 =	vperm.xlane v58, v33;
	v11 =	vadd.f32 v34, v11;
	v34 =	vld [tilespmem:$0x1F2F0]  }
0x2a4: {  	v27 =	vmul.f32 v18, v32;
	v18 =	vperm.xlane v56, v33;
	v33 =	vld [tilespmem:$0x1F320]  }
0x2a5: {  	v15 =	vadd.f32 v31, v15;
	v31 =	vmul.f32 v28, v29;
	v19 =	vmul.f32 v52, v19;
	v52 =	vld [tilespmem:$0x1F2E0]  }
0x2a6: {  	v50 =	vmul.f32 v35, v29  }
0x2a7: {  	v9 =	vadd.f32 v31, v9;
	v31 =	vld [tilespmem:$0x1F310]  }
0x2a8: {  	v1 =	vadd.f32 v19, v1;
	v35 =	vmul.f32 v34, v29;
	v13 =	vadd.f32 v50, v13;
	v50 =	vld [tilespmem:$0x1F300]  }
0x2a9: {  	v34 =	vmul.f32 v33, v30;
	v33 =	vld [tilespmem:$0x1F350]  }
0x2aa: {  	v3 =	vadd.f32 v54, v3;
	v54 =	vmul.f32 v52, v32;
	v1 =	vadd.f32 v35, v1;
	v35 =	vld [tilespmem:$0x1F330]  }
0x2ab: {  	v7 =	vadd.f32 v27, v7;
	v27 =	vld [tilespmem:$0x1F390]  }
0x2ac: {  	v15 =	vadd.f32 v54, v15;
	v54 =	vmul.f32 v10, v18;
	v10 =	vadd.f32 v34, v11;
	v34 =	vld [tilespmem:$0x1F360]  }
0x2ad: {  	v8 =	vmul.f32 v2, v29;
	v19 =	vld [tilespmem:$0x1F760];
	v29 =	vmul.f32 v14, v30  }
0x2ae: {  	v14 =	vld [tilespmem:$0x1F3F0];
	v52 =	vmul.f32 v50, v32;
	v32 =	vmul.f32 v31, v18  }
0x2af: {  	v50 =	vmul.f32 v35, v18;
	v18 =	vmul.f32 v33, v18;
	v33 =	vld [tilespmem:$0x1F3C0]  }
0x2b0: {  	v3 =	vadd.f32 v52, v3;
	v9 =	vadd.f32 v32, v9;
	v52 =	vld [tilespmem:$0x1F340];
	v32 =	vimm.s32 $0x4  }
0x2b1: {  	v35 =	vmul.f32 v34, v30;
	v11 =	vperm.xlane v56, v32;
	v13 =	vadd.f32 v50, v13;
	v50 =	vld [tilespmem:$0x1F370]  }
0x2b2: {  	v5 =	vadd.f32 v8, v5;
	v28 =	vperm.xlane v58, v32;
	v1 =	vadd.f32 v18, v1;
	v32 =	vld [tilespmem:$0x1F3B0]  }
0x2b3: {  	v18 =	vperm.xlane v58, v17;
	v3 =	vadd.f32 v35, v3;
	v35 =	vld [tilespmem:$0x1F3D0];
	v23 =	vmul.f32 v23, v11  }
0x2b4: {  	v7 =	vadd.f32 v29, v7;
	v6 =	vmul.f32 v6, v28;
	v29 =	vmul.f32 v27, v11;
	v27 =	vld [tilespmem:$0x1F400]  }
0x2b5: {  	v5 =	vadd.f32 v54, v5;
	v34 =	vmul.f32 v33, v28;
	v54 =	vmul.f32 v52, v30;
	v30 =	vld [tilespmem:$0x1F3A0]  }
0x2b6: {  	v6 =	vadd.f32 v6, v10;
	v13 =	vadd.f32 v29, v13;
	v29 =	vmul.f32 v48, v18;
	v48 =	vld [tilespmem:$0x1F430]  }
0x2b7: {  	v10 =	vperm.xlane v56, v17;
	v52 =	vmul.f32 v50, v28;
	v15 =	vadd.f32 v54, v15;
	v54 =	vld [tilespmem:$0x1F380]  }
0x2b8: {  	v33 =	vmul.f32 v12, v18;
	v5 =	vadd.f32 v23, v5;
	v3 =	vadd.f32 v34, v3;
	v34 =	vld [tilespmem:$0x1F420]  }
0x2b9: {  	v23 =	vmul.f32 v19, v18;
	v50 =	vmul.f32 v35, v10;
	v7 =	vadd.f32 v52, v7;
	v52 =	vld [tilespmem:$0x1F3E0]  }
0x2ba: {  	v12 =	vld [tilespmem:$0x1F4D0];
	v17 =	vmul.f32 v14, v10;
	v31 =	vmul.f32 v30, v28  }
0x2bb: {  	v19 =	vld [tilespmem:$0x1F4F0];
	v28 =	vmul.f32 v27, v10;
	v30 =	vperm.xlane v56, v20  }
0x2bc: {  	v6 =	vadd.f32 v23, v6;
	v27 =	vld [tilespmem:$0x1F460];
	v2 =	vmul.f32 v54, v11;
	v11 =	vmul.f32 v32, v11  }
0x2bd: {  	v14 =	vld [tilespmem:$0x1F7A0];
	v5 =	vadd.f32 v50, v5;
	v35 =	vmul.f32 v34, v30;
	v50 =	vmul.f32 v48, v30  }
0x2be: {  	v3 =	vadd.f32 v33, v3;
	v33 =	vld [tilespmem:$0x1F790];
	v54 =	vmul.f32 v52, v18;
	v18 =	vperm.xlane v56, v22  }
0x2bf: {  	v32 =	vld [tilespmem:$0x1F410];
	v9 =	vadd.f32 v2, v9;
	v2 =	vadd.f32 v31, v15;
	v31 =	vperm.xlane v58, v20  }
0x2c0: {  	v34 =	vld [tilespmem:$0x1F490];
	v1 =	vadd.f32 v11, v1;
	v11 =	vadd.f32 v28, v13;
	v20 =	vperm.xlane v58, v22  }
0x2c1: {  	v52 =	vld [tilespmem:$0x1F770];
	v5 =	vadd.f32 v35, v5;
	v28 =	vmul.f32 v27, v18;
	v16 =	vmul.f32 v16, v31  }
0x2c2: {  	v48 =	vld [tilespmem:$0x1F4A0];
	v9 =	vadd.f32 v17, v9;
	v17 =	vmul.f32 v46, v31;
	v4 =	vmul.f32 v4, v31  }
0x2c3: {  	v15 =	vld [tilespmem:$0x1F440];
	v7 =	vadd.f32 v54, v7;
	v0 =	vmul.f32 v33, v20;
	v35 =	vmul.f32 v43, v20  }
0x2c4: {  	v22 =	vld [tilespmem:$0x1F450];
	v2 =	vadd.f32 v29, v2;
	v43 =	vperm.xlane v56, v24;
	v46 =	vperm.xlane v58, v24  }
0x2c5: {  	v27 =	vld [tilespmem:$0x1F530];
	v10 =	vmul.f32 v32, v10;
	v5 =	vadd.f32 v28, v5;
	v8 =	vmul.f32 v34, v18  }
0x2c6: {  	v29 =	vld [tilespmem:$0x1F470];
	v7 =	vadd.f32 v16, v7;
	v54 =	vmul.f32 v52, v31;
	v9 =	vadd.f32 v50, v9  }
0x2c7: {  	v24 =	vld [tilespmem:$0x1F520];
	v2 =	vadd.f32 v17, v2;
	v3 =	vadd.f32 v4, v3;
	v50 =	vmul.f32 v42, v20  }
0x2c8: {  	v31 =	vld [tilespmem:$0x1F480];
	v17 =	vperm.xlane v56, v26;
	v1 =	vadd.f32 v10, v1;
	v16 =	vmul.f32 v15, v30  }
0x2c9: {  	v52 =	vld [tilespmem:$0x1F4B0];
	v23 =	vmul.f32 v22, v30;
	v6 =	vadd.f32 v54, v6;
	v2 =	vadd.f32 v35, v2  }
0x2ca: {  	v42 =	vperm.xlane v56, v45;
	v22 =	vld [tilespmem:$0x1F500];
	v3 =	vadd.f32 v50, v3;
	v10 =	vadd.f32 v16, v11  }
0x2cb: {  	v54 =	vld [tilespmem:$0x1F4C0];
	v30 =	vmul.f32 v29, v20;
	v1 =	vadd.f32 v23, v1;
	v16 =	vmul.f32 v41, v46  }
0x2cc: {  	v33 =	vld [tilespmem:$0x1F550];
	v20 =	vmul.f32 v55, v46;
	v29 =	vperm.xlane v56, v40;
	v0 =	vadd.f32 v0, v6  }
0x2cd: {  	v34 =	vld [tilespmem:$0x1F560];
	v6 =	vmul.f32 v19, v43;
	v32 =	vmul.f32 v31, v18;
	v7 =	vadd.f32 v30, v7  }
0x2ce: {  	v23 =	vld [tilespmem:$0x1F510];
	v8 =	vadd.f32 v8, v10;
	v10 =	vmul.f32 v48, v18;
	v18 =	vperm.xlane v58, v26  }
0x2cf: {  	v15 =	vld [tilespmem:$0x1F4E0];
	v2 =	vadd.f32 v16, v2;
	v30 =	vperm.xlane v58, v40;
	v11 =	vmul.f32 v22, v17  }
0x2d0: {  	v35 =	vld [tilespmem:$0x1F570];
	v4 =	vadd.f32 v32, v9;
	v9 =	vmul.f32 v52, v43;
	v13 =	vmul.f32 v54, v46  }
0x2d1: {  	v50 =	vld [tilespmem:$0x1F5D0];
	v1 =	vadd.f32 v10, v1;
	v10 =	vmul.f32 v12, v43;
	v28 =	vmul.f32 v39, v18  }
0x2d2: {  	v19 =	vld [tilespmem:$0x1F610];
	v3 =	vadd.f32 v20, v3;
	v32 =	vmul.f32 v61, v18;
	v41 =	vmul.f32 v47, v30  }
0x2d3: {  	v26 =	vld [tilespmem:$0x1F7C0];
	v61 =	vperm.xlane v58, v49;
	v12 =	vmul.f32 v23, v18;
	v5 =	vadd.f32 v9, v5  }
0x2d4: {  	v31 =	vld [tilespmem:$0x1F540];
	v7 =	vadd.f32 v13, v7;
	v9 =	vmul.f32 v14, v46;
	v4 =	vadd.f32 v10, v4  }
0x2d5: {  	v48 =	vld [tilespmem:$0x1F5C0];
	v10 =	vmul.f32 v15, v43;
	v1 =	vadd.f32 v6, v1;
	v6 =	vmul.f32 v24, v17  }
0x2d6: {  	v40 =	vld [tilespmem:$0x1F580];
	v2 =	vadd.f32 v28, v2;
	v13 =	vmul.f32 v34, v30;
	v3 =	vadd.f32 v32, v3  }
0x2d7: {  	v16 =	vld [tilespmem:$0x1F5F0];
	v8 =	vadd.f32 v10, v8;
	v4 =	vadd.f32 v6, v4;
	v6 =	vmul.f32 v27, v17  }
0x2d8: {  	v20 =	vld [tilespmem:$0x1F620];
	v43 =	vperm.xlane v58, v45;
	v24 =	vmul.f32 v44, v61;
	v5 =	vadd.f32 v11, v5  }
0x2d9: {  	v39 =	vld [tilespmem:$0x1F780];
	v10 =	vmul.f32 v26, v18;
	v6 =	vadd.f32 v6, v8;
	v8 =	vmul.f32 v31, v17  }
0x2da: {  	v45 =	vld [tilespmem:$0x1F590];
	v7 =	vadd.f32 v12, v7;
	v11 =	vmul.f32 v33, v29;
	v12 =	vmul.f32 v48, v43  }
0x2db: {  	v22 =	vld [tilespmem:$0x1F7D0];
	v55 =	vmul.f32 v59, v43;
	v1 =	vadd.f32 v8, v1;
	v8 =	vmul.f32 v35, v29  }
0x2dc: {  	v47 =	vld [tilespmem:$0x1F5B0];
	v0 =	vadd.f32 v9, v0;
	v59 =	vperm.xlane v56, v49;
	v26 =	vperm.xlane v56, v53  }
0x2dd: {  	v52 =	vld [tilespmem:$0x1F7B0];
	v27 =	vperm.xlane v58, v53;
	v4 =	vadd.f32 v8, v4;
	v8 =	vmul.f32 v40, v29  }
0x2de: {  	v54 =	vld [tilespmem:$0x1F5E0];
	v2 =	vadd.f32 v41, v2;
	v49 =	vperm.xlane v56, v60;
	v9 =	vmul.f32 v39, v30  }
0x2df: {  	v46 =	vld [tilespmem:$0x1F5A0];
	v0 =	vadd.f32 v10, v0;
	v6 =	vadd.f32 v8, v6;
	v8 =	vmul.f32 v45, v29  }
0x2e0: {  	v23 =	vld [tilespmem:$0x1F630];
	v39 =	vperm.xlane v56, v57;
	v5 =	vadd.f32 v11, v5;
	v7 =	vadd.f32 v13, v7  }
0x2e1: {  	v28 =	vld [tilespmem:$0x1F640];
	v11 =	vmul.f32 v47, v42;
	v1 =	vadd.f32 v8, v1;
	v8 =	vmul.f32 v50, v42  }
0x2e2: {  	v32 =	vld [tilespmem:$0x1F660];
	v17 =	vmul.f32 v51, v43;
	v2 =	vadd.f32 v55, v2;
	v13 =	vmul.f32 v19, v61  }
0x2e3: {  	v18 =	vld [tilespmem:$0x1F600];
	v0 =	vadd.f32 v9, v0;
	v4 =	vadd.f32 v8, v4;
	v8 =	vmul.f32 v54, v42  }
0x2e4: {  	v34 =	vld [tilespmem:$0x1F670];
	v10 =	vmul.f32 v46, v30;
	v5 =	vadd.f32 v11, v5;
	v7 =	vadd.f32 v12, v7  }
0x2e5: {  	v31 =	vld [tilespmem:$0x1F7F0];
	v9 =	vmul.f32 v22, v61;
	v6 =	vadd.f32 v8, v6;
	v8 =	vmul.f32 v16, v42  }
0x2e6: {  	v33 =	vld [tilespmem:$0x1F800];
	v2 =	vadd.f32 v24, v2;
	v35 =	vmul.f32 v25, v27;
	v3 =	vadd.f32 v10, v3  }
0x2e7: {  	v30 =	vld [tilespmem:$0x1F650];
	v10 =	vmul.f32 v52, v43;
	v1 =	vadd.f32 v8, v1;
	v8 =	vmul.f32 v20, v59  }
0x2e8: {  	v44 =	vld [tilespmem:$0x1F6B0];
	v11 =	vmul.f32 v18, v59;
	v7 =	vadd.f32 v13, v7;
	v40 =	vperm.xlane v58, v57  }
0x2e9: {  	v41 =	vld [tilespmem:$0x1F680];
	v2 =	vadd.f32 v35, v2;
	v4 =	vadd.f32 v8, v4;
	v8 =	vmul.f32 v23, v59  }
0x2ea: {  	v43 =	vld [tilespmem:$0x1F6A0];
	v0 =	vadd.f32 v10, v0;
	v3 =	vadd.f32 v17, v3;
	v12 =	vmul.f32 v31, v27  }
0x2eb: {  	v10 =	vmul.f32 v33, v27;
	v42 =	vld [tilespmem:$0x1F690];
	v6 =	vadd.f32 v8, v6;
	v8 =	vmul.f32 v28, v59  }
0x2ec: {  	v47 =	vld [tilespmem:$0x1F6D0];
	v5 =	vadd.f32 v11, v5;
	v29 =	vmul.f32 v21, v61;
	v11 =	vmul.f32 v30, v26  }
0x2ed: {  	v46 =	vld [tilespmem:$0x1F7E0];
	v13 =	vmul.f32 v44, v40;
	v1 =	vadd.f32 v8, v1;
	v8 =	vmul.f32 v32, v26  }
0x2ee: {  	v45 =	vld [tilespmem:$0x1F6C0];
	v48 =	vmul.f32 v37, v40;
	v0 =	vadd.f32 v9, v0;
	v7 =	vadd.f32 v12, v7  }
0x2ef: {  	v52 =	vld [tilespmem:$0x1F6F0];
	v3 =	vadd.f32 v29, v3;
	v4 =	vadd.f32 v8, v4;
	v8 =	vmul.f32 v34, v26  }
0x2f0: {  	v51 =	vld [tilespmem:$0x1F6E0];
	v5 =	vadd.f32 v11, v5;
	v11 =	vmul.f32 v43, v39;
	v9 =	vmul.f32 v42, v27  }
0x2f1: {  	v2 =	vadd.f32 v48, v2;
	v54 =	vld [tilespmem:$0x1F710];
	v6 =	vadd.f32 v8, v6;
	v8 =	vmul.f32 v41, v26  }
0x2f2: {  	v55 =	vld [tilespmem:$0x1F720];
	v50 =	vperm.xlane v58, v60;
	v0 =	vadd.f32 v10, v0;
	v3 =	vadd.f32 v9, v3  }
0x2f3: {  	v59 =	vld [tilespmem:$0x1F750];
	v9 =	vmul.f32 v46, v40;
	v1 =	vadd.f32 v8, v1;
	v8 =	vmul.f32 v45, v39  }
0x2f4: {  	v60 =	vld [tilespmem:$0x1F740];
	v7 =	vadd.f32 v13, v7;
	v10 =	vmul.f32 v52, v40;
	v57 =	vmul.f32 v63, v50  }
0x2f5: {  	v53 =	vld [tilespmem:$0x1F700];
	v0 =	vadd.f32 v9, v0;
	v4 =	vadd.f32 v8, v4;
	v8 =	vmul.f32 v47, v39  }
0x2f6: {  	v58 =	vld [tilespmem:$0x1F730];
	v61 =	vmul.f32 v36, v50;
	v12 =	vmul.f32 v54, v50;
	v3 =	vadd.f32 v10, v3  }
0x2f7: {  	s9 =	sadd.s32 $0x40, s9;
	v0 =	vadd.f32 v57, v0;
	v6 =	vadd.f32 v8, v6;
	v8 =	vmul.f32 v51, v39  }
0x2f8: {  	p0 =	sne.s32 s9, $0x280;
	v56 =	vadd.f32 v12, v7;
	v7 =	vmul.f32 v59, v50;
	v63 =	vadd.f32 v61, v3  }
.Ltmp9:
0x2f9: {  	[tilespmem:$0x1FFB0] =	vst v0;
	v0 =	vmul.f32 v60, v49;
	v1 =	vadd.f32 v8, v1;
	v8 =	vmul.f32 v55, v49;
	(pc) =	sbr.rel @!p0 .LBB2_12-.Ltmp9, $4  }
0x2fa: {  	v5 =	vadd.f32 v11, v5;
	v11 =	vmul.f32 v53, v49;
	[tilespmem:$0x1FFC0] =	vst v56;
	v2 =	vadd.f32 v7, v2  }
0x2fb: {  	[tilespmem:$0x1FF90] =	vst v63;
	v34 =	vadd.f32 v8, v4;
	v4 =	vmul.f32 v58, v49;
	v0 =	vadd.f32 v0, v1  }
0x2fc: {  	[tilespmem:$0x1FFA0] =	vst v2  }
0x2fd: {  	v38 =	vimm.s32 $0x0;
	s31 =	sadd.s32 $0x10, s31;
	s10 =	sadd.s32 $0x800, s10;
	s11 =	sadd.s32 $0x800, s11;
	v35 =	vadd.f32 v11, v5;
	v33 =	vadd.f32 v4, v6;
	[tilespmem:$0x1FFD0] =	vst v0  }
.LBB2_8:
0x2fe: {  	v0 =	vld [tilespmem:$0x1F820];
	_ =	sdelay $0x6  }
0x2ff: {  	s0 =	sshra.s32 s9, $0x2  }
0x300: {  	v7 =	vld.idx.msk [tilespmem:v0+s0+$0x0 ss:$0x1], $0xffff  }
0x301: {  	v0 =	vld [tilespmem:$0x1F830];
	_ =	sdelay $0x7  }
0x302: {  	v15 =	vld.idx.msk [tilespmem:v0+s0+$0x0 ss:$0x1], $0xffff  }
0x303: {  	v0 =	vld [tilespmem:$0x1F840];
	_ =	sdelay $0x7  }
0x304: {  	v56 =	vld.idx.msk [tilespmem:v0+s0+$0x0 ss:$0x1], $0xffff  }
0x305: {  	v0 =	vld [tilespmem:s10+$0xFFFFFC30];
	_ =	sdelay $0x4  }
0x306: {  	[tilespmem:$0x1F240] =	vst v0;
	v0 =	vld [tilespmem:s10+$0xFFFFFC80];
	_ =	sdelay $0x4  }
0x307: {  	[tilespmem:$0x1F250] =	vst v0;
	v0 =	vld [tilespmem:s10+$0xFFFFFC90];
	_ =	sdelay $0x4  }
0x308: {  	[tilespmem:$0x1F260] =	vst v0;
	v0 =	vld [tilespmem:s10+$0xFFFFFCA0];
	_ =	sdelay $0x4  }
0x309: {  	[tilespmem:$0x1F270] =	vst v0;
	v0 =	vld [tilespmem:s11+$0xFFFFFCA0];
	_ =	sdelay $0x4  }
0x30a: {  	[tilespmem:$0x1F280] =	vst v0;
	v0 =	vld [tilespmem:s10+$0xFFFFFCB0];
	_ =	sdelay $0x4  }
0x30b: {  	[tilespmem:$0x1F290] =	vst v0;
	v0 =	vld [tilespmem:s11+$0xFFFFFD00];
	_ =	sdelay $0x4  }
0x30c: {  	[tilespmem:$0x1F2A0] =	vst v0;
	v0 =	vld [tilespmem:s10+$0xFFFFFD10];
	_ =	sdelay $0x4  }
0x30d: {  	[tilespmem:$0x1F2B0] =	vst v0;
	v0 =	vld [tilespmem:s11+$0xFFFFFD10];
	_ =	sdelay $0x4  }
0x30e: {  	[tilespmem:$0x1F2C0] =	vst v0;
	v0 =	vld [tilespmem:s10+$0xFFFFFD20];
	_ =	sdelay $0x4  }
0x30f: {  	[tilespmem:$0x1F2D0] =	vst v0;
	v0 =	vld [tilespmem:s11+$0xFFFFFD20];
	_ =	sdelay $0x4  }
0x310: {  	[tilespmem:$0x1F2E0] =	vst v0;
	v0 =	vld [tilespmem:s10+$0xFFFFFD30];
	_ =	sdelay $0x4  }
0x311: {  	[tilespmem:$0x1F2F0] =	vst v0;
	v0 =	vld [tilespmem:s11+$0xFFFFFD30];
	_ =	sdelay $0x4  }
0x312: {  	[tilespmem:$0x1F300] =	vst v0;
	v0 =	vld [tilespmem:s10+$0xFFFFFD90];
	_ =	sdelay $0x4  }
0x313: {  	[tilespmem:$0x1F310] =	vst v0;
	v0 =	vld [tilespmem:s11+$0xFFFFFD90];
	_ =	sdelay $0x4  }
0x314: {  	[tilespmem:$0x1F320] =	vst v0;
	v0 =	vld [tilespmem:s10+$0xFFFFFDA0];
	_ =	sdelay $0x4  }
0x315: {  	[tilespmem:$0x1F330] =	vst v0;
	v0 =	vld [tilespmem:s11+$0xFFFFFDA0];
	_ =	sdelay $0x4  }
0x316: {  	[tilespmem:$0x1F340] =	vst v0;
	v0 =	vld [tilespmem:s10+$0xFFFFFDB0];
	_ =	sdelay $0x4  }
0x317: {  	[tilespmem:$0x1F350] =	vst v0;
	v0 =	vld [tilespmem:s11+$0xFFFFFDB0];
	_ =	sdelay $0x4  }
0x318: {  	[tilespmem:$0x1F360] =	vst v0;
	v0 =	vld [tilespmem:s11+$0xFFFFFE00];
	_ =	sdelay $0x4  }
0x319: {  	[tilespmem:$0x1F370] =	vst v0;
	v0 =	vld [tilespmem:s10+$0xFFFFFE10];
	_ =	sdelay $0x4  }
0x31a: {  	[tilespmem:$0x1F380] =	vst v0;
	v0 =	vld [tilespmem:s10+$0xFFFFFE20];
	_ =	sdelay $0x4  }
0x31b: {  	[tilespmem:$0x1F390] =	vst v0;
	v0 =	vld [tilespmem:s11+$0xFFFFFE20];
	_ =	sdelay $0x4  }
0x31c: {  	[tilespmem:$0x1F3A0] =	vst v0;
	v0 =	vld [tilespmem:s10+$0xFFFFFE30];
	_ =	sdelay $0x4  }
0x31d: {  	[tilespmem:$0x1F3B0] =	vst v0;
	v0 =	vld [tilespmem:s11+$0xFFFFFE30];
	_ =	sdelay $0x4  }
0x31e: {  	[tilespmem:$0x1F3C0] =	vst v0;
	v0 =	vld [tilespmem:s10+$0xFFFFFE80];
	_ =	sdelay $0x4  }
0x31f: {  	[tilespmem:$0x1F3D0] =	vst v0;
	v0 =	vld [tilespmem:s11+$0xFFFFFE80];
	_ =	sdelay $0x4  }
0x320: {  	[tilespmem:$0x1F3E0] =	vst v0;
	v0 =	vld [tilespmem:s10+$0xFFFFFE90];
	_ =	sdelay $0x4  }
0x321: {  	[tilespmem:$0x1F3F0] =	vst v0;
	v0 =	vld [tilespmem:s10+$0xFFFFFEA0];
	_ =	sdelay $0x4  }
0x322: {  	[tilespmem:$0x1F400] =	vst v0;
	v0 =	vld [tilespmem:s10+$0xFFFFFEB0];
	_ =	sdelay $0x4  }
0x323: {  	[tilespmem:$0x1F410] =	vst v0;
	v0 =	vld [tilespmem:s10+$0xFFFFFF00];
	_ =	sdelay $0x4  }
0x324: {  	[tilespmem:$0x1F420] =	vst v0;
	v0 =	vld [tilespmem:s10+$0xFFFFFF10];
	_ =	sdelay $0x4  }
0x325: {  	[tilespmem:$0x1F430] =	vst v0;
	v0 =	vld [tilespmem:s10+$0xFFFFFF20];
	_ =	sdelay $0x4  }
0x326: {  	[tilespmem:$0x1F440] =	vst v0;
	v0 =	vld [tilespmem:s10+$0xFFFFFF30];
	_ =	sdelay $0x4  }
0x327: {  	[tilespmem:$0x1F450] =	vst v0;
	v0 =	vld [tilespmem:s10+$0xFFFFFF80];
	_ =	sdelay $0x4  }
0x328: {  	[tilespmem:$0x1F460] =	vst v0;
	v0 =	vld [tilespmem:s11+$0xFFFFFF80];
	_ =	sdelay $0x4  }
0x329: {  	[tilespmem:$0x1F470] =	vst v0;
	v0 =	vld [tilespmem:s10+$0xFFFFFF90];
	_ =	sdelay $0x4  }
0x32a: {  	[tilespmem:$0x1F480] =	vst v0;
	v0 =	vld [tilespmem:s10+$0xFFFFFFA0];
	_ =	sdelay $0x4  }
0x32b: {  	[tilespmem:$0x1F490] =	vst v0;
	v0 =	vld [tilespmem:s10+$0xFFFFFFB0];
	_ =	sdelay $0x4  }
0x32c: {  	[tilespmem:$0x1F4A0] =	vst v0;
	v0 =	vld [tilespmem:s10+$0x0];
	_ =	sdelay $0x4  }
0x32d: {  	[tilespmem:$0x1F4B0] =	vst v0;
	v0 =	vld [tilespmem:s11+$0x0];
	_ =	sdelay $0x4  }
0x32e: {  	[tilespmem:$0x1F4C0] =	vst v0;
	v0 =	vld [tilespmem:s10+$0x10];
	_ =	sdelay $0x4  }
0x32f: {  	[tilespmem:$0x1F4D0] =	vst v0;
	v0 =	vld [tilespmem:s10+$0x20];
	_ =	sdelay $0x4  }
0x330: {  	[tilespmem:$0x1F4E0] =	vst v0;
	v0 =	vld [tilespmem:s10+$0x30];
	_ =	sdelay $0x4  }
0x331: {  	[tilespmem:$0x1F4F0] =	vst v0;
	v0 =	vld [tilespmem:s10+$0x80];
	_ =	sdelay $0x4  }
0x332: {  	[tilespmem:$0x1F500] =	vst v0;
	v0 =	vld [tilespmem:s11+$0x80];
	_ =	sdelay $0x4  }
0x333: {  	[tilespmem:$0x1F510] =	vst v0;
	v0 =	vld [tilespmem:s10+$0x90];
	_ =	sdelay $0x4  }
0x334: {  	[tilespmem:$0x1F520] =	vst v0;
	v0 =	vld [tilespmem:s10+$0xA0];
	_ =	sdelay $0x4  }
0x335: {  	[tilespmem:$0x1F530] =	vst v0;
	v0 =	vld [tilespmem:s10+$0xB0];
	_ =	sdelay $0x4  }
0x336: {  	[tilespmem:$0x1F540] =	vst v0;
	v0 =	vld [tilespmem:s10+$0x100];
	_ =	sdelay $0x4  }
0x337: {  	[tilespmem:$0x1F550] =	vst v0;
	v0 =	vld [tilespmem:s11+$0x100];
	_ =	sdelay $0x4  }
0x338: {  	[tilespmem:$0x1F560] =	vst v0;
	v0 =	vld [tilespmem:s10+$0x110];
	_ =	sdelay $0x4  }
0x339: {  	[tilespmem:$0x1F570] =	vst v0;
	v0 =	vld [tilespmem:s10+$0x120];
	_ =	sdelay $0x4  }
0x33a: {  	[tilespmem:$0x1F580] =	vst v0;
	v0 =	vld [tilespmem:s10+$0x130];
	_ =	sdelay $0x4  }
0x33b: {  	[tilespmem:$0x1F590] =	vst v0;
	v0 =	vld [tilespmem:s11+$0x130];
	_ =	sdelay $0x4  }
0x33c: {  	[tilespmem:$0x1F5A0] =	vst v0;
	v0 =	vld [tilespmem:s10+$0x180];
	_ =	sdelay $0x4  }
0x33d: {  	[tilespmem:$0x1F5B0] =	vst v0;
	v0 =	vld [tilespmem:s11+$0x180];
	_ =	sdelay $0x4  }
0x33e: {  	[tilespmem:$0x1F5C0] =	vst v0;
	v0 =	vld [tilespmem:s10+$0x190];
	_ =	sdelay $0x4  }
0x33f: {  	[tilespmem:$0x1F5D0] =	vst v0;
	v0 =	vld [tilespmem:s10+$0x1A0];
	_ =	sdelay $0x4  }
0x340: {  	[tilespmem:$0x1F5E0] =	vst v0;
	v0 =	vld [tilespmem:s10+$0x1B0];
	_ =	sdelay $0x4  }
0x341: {  	[tilespmem:$0x1F5F0] =	vst v0;
	v0 =	vld [tilespmem:s10+$0x200];
	_ =	sdelay $0x4  }
0x342: {  	[tilespmem:$0x1F600] =	vst v0;
	v0 =	vld [tilespmem:s11+$0x200];
	_ =	sdelay $0x2  }
0x343: {  	v5 =	vld [tilespmem:s10+$0xFFFFFC00]  }
0x344: {  	v54 =	vld [tilespmem:s11+$0xFFFFFC00]  }
0x345: {  	[tilespmem:$0x1F610] =	vst v0;
	v0 =	vld [tilespmem:s10+$0x210]  }
0x346: {  	v9 =	vld [tilespmem:s10+$0xFFFFFC10]  }
0x347: {  	v52 =	vld [tilespmem:s11+$0xFFFFFC10]  }
0x348: {  	v13 =	vld [tilespmem:s10+$0xFFFFFC20]  }
0x349: {  	v50 =	vld [tilespmem:s11+$0xFFFFFC20]  }
0x34a: {  	[tilespmem:$0x1F620] =	vst v0;
	v0 =	vld [tilespmem:s10+$0x220]  }
0x34b: {  	v29 =	vld [tilespmem:s11+$0xFFFFFC30]  }
0x34c: {  	v18 =	vld [tilespmem:s11+$0xFFFFFC80]  }
0x34d: {  	v27 =	vld [tilespmem:s11+$0xFFFFFC90]  }
0x34e: {  	v28 =	vld [tilespmem:s11+$0xFFFFFCB0]  }
0x34f: {  	[tilespmem:$0x1F630] =	vst v0;
	v0 =	vld [tilespmem:s10+$0x230]  }
0x350: {  	v2 =	vld [tilespmem:s10+$0xFFFFFD00]  }
0x351: {  	v10 =	vld [tilespmem:s10+$0xFFFFFD80]  }
0x352: {  	v14 =	vld [tilespmem:s11+$0xFFFFFD80]  }
0x353: {  	v23 =	vld [tilespmem:s10+$0xFFFFFE00]  }
0x354: {  	[tilespmem:$0x1F640] =	vst v0;
	v0 =	vld [tilespmem:s10+$0x280]  }
0x355: {  	v6 =	vld [tilespmem:s11+$0xFFFFFE10]  }
0x356: {  	v20 =	vld [tilespmem:s11+$0xFFFFFE90]  }
0x357: {  	v48 =	vld [tilespmem:s11+$0xFFFFFEA0]  }
0x358: {  	v12 =	vld [tilespmem:s11+$0xFFFFFEB0]  }
0x359: {  	[tilespmem:$0x1F650] =	vst v0;
	v0 =	vld [tilespmem:s10+$0x290]  }
0x35a: {  	v16 =	vld [tilespmem:s11+$0xFFFFFF00]  }
0x35b: {  	v22 =	vld [tilespmem:s11+$0xFFFFFF10]  }
0x35c: {  	v46 =	vld [tilespmem:s11+$0xFFFFFF20];
	v1 =	vlaneseq.u32  }
0x35d: {  	v19 =	vadd.s32 s31, v1;
	v1 =	vld [tilespmem:$0x1FFF0]  }
0x35e: {  	[tilespmem:$0x1F660] =	vst v0;
	v0 =	vld [tilespmem:s10+$0x2A0]  }
0x35f: {  	v4 =	vld [tilespmem:s11+$0xFFFFFF30]  }
0x360: {  	v24 =	vld [tilespmem:s11+$0xFFFFFF90]  }
0x361: {  	v43 =	vld [tilespmem:s11+$0xFFFFFFA0]  }
0x362: {  	v58 =	vadd.s32 s31, v1;
	v1 =	vld [tilespmem:$0x1F810]  }
0x363: {  	[tilespmem:$0x1F670] =	vst v0;
	v0 =	vld [tilespmem:s10+$0x2B0]  }
0x364: {  	v42 =	vld [tilespmem:s11+$0xFFFFFFB0]  }
0x365: {  	v26 =	vld [tilespmem:s11+$0x10]  }
0x366: {  	v41 =	vld [tilespmem:s11+$0x20]  }
0x367: {  	vm0 =	vge.s32 v19, v1;
	v1 =	vld [tilespmem:s11+$0x330]  }
0x368: {  	[tilespmem:$0x1F680] =	vst v0;
	v0 =	vld [tilespmem:s11+$0x2B0]  }
0x369: {  	v55 =	vld [tilespmem:s11+$0x30]  }
0x36a: {  	v40 =	vld [tilespmem:s11+$0x90]  }
0x36b: {  	v39 =	vld [tilespmem:s11+$0xA0]  }
0x36c: {  	vm1 =	vlt.s32 v58, $0x186A0;
	[tilespmem:$0x1F6F0] =	vst v1;
	v1 =	vld [tilespmem:s10+$0x380]  }
0x36d: {  	vm0 =	vmand vm0, vm1;
	vm2 =	veq.f32 v56, $1.000000000e+00;
	[tilespmem:$0x1F690] =	vst v0;
	v0 =	vld [tilespmem:s10+$0x300]  }
0x36e: {  	v11 =	vld [tilespmem:s11+$0x3A0];
	vm1 =	vmand vm0, vm2  }
0x36f: {  	v61 =	vld [tilespmem:s11+$0xB0];
	v63 =	vmpcnt.ones.xlane vm1  }
0x370: {  	v45 =	vld [tilespmem:s11+$0x110]  }
0x371: {  	[tilespmem:$0x1F700] =	vst v1;
	v1 =	vld [tilespmem:s11+$0x380];
	(v2sf) =	vpush v63, $0x0  }
0x372: {  	[tilespmem:$0x1F6A0] =	vst v0;
	v0 =	vld [tilespmem:s11+$0x300]  }
0x373: {  	v47 =	vld [tilespmem:s11+$0x120];
	[tilespmem:$0x1F750] =	vst v11  }
0x374: {  	v49 =	vld [tilespmem:s11+$0x190];
	[tilespmem:$0x1F760] =	vst v20  }
0x375: {  	v59 =	vld [tilespmem:s11+$0x1A0];
	[tilespmem:$0x1F770] =	vst v22  }
0x376: {  	[tilespmem:$0x1F710] =	vst v1;
	v1 =	vld [tilespmem:s10+$0x390]  }
0x377: {  	[tilespmem:$0x1F6B0] =	vst v0;
	v0 =	vld [tilespmem:s10+$0x310]  }
0x378: {  	v51 =	vld [tilespmem:s11+$0x1B0];
	[tilespmem:$0x1F780] =	vst v45  }
0x379: {  	v53 =	vld [tilespmem:s11+$0x210];
	[tilespmem:$0x1F790] =	vst v24  }
0x37a: {  	v44 =	vld [tilespmem:s11+$0x220];
	[tilespmem:$0x1F7A0] =	vst v26  }
0x37b: {  	[tilespmem:$0x1F720] =	vst v1;
	v1 =	vld [tilespmem:s10+$0x3A0]  }
0x37c: {  	[tilespmem:$0x1F6C0] =	vst v0;
	v0 =	vld [tilespmem:s10+$0x320]  }
0x37d: {  	v60 =	vld [tilespmem:s11+$0x310];
	[tilespmem:$0x1F7B0] =	vst v49  }
0x37e: {  	v57 =	vld [tilespmem:s11+$0x280];
	[tilespmem:$0x1F7C0] =	vst v40  }
0x37f: {  	v8 =	vld [tilespmem:s11+$0x290];
	[tilespmem:$0x1F7D0] =	vst v53  }
0x380: {  	[tilespmem:$0x1F730] =	vst v1;
	v1 =	vld [tilespmem:s10+$0x3B0];
	s20 =	spop (v2sf)  }
0x381: {  	p0 =	slt.s32 s20, $0x1;
	[tilespmem:$0x1F6D0] =	vst v0;
	v0 =	vld [tilespmem:s10+$0x330]  }
.Ltmp10:
0x382: {  	v21 =	vld [tilespmem:s11+$0x230];
	[tilespmem:$0x1F7E0] =	vst v60;
	(pc) =	sbr.rel @!p0 .LBB2_10-.Ltmp10, $4  }
0x383: {  	v25 =	vld [tilespmem:s11+$0x2A0];
	[tilespmem:$0x1F7F0] =	vst v57  }
0x384: {  	v37 =	vld [tilespmem:s11+$0x320];
	[tilespmem:$0x1F800] =	vst v8  }
0x385: {  	v36 =	vld [tilespmem:s11+$0x3B0];
	[tilespmem:$0x1F740] =	vst v1  }
0x386: {  	v63 =	vld [tilespmem:s11+$0x390];
	[tilespmem:$0x1F6E0] =	vst v0  }
.Ltmp11:
0x387: {  	(pc) =	sbr.rel .LBB2_11-.Ltmp11, $4  }
0x388: {  	v17 =	vimm.s32 $0x5;
	v20 =	vimm.s32 $0x6  }
0x389: {  	v22 =	vimm.s32 $0x7;
	v24 =	vimm.s32 $0x8;
	v26 =	vimm.s32 $0x9  }
0x38a: {  	v40 =	vimm.s32 $0xA;
	v45 =	vimm.s32 $0xB;
	v49 =	vimm.s32 $0xC  }
0x38b: {  	v53 =	vimm.s32 $0xD;
	v57 =	vimm.s32 $0xE;
	v60 =	vimm.s32 $0xF;
	v8 =	vmovc v28  }
.LBB2_14:
0x38c: {  	_ =	sfence.sel $0x180000  }
0x38d: {  	[bflag:$0x0] =	sbarrier.arrive $0xFFFF  }
0x38e: {  	_ =	strace $0x90000047  }
0x38f: {  	s0 =	stileid.u32;
	[bflag:$0x2] =	sbarrier.arrive $0xFFFF  }
0x390: {  	p0 =	sne.s32 s0, $0x0;
	s0 =	rddreg [dreg:$0x1]  }
0x391: {  	s0 =	sadd.s32 @!p0 $0x100000, s0  }
0x392: {  	[sflag:s0] =	ssyncadd.tile.s32 @!p0 $0x1;
	_ =	shalt  }
.Lfunc_end2:
_tile_overlayer_lowered:
.L_overlay_start_2:
0x393: {  	(tag) =	ssettag $0x2  }
0x394: {  	s0 =	rddreg [dreg:$0x0];
	s2 =	stileid.u32  }
0x395: {  	s1 =	rddreg [dreg:$0x1];
	p0 =	sne.s32 s2, $0x0  }
0x396: {  	s3 =	rddreg [dreg:$0x2];
	[bflag:$0x3] =	sbarrier.arrive $0xFFFF;
	s2 =	simm.s32 @!p0 $0x1C05  }
0x397: {  	[timem:s3], [sflag:s2] =	dma.local @!p0 [hbm:s0], s1  }
0x398: {  	s0 =	simm.s32 @!p0 $0x5  }
0x399: {  	_ =	swait.ge @!p0 [sflag:s0], s1  }
0x39a: {  	s1 =	ssub.s32 @!p0 $0x0, s1;
	[sflag:s0] =	ssyncset.done @!p0 $0x0  }
0x39b: {  	[sflag:s0] =	ssyncadd.s32 @!p0 s1  }
0x39c: {  	[bflag:$0x3] =	sbarrier.arrive $0xFFFF  }
0x39d: {  	_ =	shalt  }

</sc_bundles>
